<compile_context>
chip_gen: v7x
topology: tpu7x:2x2x1
jax: 0.10.2.dev20260603
libtpu: 0.0.44.dev20260713+nightly
codegen_flags: <defaults>
</compile_context>

<pallas_src>
import jax
import jax.numpy as jnp
from jax import lax
from jax.experimental import pallas as pl
from jax.experimental.pallas import tpu as pltpu
from jax.experimental.pallas import tpu_sc as plsc

_N_USERS = 25000
_N_NODES = 50000
_NP = 50048
_DIM = 64
_HALF = 32
_N_EDGES = 800000
_N_HOPS = 3

_NC = 2
_NS = 16

_BUF_E = 256
_SUP_E = 1024
_NSUP = 49
_EDGES_PER_TILE = _NSUP * _SUP_E
_E_PAD = _NS * _EDGES_PER_TILE
_E_ALLOC = _E_PAD

_ROWS_PER_TILE = _NP // _NS
_RCHUNK = 184
_NRC = _ROWS_PER_TILE // _RCHUNK


def _sc_body(agg0, col1, row1, val1, out,
             cidx_a, ridx_a, vals_a, cidx_b, ridx_b, vals_b, gb0, gb1, msg,
             acc, gs0, gs1, ssem, ia0, ia1, ia2, ib0, ib1, ib2):
    c = lax.axis_index("c")
    s = lax.axis_index("s")

    node0 = pl.multiple_of(s * _ROWS_PER_TILE, 8)
    eoff0 = s * _EDGES_PER_TILE
    cbase = pl.multiple_of(c * _NP, 8)
    obase = pl.multiple_of(c * (4 * _NP), 8)

    gbufs = (gb0, gb1)
    gsems = (gs0, gs1)

    def _cp0(j, _):
        n0 = pl.multiple_of(node0 + j * _RCHUNK, 8)
        pltpu.sync_copy(agg0.at[pl.ds(cbase + n0, _RCHUNK), :],
                        msg.at[pl.ds(0, _RCHUNK), :])
        pltpu.sync_copy(msg.at[pl.ds(0, _RCHUNK), :],
                        out.at[pl.ds(obase + n0, _RCHUNK), :])
        return _
    lax.fori_loop(0, _NRC, _cp0, None)

    def _zrow(i, _):
        msg[i, pl.ds(0, 16)] = jnp.zeros((16,), jnp.float32)
        msg[i, pl.ds(16, 16)] = jnp.zeros((16,), jnp.float32)
        return _

    def _hop(hop, _):
        lax.fori_loop(0, _RCHUNK, _zrow, None)

        def _zcp(j, _):
            n0 = pl.multiple_of(node0 + j * _RCHUNK, 8)
            pltpu.async_copy(msg.at[pl.ds(0, _RCHUNK), :],
                             acc.at[pl.ds(n0, _RCHUNK), :], ssem)
            return _
        lax.fori_loop(0, _NRC, _zcp, None)

        def _zwait(j, _):
            n0 = pl.multiple_of(node0 + j * _RCHUNK, 8)
            pltpu.make_async_copy(msg.at[pl.ds(0, _RCHUNK), :],
                                  acc.at[pl.ds(n0, _RCHUNK), :], ssem).wait()
            return _
        lax.fori_loop(0, _NRC, _zwait, None)
        plsc.subcore_barrier()

        src_off = obase + hop * _NP

        def _fire_idx(eoff, cv, rv, vv, s0, s1, s2):
            pltpu.async_copy(col1.at[pl.ds(eoff, _SUP_E)], cv, s0)
            pltpu.async_copy(row1.at[pl.ds(eoff, _SUP_E)], rv, s1)
            pltpu.async_copy(val1.at[pl.ds(eoff, _SUP_E)],
                             vv.at[pl.ds(0, _SUP_E)], s2)

        def _wait_idx(eoff, cv, rv, vv, s0, s1, s2):
            pltpu.make_async_copy(col1.at[pl.ds(eoff, _SUP_E)], cv, s0).wait()
            pltpu.make_async_copy(row1.at[pl.ds(eoff, _SUP_E)], rv, s1).wait()
            pltpu.make_async_copy(val1.at[pl.ds(eoff, _SUP_E)],
                                  vv.at[pl.ds(0, _SUP_E)], s2).wait()

        def _pipeline(cidx_v, ridx_v, vals_v):
            def _ci(j):
                return cidx_v.at[pl.ds(j * _BUF_E, _BUF_E)]

            def _ri(j):
                return ridx_v.at[pl.ds(j * _BUF_E, _BUF_E)]

            nj = _SUP_E // _BUF_E
            gd = [None, None]
            sd = None
            gd[0] = pltpu.async_copy(out.at[_ci(0)], gbufs[0], gsems[0])
            for j in range(nj):
                b = j % 2
                nb = (j + 1) % 2
                if j + 1 < nj:
                    gd[nb] = pltpu.async_copy(
                        out.at[_ci(j + 1)], gbufs[nb], gsems[nb])
                gd[b].wait()
                if sd is not None:
                    sd.wait()
                gbuf = gbufs[b]

                def _grp(g, _):
                    v16 = vals_v[pl.ds(j * _BUF_E + g * 16, 16)]
                    for l in range(16):
                        e = g * 16 + l
                        vl = v16[l]
                        msg[e, pl.ds(0, 16)] = gbuf[e, pl.ds(0, 16)] * vl
                        msg[e, pl.ds(16, 16)] = gbuf[e, pl.ds(16, 16)] * vl
                    return _
                lax.fori_loop(0, _BUF_E // 16, _grp, None)
                sd = pltpu.async_copy(msg, acc.at[_ri(j)], ssem, add=True)
            sd.wait()

        def _adjust(cidx_v):
            for t in range(_SUP_E // 16):
                sl = pl.ds(t * 16, 16)
                cidx_v[sl] = cidx_v[sl] + src_off

        def _super(sidx, _):
            eoff = pl.multiple_of(eoff0 + sidx * _SUP_E, 512)
            _fire_idx(eoff, cidx_a, ridx_a, vals_a, ia0, ia1, ia2)
            _wait_idx(eoff, cidx_a, ridx_a, vals_a, ia0, ia1, ia2)
            _adjust(cidx_a)
            _pipeline(cidx_a, ridx_a, vals_a)
            return _
        lax.fori_loop(0, _NSUP, _super, None)
        plsc.subcore_barrier()

        def _rd(j, b):
            n0 = pl.multiple_of(node0 + j * _RCHUNK, 8)
            return pltpu.async_copy(acc.at[pl.ds(n0, _RCHUNK), :],
                                    gbufs[b].at[pl.ds(0, _RCHUNK), :],
                                    gsems[b])

        def _wr(j, b, sem):
            n0 = pl.multiple_of(node0 + j * _RCHUNK, 8)
            return pltpu.async_copy(gbufs[b].at[pl.ds(0, _RCHUNK), :],
                                    out.at[pl.ds(src_off + _NP + n0,
                                                 _RCHUNK), :], sem)

        wsems = (ia0, ia1)
        rd = [None, None]
        wr = [None, None]
        rd[0] = _rd(0, 0)
        for j in range(_NRC):
            b = j % 2
            nb = (j + 1) % 2
            if j + 1 < _NRC:
                if wr[nb] is not None:
                    wr[nb].wait()
                rd[nb] = _rd(j + 1, nb)
            rd[b].wait()
            wr[b] = _wr(j, b, wsems[b])
        wr[(_NRC - 1) % 2].wait()
        wr[_NRC % 2].wait()
        plsc.subcore_barrier()
        return _

    lax.fori_loop(0, _N_HOPS, _hop, None)


@jax.jit
def _propagate(agg0, col1, row1, val1):
    mesh = plsc.VectorSubcoreMesh(core_axis_name="c", subcore_axis_name="s")
    f = pl.kernel(
        _sc_body,
        out_type=jax.ShapeDtypeStruct((_NC * (_N_HOPS + 1) * _NP, _HALF),
                                      jnp.float32),
        mesh=mesh,
        scratch_types=[
            pltpu.VMEM((_SUP_E,), jnp.int32),
            pltpu.VMEM((_SUP_E,), jnp.int32),
            pltpu.VMEM((_SUP_E + 16,), jnp.float32),
            pltpu.VMEM((_SUP_E,), jnp.int32),
            pltpu.VMEM((_SUP_E,), jnp.int32),
            pltpu.VMEM((_SUP_E + 16,), jnp.float32),
            pltpu.VMEM((_BUF_E, _HALF), jnp.float32),
            pltpu.VMEM((_BUF_E, _HALF), jnp.float32),
            pltpu.VMEM((_BUF_E, _HALF), jnp.float32),
            pltpu.VMEM_SHARED((_NP, _HALF), jnp.float32),
        ] + [pltpu.SemaphoreType.DMA] * 9,
        compiler_params=pltpu.CompilerParams(use_tc_tiling_on_sc=False),
    )
    return f(agg0, col1, row1, val1)


def kernel(user_embed, item_embed, adj_indices, adj_values):
    all_embed = jnp.concatenate([user_embed, item_embed], axis=0)
    npad = _NP - _N_NODES
    agg0 = jnp.concatenate([
        jnp.pad(all_embed[:, :_HALF], ((0, npad), (0, 0))),
        jnp.pad(all_embed[:, _HALF:], ((0, npad), (0, 0))),
    ], axis=0)
    pad = _E_ALLOC - _N_EDGES
    row = jnp.pad(adj_indices[0], (0, pad))
    col = jnp.pad(adj_indices[1], (0, pad))
    val = jnp.pad(adj_values, (0, pad))
    flat = _propagate(agg0, col, row, val)
    embs = (flat.reshape(_NC, _N_HOPS + 1, _NP, _HALF)
            .transpose(2, 1, 0, 3)
            .reshape(_NP, _N_HOPS + 1, _DIM)[:_N_NODES])
    return (embs[:_N_USERS], embs[_N_USERS:], embs)

# --- scband reference (transcript-rebuilt; emitter-appended) ---
"""Pipeline reference for scband-lgn-tau-frame-60679297957901 (READ-ONLY COPY).

The authoritative reference and input builder live on the scoring server;
editing this copy changes nothing except your own understanding.
"""

import jax, jax.numpy as jnp
import numpy as np

N_USERS = 25000
N_ITEMS = 25000
N_NODES = N_USERS + N_ITEMS
N_EDGES = 800000
DIM = 64
N_HOPS = 3


def setup_inputs(seed: int = 0) -> dict:
    key = jax.random.key(seed)
    k1, k2, k3, k4 = jax.random.split(key, 4)
    user_embed = jax.random.normal(k1, (N_USERS, DIM), dtype=jnp.float32) * 0.1
    item_embed = jax.random.normal(k2, (N_ITEMS, DIM), dtype=jnp.float32) * 0.1
    # COO sparse normalized adjacency: indices [2, E] (row=dst, col=src), values [E]
    adj_indices = jax.random.randint(k3, (2, N_EDGES), 0, N_NODES, dtype=jnp.int32)
    adj_values = jax.random.uniform(k4, (N_EDGES,), dtype=jnp.float32) * (1.0 / 16.0)
    return {
        "user_embed": user_embed,
        "item_embed": item_embed,
        "adj_indices": adj_indices,
        "adj_values": adj_values,
    }


def reference(user_embed, item_embed, adj_indices, adj_values):
    # GraphConv.forward with mess_dropout=False, edge_dropout=False, perturbed=False
    all_embed = jnp.concatenate([user_embed, item_embed], axis=0)
    agg_embed = all_embed
    embs = [all_embed]
    row = adj_indices[0]
    col = adj_indices[1]
    for hop in range(N_HOPS):
        # torch.sparse.mm(interact_mat, agg_embed): gather src rows, scale, scatter-add to dst
        msgs = adj_values[:, None] * jnp.take(agg_embed, col, axis=0)
        agg_embed = jax.ops.segment_sum(msgs, row, num_segments=N_NODES)
        embs.append(agg_embed)
    embs = jnp.stack(embs, axis=1)  # [N_NODES, n_hops+1, dim]
    return (embs[:N_USERS, :], embs[N_USERS:, :], embs)

if __name__ == "__main__":
    import jax
    _d = setup_inputs()
    print(jax.jit(kernel)(*tuple(_d.values())))

</pallas_src>

<mosaic_0001>
#map = affine_map<(d0, d1) -> (0, 0)>
#map1 = affine_map<(d0, d1) -> (0)>
module attributes {stable_mosaic.version = 14 : i64} {
  func.func @_sc_body(%arg0: i32, %arg1: i32, %arg2: memref<100096x32xf32, #tpu.memory_space<hbm>>, %arg3: memref<802816xi32, #tpu.memory_space<hbm>>, %arg4: memref<802816xi32, #tpu.memory_space<hbm>>, %arg5: memref<802816xf32, #tpu.memory_space<hbm>>, %arg6: memref<400384x32xf32, #tpu.memory_space<hbm>>, %arg7: memref<1024xi32, #tpu.memory_space<vmem>>, %arg8: memref<1024xi32, #tpu.memory_space<vmem>>, %arg9: memref<1040xf32, #tpu.memory_space<vmem>>, %arg10: memref<1024xi32, #tpu.memory_space<vmem>>, %arg11: memref<1024xi32, #tpu.memory_space<vmem>>, %arg12: memref<1040xf32, #tpu.memory_space<vmem>>, %arg13: memref<256x32xf32, #tpu.memory_space<vmem>>, %arg14: memref<256x32xf32, #tpu.memory_space<vmem>>, %arg15: memref<256x32xf32, #tpu.memory_space<vmem>>, %arg16: memref<50048x32xf32, #tpu.memory_space<vmem_shared>>, %arg17: memref<!tpu.dma_semaphore, #tpu.memory_space<semaphore_mem>>, %arg18: memref<!tpu.dma_semaphore, #tpu.memory_space<semaphore_mem>>, %arg19: memref<!tpu.dma_semaphore, #tpu.memory_space<semaphore_mem>>, %arg20: memref<!tpu.dma_semaphore, #tpu.memory_space<semaphore_mem>>, %arg21: memref<!tpu.dma_semaphore, #tpu.memory_space<semaphore_mem>>, %arg22: memref<!tpu.dma_semaphore, #tpu.memory_space<semaphore_mem>>, %arg23: memref<!tpu.dma_semaphore, #tpu.memory_space<semaphore_mem>>, %arg24: memref<!tpu.dma_semaphore, #tpu.memory_space<semaphore_mem>>, %arg25: memref<!tpu.dma_semaphore, #tpu.memory_space<semaphore_mem>>) attributes {dimension_semantics = [#tpu.dimension_semantics<core_parallel>, #tpu.dimension_semantics<subcore_parallel>], iteration_bounds = array<i64: 2, 16>, scalar_prefetch = 0 : i64, scratch_operands = 19 : i64, tpu.core_type = #tpu.core_type<sc_vector_subcore>, window_params = [{transform_indices = #map}, {transform_indices = #map1}, {transform_indices = #map1}, {transform_indices = #map1}, {transform_indices = #map}]} {
    %mul3A = arith.constant 3128 : i32
    %mul3A_0 = arith.muli %arg1, %mul3A : i32
    %multiple_of3A = tpu.assume_multiple %mul3A_0, 8 : i32
    %mul3A_1 = arith.constant 50176 : i32
    %mul3A_2 = arith.muli %arg1, %mul3A_1 : i32
    %mul3A_3 = arith.constant 50048 : i32
    %mul3A_4 = arith.muli %arg0, %mul3A_3 : i32
    %multiple_of3A_5 = tpu.assume_multiple %mul3A_4, 8 : i32
    %mul3A_6 = arith.constant 200192 : i32
    %mul3A_7 = arith.muli %arg0, %mul3A_6 : i32
    %multiple_of3A_8 = tpu.assume_multiple %mul3A_7, 8 : i32
    %scan3A = arith.constant 0 : i32
    %scan3A_9 = arith.constant 17 : i32
    %scan3A_10 = arith.addi %scan3A, %scan3A_9 : i32
    %scan3A_11 = arith.constant 1 : i32
    scf.for %scan3A_18 = %scan3A to %scan3A_10 step %scan3A_11  : i32 {
      %mul3A_19 = arith.constant 184 : i32
      %mul3A_20 = arith.muli %scan3A_18, %mul3A_19 : i32
      %add3A = arith.addi %multiple_of3A, %mul3A_20 : i32
      %multiple_of3A_21 = tpu.assume_multiple %add3A, 8 : i32
      %add3A_22 = arith.addi %multiple_of3A_5, %multiple_of3A_21 : i32
      "tpu.region"() ({
        %run_scoped3A = tpu.sem_alloc : memref<!tpu.dma_semaphore, #tpu.memory_space<semaphore_mem>>
        %dma_start3A = arith.constant 0 : i32
        %dma_start3A_24 = arith.constant 0 : i32
        %dma_start3A_25 = tpu.memref_slice %arg15[%dma_start3A, %dma_start3A_24] : memref<256x32xf32, #tpu.memory_space<vmem>> -> memref<184x32xf32, #tpu.memory_space<vmem>>
        %dma_start3A_26 = arith.constant 0 : i32
        %dma_start3A_27 = tpu.memref_slice %arg2[%add3A_22, %dma_start3A_26] : memref<100096x32xf32, #tpu.memory_space<hbm>> -> memref<184x32xf32, #tpu.memory_space<hbm>>
        %dma_start3A_28 = arith.constant 0 : i32
        %dma_start3A_29 = arith.constant 0 : i32
        %dma_start3A_30 = tpu.memref_slice %arg15[%dma_start3A_28, %dma_start3A_29] : memref<256x32xf32, #tpu.memory_space<vmem>> -> memref<184x32xf32, #tpu.memory_space<vmem>>
        %dma_start3A_31 = arith.constant 0 : i32
        %dma_start3A_32 = tpu.memref_slice %arg2[%add3A_22, %dma_start3A_31] : memref<100096x32xf32, #tpu.memory_space<hbm>> -> memref<184x32xf32, #tpu.memory_space<hbm>>
        tpu.enqueue_dma source(%dma_start3A_32 : memref<184x32xf32, #tpu.memory_space<hbm>>) target(%dma_start3A_30 : memref<184x32xf32, #tpu.memory_space<vmem>>) target_semaphore(%run_scoped3A : memref<!tpu.dma_semaphore, #tpu.memory_space<semaphore_mem>>)
        %dma_wait3A = arith.constant 0 : i32
        %dma_wait3A_33 = arith.constant 0 : i32
        %dma_wait3A_34 = tpu.memref_slice %arg15[%dma_wait3A, %dma_wait3A_33] : memref<256x32xf32, #tpu.memory_space<vmem>> -> memref<184x32xf32, #tpu.memory_space<vmem>>
        %dma_wait3A_35 = arith.constant 0 : i32
        %dma_wait3A_36 = tpu.memref_slice %arg2[%add3A_22, %dma_wait3A_35] : memref<100096x32xf32, #tpu.memory_space<hbm>> -> memref<184x32xf32, #tpu.memory_space<hbm>>
        %dma_wait3A_37 = arith.constant 0 : i32
        %dma_wait3A_38 = arith.constant 0 : i32
        %dma_wait3A_39 = tpu.memref_slice %arg15[%dma_wait3A_37, %dma_wait3A_38] : memref<256x32xf32, #tpu.memory_space<vmem>> -> memref<184x32xf32, #tpu.memory_space<vmem>>
        %dma_wait3A_40 = arith.constant 0 : i32
        %dma_wait3A_41 = tpu.memref_slice %arg2[%add3A_22, %dma_wait3A_40] : memref<100096x32xf32, #tpu.memory_space<hbm>> -> memref<184x32xf32, #tpu.memory_space<hbm>>
        tpu.wait_dma2 semaphore(%run_scoped3A : memref<!tpu.dma_semaphore, #tpu.memory_space<semaphore_mem>>) src(%dma_wait3A_41 : memref<184x32xf32, #tpu.memory_space<hbm>>) dst(%dma_wait3A_39 : memref<184x32xf32, #tpu.memory_space<vmem>>)
        tpu.yield
      }) : () -> ()
      %add3A_23 = arith.addi %multiple_of3A_8, %multiple_of3A_21 : i32
      "tpu.region"() ({
        %run_scoped3A = tpu.sem_alloc : memref<!tpu.dma_semaphore, #tpu.memory_space<semaphore_mem>>
        %dma_start3A = arith.constant 0 : i32
        %dma_start3A_24 = arith.constant 0 : i32
        %dma_start3A_25 = tpu.memref_slice %arg15[%dma_start3A, %dma_start3A_24] : memref<256x32xf32, #tpu.memory_space<vmem>> -> memref<184x32xf32, #tpu.memory_space<vmem>>
        %dma_start3A_26 = arith.constant 0 : i32
        %dma_start3A_27 = tpu.memref_slice %arg6[%add3A_23, %dma_start3A_26] : memref<400384x32xf32, #tpu.memory_space<hbm>> -> memref<184x32xf32, #tpu.memory_space<hbm>>
        %dma_start3A_28 = arith.constant 0 : i32
        %dma_start3A_29 = tpu.memref_slice %arg6[%add3A_23, %dma_start3A_28] : memref<400384x32xf32, #tpu.memory_space<hbm>> -> memref<184x32xf32, #tpu.memory_space<hbm>>
        %dma_start3A_30 = arith.constant 0 : i32
        %dma_start3A_31 = arith.constant 0 : i32
        %dma_start3A_32 = tpu.memref_slice %arg15[%dma_start3A_30, %dma_start3A_31] : memref<256x32xf32, #tpu.memory_space<vmem>> -> memref<184x32xf32, #tpu.memory_space<vmem>>
        tpu.enqueue_dma source(%dma_start3A_32 : memref<184x32xf32, #tpu.memory_space<vmem>>) target(%dma_start3A_29 : memref<184x32xf32, #tpu.memory_space<hbm>>) target_semaphore(%run_scoped3A : memref<!tpu.dma_semaphore, #tpu.memory_space<semaphore_mem>>)
        %dma_wait3A = arith.constant 0 : i32
        %dma_wait3A_33 = arith.constant 0 : i32
        %dma_wait3A_34 = tpu.memref_slice %arg15[%dma_wait3A, %dma_wait3A_33] : memref<256x32xf32, #tpu.memory_space<vmem>> -> memref<184x32xf32, #tpu.memory_space<vmem>>
        %dma_wait3A_35 = arith.constant 0 : i32
        %dma_wait3A_36 = tpu.memref_slice %arg6[%add3A_23, %dma_wait3A_35] : memref<400384x32xf32, #tpu.memory_space<hbm>> -> memref<184x32xf32, #tpu.memory_space<hbm>>
        %dma_wait3A_37 = arith.constant 0 : i32
        %dma_wait3A_38 = tpu.memref_slice %arg6[%add3A_23, %dma_wait3A_37] : memref<400384x32xf32, #tpu.memory_space<hbm>> -> memref<184x32xf32, #tpu.memory_space<hbm>>
        %dma_wait3A_39 = arith.constant 0 : i32
        %dma_wait3A_40 = arith.constant 0 : i32
        %dma_wait3A_41 = tpu.memref_slice %arg15[%dma_wait3A_39, %dma_wait3A_40] : memref<256x32xf32, #tpu.memory_space<vmem>> -> memref<184x32xf32, #tpu.memory_space<vmem>>
        tpu.wait_dma2 semaphore(%run_scoped3A : memref<!tpu.dma_semaphore, #tpu.memory_space<semaphore_mem>>) src(%dma_wait3A_41 : memref<184x32xf32, #tpu.memory_space<vmem>>) dst(%dma_wait3A_38 : memref<184x32xf32, #tpu.memory_space<hbm>>)
        tpu.yield
      }) : () -> ()
    }
    %scan3A_12 = arith.constant 17 : i32
    %scan3A_13 = arith.constant 0 : i32
    %scan3A_14 = arith.constant 3 : i32
    %scan3A_15 = arith.addi %scan3A_13, %scan3A_14 : i32
    %scan3A_16 = arith.constant 1 : i32
    scf.for %scan3A_18 = %scan3A_13 to %scan3A_15 step %scan3A_16  : i32 {
      %scan3A_19 = arith.constant 0 : i32
      %scan3A_20 = arith.constant 184 : i32
      %scan3A_21 = arith.addi %scan3A_19, %scan3A_20 : i32
      %scan3A_22 = arith.constant 1 : i32
      scf.for %scan3A_874 = %scan3A_19 to %scan3A_21 step %scan3A_22  : i32 {
        %broadcast_in_dim3A = arith.constant 0.000000e+00 : f32
        %broadcast_in_dim3A_875 = vector.broadcast %broadcast_in_dim3A : f32 to vector<16xf32>
        %swap3A = arith.index_cast %scan3A_874 : i32 to index
        %swap3A_876 = arith.constant 0 : index
        %swap3A_877 = tpu.vector_load %arg15[%swap3A, %swap3A_876] {strides = array<i32>} : memref<256x32xf32, #tpu.memory_space<vmem>>, vector<1x16xf32>,
        %swap3A_878 = vector.shape_cast %swap3A_877 : vector<1x16xf32> to vector<16xf32>
        %swap3A_879 = vector.shape_cast %broadcast_in_dim3A_875 : vector<16xf32> to vector<1x16xf32>
        tpu.vector_store %arg15[%swap3A, %swap3A_876], %swap3A_879 {strides = array<i32>} : memref<256x32xf32, #tpu.memory_space<vmem>>, vector<1x16xf32>,
        %broadcast_in_dim3A_880 = arith.constant 0.000000e+00 : f32
        %broadcast_in_dim3A_881 = vector.broadcast %broadcast_in_dim3A_880 : f32 to vector<16xf32>
        %swap3A_882 = arith.index_cast %scan3A_874 : i32 to index
        %swap3A_883 = arith.constant 16 : index
        %swap3A_884 = tpu.vector_load %arg15[%swap3A_882, %swap3A_883] {strides = array<i32>} : memref<256x32xf32, #tpu.memory_space<vmem>>, vector<1x16xf32>,
        %swap3A_885 = vector.shape_cast %swap3A_884 : vector<1x16xf32> to vector<16xf32>
        %swap3A_886 = vector.shape_cast %broadcast_in_dim3A_881 : vector<16xf32> to vector<1x16xf32>
        tpu.vector_store %arg15[%swap3A_882, %swap3A_883], %swap3A_886 {strides = array<i32>} : memref<256x32xf32, #tpu.memory_space<vmem>>, vector<1x16xf32>,
      }
      %scan3A_23 = arith.constant 184 : i32
      %scan3A_24 = arith.constant 0 : i32
      %scan3A_25 = arith.constant 17 : i32
      %scan3A_26 = arith.addi %scan3A_24, %scan3A_25 : i32
      %scan3A_27 = arith.constant 1 : i32
      scf.for %scan3A_874 = %scan3A_24 to %scan3A_26 step %scan3A_27  : i32 {
        %mul3A_875 = arith.constant 184 : i32
        %mul3A_876 = arith.muli %scan3A_874, %mul3A_875 : i32
        %add3A_877 = arith.addi %multiple_of3A, %mul3A_876 : i32
        %multiple_of3A_878 = tpu.assume_multiple %add3A_877, 8 : i32
        %dma_start3A_879 = arith.constant 0 : i32
        %dma_start3A_880 = arith.constant 0 : i32
        %dma_start3A_881 = tpu.memref_slice %arg15[%dma_start3A_879, %dma_start3A_880] : memref<256x32xf32, #tpu.memory_space<vmem>> -> memref<184x32xf32, #tpu.memory_space<vmem>>
        %dma_start3A_882 = arith.constant 0 : i32
        %dma_start3A_883 = tpu.memref_slice %arg16[%multiple_of3A_878, %dma_start3A_882] : memref<50048x32xf32, #tpu.memory_space<vmem_shared>> -> memref<184x32xf32, #tpu.memory_space<vmem_shared>>
        %dma_start3A_884 = arith.constant 0 : i32
        %dma_start3A_885 = tpu.memref_slice %arg16[%multiple_of3A_878, %dma_start3A_884] : memref<50048x32xf32, #tpu.memory_space<vmem_shared>> -> memref<184x32xf32, #tpu.memory_space<vmem_shared>>
        %dma_start3A_886 = arith.constant 0 : i32
        %dma_start3A_887 = arith.constant 0 : i32
        %dma_start3A_888 = tpu.memref_slice %arg15[%dma_start3A_886, %dma_start3A_887] : memref<256x32xf32, #tpu.memory_space<vmem>> -> memref<184x32xf32, #tpu.memory_space<vmem>>
        tpu.enqueue_dma source(%dma_start3A_888 : memref<184x32xf32, #tpu.memory_space<vmem>>) target(%dma_start3A_885 : memref<184x32xf32, #tpu.memory_space<vmem_shared>>) target_semaphore(%arg19 : memref<!tpu.dma_semaphore, #tpu.memory_space<semaphore_mem>>)
      }
      %scan3A_28 = arith.constant 17 : i32
      %scan3A_29 = arith.constant 0 : i32
      %scan3A_30 = arith.constant 17 : i32
      %scan3A_31 = arith.addi %scan3A_29, %scan3A_30 : i32
      %scan3A_32 = arith.constant 1 : i32
      scf.for %scan3A_874 = %scan3A_29 to %scan3A_31 step %scan3A_32  : i32 {
        %mul3A_875 = arith.constant 184 : i32
        %mul3A_876 = arith.muli %scan3A_874, %mul3A_875 : i32
        %add3A_877 = arith.addi %multiple_of3A, %mul3A_876 : i32
        %multiple_of3A_878 = tpu.assume_multiple %add3A_877, 8 : i32
        %dma_wait3A_879 = arith.constant 0 : i32
        %dma_wait3A_880 = arith.constant 0 : i32
        %dma_wait3A_881 = tpu.memref_slice %arg15[%dma_wait3A_879, %dma_wait3A_880] : memref<256x32xf32, #tpu.memory_space<vmem>> -> memref<184x32xf32, #tpu.memory_space<vmem>>
        %dma_wait3A_882 = arith.constant 0 : i32
        %dma_wait3A_883 = tpu.memref_slice %arg16[%multiple_of3A_878, %dma_wait3A_882] : memref<50048x32xf32, #tpu.memory_space<vmem_shared>> -> memref<184x32xf32, #tpu.memory_space<vmem_shared>>
        %dma_wait3A_884 = arith.constant 0 : i32
        %dma_wait3A_885 = tpu.memref_slice %arg16[%multiple_of3A_878, %dma_wait3A_884] : memref<50048x32xf32, #tpu.memory_space<vmem_shared>> -> memref<184x32xf32, #tpu.memory_space<vmem_shared>>
        %dma_wait3A_886 = arith.constant 0 : i32
        %dma_wait3A_887 = arith.constant 0 : i32
        %dma_wait3A_888 = tpu.memref_slice %arg15[%dma_wait3A_886, %dma_wait3A_887] : memref<256x32xf32, #tpu.memory_space<vmem>> -> memref<184x32xf32, #tpu.memory_space<vmem>>
        tpu.wait_dma2 semaphore(%arg19 : memref<!tpu.dma_semaphore, #tpu.memory_space<semaphore_mem>>) src(%dma_wait3A_888 : memref<184x32xf32, #tpu.memory_space<vmem>>) dst(%dma_wait3A_885 : memref<184x32xf32, #tpu.memory_space<vmem_shared>>)
      }
      %scan3A_33 = arith.constant 17 : i32
      %barrier3A = arith.constant 0 : index
      tpu.barrier barrier_id(%barrier3A)
      %mul3A_34 = arith.constant 50048 : i32
      %mul3A_35 = arith.muli %scan3A_18, %mul3A_34 : i32
      %add3A = arith.addi %multiple_of3A_8, %mul3A_35 : i32
      %scan3A_36 = arith.constant 0 : i32
      %scan3A_37 = arith.constant 49 : i32
      %scan3A_38 = arith.addi %scan3A_36, %scan3A_37 : i32
      %scan3A_39 = arith.constant 1 : i32
      scf.for %scan3A_874 = %scan3A_36 to %scan3A_38 step %scan3A_39  : i32 {
        %mul3A_875 = arith.constant 1024 : i32
        %mul3A_876 = arith.muli %scan3A_874, %mul3A_875 : i32
        %add3A_877 = arith.addi %mul3A_2, %mul3A_876 : i32
        %multiple_of3A_878 = tpu.assume_multiple %add3A_877, 512 : i32
        %dma_start3A_879 = tpu.memref_slice %arg3[%multiple_of3A_878] : memref<802816xi32, #tpu.memory_space<hbm>> -> memref<1024xi32, #tpu.memory_space<hbm>>
        %dma_start3A_880 = tpu.memref_slice %arg3[%multiple_of3A_878] : memref<802816xi32, #tpu.memory_space<hbm>> -> memref<1024xi32, #tpu.memory_space<hbm>>
        tpu.enqueue_dma source(%dma_start3A_880 : memref<1024xi32, #tpu.memory_space<hbm>>) target(%arg7 : memref<1024xi32, #tpu.memory_space<vmem>>) target_semaphore(%arg20 : memref<!tpu.dma_semaphore, #tpu.memory_space<semaphore_mem>>)
        %dma_start3A_881 = tpu.memref_slice %arg4[%multiple_of3A_878] : memref<802816xi32, #tpu.memory_space<hbm>> -> memref<1024xi32, #tpu.memory_space<hbm>>
        %dma_start3A_882 = tpu.memref_slice %arg4[%multiple_of3A_878] : memref<802816xi32, #tpu.memory_space<hbm>> -> memref<1024xi32, #tpu.memory_space<hbm>>
        tpu.enqueue_dma source(%dma_start3A_882 : memref<1024xi32, #tpu.memory_space<hbm>>) target(%arg8 : memref<1024xi32, #tpu.memory_space<vmem>>) target_semaphore(%arg21 : memref<!tpu.dma_semaphore, #tpu.memory_space<semaphore_mem>>)
        %dma_start3A_883 = arith.constant 0 : i32
        %dma_start3A_884 = tpu.memref_slice %arg9[%dma_start3A_883] : memref<1040xf32, #tpu.memory_space<vmem>> -> memref<1024xf32, #tpu.memory_space<vmem>>
        %dma_start3A_885 = tpu.memref_slice %arg5[%multiple_of3A_878] : memref<802816xf32, #tpu.memory_space<hbm>> -> memref<1024xf32, #tpu.memory_space<hbm>>
        %dma_start3A_886 = arith.constant 0 : i32
        %dma_start3A_887 = tpu.memref_slice %arg9[%dma_start3A_886] : memref<1040xf32, #tpu.memory_space<vmem>> -> memref<1024xf32, #tpu.memory_space<vmem>>
        %dma_start3A_888 = tpu.memref_slice %arg5[%multiple_of3A_878] : memref<802816xf32, #tpu.memory_space<hbm>> -> memref<1024xf32, #tpu.memory_space<hbm>>
        tpu.enqueue_dma source(%dma_start3A_888 : memref<1024xf32, #tpu.memory_space<hbm>>) target(%dma_start3A_887 : memref<1024xf32, #tpu.memory_space<vmem>>) target_semaphore(%arg22 : memref<!tpu.dma_semaphore, #tpu.memory_space<semaphore_mem>>)
        %dma_wait3A_889 = tpu.memref_slice %arg3[%multiple_of3A_878] : memref<802816xi32, #tpu.memory_space<hbm>> -> memref<1024xi32, #tpu.memory_space<hbm>>
        %dma_wait3A_890 = tpu.memref_slice %arg3[%multiple_of3A_878] : memref<802816xi32, #tpu.memory_space<hbm>> -> memref<1024xi32, #tpu.memory_space<hbm>>
        tpu.wait_dma2 semaphore(%arg20 : memref<!tpu.dma_semaphore, #tpu.memory_space<semaphore_mem>>) src(%dma_wait3A_890 : memref<1024xi32, #tpu.memory_space<hbm>>) dst(%arg7 : memref<1024xi32, #tpu.memory_space<vmem>>)
        %dma_wait3A_891 = tpu.memref_slice %arg4[%multiple_of3A_878] : memref<802816xi32, #tpu.memory_space<hbm>> -> memref<1024xi32, #tpu.memory_space<hbm>>
        %dma_wait3A_892 = tpu.memref_slice %arg4[%multiple_of3A_878] : memref<802816xi32, #tpu.memory_space<hbm>> -> memref<1024xi32, #tpu.memory_space<hbm>>
        tpu.wait_dma2 semaphore(%arg21 : memref<!tpu.dma_semaphore, #tpu.memory_space<semaphore_mem>>) src(%dma_wait3A_892 : memref<1024xi32, #tpu.memory_space<hbm>>) dst(%arg8 : memref<1024xi32, #tpu.memory_space<vmem>>)
        %dma_wait3A_893 = arith.constant 0 : i32
        %dma_wait3A_894 = tpu.memref_slice %arg9[%dma_wait3A_893] : memref<1040xf32, #tpu.memory_space<vmem>> -> memref<1024xf32, #tpu.memory_space<vmem>>
        %dma_wait3A_895 = tpu.memref_slice %arg5[%multiple_of3A_878] : memref<802816xf32, #tpu.memory_space<hbm>> -> memref<1024xf32, #tpu.memory_space<hbm>>
        %dma_wait3A_896 = arith.constant 0 : i32
        %dma_wait3A_897 = tpu.memref_slice %arg9[%dma_wait3A_896] : memref<1040xf32, #tpu.memory_space<vmem>> -> memref<1024xf32, #tpu.memory_space<vmem>>
        %dma_wait3A_898 = tpu.memref_slice %arg5[%multiple_of3A_878] : memref<802816xf32, #tpu.memory_space<hbm>> -> memref<1024xf32, #tpu.memory_space<hbm>>
        tpu.wait_dma2 semaphore(%arg22 : memref<!tpu.dma_semaphore, #tpu.memory_space<semaphore_mem>>) src(%dma_wait3A_898 : memref<1024xf32, #tpu.memory_space<hbm>>) dst(%dma_wait3A_897 : memref<1024xf32, #tpu.memory_space<vmem>>)
        %get3A = arith.constant 0 : index
        %get3A_899 = tpu.vector_load %arg7[%get3A] {strides = array<i32>} : memref<1024xi32, #tpu.memory_space<vmem>>, vector<16xi32>,
        %get3A_900 = vector.shape_cast %get3A_899 : vector<16xi32> to vector<16xi32>
        %add3A_901 = vector.broadcast %add3A : i32 to vector<16xi32>
        %add3A_902 = arith.addi %get3A_900, %add3A_901 : vector<16xi32>
        %swap3A = arith.constant 0 : index
        %swap3A_903 = tpu.vector_load %arg7[%swap3A] {strides = array<i32>} : memref<1024xi32, #tpu.memory_space<vmem>>, vector<16xi32>,
        %swap3A_904 = vector.shape_cast %swap3A_903 : vector<16xi32> to vector<16xi32>
        %swap3A_905 = vector.shape_cast %add3A_902 : vector<16xi32> to vector<16xi32>
        tpu.vector_store %arg7[%swap3A], %swap3A_905 {strides = array<i32>} : memref<1024xi32, #tpu.memory_space<vmem>>, vector<16xi32>,
        %get3A_906 = arith.constant 16 : index
        %get3A_907 = tpu.vector_load %arg7[%get3A_906] {strides = array<i32>} : memref<1024xi32, #tpu.memory_space<vmem>>, vector<16xi32>,
        %get3A_908 = vector.shape_cast %get3A_907 : vector<16xi32> to vector<16xi32>
        %add3A_909 = vector.broadcast %add3A : i32 to vector<16xi32>
        %add3A_910 = arith.addi %get3A_908, %add3A_909 : vector<16xi32>
        %swap3A_911 = arith.constant 16 : index
        %swap3A_912 = tpu.vector_load %arg7[%swap3A_911] {strides = array<i32>} : memref<1024xi32, #tpu.memory_space<vmem>>, vector<16xi32>,
        %swap3A_913 = vector.shape_cast %swap3A_912 : vector<16xi32> to vector<16xi32>
        %swap3A_914 = vector.shape_cast %add3A_910 : vector<16xi32> to vector<16xi32>
        tpu.vector_store %arg7[%swap3A_911], %swap3A_914 {strides = array<i32>} : memref<1024xi32, #tpu.memory_space<vmem>>, vector<16xi32>,
        %get3A_915 = arith.constant 32 : index
        %get3A_916 = tpu.vector_load %arg7[%get3A_915] {strides = array<i32>} : memref<1024xi32, #tpu.memory_space<vmem>>, vector<16xi32>,
        %get3A_917 = vector.shape_cast %get3A_916 : vector<16xi32> to vector<16xi32>
        %add3A_918 = vector.broadcast %add3A : i32 to vector<16xi32>
        %add3A_919 = arith.addi %get3A_917, %add3A_918 : vector<16xi32>
        %swap3A_920 = arith.constant 32 : index
        %swap3A_921 = tpu.vector_load %arg7[%swap3A_920] {strides = array<i32>} : memref<1024xi32, #tpu.memory_space<vmem>>, vector<16xi32>,
        %swap3A_922 = vector.shape_cast %swap3A_921 : vector<16xi32> to vector<16xi32>
        %swap3A_923 = vector.shape_cast %add3A_919 : vector<16xi32> to vector<16xi32>
        tpu.vector_store %arg7[%swap3A_920], %swap3A_923 {strides = array<i32>} : memref<1024xi32, #tpu.memory_space<vmem>>, vector<16xi32>,
        %get3A_924 = arith.constant 48 : index
        %get3A_925 = tpu.vector_load %arg7[%get3A_924] {strides = array<i32>} : memref<1024xi32, #tpu.memory_space<vmem>>, vector<16xi32>,
        %get3A_926 = vector.shape_cast %get3A_925 : vector<16xi32> to vector<16xi32>
        %add3A_927 = vector.broadcast %add3A : i32 to vector<16xi32>
        %add3A_928 = arith.addi %get3A_926, %add3A_927 : vector<16xi32>
        %swap3A_929 = arith.constant 48 : index
        %swap3A_930 = tpu.vector_load %arg7[%swap3A_929] {strides = array<i32>} : memref<1024xi32, #tpu.memory_space<vmem>>, vector<16xi32>,
        %swap3A_931 = vector.shape_cast %swap3A_930 : vector<16xi32> to vector<16xi32>
        %swap3A_932 = vector.shape_cast %add3A_928 : vector<16xi32> to vector<16xi32>
        tpu.vector_store %arg7[%swap3A_929], %swap3A_932 {strides = array<i32>} : memref<1024xi32, #tpu.memory_space<vmem>>, vector<16xi32>,
        %get3A_933 = arith.constant 64 : index
        %get3A_934 = tpu.vector_load %arg7[%get3A_933] {strides = array<i32>} : memref<1024xi32, #tpu.memory_space<vmem>>, vector<16xi32>,
        %get3A_935 = vector.shape_cast %get3A_934 : vector<16xi32> to vector<16xi32>
        %add3A_936 = vector.broadcast %add3A : i32 to vector<16xi32>
        %add3A_937 = arith.addi %get3A_935, %add3A_936 : vector<16xi32>
        %swap3A_938 = arith.constant 64 : index
        %swap3A_939 = tpu.vector_load %arg7[%swap3A_938] {strides = array<i32>} : memref<1024xi32, #tpu.memory_space<vmem>>, vector<16xi32>,
        %swap3A_940 = vector.shape_cast %swap3A_939 : vector<16xi32> to vector<16xi32>
        %swap3A_941 = vector.shape_cast %add3A_937 : vector<16xi32> to vector<16xi32>
        tpu.vector_store %arg7[%swap3A_938], %swap3A_941 {strides = array<i32>} : memref<1024xi32, #tpu.memory_space<vmem>>, vector<16xi32>,
        %get3A_942 = arith.constant 80 : index
        %get3A_943 = tpu.vector_load %arg7[%get3A_942] {strides = array<i32>} : memref<1024xi32, #tpu.memory_space<vmem>>, vector<16xi32>,
        %get3A_944 = vector.shape_cast %get3A_943 : vector<16xi32> to vector<16xi32>
        %add3A_945 = vector.broadcast %add3A : i32 to vector<16xi32>
        %add3A_946 = arith.addi %get3A_944, %add3A_945 : vector<16xi32>
        %swap3A_947 = arith.constant 80 : index
        %swap3A_948 = tpu.vector_load %arg7[%swap3A_947] {strides = array<i32>} : memref<1024xi32, #tpu.memory_space<vmem>>, vector<16xi32>,
        %swap3A_949 = vector.shape_cast %swap3A_948 : vector<16xi32> to vector<16xi32>
        %swap3A_950 = vector.shape_cast %add3A_946 : vector<16xi32> to vector<16xi32>
        tpu.vector_store %arg7[%swap3A_947], %swap3A_950 {strides = array<i32>} : memref<1024xi32, #tpu.memory_space<vmem>>, vector<16xi32>,
        %get3A_951 = arith.constant 96 : index
        %get3A_952 = tpu.vector_load %arg7[%get3A_951] {strides = array<i32>} : memref<1024xi32, #tpu.memory_space<vmem>>, vector<16xi32>,
        %get3A_953 = vector.shape_cast %get3A_952 : vector<16xi32> to vector<16xi32>
        %add3A_954 = vector.broadcast %add3A : i32 to vector<16xi32>
        %add3A_955 = arith.addi %get3A_953, %add3A_954 : vector<16xi32>
        %swap3A_956 = arith.constant 96 : index
        %swap3A_957 = tpu.vector_load %arg7[%swap3A_956] {strides = array<i32>} : memref<1024xi32, #tpu.memory_space<vmem>>, vector<16xi32>,
        %swap3A_958 = vector.shape_cast %swap3A_957 : vector<16xi32> to vector<16xi32>
        %swap3A_959 = vector.shape_cast %add3A_955 : vector<16xi32> to vector<16xi32>
        tpu.vector_store %arg7[%swap3A_956], %swap3A_959 {strides = array<i32>} : memref<1024xi32, #tpu.memory_space<vmem>>, vector<16xi32>,
        %get3A_960 = arith.constant 112 : index
        %get3A_961 = tpu.vector_load %arg7[%get3A_960] {strides = array<i32>} : memref<1024xi32, #tpu.memory_space<vmem>>, vector<16xi32>,
        %get3A_962 = vector.shape_cast %get3A_961 : vector<16xi32> to vector<16xi32>
        %add3A_963 = vector.broadcast %add3A : i32 to vector<16xi32>
        %add3A_964 = arith.addi %get3A_962, %add3A_963 : vector<16xi32>
        %swap3A_965 = arith.constant 112 : index
        %swap3A_966 = tpu.vector_load %arg7[%swap3A_965] {strides = array<i32>} : memref<1024xi32, #tpu.memory_space<vmem>>, vector<16xi32>,
        %swap3A_967 = vector.shape_cast %swap3A_966 : vector<16xi32> to vector<16xi32>
        %swap3A_968 = vector.shape_cast %add3A_964 : vector<16xi32> to vector<16xi32>
        tpu.vector_store %arg7[%swap3A_965], %swap3A_968 {strides = array<i32>} : memref<1024xi32, #tpu.memory_space<vmem>>, vector<16xi32>,
        %get3A_969 = arith.constant 128 : index
        %get3A_970 = tpu.vector_load %arg7[%get3A_969] {strides = array<i32>} : memref<1024xi32, #tpu.memory_space<vmem>>, vector<16xi32>,
        %get3A_971 = vector.shape_cast %get3A_970 : vector<16xi32> to vector<16xi32>
        %add3A_972 = vector.broadcast %add3A : i32 to vector<16xi32>
        %add3A_973 = arith.addi %get3A_971, %add3A_972 : vector<16xi32>
        %swap3A_974 = arith.constant 128 : index
        %swap3A_975 = tpu.vector_load %arg7[%swap3A_974] {strides = array<i32>} : memref<1024xi32, #tpu.memory_space<vmem>>, vector<16xi32>,
        %swap3A_976 = vector.shape_cast %swap3A_975 : vector<16xi32> to vector<16xi32>
        %swap3A_977 = vector.shape_cast %add3A_973 : vector<16xi32> to vector<16xi32>
        tpu.vector_store %arg7[%swap3A_974], %swap3A_977 {strides = array<i32>} : memref<1024xi32, #tpu.memory_space<vmem>>, vector<16xi32>,
        %get3A_978 = arith.constant 144 : index
        %get3A_979 = tpu.vector_load %arg7[%get3A_978] {strides = array<i32>} : memref<1024xi32, #tpu.memory_space<vmem>>, vector<16xi32>,
        %get3A_980 = vector.shape_cast %get3A_979 : vector<16xi32> to vector<16xi32>
        %add3A_981 = vector.broadcast %add3A : i32 to vector<16xi32>
        %add3A_982 = arith.addi %get3A_980, %add3A_981 : vector<16xi32>
        %swap3A_983 = arith.constant 144 : index
        %swap3A_984 = tpu.vector_load %arg7[%swap3A_983] {strides = array<i32>} : memref<1024xi32, #tpu.memory_space<vmem>>, vector<16xi32>,
        %swap3A_985 = vector.shape_cast %swap3A_984 : vector<16xi32> to vector<16xi32>
        %swap3A_986 = vector.shape_cast %add3A_982 : vector<16xi32> to vector<16xi32>
        tpu.vector_store %arg7[%swap3A_983], %swap3A_986 {strides = array<i32>} : memref<1024xi32, #tpu.memory_space<vmem>>, vector<16xi32>,
        %get3A_987 = arith.constant 160 : index
        %get3A_988 = tpu.vector_load %arg7[%get3A_987] {strides = array<i32>} : memref<1024xi32, #tpu.memory_space<vmem>>, vector<16xi32>,
        %get3A_989 = vector.shape_cast %get3A_988 : vector<16xi32> to vector<16xi32>
        %add3A_990 = vector.broadcast %add3A : i32 to vector<16xi32>
        %add3A_991 = arith.addi %get3A_989, %add3A_990 : vector<16xi32>
        %swap3A_992 = arith.constant 160 : index
        %swap3A_993 = tpu.vector_load %arg7[%swap3A_992] {strides = array<i32>} : memref<1024xi32, #tpu.memory_space<vmem>>, vector<16xi32>,
        %swap3A_994 = vector.shape_cast %swap3A_993 : vector<16xi32> to vector<16xi32>
        %swap3A_995 = vector.shape_cast %add3A_991 : vector<16xi32> to vector<16xi32>
        tpu.vector_store %arg7[%swap3A_992], %swap3A_995 {strides = array<i32>} : memref<1024xi32, #tpu.memory_space<vmem>>, vector<16xi32>,
        %get3A_996 = arith.constant 176 : index
        %get3A_997 = tpu.vector_load %arg7[%get3A_996] {strides = array<i32>} : memref<1024xi32, #tpu.memory_space<vmem>>, vector<16xi32>,
        %get3A_998 = vector.shape_cast %get3A_997 : vector<16xi32> to vector<16xi32>
        %add3A_999 = vector.broadcast %add3A : i32 to vector<16xi32>
        %add3A_1000 = arith.addi %get3A_998, %add3A_999 : vector<16xi32>
        %swap3A_1001 = arith.constant 176 : index
        %swap3A_1002 = tpu.vector_load %arg7[%swap3A_1001] {strides = array<i32>} : memref<1024xi32, #tpu.memory_space<vmem>>, vector<16xi32>,
        %swap3A_1003 = vector.shape_cast %swap3A_1002 : vector<16xi32> to vector<16xi32>
        %swap3A_1004 = vector.shape_cast %add3A_1000 : vector<16xi32> to vector<16xi32>
        tpu.vector_store %arg7[%swap3A_1001], %swap3A_1004 {strides = array<i32>} : memref<1024xi32, #tpu.memory_space<vmem>>, vector<16xi32>,
        %get3A_1005 = arith.constant 192 : index
        %get3A_1006 = tpu.vector_load %arg7[%get3A_1005] {strides = array<i32>} : memref<1024xi32, #tpu.memory_space<vmem>>, vector<16xi32>,
        %get3A_1007 = vector.shape_cast %get3A_1006 : vector<16xi32> to vector<16xi32>
        %add3A_1008 = vector.broadcast %add3A : i32 to vector<16xi32>
        %add3A_1009 = arith.addi %get3A_1007, %add3A_1008 : vector<16xi32>
        %swap3A_1010 = arith.constant 192 : index
        %swap3A_1011 = tpu.vector_load %arg7[%swap3A_1010] {strides = array<i32>} : memref<1024xi32, #tpu.memory_space<vmem>>, vector<16xi32>,
        %swap3A_1012 = vector.shape_cast %swap3A_1011 : vector<16xi32> to vector<16xi32>
        %swap3A_1013 = vector.shape_cast %add3A_1009 : vector<16xi32> to vector<16xi32>
        tpu.vector_store %arg7[%swap3A_1010], %swap3A_1013 {strides = array<i32>} : memref<1024xi32, #tpu.memory_space<vmem>>, vector<16xi32>,
        %get3A_1014 = arith.constant 208 : index
        %get3A_1015 = tpu.vector_load %arg7[%get3A_1014] {strides = array<i32>} : memref<1024xi32, #tpu.memory_space<vmem>>, vector<16xi32>,
        %get3A_1016 = vector.shape_cast %get3A_1015 : vector<16xi32> to vector<16xi32>
        %add3A_1017 = vector.broadcast %add3A : i32 to vector<16xi32>
        %add3A_1018 = arith.addi %get3A_1016, %add3A_1017 : vector<16xi32>
        %swap3A_1019 = arith.constant 208 : index
        %swap3A_1020 = tpu.vector_load %arg7[%swap3A_1019] {strides = array<i32>} : memref<1024xi32, #tpu.memory_space<vmem>>, vector<16xi32>,
        %swap3A_1021 = vector.shape_cast %swap3A_1020 : vector<16xi32> to vector<16xi32>
        %swap3A_1022 = vector.shape_cast %add3A_1018 : vector<16xi32> to vector<16xi32>
        tpu.vector_store %arg7[%swap3A_1019], %swap3A_1022 {strides = array<i32>} : memref<1024xi32, #tpu.memory_space<vmem>>, vector<16xi32>,
        %get3A_1023 = arith.constant 224 : index
        %get3A_1024 = tpu.vector_load %arg7[%get3A_1023] {strides = array<i32>} : memref<1024xi32, #tpu.memory_space<vmem>>, vector<16xi32>,
        %get3A_1025 = vector.shape_cast %get3A_1024 : vector<16xi32> to vector<16xi32>
        %add3A_1026 = vector.broadcast %add3A : i32 to vector<16xi32>
        %add3A_1027 = arith.addi %get3A_1025, %add3A_1026 : vector<16xi32>
        %swap3A_1028 = arith.constant 224 : index
        %swap3A_1029 = tpu.vector_load %arg7[%swap3A_1028] {strides = array<i32>} : memref<1024xi32, #tpu.memory_space<vmem>>, vector<16xi32>,
        %swap3A_1030 = vector.shape_cast %swap3A_1029 : vector<16xi32> to vector<16xi32>
        %swap3A_1031 = vector.shape_cast %add3A_1027 : vector<16xi32> to vector<16xi32>
        tpu.vector_store %arg7[%swap3A_1028], %swap3A_1031 {strides = array<i32>} : memref<1024xi32, #tpu.memory_space<vmem>>, vector<16xi32>,
        %get3A_1032 = arith.constant 240 : index
        %get3A_1033 = tpu.vector_load %arg7[%get3A_1032] {strides = array<i32>} : memref<1024xi32, #tpu.memory_space<vmem>>, vector<16xi32>,
        %get3A_1034 = vector.shape_cast %get3A_1033 : vector<16xi32> to vector<16xi32>
        %add3A_1035 = vector.broadcast %add3A : i32 to vector<16xi32>
        %add3A_1036 = arith.addi %get3A_1034, %add3A_1035 : vector<16xi32>
        %swap3A_1037 = arith.constant 240 : index
        %swap3A_1038 = tpu.vector_load %arg7[%swap3A_1037] {strides = array<i32>} : memref<1024xi32, #tpu.memory_space<vmem>>, vector<16xi32>,
        %swap3A_1039 = vector.shape_cast %swap3A_1038 : vector<16xi32> to vector<16xi32>
        %swap3A_1040 = vector.shape_cast %add3A_1036 : vector<16xi32> to vector<16xi32>
        tpu.vector_store %arg7[%swap3A_1037], %swap3A_1040 {strides = array<i32>} : memref<1024xi32, #tpu.memory_space<vmem>>, vector<16xi32>,
        %get3A_1041 = arith.constant 256 : index
        %get3A_1042 = tpu.vector_load %arg7[%get3A_1041] {strides = array<i32>} : memref<1024xi32, #tpu.memory_space<vmem>>, vector<16xi32>,
        %get3A_1043 = vector.shape_cast %get3A_1042 : vector<16xi32> to vector<16xi32>
        %add3A_1044 = vector.broadcast %add3A : i32 to vector<16xi32>
        %add3A_1045 = arith.addi %get3A_1043, %add3A_1044 : vector<16xi32>
        %swap3A_1046 = arith.constant 256 : index
        %swap3A_1047 = tpu.vector_load %arg7[%swap3A_1046] {strides = array<i32>} : memref<1024xi32, #tpu.memory_space<vmem>>, vector<16xi32>,
        %swap3A_1048 = vector.shape_cast %swap3A_1047 : vector<16xi32> to vector<16xi32>
        %swap3A_1049 = vector.shape_cast %add3A_1045 : vector<16xi32> to vector<16xi32>
        tpu.vector_store %arg7[%swap3A_1046], %swap3A_1049 {strides = array<i32>} : memref<1024xi32, #tpu.memory_space<vmem>>, vector<16xi32>,
        %get3A_1050 = arith.constant 272 : index
        %get3A_1051 = tpu.vector_load %arg7[%get3A_1050] {strides = array<i32>} : memref<1024xi32, #tpu.memory_space<vmem>>, vector<16xi32>,
        %get3A_1052 = vector.shape_cast %get3A_1051 : vector<16xi32> to vector<16xi32>
        %add3A_1053 = vector.broadcast %add3A : i32 to vector<16xi32>
        %add3A_1054 = arith.addi %get3A_1052, %add3A_1053 : vector<16xi32>
        %swap3A_1055 = arith.constant 272 : index
        %swap3A_1056 = tpu.vector_load %arg7[%swap3A_1055] {strides = array<i32>} : memref<1024xi32, #tpu.memory_space<vmem>>, vector<16xi32>,
        %swap3A_1057 = vector.shape_cast %swap3A_1056 : vector<16xi32> to vector<16xi32>
        %swap3A_1058 = vector.shape_cast %add3A_1054 : vector<16xi32> to vector<16xi32>
        tpu.vector_store %arg7[%swap3A_1055], %swap3A_1058 {strides = array<i32>} : memref<1024xi32, #tpu.memory_space<vmem>>, vector<16xi32>,
        %get3A_1059 = arith.constant 288 : index
        %get3A_1060 = tpu.vector_load %arg7[%get3A_1059] {strides = array<i32>} : memref<1024xi32, #tpu.memory_space<vmem>>, vector<16xi32>,
        %get3A_1061 = vector.shape_cast %get3A_1060 : vector<16xi32> to vector<16xi32>
        %add3A_1062 = vector.broadcast %add3A : i32 to vector<16xi32>
        %add3A_1063 = arith.addi %get3A_1061, %add3A_1062 : vector<16xi32>
        %swap3A_1064 = arith.constant 288 : index
        %swap3A_1065 = tpu.vector_load %arg7[%swap3A_1064] {strides = array<i32>} : memref<1024xi32, #tpu.memory_space<vmem>>, vector<16xi32>,
        %swap3A_1066 = vector.shape_cast %swap3A_1065 : vector<16xi32> to vector<16xi32>
        %swap3A_1067 = vector.shape_cast %add3A_1063 : vector<16xi32> to vector<16xi32>
        tpu.vector_store %arg7[%swap3A_1064], %swap3A_1067 {strides = array<i32>} : memref<1024xi32, #tpu.memory_space<vmem>>, vector<16xi32>,
        %get3A_1068 = arith.constant 304 : index
        %get3A_1069 = tpu.vector_load %arg7[%get3A_1068] {strides = array<i32>} : memref<1024xi32, #tpu.memory_space<vmem>>, vector<16xi32>,
        %get3A_1070 = vector.shape_cast %get3A_1069 : vector<16xi32> to vector<16xi32>
        %add3A_1071 = vector.broadcast %add3A : i32 to vector<16xi32>
        %add3A_1072 = arith.addi %get3A_1070, %add3A_1071 : vector<16xi32>
        %swap3A_1073 = arith.constant 304 : index
        %swap3A_1074 = tpu.vector_load %arg7[%swap3A_1073] {strides = array<i32>} : memref<1024xi32, #tpu.memory_space<vmem>>, vector<16xi32>,
        %swap3A_1075 = vector.shape_cast %swap3A_1074 : vector<16xi32> to vector<16xi32>
        %swap3A_1076 = vector.shape_cast %add3A_1072 : vector<16xi32> to vector<16xi32>
        tpu.vector_store %arg7[%swap3A_1073], %swap3A_1076 {strides = array<i32>} : memref<1024xi32, #tpu.memory_space<vmem>>, vector<16xi32>,
        %get3A_1077 = arith.constant 320 : index
        %get3A_1078 = tpu.vector_load %arg7[%get3A_1077] {strides = array<i32>} : memref<1024xi32, #tpu.memory_space<vmem>>, vector<16xi32>,
        %get3A_1079 = vector.shape_cast %get3A_1078 : vector<16xi32> to vector<16xi32>
        %add3A_1080 = vector.broadcast %add3A : i32 to vector<16xi32>
        %add3A_1081 = arith.addi %get3A_1079, %add3A_1080 : vector<16xi32>
        %swap3A_1082 = arith.constant 320 : index
        %swap3A_1083 = tpu.vector_load %arg7[%swap3A_1082] {strides = array<i32>} : memref<1024xi32, #tpu.memory_space<vmem>>, vector<16xi32>,
        %swap3A_1084 = vector.shape_cast %swap3A_1083 : vector<16xi32> to vector<16xi32>
        %swap3A_1085 = vector.shape_cast %add3A_1081 : vector<16xi32> to vector<16xi32>
        tpu.vector_store %arg7[%swap3A_1082], %swap3A_1085 {strides = array<i32>} : memref<1024xi32, #tpu.memory_space<vmem>>, vector<16xi32>,
        %get3A_1086 = arith.constant 336 : index
        %get3A_1087 = tpu.vector_load %arg7[%get3A_1086] {strides = array<i32>} : memref<1024xi32, #tpu.memory_space<vmem>>, vector<16xi32>,
        %get3A_1088 = vector.shape_cast %get3A_1087 : vector<16xi32> to vector<16xi32>
        %add3A_1089 = vector.broadcast %add3A : i32 to vector<16xi32>
        %add3A_1090 = arith.addi %get3A_1088, %add3A_1089 : vector<16xi32>
        %swap3A_1091 = arith.constant 336 : index
        %swap3A_1092 = tpu.vector_load %arg7[%swap3A_1091] {strides = array<i32>} : memref<1024xi32, #tpu.memory_space<vmem>>, vector<16xi32>,
        %swap3A_1093 = vector.shape_cast %swap3A_1092 : vector<16xi32> to vector<16xi32>
        %swap3A_1094 = vector.shape_cast %add3A_1090 : vector<16xi32> to vector<16xi32>
        tpu.vector_store %arg7[%swap3A_1091], %swap3A_1094 {strides = array<i32>} : memref<1024xi32, #tpu.memory_space<vmem>>, vector<16xi32>,
        %get3A_1095 = arith.constant 352 : index
        %get3A_1096 = tpu.vector_load %arg7[%get3A_1095] {strides = array<i32>} : memref<1024xi32, #tpu.memory_space<vmem>>, vector<16xi32>,
        %get3A_1097 = vector.shape_cast %get3A_1096 : vector<16xi32> to vector<16xi32>
        %add3A_1098 = vector.broadcast %add3A : i32 to vector<16xi32>
        %add3A_1099 = arith.addi %get3A_1097, %add3A_1098 : vector<16xi32>
        %swap3A_1100 = arith.constant 352 : index
        %swap3A_1101 = tpu.vector_load %arg7[%swap3A_1100] {strides = array<i32>} : memref<1024xi32, #tpu.memory_space<vmem>>, vector<16xi32>,
        %swap3A_1102 = vector.shape_cast %swap3A_1101 : vector<16xi32> to vector<16xi32>
        %swap3A_1103 = vector.shape_cast %add3A_1099 : vector<16xi32> to vector<16xi32>
        tpu.vector_store %arg7[%swap3A_1100], %swap3A_1103 {strides = array<i32>} : memref<1024xi32, #tpu.memory_space<vmem>>, vector<16xi32>,
        %get3A_1104 = arith.constant 368 : index
        %get3A_1105 = tpu.vector_load %arg7[%get3A_1104] {strides = array<i32>} : memref<1024xi32, #tpu.memory_space<vmem>>, vector<16xi32>,
        %get3A_1106 = vector.shape_cast %get3A_1105 : vector<16xi32> to vector<16xi32>
        %add3A_1107 = vector.broadcast %add3A : i32 to vector<16xi32>
        %add3A_1108 = arith.addi %get3A_1106, %add3A_1107 : vector<16xi32>
        %swap3A_1109 = arith.constant 368 : index
        %swap3A_1110 = tpu.vector_load %arg7[%swap3A_1109] {strides = array<i32>} : memref<1024xi32, #tpu.memory_space<vmem>>, vector<16xi32>,
        %swap3A_1111 = vector.shape_cast %swap3A_1110 : vector<16xi32> to vector<16xi32>
        %swap3A_1112 = vector.shape_cast %add3A_1108 : vector<16xi32> to vector<16xi32>
        tpu.vector_store %arg7[%swap3A_1109], %swap3A_1112 {strides = array<i32>} : memref<1024xi32, #tpu.memory_space<vmem>>, vector<16xi32>,
        %get3A_1113 = arith.constant 384 : index
        %get3A_1114 = tpu.vector_load %arg7[%get3A_1113] {strides = array<i32>} : memref<1024xi32, #tpu.memory_space<vmem>>, vector<16xi32>,
        %get3A_1115 = vector.shape_cast %get3A_1114 : vector<16xi32> to vector<16xi32>
        %add3A_1116 = vector.broadcast %add3A : i32 to vector<16xi32>
        %add3A_1117 = arith.addi %get3A_1115, %add3A_1116 : vector<16xi32>
        %swap3A_1118 = arith.constant 384 : index
        %swap3A_1119 = tpu.vector_load %arg7[%swap3A_1118] {strides = array<i32>} : memref<1024xi32, #tpu.memory_space<vmem>>, vector<16xi32>,
        %swap3A_1120 = vector.shape_cast %swap3A_1119 : vector<16xi32> to vector<16xi32>
        %swap3A_1121 = vector.shape_cast %add3A_1117 : vector<16xi32> to vector<16xi32>
        tpu.vector_store %arg7[%swap3A_1118], %swap3A_1121 {strides = array<i32>} : memref<1024xi32, #tpu.memory_space<vmem>>, vector<16xi32>,
        %get3A_1122 = arith.constant 400 : index
        %get3A_1123 = tpu.vector_load %arg7[%get3A_1122] {strides = array<i32>} : memref<1024xi32, #tpu.memory_space<vmem>>, vector<16xi32>,
        %get3A_1124 = vector.shape_cast %get3A_1123 : vector<16xi32> to vector<16xi32>
        %add3A_1125 = vector.broadcast %add3A : i32 to vector<16xi32>
        %add3A_1126 = arith.addi %get3A_1124, %add3A_1125 : vector<16xi32>
        %swap3A_1127 = arith.constant 400 : index
        %swap3A_1128 = tpu.vector_load %arg7[%swap3A_1127] {strides = array<i32>} : memref<1024xi32, #tpu.memory_space<vmem>>, vector<16xi32>,
        %swap3A_1129 = vector.shape_cast %swap3A_1128 : vector<16xi32> to vector<16xi32>
        %swap3A_1130 = vector.shape_cast %add3A_1126 : vector<16xi32> to vector<16xi32>
        tpu.vector_store %arg7[%swap3A_1127], %swap3A_1130 {strides = array<i32>} : memref<1024xi32, #tpu.memory_space<vmem>>, vector<16xi32>,
        %get3A_1131 = arith.constant 416 : index
        %get3A_1132 = tpu.vector_load %arg7[%get3A_1131] {strides = array<i32>} : memref<1024xi32, #tpu.memory_space<vmem>>, vector<16xi32>,
        %get3A_1133 = vector.shape_cast %get3A_1132 : vector<16xi32> to vector<16xi32>
        %add3A_1134 = vector.broadcast %add3A : i32 to vector<16xi32>
        %add3A_1135 = arith.addi %get3A_1133, %add3A_1134 : vector<16xi32>
        %swap3A_1136 = arith.constant 416 : index
        %swap3A_1137 = tpu.vector_load %arg7[%swap3A_1136] {strides = array<i32>} : memref<1024xi32, #tpu.memory_space<vmem>>, vector<16xi32>,
        %swap3A_1138 = vector.shape_cast %swap3A_1137 : vector<16xi32> to vector<16xi32>
        %swap3A_1139 = vector.shape_cast %add3A_1135 : vector<16xi32> to vector<16xi32>
        tpu.vector_store %arg7[%swap3A_1136], %swap3A_1139 {strides = array<i32>} : memref<1024xi32, #tpu.memory_space<vmem>>, vector<16xi32>,
        %get3A_1140 = arith.constant 432 : index
        %get3A_1141 = tpu.vector_load %arg7[%get3A_1140] {strides = array<i32>} : memref<1024xi32, #tpu.memory_space<vmem>>, vector<16xi32>,
        %get3A_1142 = vector.shape_cast %get3A_1141 : vector<16xi32> to vector<16xi32>
        %add3A_1143 = vector.broadcast %add3A : i32 to vector<16xi32>
        %add3A_1144 = arith.addi %get3A_1142, %add3A_1143 : vector<16xi32>
        %swap3A_1145 = arith.constant 432 : index
        %swap3A_1146 = tpu.vector_load %arg7[%swap3A_1145] {strides = array<i32>} : memref<1024xi32, #tpu.memory_space<vmem>>, vector<16xi32>,
        %swap3A_1147 = vector.shape_cast %swap3A_1146 : vector<16xi32> to vector<16xi32>
        %swap3A_1148 = vector.shape_cast %add3A_1144 : vector<16xi32> to vector<16xi32>
        tpu.vector_store %arg7[%swap3A_1145], %swap3A_1148 {strides = array<i32>} : memref<1024xi32, #tpu.memory_space<vmem>>, vector<16xi32>,
        %get3A_1149 = arith.constant 448 : index
        %get3A_1150 = tpu.vector_load %arg7[%get3A_1149] {strides = array<i32>} : memref<1024xi32, #tpu.memory_space<vmem>>, vector<16xi32>,
        %get3A_1151 = vector.shape_cast %get3A_1150 : vector<16xi32> to vector<16xi32>
        %add3A_1152 = vector.broadcast %add3A : i32 to vector<16xi32>
        %add3A_1153 = arith.addi %get3A_1151, %add3A_1152 : vector<16xi32>
        %swap3A_1154 = arith.constant 448 : index
        %swap3A_1155 = tpu.vector_load %arg7[%swap3A_1154] {strides = array<i32>} : memref<1024xi32, #tpu.memory_space<vmem>>, vector<16xi32>,
        %swap3A_1156 = vector.shape_cast %swap3A_1155 : vector<16xi32> to vector<16xi32>
        %swap3A_1157 = vector.shape_cast %add3A_1153 : vector<16xi32> to vector<16xi32>
        tpu.vector_store %arg7[%swap3A_1154], %swap3A_1157 {strides = array<i32>} : memref<1024xi32, #tpu.memory_space<vmem>>, vector<16xi32>,
        %get3A_1158 = arith.constant 464 : index
        %get3A_1159 = tpu.vector_load %arg7[%get3A_1158] {strides = array<i32>} : memref<1024xi32, #tpu.memory_space<vmem>>, vector<16xi32>,
        %get3A_1160 = vector.shape_cast %get3A_1159 : vector<16xi32> to vector<16xi32>
        %add3A_1161 = vector.broadcast %add3A : i32 to vector<16xi32>
        %add3A_1162 = arith.addi %get3A_1160, %add3A_1161 : vector<16xi32>
        %swap3A_1163 = arith.constant 464 : index
        %swap3A_1164 = tpu.vector_load %arg7[%swap3A_1163] {strides = array<i32>} : memref<1024xi32, #tpu.memory_space<vmem>>, vector<16xi32>,
        %swap3A_1165 = vector.shape_cast %swap3A_1164 : vector<16xi32> to vector<16xi32>
        %swap3A_1166 = vector.shape_cast %add3A_1162 : vector<16xi32> to vector<16xi32>
        tpu.vector_store %arg7[%swap3A_1163], %swap3A_1166 {strides = array<i32>} : memref<1024xi32, #tpu.memory_space<vmem>>, vector<16xi32>,
        %get3A_1167 = arith.constant 480 : index
        %get3A_1168 = tpu.vector_load %arg7[%get3A_1167] {strides = array<i32>} : memref<1024xi32, #tpu.memory_space<vmem>>, vector<16xi32>,
        %get3A_1169 = vector.shape_cast %get3A_1168 : vector<16xi32> to vector<16xi32>
        %add3A_1170 = vector.broadcast %add3A : i32 to vector<16xi32>
        %add3A_1171 = arith.addi %get3A_1169, %add3A_1170 : vector<16xi32>
        %swap3A_1172 = arith.constant 480 : index
        %swap3A_1173 = tpu.vector_load %arg7[%swap3A_1172] {strides = array<i32>} : memref<1024xi32, #tpu.memory_space<vmem>>, vector<16xi32>,
        %swap3A_1174 = vector.shape_cast %swap3A_1173 : vector<16xi32> to vector<16xi32>
        %swap3A_1175 = vector.shape_cast %add3A_1171 : vector<16xi32> to vector<16xi32>
        tpu.vector_store %arg7[%swap3A_1172], %swap3A_1175 {strides = array<i32>} : memref<1024xi32, #tpu.memory_space<vmem>>, vector<16xi32>,
        %get3A_1176 = arith.constant 496 : index
        %get3A_1177 = tpu.vector_load %arg7[%get3A_1176] {strides = array<i32>} : memref<1024xi32, #tpu.memory_space<vmem>>, vector<16xi32>,
        %get3A_1178 = vector.shape_cast %get3A_1177 : vector<16xi32> to vector<16xi32>
        %add3A_1179 = vector.broadcast %add3A : i32 to vector<16xi32>
        %add3A_1180 = arith.addi %get3A_1178, %add3A_1179 : vector<16xi32>
        %swap3A_1181 = arith.constant 496 : index
        %swap3A_1182 = tpu.vector_load %arg7[%swap3A_1181] {strides = array<i32>} : memref<1024xi32, #tpu.memory_space<vmem>>, vector<16xi32>,
        %swap3A_1183 = vector.shape_cast %swap3A_1182 : vector<16xi32> to vector<16xi32>
        %swap3A_1184 = vector.shape_cast %add3A_1180 : vector<16xi32> to vector<16xi32>
        tpu.vector_store %arg7[%swap3A_1181], %swap3A_1184 {strides = array<i32>} : memref<1024xi32, #tpu.memory_space<vmem>>, vector<16xi32>,
        %get3A_1185 = arith.constant 512 : index
        %get3A_1186 = tpu.vector_load %arg7[%get3A_1185] {strides = array<i32>} : memref<1024xi32, #tpu.memory_space<vmem>>, vector<16xi32>,
        %get3A_1187 = vector.shape_cast %get3A_1186 : vector<16xi32> to vector<16xi32>
        %add3A_1188 = vector.broadcast %add3A : i32 to vector<16xi32>
        %add3A_1189 = arith.addi %get3A_1187, %add3A_1188 : vector<16xi32>
        %swap3A_1190 = arith.constant 512 : index
        %swap3A_1191 = tpu.vector_load %arg7[%swap3A_1190] {strides = array<i32>} : memref<1024xi32, #tpu.memory_space<vmem>>, vector<16xi32>,
        %swap3A_1192 = vector.shape_cast %swap3A_1191 : vector<16xi32> to vector<16xi32>
        %swap3A_1193 = vector.shape_cast %add3A_1189 : vector<16xi32> to vector<16xi32>
        tpu.vector_store %arg7[%swap3A_1190], %swap3A_1193 {strides = array<i32>} : memref<1024xi32, #tpu.memory_space<vmem>>, vector<16xi32>,
        %get3A_1194 = arith.constant 528 : index
        %get3A_1195 = tpu.vector_load %arg7[%get3A_1194] {strides = array<i32>} : memref<1024xi32, #tpu.memory_space<vmem>>, vector<16xi32>,
        %get3A_1196 = vector.shape_cast %get3A_1195 : vector<16xi32> to vector<16xi32>
        %add3A_1197 = vector.broadcast %add3A : i32 to vector<16xi32>
        %add3A_1198 = arith.addi %get3A_1196, %add3A_1197 : vector<16xi32>
        %swap3A_1199 = arith.constant 528 : index
        %swap3A_1200 = tpu.vector_load %arg7[%swap3A_1199] {strides = array<i32>} : memref<1024xi32, #tpu.memory_space<vmem>>, vector<16xi32>,
        %swap3A_1201 = vector.shape_cast %swap3A_1200 : vector<16xi32> to vector<16xi32>
        %swap3A_1202 = vector.shape_cast %add3A_1198 : vector<16xi32> to vector<16xi32>
        tpu.vector_store %arg7[%swap3A_1199], %swap3A_1202 {strides = array<i32>} : memref<1024xi32, #tpu.memory_space<vmem>>, vector<16xi32>,
        %get3A_1203 = arith.constant 544 : index
        %get3A_1204 = tpu.vector_load %arg7[%get3A_1203] {strides = array<i32>} : memref<1024xi32, #tpu.memory_space<vmem>>, vector<16xi32>,
        %get3A_1205 = vector.shape_cast %get3A_1204 : vector<16xi32> to vector<16xi32>
        %add3A_1206 = vector.broadcast %add3A : i32 to vector<16xi32>
        %add3A_1207 = arith.addi %get3A_1205, %add3A_1206 : vector<16xi32>
        %swap3A_1208 = arith.constant 544 : index
        %swap3A_1209 = tpu.vector_load %arg7[%swap3A_1208] {strides = array<i32>} : memref<1024xi32, #tpu.memory_space<vmem>>, vector<16xi32>,
        %swap3A_1210 = vector.shape_cast %swap3A_1209 : vector<16xi32> to vector<16xi32>
        %swap3A_1211 = vector.shape_cast %add3A_1207 : vector<16xi32> to vector<16xi32>
        tpu.vector_store %arg7[%swap3A_1208], %swap3A_1211 {strides = array<i32>} : memref<1024xi32, #tpu.memory_space<vmem>>, vector<16xi32>,
        %get3A_1212 = arith.constant 560 : index
        %get3A_1213 = tpu.vector_load %arg7[%get3A_1212] {strides = array<i32>} : memref<1024xi32, #tpu.memory_space<vmem>>, vector<16xi32>,
        %get3A_1214 = vector.shape_cast %get3A_1213 : vector<16xi32> to vector<16xi32>
        %add3A_1215 = vector.broadcast %add3A : i32 to vector<16xi32>
        %add3A_1216 = arith.addi %get3A_1214, %add3A_1215 : vector<16xi32>
        %swap3A_1217 = arith.constant 560 : index
        %swap3A_1218 = tpu.vector_load %arg7[%swap3A_1217] {strides = array<i32>} : memref<1024xi32, #tpu.memory_space<vmem>>, vector<16xi32>,
        %swap3A_1219 = vector.shape_cast %swap3A_1218 : vector<16xi32> to vector<16xi32>
        %swap3A_1220 = vector.shape_cast %add3A_1216 : vector<16xi32> to vector<16xi32>
        tpu.vector_store %arg7[%swap3A_1217], %swap3A_1220 {strides = array<i32>} : memref<1024xi32, #tpu.memory_space<vmem>>, vector<16xi32>,
        %get3A_1221 = arith.constant 576 : index
        %get3A_1222 = tpu.vector_load %arg7[%get3A_1221] {strides = array<i32>} : memref<1024xi32, #tpu.memory_space<vmem>>, vector<16xi32>,
        %get3A_1223 = vector.shape_cast %get3A_1222 : vector<16xi32> to vector<16xi32>
        %add3A_1224 = vector.broadcast %add3A : i32 to vector<16xi32>
        %add3A_1225 = arith.addi %get3A_1223, %add3A_1224 : vector<16xi32>
        %swap3A_1226 = arith.constant 576 : index
        %swap3A_1227 = tpu.vector_load %arg7[%swap3A_1226] {strides = array<i32>} : memref<1024xi32, #tpu.memory_space<vmem>>, vector<16xi32>,
        %swap3A_1228 = vector.shape_cast %swap3A_1227 : vector<16xi32> to vector<16xi32>
        %swap3A_1229 = vector.shape_cast %add3A_1225 : vector<16xi32> to vector<16xi32>
        tpu.vector_store %arg7[%swap3A_1226], %swap3A_1229 {strides = array<i32>} : memref<1024xi32, #tpu.memory_space<vmem>>, vector<16xi32>,
        %get3A_1230 = arith.constant 592 : index
        %get3A_1231 = tpu.vector_load %arg7[%get3A_1230] {strides = array<i32>} : memref<1024xi32, #tpu.memory_space<vmem>>, vector<16xi32>,
        %get3A_1232 = vector.shape_cast %get3A_1231 : vector<16xi32> to vector<16xi32>
        %add3A_1233 = vector.broadcast %add3A : i32 to vector<16xi32>
        %add3A_1234 = arith.addi %get3A_1232, %add3A_1233 : vector<16xi32>
        %swap3A_1235 = arith.constant 592 : index
        %swap3A_1236 = tpu.vector_load %arg7[%swap3A_1235] {strides = array<i32>} : memref<1024xi32, #tpu.memory_space<vmem>>, vector<16xi32>,
        %swap3A_1237 = vector.shape_cast %swap3A_1236 : vector<16xi32> to vector<16xi32>
        %swap3A_1238 = vector.shape_cast %add3A_1234 : vector<16xi32> to vector<16xi32>
        tpu.vector_store %arg7[%swap3A_1235], %swap3A_1238 {strides = array<i32>} : memref<1024xi32, #tpu.memory_space<vmem>>, vector<16xi32>,
        %get3A_1239 = arith.constant 608 : index
        %get3A_1240 = tpu.vector_load %arg7[%get3A_1239] {strides = array<i32>} : memref<1024xi32, #tpu.memory_space<vmem>>, vector<16xi32>,
        %get3A_1241 = vector.shape_cast %get3A_1240 : vector<16xi32> to vector<16xi32>
        %add3A_1242 = vector.broadcast %add3A : i32 to vector<16xi32>
        %add3A_1243 = arith.addi %get3A_1241, %add3A_1242 : vector<16xi32>
        %swap3A_1244 = arith.constant 608 : index
        %swap3A_1245 = tpu.vector_load %arg7[%swap3A_1244] {strides = array<i32>} : memref<1024xi32, #tpu.memory_space<vmem>>, vector<16xi32>,
        %swap3A_1246 = vector.shape_cast %swap3A_1245 : vector<16xi32> to vector<16xi32>
        %swap3A_1247 = vector.shape_cast %add3A_1243 : vector<16xi32> to vector<16xi32>
        tpu.vector_store %arg7[%swap3A_1244], %swap3A_1247 {strides = array<i32>} : memref<1024xi32, #tpu.memory_space<vmem>>, vector<16xi32>,
        %get3A_1248 = arith.constant 624 : index
        %get3A_1249 = tpu.vector_load %arg7[%get3A_1248] {strides = array<i32>} : memref<1024xi32, #tpu.memory_space<vmem>>, vector<16xi32>,
        %get3A_1250 = vector.shape_cast %get3A_1249 : vector<16xi32> to vector<16xi32>
        %add3A_1251 = vector.broadcast %add3A : i32 to vector<16xi32>
        %add3A_1252 = arith.addi %get3A_1250, %add3A_1251 : vector<16xi32>
        %swap3A_1253 = arith.constant 624 : index
        %swap3A_1254 = tpu.vector_load %arg7[%swap3A_1253] {strides = array<i32>} : memref<1024xi32, #tpu.memory_space<vmem>>, vector<16xi32>,
        %swap3A_1255 = vector.shape_cast %swap3A_1254 : vector<16xi32> to vector<16xi32>
        %swap3A_1256 = vector.shape_cast %add3A_1252 : vector<16xi32> to vector<16xi32>
        tpu.vector_store %arg7[%swap3A_1253], %swap3A_1256 {strides = array<i32>} : memref<1024xi32, #tpu.memory_space<vmem>>, vector<16xi32>,
        %get3A_1257 = arith.constant 640 : index
        %get3A_1258 = tpu.vector_load %arg7[%get3A_1257] {strides = array<i32>} : memref<1024xi32, #tpu.memory_space<vmem>>, vector<16xi32>,
        %get3A_1259 = vector.shape_cast %get3A_1258 : vector<16xi32> to vector<16xi32>
        %add3A_1260 = vector.broadcast %add3A : i32 to vector<16xi32>
        %add3A_1261 = arith.addi %get3A_1259, %add3A_1260 : vector<16xi32>
        %swap3A_1262 = arith.constant 640 : index
        %swap3A_1263 = tpu.vector_load %arg7[%swap3A_1262] {strides = array<i32>} : memref<1024xi32, #tpu.memory_space<vmem>>, vector<16xi32>,
        %swap3A_1264 = vector.shape_cast %swap3A_1263 : vector<16xi32> to vector<16xi32>
        %swap3A_1265 = vector.shape_cast %add3A_1261 : vector<16xi32> to vector<16xi32>
        tpu.vector_store %arg7[%swap3A_1262], %swap3A_1265 {strides = array<i32>} : memref<1024xi32, #tpu.memory_space<vmem>>, vector<16xi32>,
        %get3A_1266 = arith.constant 656 : index
        %get3A_1267 = tpu.vector_load %arg7[%get3A_1266] {strides = array<i32>} : memref<1024xi32, #tpu.memory_space<vmem>>, vector<16xi32>,
        %get3A_1268 = vector.shape_cast %get3A_1267 : vector<16xi32> to vector<16xi32>
        %add3A_1269 = vector.broadcast %add3A : i32 to vector<16xi32>
        %add3A_1270 = arith.addi %get3A_1268, %add3A_1269 : vector<16xi32>
        %swap3A_1271 = arith.constant 656 : index
        %swap3A_1272 = tpu.vector_load %arg7[%swap3A_1271] {strides = array<i32>} : memref<1024xi32, #tpu.memory_space<vmem>>, vector<16xi32>,
        %swap3A_1273 = vector.shape_cast %swap3A_1272 : vector<16xi32> to vector<16xi32>
        %swap3A_1274 = vector.shape_cast %add3A_1270 : vector<16xi32> to vector<16xi32>
        tpu.vector_store %arg7[%swap3A_1271], %swap3A_1274 {strides = array<i32>} : memref<1024xi32, #tpu.memory_space<vmem>>, vector<16xi32>,
        %get3A_1275 = arith.constant 672 : index
        %get3A_1276 = tpu.vector_load %arg7[%get3A_1275] {strides = array<i32>} : memref<1024xi32, #tpu.memory_space<vmem>>, vector<16xi32>,
        %get3A_1277 = vector.shape_cast %get3A_1276 : vector<16xi32> to vector<16xi32>
        %add3A_1278 = vector.broadcast %add3A : i32 to vector<16xi32>
        %add3A_1279 = arith.addi %get3A_1277, %add3A_1278 : vector<16xi32>
        %swap3A_1280 = arith.constant 672 : index
        %swap3A_1281 = tpu.vector_load %arg7[%swap3A_1280] {strides = array<i32>} : memref<1024xi32, #tpu.memory_space<vmem>>, vector<16xi32>,
        %swap3A_1282 = vector.shape_cast %swap3A_1281 : vector<16xi32> to vector<16xi32>
        %swap3A_1283 = vector.shape_cast %add3A_1279 : vector<16xi32> to vector<16xi32>
        tpu.vector_store %arg7[%swap3A_1280], %swap3A_1283 {strides = array<i32>} : memref<1024xi32, #tpu.memory_space<vmem>>, vector<16xi32>,
        %get3A_1284 = arith.constant 688 : index
        %get3A_1285 = tpu.vector_load %arg7[%get3A_1284] {strides = array<i32>} : memref<1024xi32, #tpu.memory_space<vmem>>, vector<16xi32>,
        %get3A_1286 = vector.shape_cast %get3A_1285 : vector<16xi32> to vector<16xi32>
        %add3A_1287 = vector.broadcast %add3A : i32 to vector<16xi32>
        %add3A_1288 = arith.addi %get3A_1286, %add3A_1287 : vector<16xi32>
        %swap3A_1289 = arith.constant 688 : index
        %swap3A_1290 = tpu.vector_load %arg7[%swap3A_1289] {strides = array<i32>} : memref<1024xi32, #tpu.memory_space<vmem>>, vector<16xi32>,
        %swap3A_1291 = vector.shape_cast %swap3A_1290 : vector<16xi32> to vector<16xi32>
        %swap3A_1292 = vector.shape_cast %add3A_1288 : vector<16xi32> to vector<16xi32>
        tpu.vector_store %arg7[%swap3A_1289], %swap3A_1292 {strides = array<i32>} : memref<1024xi32, #tpu.memory_space<vmem>>, vector<16xi32>,
        %get3A_1293 = arith.constant 704 : index
        %get3A_1294 = tpu.vector_load %arg7[%get3A_1293] {strides = array<i32>} : memref<1024xi32, #tpu.memory_space<vmem>>, vector<16xi32>,
        %get3A_1295 = vector.shape_cast %get3A_1294 : vector<16xi32> to vector<16xi32>
        %add3A_1296 = vector.broadcast %add3A : i32 to vector<16xi32>
        %add3A_1297 = arith.addi %get3A_1295, %add3A_1296 : vector<16xi32>
        %swap3A_1298 = arith.constant 704 : index
        %swap3A_1299 = tpu.vector_load %arg7[%swap3A_1298] {strides = array<i32>} : memref<1024xi32, #tpu.memory_space<vmem>>, vector<16xi32>,
        %swap3A_1300 = vector.shape_cast %swap3A_1299 : vector<16xi32> to vector<16xi32>
        %swap3A_1301 = vector.shape_cast %add3A_1297 : vector<16xi32> to vector<16xi32>
        tpu.vector_store %arg7[%swap3A_1298], %swap3A_1301 {strides = array<i32>} : memref<1024xi32, #tpu.memory_space<vmem>>, vector<16xi32>,
        %get3A_1302 = arith.constant 720 : index
        %get3A_1303 = tpu.vector_load %arg7[%get3A_1302] {strides = array<i32>} : memref<1024xi32, #tpu.memory_space<vmem>>, vector<16xi32>,
        %get3A_1304 = vector.shape_cast %get3A_1303 : vector<16xi32> to vector<16xi32>
        %add3A_1305 = vector.broadcast %add3A : i32 to vector<16xi32>
        %add3A_1306 = arith.addi %get3A_1304, %add3A_1305 : vector<16xi32>
        %swap3A_1307 = arith.constant 720 : index
        %swap3A_1308 = tpu.vector_load %arg7[%swap3A_1307] {strides = array<i32>} : memref<1024xi32, #tpu.memory_space<vmem>>, vector<16xi32>,
        %swap3A_1309 = vector.shape_cast %swap3A_1308 : vector<16xi32> to vector<16xi32>
        %swap3A_1310 = vector.shape_cast %add3A_1306 : vector<16xi32> to vector<16xi32>
        tpu.vector_store %arg7[%swap3A_1307], %swap3A_1310 {strides = array<i32>} : memref<1024xi32, #tpu.memory_space<vmem>>, vector<16xi32>,
        %get3A_1311 = arith.constant 736 : index
        %get3A_1312 = tpu.vector_load %arg7[%get3A_1311] {strides = array<i32>} : memref<1024xi32, #tpu.memory_space<vmem>>, vector<16xi32>,
        %get3A_1313 = vector.shape_cast %get3A_1312 : vector<16xi32> to vector<16xi32>
        %add3A_1314 = vector.broadcast %add3A : i32 to vector<16xi32>
        %add3A_1315 = arith.addi %get3A_1313, %add3A_1314 : vector<16xi32>
        %swap3A_1316 = arith.constant 736 : index
        %swap3A_1317 = tpu.vector_load %arg7[%swap3A_1316] {strides = array<i32>} : memref<1024xi32, #tpu.memory_space<vmem>>, vector<16xi32>,
        %swap3A_1318 = vector.shape_cast %swap3A_1317 : vector<16xi32> to vector<16xi32>
        %swap3A_1319 = vector.shape_cast %add3A_1315 : vector<16xi32> to vector<16xi32>
        tpu.vector_store %arg7[%swap3A_1316], %swap3A_1319 {strides = array<i32>} : memref<1024xi32, #tpu.memory_space<vmem>>, vector<16xi32>,
        %get3A_1320 = arith.constant 752 : index
        %get3A_1321 = tpu.vector_load %arg7[%get3A_1320] {strides = array<i32>} : memref<1024xi32, #tpu.memory_space<vmem>>, vector<16xi32>,
        %get3A_1322 = vector.shape_cast %get3A_1321 : vector<16xi32> to vector<16xi32>
        %add3A_1323 = vector.broadcast %add3A : i32 to vector<16xi32>
        %add3A_1324 = arith.addi %get3A_1322, %add3A_1323 : vector<16xi32>
        %swap3A_1325 = arith.constant 752 : index
        %swap3A_1326 = tpu.vector_load %arg7[%swap3A_1325] {strides = array<i32>} : memref<1024xi32, #tpu.memory_space<vmem>>, vector<16xi32>,
        %swap3A_1327 = vector.shape_cast %swap3A_1326 : vector<16xi32> to vector<16xi32>
        %swap3A_1328 = vector.shape_cast %add3A_1324 : vector<16xi32> to vector<16xi32>
        tpu.vector_store %arg7[%swap3A_1325], %swap3A_1328 {strides = array<i32>} : memref<1024xi32, #tpu.memory_space<vmem>>, vector<16xi32>,
        %get3A_1329 = arith.constant 768 : index
        %get3A_1330 = tpu.vector_load %arg7[%get3A_1329] {strides = array<i32>} : memref<1024xi32, #tpu.memory_space<vmem>>, vector<16xi32>,
        %get3A_1331 = vector.shape_cast %get3A_1330 : vector<16xi32> to vector<16xi32>
        %add3A_1332 = vector.broadcast %add3A : i32 to vector<16xi32>
        %add3A_1333 = arith.addi %get3A_1331, %add3A_1332 : vector<16xi32>
        %swap3A_1334 = arith.constant 768 : index
        %swap3A_1335 = tpu.vector_load %arg7[%swap3A_1334] {strides = array<i32>} : memref<1024xi32, #tpu.memory_space<vmem>>, vector<16xi32>,
        %swap3A_1336 = vector.shape_cast %swap3A_1335 : vector<16xi32> to vector<16xi32>
        %swap3A_1337 = vector.shape_cast %add3A_1333 : vector<16xi32> to vector<16xi32>
        tpu.vector_store %arg7[%swap3A_1334], %swap3A_1337 {strides = array<i32>} : memref<1024xi32, #tpu.memory_space<vmem>>, vector<16xi32>,
        %get3A_1338 = arith.constant 784 : index
        %get3A_1339 = tpu.vector_load %arg7[%get3A_1338] {strides = array<i32>} : memref<1024xi32, #tpu.memory_space<vmem>>, vector<16xi32>,
        %get3A_1340 = vector.shape_cast %get3A_1339 : vector<16xi32> to vector<16xi32>
        %add3A_1341 = vector.broadcast %add3A : i32 to vector<16xi32>
        %add3A_1342 = arith.addi %get3A_1340, %add3A_1341 : vector<16xi32>
        %swap3A_1343 = arith.constant 784 : index
        %swap3A_1344 = tpu.vector_load %arg7[%swap3A_1343] {strides = array<i32>} : memref<1024xi32, #tpu.memory_space<vmem>>, vector<16xi32>,
        %swap3A_1345 = vector.shape_cast %swap3A_1344 : vector<16xi32> to vector<16xi32>
        %swap3A_1346 = vector.shape_cast %add3A_1342 : vector<16xi32> to vector<16xi32>
        tpu.vector_store %arg7[%swap3A_1343], %swap3A_1346 {strides = array<i32>} : memref<1024xi32, #tpu.memory_space<vmem>>, vector<16xi32>,
        %get3A_1347 = arith.constant 800 : index
        %get3A_1348 = tpu.vector_load %arg7[%get3A_1347] {strides = array<i32>} : memref<1024xi32, #tpu.memory_space<vmem>>, vector<16xi32>,
        %get3A_1349 = vector.shape_cast %get3A_1348 : vector<16xi32> to vector<16xi32>
        %add3A_1350 = vector.broadcast %add3A : i32 to vector<16xi32>
        %add3A_1351 = arith.addi %get3A_1349, %add3A_1350 : vector<16xi32>
        %swap3A_1352 = arith.constant 800 : index
        %swap3A_1353 = tpu.vector_load %arg7[%swap3A_1352] {strides = array<i32>} : memref<1024xi32, #tpu.memory_space<vmem>>, vector<16xi32>,
        %swap3A_1354 = vector.shape_cast %swap3A_1353 : vector<16xi32> to vector<16xi32>
        %swap3A_1355 = vector.shape_cast %add3A_1351 : vector<16xi32> to vector<16xi32>
        tpu.vector_store %arg7[%swap3A_1352], %swap3A_1355 {strides = array<i32>} : memref<1024xi32, #tpu.memory_space<vmem>>, vector<16xi32>,
        %get3A_1356 = arith.constant 816 : index
        %get3A_1357 = tpu.vector_load %arg7[%get3A_1356] {strides = array<i32>} : memref<1024xi32, #tpu.memory_space<vmem>>, vector<16xi32>,
        %get3A_1358 = vector.shape_cast %get3A_1357 : vector<16xi32> to vector<16xi32>
        %add3A_1359 = vector.broadcast %add3A : i32 to vector<16xi32>
        %add3A_1360 = arith.addi %get3A_1358, %add3A_1359 : vector<16xi32>
        %swap3A_1361 = arith.constant 816 : index
        %swap3A_1362 = tpu.vector_load %arg7[%swap3A_1361] {strides = array<i32>} : memref<1024xi32, #tpu.memory_space<vmem>>, vector<16xi32>,
        %swap3A_1363 = vector.shape_cast %swap3A_1362 : vector<16xi32> to vector<16xi32>
        %swap3A_1364 = vector.shape_cast %add3A_1360 : vector<16xi32> to vector<16xi32>
        tpu.vector_store %arg7[%swap3A_1361], %swap3A_1364 {strides = array<i32>} : memref<1024xi32, #tpu.memory_space<vmem>>, vector<16xi32>,
        %get3A_1365 = arith.constant 832 : index
        %get3A_1366 = tpu.vector_load %arg7[%get3A_1365] {strides = array<i32>} : memref<1024xi32, #tpu.memory_space<vmem>>, vector<16xi32>,
        %get3A_1367 = vector.shape_cast %get3A_1366 : vector<16xi32> to vector<16xi32>
        %add3A_1368 = vector.broadcast %add3A : i32 to vector<16xi32>
        %add3A_1369 = arith.addi %get3A_1367, %add3A_1368 : vector<16xi32>
        %swap3A_1370 = arith.constant 832 : index
        %swap3A_1371 = tpu.vector_load %arg7[%swap3A_1370] {strides = array<i32>} : memref<1024xi32, #tpu.memory_space<vmem>>, vector<16xi32>,
        %swap3A_1372 = vector.shape_cast %swap3A_1371 : vector<16xi32> to vector<16xi32>
        %swap3A_1373 = vector.shape_cast %add3A_1369 : vector<16xi32> to vector<16xi32>
        tpu.vector_store %arg7[%swap3A_1370], %swap3A_1373 {strides = array<i32>} : memref<1024xi32, #tpu.memory_space<vmem>>, vector<16xi32>,
        %get3A_1374 = arith.constant 848 : index
        %get3A_1375 = tpu.vector_load %arg7[%get3A_1374] {strides = array<i32>} : memref<1024xi32, #tpu.memory_space<vmem>>, vector<16xi32>,
        %get3A_1376 = vector.shape_cast %get3A_1375 : vector<16xi32> to vector<16xi32>
        %add3A_1377 = vector.broadcast %add3A : i32 to vector<16xi32>
        %add3A_1378 = arith.addi %get3A_1376, %add3A_1377 : vector<16xi32>
        %swap3A_1379 = arith.constant 848 : index
        %swap3A_1380 = tpu.vector_load %arg7[%swap3A_1379] {strides = array<i32>} : memref<1024xi32, #tpu.memory_space<vmem>>, vector<16xi32>,
        %swap3A_1381 = vector.shape_cast %swap3A_1380 : vector<16xi32> to vector<16xi32>
        %swap3A_1382 = vector.shape_cast %add3A_1378 : vector<16xi32> to vector<16xi32>
        tpu.vector_store %arg7[%swap3A_1379], %swap3A_1382 {strides = array<i32>} : memref<1024xi32, #tpu.memory_space<vmem>>, vector<16xi32>,
        %get3A_1383 = arith.constant 864 : index
        %get3A_1384 = tpu.vector_load %arg7[%get3A_1383] {strides = array<i32>} : memref<1024xi32, #tpu.memory_space<vmem>>, vector<16xi32>,
        %get3A_1385 = vector.shape_cast %get3A_1384 : vector<16xi32> to vector<16xi32>
        %add3A_1386 = vector.broadcast %add3A : i32 to vector<16xi32>
        %add3A_1387 = arith.addi %get3A_1385, %add3A_1386 : vector<16xi32>
        %swap3A_1388 = arith.constant 864 : index
        %swap3A_1389 = tpu.vector_load %arg7[%swap3A_1388] {strides = array<i32>} : memref<1024xi32, #tpu.memory_space<vmem>>, vector<16xi32>,
        %swap3A_1390 = vector.shape_cast %swap3A_1389 : vector<16xi32> to vector<16xi32>
        %swap3A_1391 = vector.shape_cast %add3A_1387 : vector<16xi32> to vector<16xi32>
        tpu.vector_store %arg7[%swap3A_1388], %swap3A_1391 {strides = array<i32>} : memref<1024xi32, #tpu.memory_space<vmem>>, vector<16xi32>,
        %get3A_1392 = arith.constant 880 : index
        %get3A_1393 = tpu.vector_load %arg7[%get3A_1392] {strides = array<i32>} : memref<1024xi32, #tpu.memory_space<vmem>>, vector<16xi32>,
        %get3A_1394 = vector.shape_cast %get3A_1393 : vector<16xi32> to vector<16xi32>
        %add3A_1395 = vector.broadcast %add3A : i32 to vector<16xi32>
        %add3A_1396 = arith.addi %get3A_1394, %add3A_1395 : vector<16xi32>
        %swap3A_1397 = arith.constant 880 : index
        %swap3A_1398 = tpu.vector_load %arg7[%swap3A_1397] {strides = array<i32>} : memref<1024xi32, #tpu.memory_space<vmem>>, vector<16xi32>,
        %swap3A_1399 = vector.shape_cast %swap3A_1398 : vector<16xi32> to vector<16xi32>
        %swap3A_1400 = vector.shape_cast %add3A_1396 : vector<16xi32> to vector<16xi32>
        tpu.vector_store %arg7[%swap3A_1397], %swap3A_1400 {strides = array<i32>} : memref<1024xi32, #tpu.memory_space<vmem>>, vector<16xi32>,
        %get3A_1401 = arith.constant 896 : index
        %get3A_1402 = tpu.vector_load %arg7[%get3A_1401] {strides = array<i32>} : memref<1024xi32, #tpu.memory_space<vmem>>, vector<16xi32>,
        %get3A_1403 = vector.shape_cast %get3A_1402 : vector<16xi32> to vector<16xi32>
        %add3A_1404 = vector.broadcast %add3A : i32 to vector<16xi32>
        %add3A_1405 = arith.addi %get3A_1403, %add3A_1404 : vector<16xi32>
        %swap3A_1406 = arith.constant 896 : index
        %swap3A_1407 = tpu.vector_load %arg7[%swap3A_1406] {strides = array<i32>} : memref<1024xi32, #tpu.memory_space<vmem>>, vector<16xi32>,
        %swap3A_1408 = vector.shape_cast %swap3A_1407 : vector<16xi32> to vector<16xi32>
        %swap3A_1409 = vector.shape_cast %add3A_1405 : vector<16xi32> to vector<16xi32>
        tpu.vector_store %arg7[%swap3A_1406], %swap3A_1409 {strides = array<i32>} : memref<1024xi32, #tpu.memory_space<vmem>>, vector<16xi32>,
        %get3A_1410 = arith.constant 912 : index
        %get3A_1411 = tpu.vector_load %arg7[%get3A_1410] {strides = array<i32>} : memref<1024xi32, #tpu.memory_space<vmem>>, vector<16xi32>,
        %get3A_1412 = vector.shape_cast %get3A_1411 : vector<16xi32> to vector<16xi32>
        %add3A_1413 = vector.broadcast %add3A : i32 to vector<16xi32>
        %add3A_1414 = arith.addi %get3A_1412, %add3A_1413 : vector<16xi32>
        %swap3A_1415 = arith.constant 912 : index
        %swap3A_1416 = tpu.vector_load %arg7[%swap3A_1415] {strides = array<i32>} : memref<1024xi32, #tpu.memory_space<vmem>>, vector<16xi32>,
        %swap3A_1417 = vector.shape_cast %swap3A_1416 : vector<16xi32> to vector<16xi32>
        %swap3A_1418 = vector.shape_cast %add3A_1414 : vector<16xi32> to vector<16xi32>
        tpu.vector_store %arg7[%swap3A_1415], %swap3A_1418 {strides = array<i32>} : memref<1024xi32, #tpu.memory_space<vmem>>, vector<16xi32>,
        %get3A_1419 = arith.constant 928 : index
        %get3A_1420 = tpu.vector_load %arg7[%get3A_1419] {strides = array<i32>} : memref<1024xi32, #tpu.memory_space<vmem>>, vector<16xi32>,
        %get3A_1421 = vector.shape_cast %get3A_1420 : vector<16xi32> to vector<16xi32>
        %add3A_1422 = vector.broadcast %add3A : i32 to vector<16xi32>
        %add3A_1423 = arith.addi %get3A_1421, %add3A_1422 : vector<16xi32>
        %swap3A_1424 = arith.constant 928 : index
        %swap3A_1425 = tpu.vector_load %arg7[%swap3A_1424] {strides = array<i32>} : memref<1024xi32, #tpu.memory_space<vmem>>, vector<16xi32>,
        %swap3A_1426 = vector.shape_cast %swap3A_1425 : vector<16xi32> to vector<16xi32>
        %swap3A_1427 = vector.shape_cast %add3A_1423 : vector<16xi32> to vector<16xi32>
        tpu.vector_store %arg7[%swap3A_1424], %swap3A_1427 {strides = array<i32>} : memref<1024xi32, #tpu.memory_space<vmem>>, vector<16xi32>,
        %get3A_1428 = arith.constant 944 : index
        %get3A_1429 = tpu.vector_load %arg7[%get3A_1428] {strides = array<i32>} : memref<1024xi32, #tpu.memory_space<vmem>>, vector<16xi32>,
        %get3A_1430 = vector.shape_cast %get3A_1429 : vector<16xi32> to vector<16xi32>
        %add3A_1431 = vector.broadcast %add3A : i32 to vector<16xi32>
        %add3A_1432 = arith.addi %get3A_1430, %add3A_1431 : vector<16xi32>
        %swap3A_1433 = arith.constant 944 : index
        %swap3A_1434 = tpu.vector_load %arg7[%swap3A_1433] {strides = array<i32>} : memref<1024xi32, #tpu.memory_space<vmem>>, vector<16xi32>,
        %swap3A_1435 = vector.shape_cast %swap3A_1434 : vector<16xi32> to vector<16xi32>
        %swap3A_1436 = vector.shape_cast %add3A_1432 : vector<16xi32> to vector<16xi32>
        tpu.vector_store %arg7[%swap3A_1433], %swap3A_1436 {strides = array<i32>} : memref<1024xi32, #tpu.memory_space<vmem>>, vector<16xi32>,
        %get3A_1437 = arith.constant 960 : index
        %get3A_1438 = tpu.vector_load %arg7[%get3A_1437] {strides = array<i32>} : memref<1024xi32, #tpu.memory_space<vmem>>, vector<16xi32>,
        %get3A_1439 = vector.shape_cast %get3A_1438 : vector<16xi32> to vector<16xi32>
        %add3A_1440 = vector.broadcast %add3A : i32 to vector<16xi32>
        %add3A_1441 = arith.addi %get3A_1439, %add3A_1440 : vector<16xi32>
        %swap3A_1442 = arith.constant 960 : index
        %swap3A_1443 = tpu.vector_load %arg7[%swap3A_1442] {strides = array<i32>} : memref<1024xi32, #tpu.memory_space<vmem>>, vector<16xi32>,
        %swap3A_1444 = vector.shape_cast %swap3A_1443 : vector<16xi32> to vector<16xi32>
        %swap3A_1445 = vector.shape_cast %add3A_1441 : vector<16xi32> to vector<16xi32>
        tpu.vector_store %arg7[%swap3A_1442], %swap3A_1445 {strides = array<i32>} : memref<1024xi32, #tpu.memory_space<vmem>>, vector<16xi32>,
        %get3A_1446 = arith.constant 976 : index
        %get3A_1447 = tpu.vector_load %arg7[%get3A_1446] {strides = array<i32>} : memref<1024xi32, #tpu.memory_space<vmem>>, vector<16xi32>,
        %get3A_1448 = vector.shape_cast %get3A_1447 : vector<16xi32> to vector<16xi32>
        %add3A_1449 = vector.broadcast %add3A : i32 to vector<16xi32>
        %add3A_1450 = arith.addi %get3A_1448, %add3A_1449 : vector<16xi32>
        %swap3A_1451 = arith.constant 976 : index
        %swap3A_1452 = tpu.vector_load %arg7[%swap3A_1451] {strides = array<i32>} : memref<1024xi32, #tpu.memory_space<vmem>>, vector<16xi32>,
        %swap3A_1453 = vector.shape_cast %swap3A_1452 : vector<16xi32> to vector<16xi32>
        %swap3A_1454 = vector.shape_cast %add3A_1450 : vector<16xi32> to vector<16xi32>
        tpu.vector_store %arg7[%swap3A_1451], %swap3A_1454 {strides = array<i32>} : memref<1024xi32, #tpu.memory_space<vmem>>, vector<16xi32>,
        %get3A_1455 = arith.constant 992 : index
        %get3A_1456 = tpu.vector_load %arg7[%get3A_1455] {strides = array<i32>} : memref<1024xi32, #tpu.memory_space<vmem>>, vector<16xi32>,
        %get3A_1457 = vector.shape_cast %get3A_1456 : vector<16xi32> to vector<16xi32>
        %add3A_1458 = vector.broadcast %add3A : i32 to vector<16xi32>
        %add3A_1459 = arith.addi %get3A_1457, %add3A_1458 : vector<16xi32>
        %swap3A_1460 = arith.constant 992 : index
        %swap3A_1461 = tpu.vector_load %arg7[%swap3A_1460] {strides = array<i32>} : memref<1024xi32, #tpu.memory_space<vmem>>, vector<16xi32>,
        %swap3A_1462 = vector.shape_cast %swap3A_1461 : vector<16xi32> to vector<16xi32>
        %swap3A_1463 = vector.shape_cast %add3A_1459 : vector<16xi32> to vector<16xi32>
        tpu.vector_store %arg7[%swap3A_1460], %swap3A_1463 {strides = array<i32>} : memref<1024xi32, #tpu.memory_space<vmem>>, vector<16xi32>,
        %get3A_1464 = arith.constant 1008 : index
        %get3A_1465 = tpu.vector_load %arg7[%get3A_1464] {strides = array<i32>} : memref<1024xi32, #tpu.memory_space<vmem>>, vector<16xi32>,
        %get3A_1466 = vector.shape_cast %get3A_1465 : vector<16xi32> to vector<16xi32>
        %add3A_1467 = vector.broadcast %add3A : i32 to vector<16xi32>
        %add3A_1468 = arith.addi %get3A_1466, %add3A_1467 : vector<16xi32>
        %swap3A_1469 = arith.constant 1008 : index
        %swap3A_1470 = tpu.vector_load %arg7[%swap3A_1469] {strides = array<i32>} : memref<1024xi32, #tpu.memory_space<vmem>>, vector<16xi32>,
        %swap3A_1471 = vector.shape_cast %swap3A_1470 : vector<16xi32> to vector<16xi32>
        %swap3A_1472 = vector.shape_cast %add3A_1468 : vector<16xi32> to vector<16xi32>
        tpu.vector_store %arg7[%swap3A_1469], %swap3A_1472 {strides = array<i32>} : memref<1024xi32, #tpu.memory_space<vmem>>, vector<16xi32>,
        %dma_start3A_1473 = arith.constant 0 : i32
        %dma_start3A_1474 = tpu.memref_slice %arg7[%dma_start3A_1473] : memref<1024xi32, #tpu.memory_space<vmem>> -> memref<256xi32, #tpu.memory_space<vmem>>
        %dma_start3A_1475 = arith.constant 0 : i32
        %dma_start3A_1476 = arith.constant 0 : i32
        %dma_start3A_1477 = tpu.memref_slice %arg6[%dma_start3A_1475, %dma_start3A_1476] : memref<400384x32xf32, #tpu.memory_space<hbm>> -> memref<400384x32xf32, #tpu.memory_space<hbm>>
        tpu.enqueue_indirect_dma source(%dma_start3A_1477 : memref<400384x32xf32, #tpu.memory_space<hbm>>) target(%arg13 : memref<256x32xf32, #tpu.memory_space<vmem>>) offsets(%dma_start3A_1474 : memref<256xi32, #tpu.memory_space<vmem>>) semaphore(%arg17 : memref<!tpu.dma_semaphore, #tpu.memory_space<semaphore_mem>>)
        %dma_start3A_1478 = arith.constant 256 : i32
        %dma_start3A_1479 = tpu.memref_slice %arg7[%dma_start3A_1478] : memref<1024xi32, #tpu.memory_space<vmem>> -> memref<256xi32, #tpu.memory_space<vmem>>
        %dma_start3A_1480 = arith.constant 0 : i32
        %dma_start3A_1481 = arith.constant 0 : i32
        %dma_start3A_1482 = tpu.memref_slice %arg6[%dma_start3A_1480, %dma_start3A_1481] : memref<400384x32xf32, #tpu.memory_space<hbm>> -> memref<400384x32xf32, #tpu.memory_space<hbm>>
        tpu.enqueue_indirect_dma source(%dma_start3A_1482 : memref<400384x32xf32, #tpu.memory_space<hbm>>) target(%arg14 : memref<256x32xf32, #tpu.memory_space<vmem>>) offsets(%dma_start3A_1479 : memref<256xi32, #tpu.memory_space<vmem>>) semaphore(%arg18 : memref<!tpu.dma_semaphore, #tpu.memory_space<semaphore_mem>>)
        %dma_wait3A_1483 = arith.constant 0 : i32
        %dma_wait3A_1484 = tpu.memref_slice %arg7[%dma_wait3A_1483] : memref<1024xi32, #tpu.memory_space<vmem>> -> memref<256xi32, #tpu.memory_space<vmem>>
        %dma_wait3A_1485 = arith.constant 0 : i32
        %dma_wait3A_1486 = arith.constant 0 : i32
        %dma_wait3A_1487 = tpu.memref_slice %arg6[%dma_wait3A_1485, %dma_wait3A_1486] : memref<400384x32xf32, #tpu.memory_space<hbm>> -> memref<400384x32xf32, #tpu.memory_space<hbm>>
        tpu.wait_indirect_dma semaphore(%arg17 : memref<!tpu.dma_semaphore, #tpu.memory_space<semaphore_mem>>) src(%dma_wait3A_1487 : memref<400384x32xf32, #tpu.memory_space<hbm>>) dst(%arg13 : memref<256x32xf32, #tpu.memory_space<vmem>>)
        %scan3A_1488 = arith.constant 0 : i32
        %scan3A_1489 = arith.constant 16 : i32
        %scan3A_1490 = arith.addi %scan3A_1488, %scan3A_1489 : i32
        %scan3A_1491 = arith.constant 1 : i32
        scf.for %scan3A_1573 = %scan3A_1488 to %scan3A_1490 step %scan3A_1491  : i32 {
          %mul3A_1574 = arith.constant 16 : i32
          %mul3A_1575 = arith.muli %scan3A_1573, %mul3A_1574 : i32
          %add3A_1576 = arith.constant 0 : i32
          %add3A_1577 = arith.addi %add3A_1576, %mul3A_1575 : i32
          %get3A_1578 = arith.index_cast %add3A_1577 : i32 to index
          %get3A_1579 = tpu.vector_load %arg9[%get3A_1578] {strides = array<i32>} : memref<1040xf32, #tpu.memory_space<vmem>>, vector<16xf32>,
          %get3A_1580 = vector.shape_cast %get3A_1579 : vector<16xf32> to vector<16xf32>
          %mul3A_1581 = arith.constant 16 : i32
          %mul3A_1582 = arith.muli %scan3A_1573, %mul3A_1581 : i32
          %add3A_1583 = arith.constant 0 : i32
          %add3A_1584 = arith.addi %mul3A_1582, %add3A_1583 : i32
          %slice3A = vector.extract_strided_slice %get3A_1580 {offsets = [0], sizes = [1], strides = [1]} : vector<16xf32> to vector<1xf32>
          %squeeze3A = vector.extract %slice3A[0] : f32 from vector<1xf32>
          %get3A_1585 = arith.index_cast %add3A_1584 : i32 to index
          %get3A_1586 = arith.constant 0 : index
          %get3A_1587 = tpu.vector_load %arg13[%get3A_1585, %get3A_1586] {strides = array<i32>} : memref<256x32xf32, #tpu.memory_space<vmem>>, vector<1x16xf32>,
          %get3A_1588 = vector.shape_cast %get3A_1587 : vector<1x16xf32> to vector<16xf32>
          %mul3A_1589 = vector.broadcast %squeeze3A : f32 to vector<16xf32>
          %mul3A_1590 = arith.mulf %get3A_1588, %mul3A_1589 : vector<16xf32>
          %swap3A_1591 = arith.index_cast %add3A_1584 : i32 to index
          %swap3A_1592 = arith.constant 0 : index
          %swap3A_1593 = tpu.vector_load %arg15[%swap3A_1591, %swap3A_1592] {strides = array<i32>} : memref<256x32xf32, #tpu.memory_space<vmem>>, vector<1x16xf32>,
          %swap3A_1594 = vector.shape_cast %swap3A_1593 : vector<1x16xf32> to vector<16xf32>
          %swap3A_1595 = vector.shape_cast %mul3A_1590 : vector<16xf32> to vector<1x16xf32>
          tpu.vector_store %arg15[%swap3A_1591, %swap3A_1592], %swap3A_1595 {strides = array<i32>} : memref<256x32xf32, #tpu.memory_space<vmem>>, vector<1x16xf32>,
          %get3A_1596 = arith.index_cast %add3A_1584 : i32 to index
          %get3A_1597 = arith.constant 16 : index
          %get3A_1598 = tpu.vector_load %arg13[%get3A_1596, %get3A_1597] {strides = array<i32>} : memref<256x32xf32, #tpu.memory_space<vmem>>, vector<1x16xf32>,
          %get3A_1599 = vector.shape_cast %get3A_1598 : vector<1x16xf32> to vector<16xf32>
          %mul3A_1600 = vector.broadcast %squeeze3A : f32 to vector<16xf32>
          %mul3A_1601 = arith.mulf %get3A_1599, %mul3A_1600 : vector<16xf32>
          %swap3A_1602 = arith.index_cast %add3A_1584 : i32 to index
          %swap3A_1603 = arith.constant 16 : index
          %swap3A_1604 = tpu.vector_load %arg15[%swap3A_1602, %swap3A_1603] {strides = array<i32>} : memref<256x32xf32, #tpu.memory_space<vmem>>, vector<1x16xf32>,
          %swap3A_1605 = vector.shape_cast %swap3A_1604 : vector<1x16xf32> to vector<16xf32>
          %swap3A_1606 = vector.shape_cast %mul3A_1601 : vector<16xf32> to vector<1x16xf32>
          tpu.vector_store %arg15[%swap3A_1602, %swap3A_1603], %swap3A_1606 {strides = array<i32>} : memref<256x32xf32, #tpu.memory_space<vmem>>, vector<1x16xf32>,
          %mul3A_1607 = arith.constant 16 : i32
          %mul3A_1608 = arith.muli %scan3A_1573, %mul3A_1607 : i32
          %add3A_1609 = arith.constant 1 : i32
          %add3A_1610 = arith.addi %mul3A_1608, %add3A_1609 : i32
          %slice3A_1611 = vector.extract_strided_slice %get3A_1580 {offsets = [1], sizes = [1], strides = [1]} : vector<16xf32> to vector<1xf32>
          %squeeze3A_1612 = vector.extract %slice3A_1611[0] : f32 from vector<1xf32>
          %get3A_1613 = arith.index_cast %add3A_1610 : i32 to index
          %get3A_1614 = arith.constant 0 : index
          %get3A_1615 = tpu.vector_load %arg13[%get3A_1613, %get3A_1614] {strides = array<i32>} : memref<256x32xf32, #tpu.memory_space<vmem>>, vector<1x16xf32>,
          %get3A_1616 = vector.shape_cast %get3A_1615 : vector<1x16xf32> to vector<16xf32>
          %mul3A_1617 = vector.broadcast %squeeze3A_1612 : f32 to vector<16xf32>
          %mul3A_1618 = arith.mulf %get3A_1616, %mul3A_1617 : vector<16xf32>
          %swap3A_1619 = arith.index_cast %add3A_1610 : i32 to index
          %swap3A_1620 = arith.constant 0 : index
          %swap3A_1621 = tpu.vector_load %arg15[%swap3A_1619, %swap3A_1620] {strides = array<i32>} : memref<256x32xf32, #tpu.memory_space<vmem>>, vector<1x16xf32>,
          %swap3A_1622 = vector.shape_cast %swap3A_1621 : vector<1x16xf32> to vector<16xf32>
          %swap3A_1623 = vector.shape_cast %mul3A_1618 : vector<16xf32> to vector<1x16xf32>
          tpu.vector_store %arg15[%swap3A_1619, %swap3A_1620], %swap3A_1623 {strides = array<i32>} : memref<256x32xf32, #tpu.memory_space<vmem>>, vector<1x16xf32>,
          %get3A_1624 = arith.index_cast %add3A_1610 : i32 to index
          %get3A_1625 = arith.constant 16 : index
          %get3A_1626 = tpu.vector_load %arg13[%get3A_1624, %get3A_1625] {strides = array<i32>} : memref<256x32xf32, #tpu.memory_space<vmem>>, vector<1x16xf32>,
          %get3A_1627 = vector.shape_cast %get3A_1626 : vector<1x16xf32> to vector<16xf32>
          %mul3A_1628 = vector.broadcast %squeeze3A_1612 : f32 to vector<16xf32>
          %mul3A_1629 = arith.mulf %get3A_1627, %mul3A_1628 : vector<16xf32>
          %swap3A_1630 = arith.index_cast %add3A_1610 : i32 to index
          %swap3A_1631 = arith.constant 16 : index
          %swap3A_1632 = tpu.vector_load %arg15[%swap3A_1630, %swap3A_1631] {strides = array<i32>} : memref<256x32xf32, #tpu.memory_space<vmem>>, vector<1x16xf32>,
          %swap3A_1633 = vector.shape_cast %swap3A_1632 : vector<1x16xf32> to vector<16xf32>
          %swap3A_1634 = vector.shape_cast %mul3A_1629 : vector<16xf32> to vector<1x16xf32>
          tpu.vector_store %arg15[%swap3A_1630, %swap3A_1631], %swap3A_1634 {strides = array<i32>} : memref<256x32xf32, #tpu.memory_space<vmem>>, vector<1x16xf32>,
          %mul3A_1635 = arith.constant 16 : i32
          %mul3A_1636 = arith.muli %scan3A_1573, %mul3A_1635 : i32
          %add3A_1637 = arith.constant 2 : i32
          %add3A_1638 = arith.addi %mul3A_1636, %add3A_1637 : i32
          %slice3A_1639 = vector.extract_strided_slice %get3A_1580 {offsets = [2], sizes = [1], strides = [1]} : vector<16xf32> to vector<1xf32>
          %squeeze3A_1640 = vector.extract %slice3A_1639[0] : f32 from vector<1xf32>
          %get3A_1641 = arith.index_cast %add3A_1638 : i32 to index
          %get3A_1642 = arith.constant 0 : index
          %get3A_1643 = tpu.vector_load %arg13[%get3A_1641, %get3A_1642] {strides = array<i32>} : memref<256x32xf32, #tpu.memory_space<vmem>>, vector<1x16xf32>,
          %get3A_1644 = vector.shape_cast %get3A_1643 : vector<1x16xf32> to vector<16xf32>
          %mul3A_1645 = vector.broadcast %squeeze3A_1640 : f32 to vector<16xf32>
          %mul3A_1646 = arith.mulf %get3A_1644, %mul3A_1645 : vector<16xf32>
          %swap3A_1647 = arith.index_cast %add3A_1638 : i32 to index
          %swap3A_1648 = arith.constant 0 : index
          %swap3A_1649 = tpu.vector_load %arg15[%swap3A_1647, %swap3A_1648] {strides = array<i32>} : memref<256x32xf32, #tpu.memory_space<vmem>>, vector<1x16xf32>,
          %swap3A_1650 = vector.shape_cast %swap3A_1649 : vector<1x16xf32> to vector<16xf32>
          %swap3A_1651 = vector.shape_cast %mul3A_1646 : vector<16xf32> to vector<1x16xf32>
          tpu.vector_store %arg15[%swap3A_1647, %swap3A_1648], %swap3A_1651 {strides = array<i32>} : memref<256x32xf32, #tpu.memory_space<vmem>>, vector<1x16xf32>,
          %get3A_1652 = arith.index_cast %add3A_1638 : i32 to index
          %get3A_1653 = arith.constant 16 : index
          %get3A_1654 = tpu.vector_load %arg13[%get3A_1652, %get3A_1653] {strides = array<i32>} : memref<256x32xf32, #tpu.memory_space<vmem>>, vector<1x16xf32>,
          %get3A_1655 = vector.shape_cast %get3A_1654 : vector<1x16xf32> to vector<16xf32>
          %mul3A_1656 = vector.broadcast %squeeze3A_1640 : f32 to vector<16xf32>
          %mul3A_1657 = arith.mulf %get3A_1655, %mul3A_1656 : vector<16xf32>
          %swap3A_1658 = arith.index_cast %add3A_1638 : i32 to index
          %swap3A_1659 = arith.constant 16 : index
          %swap3A_1660 = tpu.vector_load %arg15[%swap3A_1658, %swap3A_1659] {strides = array<i32>} : memref<256x32xf32, #tpu.memory_space<vmem>>, vector<1x16xf32>,
          %swap3A_1661 = vector.shape_cast %swap3A_1660 : vector<1x16xf32> to vector<16xf32>
          %swap3A_1662 = vector.shape_cast %mul3A_1657 : vector<16xf32> to vector<1x16xf32>
          tpu.vector_store %arg15[%swap3A_1658, %swap3A_1659], %swap3A_1662 {strides = array<i32>} : memref<256x32xf32, #tpu.memory_space<vmem>>, vector<1x16xf32>,
          %mul3A_1663 = arith.constant 16 : i32
          %mul3A_1664 = arith.muli %scan3A_1573, %mul3A_1663 : i32
          %add3A_1665 = arith.constant 3 : i32
          %add3A_1666 = arith.addi %mul3A_1664, %add3A_1665 : i32
          %slice3A_1667 = vector.extract_strided_slice %get3A_1580 {offsets = [3], sizes = [1], strides = [1]} : vector<16xf32> to vector<1xf32>
          %squeeze3A_1668 = vector.extract %slice3A_1667[0] : f32 from vector<1xf32>
          %get3A_1669 = arith.index_cast %add3A_1666 : i32 to index
          %get3A_1670 = arith.constant 0 : index
          %get3A_1671 = tpu.vector_load %arg13[%get3A_1669, %get3A_1670] {strides = array<i32>} : memref<256x32xf32, #tpu.memory_space<vmem>>, vector<1x16xf32>,
          %get3A_1672 = vector.shape_cast %get3A_1671 : vector<1x16xf32> to vector<16xf32>
          %mul3A_1673 = vector.broadcast %squeeze3A_1668 : f32 to vector<16xf32>
          %mul3A_1674 = arith.mulf %get3A_1672, %mul3A_1673 : vector<16xf32>
          %swap3A_1675 = arith.index_cast %add3A_1666 : i32 to index
          %swap3A_1676 = arith.constant 0 : index
          %swap3A_1677 = tpu.vector_load %arg15[%swap3A_1675, %swap3A_1676] {strides = array<i32>} : memref<256x32xf32, #tpu.memory_space<vmem>>, vector<1x16xf32>,
          %swap3A_1678 = vector.shape_cast %swap3A_1677 : vector<1x16xf32> to vector<16xf32>
          %swap3A_1679 = vector.shape_cast %mul3A_1674 : vector<16xf32> to vector<1x16xf32>
          tpu.vector_store %arg15[%swap3A_1675, %swap3A_1676], %swap3A_1679 {strides = array<i32>} : memref<256x32xf32, #tpu.memory_space<vmem>>, vector<1x16xf32>,
          %get3A_1680 = arith.index_cast %add3A_1666 : i32 to index
          %get3A_1681 = arith.constant 16 : index
          %get3A_1682 = tpu.vector_load %arg13[%get3A_1680, %get3A_1681] {strides = array<i32>} : memref<256x32xf32, #tpu.memory_space<vmem>>, vector<1x16xf32>,
          %get3A_1683 = vector.shape_cast %get3A_1682 : vector<1x16xf32> to vector<16xf32>
          %mul3A_1684 = vector.broadcast %squeeze3A_1668 : f32 to vector<16xf32>
          %mul3A_1685 = arith.mulf %get3A_1683, %mul3A_1684 : vector<16xf32>
          %swap3A_1686 = arith.index_cast %add3A_1666 : i32 to index
          %swap3A_1687 = arith.constant 16 : index
          %swap3A_1688 = tpu.vector_load %arg15[%swap3A_1686, %swap3A_1687] {strides = array<i32>} : memref<256x32xf32, #tpu.memory_space<vmem>>, vector<1x16xf32>,
          %swap3A_1689 = vector.shape_cast %swap3A_1688 : vector<1x16xf32> to vector<16xf32>
          %swap3A_1690 = vector.shape_cast %mul3A_1685 : vector<16xf32> to vector<1x16xf32>
          tpu.vector_store %arg15[%swap3A_1686, %swap3A_1687], %swap3A_1690 {strides = array<i32>} : memref<256x32xf32, #tpu.memory_space<vmem>>, vector<1x16xf32>,
          %mul3A_1691 = arith.constant 16 : i32
          %mul3A_1692 = arith.muli %scan3A_1573, %mul3A_1691 : i32
          %add3A_1693 = arith.constant 4 : i32
          %add3A_1694 = arith.addi %mul3A_1692, %add3A_1693 : i32
          %slice3A_1695 = vector.extract_strided_slice %get3A_1580 {offsets = [4], sizes = [1], strides = [1]} : vector<16xf32> to vector<1xf32>
          %squeeze3A_1696 = vector.extract %slice3A_1695[0] : f32 from vector<1xf32>
          %get3A_1697 = arith.index_cast %add3A_1694 : i32 to index
          %get3A_1698 = arith.constant 0 : index
          %get3A_1699 = tpu.vector_load %arg13[%get3A_1697, %get3A_1698] {strides = array<i32>} : memref<256x32xf32, #tpu.memory_space<vmem>>, vector<1x16xf32>,
          %get3A_1700 = vector.shape_cast %get3A_1699 : vector<1x16xf32> to vector<16xf32>
          %mul3A_1701 = vector.broadcast %squeeze3A_1696 : f32 to vector<16xf32>
          %mul3A_1702 = arith.mulf %get3A_1700, %mul3A_1701 : vector<16xf32>
          %swap3A_1703 = arith.index_cast %add3A_1694 : i32 to index
          %swap3A_1704 = arith.constant 0 : index
          %swap3A_1705 = tpu.vector_load %arg15[%swap3A_1703, %swap3A_1704] {strides = array<i32>} : memref<256x32xf32, #tpu.memory_space<vmem>>, vector<1x16xf32>,
          %swap3A_1706 = vector.shape_cast %swap3A_1705 : vector<1x16xf32> to vector<16xf32>
          %swap3A_1707 = vector.shape_cast %mul3A_1702 : vector<16xf32> to vector<1x16xf32>
          tpu.vector_store %arg15[%swap3A_1703, %swap3A_1704], %swap3A_1707 {strides = array<i32>} : memref<256x32xf32, #tpu.memory_space<vmem>>, vector<1x16xf32>,
          %get3A_1708 = arith.index_cast %add3A_1694 : i32 to index
          %get3A_1709 = arith.constant 16 : index
          %get3A_1710 = tpu.vector_load %arg13[%get3A_1708, %get3A_1709] {strides = array<i32>} : memref<256x32xf32, #tpu.memory_space<vmem>>, vector<1x16xf32>,
          %get3A_1711 = vector.shape_cast %get3A_1710 : vector<1x16xf32> to vector<16xf32>
          %mul3A_1712 = vector.broadcast %squeeze3A_1696 : f32 to vector<16xf32>
          %mul3A_1713 = arith.mulf %get3A_1711, %mul3A_1712 : vector<16xf32>
          %swap3A_1714 = arith.index_cast %add3A_1694 : i32 to index
          %swap3A_1715 = arith.constant 16 : index
          %swap3A_1716 = tpu.vector_load %arg15[%swap3A_1714, %swap3A_1715] {strides = array<i32>} : memref<256x32xf32, #tpu.memory_space<vmem>>, vector<1x16xf32>,
          %swap3A_1717 = vector.shape_cast %swap3A_1716 : vector<1x16xf32> to vector<16xf32>
          %swap3A_1718 = vector.shape_cast %mul3A_1713 : vector<16xf32> to vector<1x16xf32>
          tpu.vector_store %arg15[%swap3A_1714, %swap3A_1715], %swap3A_1718 {strides = array<i32>} : memref<256x32xf32, #tpu.memory_space<vmem>>, vector<1x16xf32>,
          %mul3A_1719 = arith.constant 16 : i32
          %mul3A_1720 = arith.muli %scan3A_1573, %mul3A_1719 : i32
          %add3A_1721 = arith.constant 5 : i32
          %add3A_1722 = arith.addi %mul3A_1720, %add3A_1721 : i32
          %slice3A_1723 = vector.extract_strided_slice %get3A_1580 {offsets = [5], sizes = [1], strides = [1]} : vector<16xf32> to vector<1xf32>
          %squeeze3A_1724 = vector.extract %slice3A_1723[0] : f32 from vector<1xf32>
          %get3A_1725 = arith.index_cast %add3A_1722 : i32 to index
          %get3A_1726 = arith.constant 0 : index
          %get3A_1727 = tpu.vector_load %arg13[%get3A_1725, %get3A_1726] {strides = array<i32>} : memref<256x32xf32, #tpu.memory_space<vmem>>, vector<1x16xf32>,
          %get3A_1728 = vector.shape_cast %get3A_1727 : vector<1x16xf32> to vector<16xf32>
          %mul3A_1729 = vector.broadcast %squeeze3A_1724 : f32 to vector<16xf32>
          %mul3A_1730 = arith.mulf %get3A_1728, %mul3A_1729 : vector<16xf32>
          %swap3A_1731 = arith.index_cast %add3A_1722 : i32 to index
          %swap3A_1732 = arith.constant 0 : index
          %swap3A_1733 = tpu.vector_load %arg15[%swap3A_1731, %swap3A_1732] {strides = array<i32>} : memref<256x32xf32, #tpu.memory_space<vmem>>, vector<1x16xf32>,
          %swap3A_1734 = vector.shape_cast %swap3A_1733 : vector<1x16xf32> to vector<16xf32>
          %swap3A_1735 = vector.shape_cast %mul3A_1730 : vector<16xf32> to vector<1x16xf32>
          tpu.vector_store %arg15[%swap3A_1731, %swap3A_1732], %swap3A_1735 {strides = array<i32>} : memref<256x32xf32, #tpu.memory_space<vmem>>, vector<1x16xf32>,
          %get3A_1736 = arith.index_cast %add3A_1722 : i32 to index
          %get3A_1737 = arith.constant 16 : index
          %get3A_1738 = tpu.vector_load %arg13[%get3A_1736, %get3A_1737] {strides = array<i32>} : memref<256x32xf32, #tpu.memory_space<vmem>>, vector<1x16xf32>,
          %get3A_1739 = vector.shape_cast %get3A_1738 : vector<1x16xf32> to vector<16xf32>
          %mul3A_1740 = vector.broadcast %squeeze3A_1724 : f32 to vector<16xf32>
          %mul3A_1741 = arith.mulf %get3A_1739, %mul3A_1740 : vector<16xf32>
          %swap3A_1742 = arith.index_cast %add3A_1722 : i32 to index
          %swap3A_1743 = arith.constant 16 : index
          %swap3A_1744 = tpu.vector_load %arg15[%swap3A_1742, %swap3A_1743] {strides = array<i32>} : memref<256x32xf32, #tpu.memory_space<vmem>>, vector<1x16xf32>,
          %swap3A_1745 = vector.shape_cast %swap3A_1744 : vector<1x16xf32> to vector<16xf32>
          %swap3A_1746 = vector.shape_cast %mul3A_1741 : vector<16xf32> to vector<1x16xf32>
          tpu.vector_store %arg15[%swap3A_1742, %swap3A_1743], %swap3A_1746 {strides = array<i32>} : memref<256x32xf32, #tpu.memory_space<vmem>>, vector<1x16xf32>,
          %mul3A_1747 = arith.constant 16 : i32
          %mul3A_1748 = arith.muli %scan3A_1573, %mul3A_1747 : i32
          %add3A_1749 = arith.constant 6 : i32
          %add3A_1750 = arith.addi %mul3A_1748, %add3A_1749 : i32
          %slice3A_1751 = vector.extract_strided_slice %get3A_1580 {offsets = [6], sizes = [1], strides = [1]} : vector<16xf32> to vector<1xf32>
          %squeeze3A_1752 = vector.extract %slice3A_1751[0] : f32 from vector<1xf32>
          %get3A_1753 = arith.index_cast %add3A_1750 : i32 to index
          %get3A_1754 = arith.constant 0 : index
          %get3A_1755 = tpu.vector_load %arg13[%get3A_1753, %get3A_1754] {strides = array<i32>} : memref<256x32xf32, #tpu.memory_space<vmem>>, vector<1x16xf32>,
          %get3A_1756 = vector.shape_cast %get3A_1755 : vector<1x16xf32> to vector<16xf32>
          %mul3A_1757 = vector.broadcast %squeeze3A_1752 : f32 to vector<16xf32>
          %mul3A_1758 = arith.mulf %get3A_1756, %mul3A_1757 : vector<16xf32>
          %swap3A_1759 = arith.index_cast %add3A_1750 : i32 to index
          %swap3A_1760 = arith.constant 0 : index
          %swap3A_1761 = tpu.vector_load %arg15[%swap3A_1759, %swap3A_1760] {strides = array<i32>} : memref<256x32xf32, #tpu.memory_space<vmem>>, vector<1x16xf32>,
          %swap3A_1762 = vector.shape_cast %swap3A_1761 : vector<1x16xf32> to vector<16xf32>
          %swap3A_1763 = vector.shape_cast %mul3A_1758 : vector<16xf32> to vector<1x16xf32>
          tpu.vector_store %arg15[%swap3A_1759, %swap3A_1760], %swap3A_1763 {strides = array<i32>} : memref<256x32xf32, #tpu.memory_space<vmem>>, vector<1x16xf32>,
          %get3A_1764 = arith.index_cast %add3A_1750 : i32 to index
          %get3A_1765 = arith.constant 16 : index
          %get3A_1766 = tpu.vector_load %arg13[%get3A_1764, %get3A_1765] {strides = array<i32>} : memref<256x32xf32, #tpu.memory_space<vmem>>, vector<1x16xf32>,
          %get3A_1767 = vector.shape_cast %get3A_1766 : vector<1x16xf32> to vector<16xf32>
          %mul3A_1768 = vector.broadcast %squeeze3A_1752 : f32 to vector<16xf32>
          %mul3A_1769 = arith.mulf %get3A_1767, %mul3A_1768 : vector<16xf32>
          %swap3A_1770 = arith.index_cast %add3A_1750 : i32 to index
          %swap3A_1771 = arith.constant 16 : index
          %swap3A_1772 = tpu.vector_load %arg15[%swap3A_1770, %swap3A_1771] {strides = array<i32>} : memref<256x32xf32, #tpu.memory_space<vmem>>, vector<1x16xf32>,
          %swap3A_1773 = vector.shape_cast %swap3A_1772 : vector<1x16xf32> to vector<16xf32>
          %swap3A_1774 = vector.shape_cast %mul3A_1769 : vector<16xf32> to vector<1x16xf32>
          tpu.vector_store %arg15[%swap3A_1770, %swap3A_1771], %swap3A_1774 {strides = array<i32>} : memref<256x32xf32, #tpu.memory_space<vmem>>, vector<1x16xf32>,
          %mul3A_1775 = arith.constant 16 : i32
          %mul3A_1776 = arith.muli %scan3A_1573, %mul3A_1775 : i32
          %add3A_1777 = arith.constant 7 : i32
          %add3A_1778 = arith.addi %mul3A_1776, %add3A_1777 : i32
          %slice3A_1779 = vector.extract_strided_slice %get3A_1580 {offsets = [7], sizes = [1], strides = [1]} : vector<16xf32> to vector<1xf32>
          %squeeze3A_1780 = vector.extract %slice3A_1779[0] : f32 from vector<1xf32>
          %get3A_1781 = arith.index_cast %add3A_1778 : i32 to index
          %get3A_1782 = arith.constant 0 : index
          %get3A_1783 = tpu.vector_load %arg13[%get3A_1781, %get3A_1782] {strides = array<i32>} : memref<256x32xf32, #tpu.memory_space<vmem>>, vector<1x16xf32>,
          %get3A_1784 = vector.shape_cast %get3A_1783 : vector<1x16xf32> to vector<16xf32>
          %mul3A_1785 = vector.broadcast %squeeze3A_1780 : f32 to vector<16xf32>
          %mul3A_1786 = arith.mulf %get3A_1784, %mul3A_1785 : vector<16xf32>
          %swap3A_1787 = arith.index_cast %add3A_1778 : i32 to index
          %swap3A_1788 = arith.constant 0 : index
          %swap3A_1789 = tpu.vector_load %arg15[%swap3A_1787, %swap3A_1788] {strides = array<i32>} : memref<256x32xf32, #tpu.memory_space<vmem>>, vector<1x16xf32>,
          %swap3A_1790 = vector.shape_cast %swap3A_1789 : vector<1x16xf32> to vector<16xf32>
          %swap3A_1791 = vector.shape_cast %mul3A_1786 : vector<16xf32> to vector<1x16xf32>
          tpu.vector_store %arg15[%swap3A_1787, %swap3A_1788], %swap3A_1791 {strides = array<i32>} : memref<256x32xf32, #tpu.memory_space<vmem>>, vector<1x16xf32>,
          %get3A_1792 = arith.index_cast %add3A_1778 : i32 to index
          %get3A_1793 = arith.constant 16 : index
          %get3A_1794 = tpu.vector_load %arg13[%get3A_1792, %get3A_1793] {strides = array<i32>} : memref<256x32xf32, #tpu.memory_space<vmem>>, vector<1x16xf32>,
          %get3A_1795 = vector.shape_cast %get3A_1794 : vector<1x16xf32> to vector<16xf32>
          %mul3A_1796 = vector.broadcast %squeeze3A_1780 : f32 to vector<16xf32>
          %mul3A_1797 = arith.mulf %get3A_1795, %mul3A_1796 : vector<16xf32>
          %swap3A_1798 = arith.index_cast %add3A_1778 : i32 to index
          %swap3A_1799 = arith.constant 16 : index
          %swap3A_1800 = tpu.vector_load %arg15[%swap3A_1798, %swap3A_1799] {strides = array<i32>} : memref<256x32xf32, #tpu.memory_space<vmem>>, vector<1x16xf32>,
          %swap3A_1801 = vector.shape_cast %swap3A_1800 : vector<1x16xf32> to vector<16xf32>
          %swap3A_1802 = vector.shape_cast %mul3A_1797 : vector<16xf32> to vector<1x16xf32>
          tpu.vector_store %arg15[%swap3A_1798, %swap3A_1799], %swap3A_1802 {strides = array<i32>} : memref<256x32xf32, #tpu.memory_space<vmem>>, vector<1x16xf32>,
          %mul3A_1803 = arith.constant 16 : i32
          %mul3A_1804 = arith.muli %scan3A_1573, %mul3A_1803 : i32
          %add3A_1805 = arith.constant 8 : i32
          %add3A_1806 = arith.addi %mul3A_1804, %add3A_1805 : i32
          %slice3A_1807 = vector.extract_strided_slice %get3A_1580 {offsets = [8], sizes = [1], strides = [1]} : vector<16xf32> to vector<1xf32>
          %squeeze3A_1808 = vector.extract %slice3A_1807[0] : f32 from vector<1xf32>
          %get3A_1809 = arith.index_cast %add3A_1806 : i32 to index
          %get3A_1810 = arith.constant 0 : index
          %get3A_1811 = tpu.vector_load %arg13[%get3A_1809, %get3A_1810] {strides = array<i32>} : memref<256x32xf32, #tpu.memory_space<vmem>>, vector<1x16xf32>,
          %get3A_1812 = vector.shape_cast %get3A_1811 : vector<1x16xf32> to vector<16xf32>
          %mul3A_1813 = vector.broadcast %squeeze3A_1808 : f32 to vector<16xf32>
          %mul3A_1814 = arith.mulf %get3A_1812, %mul3A_1813 : vector<16xf32>
          %swap3A_1815 = arith.index_cast %add3A_1806 : i32 to index
          %swap3A_1816 = arith.constant 0 : index
          %swap3A_1817 = tpu.vector_load %arg15[%swap3A_1815, %swap3A_1816] {strides = array<i32>} : memref<256x32xf32, #tpu.memory_space<vmem>>, vector<1x16xf32>,
          %swap3A_1818 = vector.shape_cast %swap3A_1817 : vector<1x16xf32> to vector<16xf32>
          %swap3A_1819 = vector.shape_cast %mul3A_1814 : vector<16xf32> to vector<1x16xf32>
          tpu.vector_store %arg15[%swap3A_1815, %swap3A_1816], %swap3A_1819 {strides = array<i32>} : memref<256x32xf32, #tpu.memory_space<vmem>>, vector<1x16xf32>,
          %get3A_1820 = arith.index_cast %add3A_1806 : i32 to index
          %get3A_1821 = arith.constant 16 : index
          %get3A_1822 = tpu.vector_load %arg13[%get3A_1820, %get3A_1821] {strides = array<i32>} : memref<256x32xf32, #tpu.memory_space<vmem>>, vector<1x16xf32>,
          %get3A_1823 = vector.shape_cast %get3A_1822 : vector<1x16xf32> to vector<16xf32>
          %mul3A_1824 = vector.broadcast %squeeze3A_1808 : f32 to vector<16xf32>
          %mul3A_1825 = arith.mulf %get3A_1823, %mul3A_1824 : vector<16xf32>
          %swap3A_1826 = arith.index_cast %add3A_1806 : i32 to index
          %swap3A_1827 = arith.constant 16 : index
          %swap3A_1828 = tpu.vector_load %arg15[%swap3A_1826, %swap3A_1827] {strides = array<i32>} : memref<256x32xf32, #tpu.memory_space<vmem>>, vector<1x16xf32>,
          %swap3A_1829 = vector.shape_cast %swap3A_1828 : vector<1x16xf32> to vector<16xf32>
          %swap3A_1830 = vector.shape_cast %mul3A_1825 : vector<16xf32> to vector<1x16xf32>
          tpu.vector_store %arg15[%swap3A_1826, %swap3A_1827], %swap3A_1830 {strides = array<i32>} : memref<256x32xf32, #tpu.memory_space<vmem>>, vector<1x16xf32>,
          %mul3A_1831 = arith.constant 16 : i32
          %mul3A_1832 = arith.muli %scan3A_1573, %mul3A_1831 : i32
          %add3A_1833 = arith.constant 9 : i32
          %add3A_1834 = arith.addi %mul3A_1832, %add3A_1833 : i32
          %slice3A_1835 = vector.extract_strided_slice %get3A_1580 {offsets = [9], sizes = [1], strides = [1]} : vector<16xf32> to vector<1xf32>
          %squeeze3A_1836 = vector.extract %slice3A_1835[0] : f32 from vector<1xf32>
          %get3A_1837 = arith.index_cast %add3A_1834 : i32 to index
          %get3A_1838 = arith.constant 0 : index
          %get3A_1839 = tpu.vector_load %arg13[%get3A_1837, %get3A_1838] {strides = array<i32>} : memref<256x32xf32, #tpu.memory_space<vmem>>, vector<1x16xf32>,
          %get3A_1840 = vector.shape_cast %get3A_1839 : vector<1x16xf32> to vector<16xf32>
          %mul3A_1841 = vector.broadcast %squeeze3A_1836 : f32 to vector<16xf32>
          %mul3A_1842 = arith.mulf %get3A_1840, %mul3A_1841 : vector<16xf32>
          %swap3A_1843 = arith.index_cast %add3A_1834 : i32 to index
          %swap3A_1844 = arith.constant 0 : index
          %swap3A_1845 = tpu.vector_load %arg15[%swap3A_1843, %swap3A_1844] {strides = array<i32>} : memref<256x32xf32, #tpu.memory_space<vmem>>, vector<1x16xf32>,
          %swap3A_1846 = vector.shape_cast %swap3A_1845 : vector<1x16xf32> to vector<16xf32>
          %swap3A_1847 = vector.shape_cast %mul3A_1842 : vector<16xf32> to vector<1x16xf32>
          tpu.vector_store %arg15[%swap3A_1843, %swap3A_1844], %swap3A_1847 {strides = array<i32>} : memref<256x32xf32, #tpu.memory_space<vmem>>, vector<1x16xf32>,
          %get3A_1848 = arith.index_cast %add3A_1834 : i32 to index
          %get3A_1849 = arith.constant 16 : index
          %get3A_1850 = tpu.vector_load %arg13[%get3A_1848, %get3A_1849] {strides = array<i32>} : memref<256x32xf32, #tpu.memory_space<vmem>>, vector<1x16xf32>,
          %get3A_1851 = vector.shape_cast %get3A_1850 : vector<1x16xf32> to vector<16xf32>
          %mul3A_1852 = vector.broadcast %squeeze3A_1836 : f32 to vector<16xf32>
          %mul3A_1853 = arith.mulf %get3A_1851, %mul3A_1852 : vector<16xf32>
          %swap3A_1854 = arith.index_cast %add3A_1834 : i32 to index
          %swap3A_1855 = arith.constant 16 : index
          %swap3A_1856 = tpu.vector_load %arg15[%swap3A_1854, %swap3A_1855] {strides = array<i32>} : memref<256x32xf32, #tpu.memory_space<vmem>>, vector<1x16xf32>,
          %swap3A_1857 = vector.shape_cast %swap3A_1856 : vector<1x16xf32> to vector<16xf32>
          %swap3A_1858 = vector.shape_cast %mul3A_1853 : vector<16xf32> to vector<1x16xf32>
          tpu.vector_store %arg15[%swap3A_1854, %swap3A_1855], %swap3A_1858 {strides = array<i32>} : memref<256x32xf32, #tpu.memory_space<vmem>>, vector<1x16xf32>,
          %mul3A_1859 = arith.constant 16 : i32
          %mul3A_1860 = arith.muli %scan3A_1573, %mul3A_1859 : i32
          %add3A_1861 = arith.constant 10 : i32
          %add3A_1862 = arith.addi %mul3A_1860, %add3A_1861 : i32
          %slice3A_1863 = vector.extract_strided_slice %get3A_1580 {offsets = [10], sizes = [1], strides = [1]} : vector<16xf32> to vector<1xf32>
          %squeeze3A_1864 = vector.extract %slice3A_1863[0] : f32 from vector<1xf32>
          %get3A_1865 = arith.index_cast %add3A_1862 : i32 to index
          %get3A_1866 = arith.constant 0 : index
          %get3A_1867 = tpu.vector_load %arg13[%get3A_1865, %get3A_1866] {strides = array<i32>} : memref<256x32xf32, #tpu.memory_space<vmem>>, vector<1x16xf32>,
          %get3A_1868 = vector.shape_cast %get3A_1867 : vector<1x16xf32> to vector<16xf32>
          %mul3A_1869 = vector.broadcast %squeeze3A_1864 : f32 to vector<16xf32>
          %mul3A_1870 = arith.mulf %get3A_1868, %mul3A_1869 : vector<16xf32>
          %swap3A_1871 = arith.index_cast %add3A_1862 : i32 to index
          %swap3A_1872 = arith.constant 0 : index
          %swap3A_1873 = tpu.vector_load %arg15[%swap3A_1871, %swap3A_1872] {strides = array<i32>} : memref<256x32xf32, #tpu.memory_space<vmem>>, vector<1x16xf32>,
          %swap3A_1874 = vector.shape_cast %swap3A_1873 : vector<1x16xf32> to vector<16xf32>
          %swap3A_1875 = vector.shape_cast %mul3A_1870 : vector<16xf32> to vector<1x16xf32>
          tpu.vector_store %arg15[%swap3A_1871, %swap3A_1872], %swap3A_1875 {strides = array<i32>} : memref<256x32xf32, #tpu.memory_space<vmem>>, vector<1x16xf32>,
          %get3A_1876 = arith.index_cast %add3A_1862 : i32 to index
          %get3A_1877 = arith.constant 16 : index
          %get3A_1878 = tpu.vector_load %arg13[%get3A_1876, %get3A_1877] {strides = array<i32>} : memref<256x32xf32, #tpu.memory_space<vmem>>, vector<1x16xf32>,
          %get3A_1879 = vector.shape_cast %get3A_1878 : vector<1x16xf32> to vector<16xf32>
          %mul3A_1880 = vector.broadcast %squeeze3A_1864 : f32 to vector<16xf32>
          %mul3A_1881 = arith.mulf %get3A_1879, %mul3A_1880 : vector<16xf32>
          %swap3A_1882 = arith.index_cast %add3A_1862 : i32 to index
          %swap3A_1883 = arith.constant 16 : index
          %swap3A_1884 = tpu.vector_load %arg15[%swap3A_1882, %swap3A_1883] {strides = array<i32>} : memref<256x32xf32, #tpu.memory_space<vmem>>, vector<1x16xf32>,
          %swap3A_1885 = vector.shape_cast %swap3A_1884 : vector<1x16xf32> to vector<16xf32>
          %swap3A_1886 = vector.shape_cast %mul3A_1881 : vector<16xf32> to vector<1x16xf32>
          tpu.vector_store %arg15[%swap3A_1882, %swap3A_1883], %swap3A_1886 {strides = array<i32>} : memref<256x32xf32, #tpu.memory_space<vmem>>, vector<1x16xf32>,
          %mul3A_1887 = arith.constant 16 : i32
          %mul3A_1888 = arith.muli %scan3A_1573, %mul3A_1887 : i32
          %add3A_1889 = arith.constant 11 : i32
          %add3A_1890 = arith.addi %mul3A_1888, %add3A_1889 : i32
          %slice3A_1891 = vector.extract_strided_slice %get3A_1580 {offsets = [11], sizes = [1], strides = [1]} : vector<16xf32> to vector<1xf32>
          %squeeze3A_1892 = vector.extract %slice3A_1891[0] : f32 from vector<1xf32>
          %get3A_1893 = arith.index_cast %add3A_1890 : i32 to index
          %get3A_1894 = arith.constant 0 : index
          %get3A_1895 = tpu.vector_load %arg13[%get3A_1893, %get3A_1894] {strides = array<i32>} : memref<256x32xf32, #tpu.memory_space<vmem>>, vector<1x16xf32>,
          %get3A_1896 = vector.shape_cast %get3A_1895 : vector<1x16xf32> to vector<16xf32>
          %mul3A_1897 = vector.broadcast %squeeze3A_1892 : f32 to vector<16xf32>
          %mul3A_1898 = arith.mulf %get3A_1896, %mul3A_1897 : vector<16xf32>
          %swap3A_1899 = arith.index_cast %add3A_1890 : i32 to index
          %swap3A_1900 = arith.constant 0 : index
          %swap3A_1901 = tpu.vector_load %arg15[%swap3A_1899, %swap3A_1900] {strides = array<i32>} : memref<256x32xf32, #tpu.memory_space<vmem>>, vector<1x16xf32>,
          %swap3A_1902 = vector.shape_cast %swap3A_1901 : vector<1x16xf32> to vector<16xf32>
          %swap3A_1903 = vector.shape_cast %mul3A_1898 : vector<16xf32> to vector<1x16xf32>
          tpu.vector_store %arg15[%swap3A_1899, %swap3A_1900], %swap3A_1903 {strides = array<i32>} : memref<256x32xf32, #tpu.memory_space<vmem>>, vector<1x16xf32>,
          %get3A_1904 = arith.index_cast %add3A_1890 : i32 to index
          %get3A_1905 = arith.constant 16 : index
          %get3A_1906 = tpu.vector_load %arg13[%get3A_1904, %get3A_1905] {strides = array<i32>} : memref<256x32xf32, #tpu.memory_space<vmem>>, vector<1x16xf32>,
          %get3A_1907 = vector.shape_cast %get3A_1906 : vector<1x16xf32> to vector<16xf32>
          %mul3A_1908 = vector.broadcast %squeeze3A_1892 : f32 to vector<16xf32>
          %mul3A_1909 = arith.mulf %get3A_1907, %mul3A_1908 : vector<16xf32>
          %swap3A_1910 = arith.index_cast %add3A_1890 : i32 to index
          %swap3A_1911 = arith.constant 16 : index
          %swap3A_1912 = tpu.vector_load %arg15[%swap3A_1910, %swap3A_1911] {strides = array<i32>} : memref<256x32xf32, #tpu.memory_space<vmem>>, vector<1x16xf32>,
          %swap3A_1913 = vector.shape_cast %swap3A_1912 : vector<1x16xf32> to vector<16xf32>
          %swap3A_1914 = vector.shape_cast %mul3A_1909 : vector<16xf32> to vector<1x16xf32>
          tpu.vector_store %arg15[%swap3A_1910, %swap3A_1911], %swap3A_1914 {strides = array<i32>} : memref<256x32xf32, #tpu.memory_space<vmem>>, vector<1x16xf32>,
          %mul3A_1915 = arith.constant 16 : i32
          %mul3A_1916 = arith.muli %scan3A_1573, %mul3A_1915 : i32
          %add3A_1917 = arith.constant 12 : i32
          %add3A_1918 = arith.addi %mul3A_1916, %add3A_1917 : i32
          %slice3A_1919 = vector.extract_strided_slice %get3A_1580 {offsets = [12], sizes = [1], strides = [1]} : vector<16xf32> to vector<1xf32>
          %squeeze3A_1920 = vector.extract %slice3A_1919[0] : f32 from vector<1xf32>
          %get3A_1921 = arith.index_cast %add3A_1918 : i32 to index
          %get3A_1922 = arith.constant 0 : index
          %get3A_1923 = tpu.vector_load %arg13[%get3A_1921, %get3A_1922] {strides = array<i32>} : memref<256x32xf32, #tpu.memory_space<vmem>>, vector<1x16xf32>,
          %get3A_1924 = vector.shape_cast %get3A_1923 : vector<1x16xf32> to vector<16xf32>
          %mul3A_1925 = vector.broadcast %squeeze3A_1920 : f32 to vector<16xf32>
          %mul3A_1926 = arith.mulf %get3A_1924, %mul3A_1925 : vector<16xf32>
          %swap3A_1927 = arith.index_cast %add3A_1918 : i32 to index
          %swap3A_1928 = arith.constant 0 : index
          %swap3A_1929 = tpu.vector_load %arg15[%swap3A_1927, %swap3A_1928] {strides = array<i32>} : memref<256x32xf32, #tpu.memory_space<vmem>>, vector<1x16xf32>,
          %swap3A_1930 = vector.shape_cast %swap3A_1929 : vector<1x16xf32> to vector<16xf32>
          %swap3A_1931 = vector.shape_cast %mul3A_1926 : vector<16xf32> to vector<1x16xf32>
          tpu.vector_store %arg15[%swap3A_1927, %swap3A_1928], %swap3A_1931 {strides = array<i32>} : memref<256x32xf32, #tpu.memory_space<vmem>>, vector<1x16xf32>,
          %get3A_1932 = arith.index_cast %add3A_1918 : i32 to index
          %get3A_1933 = arith.constant 16 : index
          %get3A_1934 = tpu.vector_load %arg13[%get3A_1932, %get3A_1933] {strides = array<i32>} : memref<256x32xf32, #tpu.memory_space<vmem>>, vector<1x16xf32>,
          %get3A_1935 = vector.shape_cast %get3A_1934 : vector<1x16xf32> to vector<16xf32>
          %mul3A_1936 = vector.broadcast %squeeze3A_1920 : f32 to vector<16xf32>
          %mul3A_1937 = arith.mulf %get3A_1935, %mul3A_1936 : vector<16xf32>
          %swap3A_1938 = arith.index_cast %add3A_1918 : i32 to index
          %swap3A_1939 = arith.constant 16 : index
          %swap3A_1940 = tpu.vector_load %arg15[%swap3A_1938, %swap3A_1939] {strides = array<i32>} : memref<256x32xf32, #tpu.memory_space<vmem>>, vector<1x16xf32>,
          %swap3A_1941 = vector.shape_cast %swap3A_1940 : vector<1x16xf32> to vector<16xf32>
          %swap3A_1942 = vector.shape_cast %mul3A_1937 : vector<16xf32> to vector<1x16xf32>
          tpu.vector_store %arg15[%swap3A_1938, %swap3A_1939], %swap3A_1942 {strides = array<i32>} : memref<256x32xf32, #tpu.memory_space<vmem>>, vector<1x16xf32>,
          %mul3A_1943 = arith.constant 16 : i32
          %mul3A_1944 = arith.muli %scan3A_1573, %mul3A_1943 : i32
          %add3A_1945 = arith.constant 13 : i32
          %add3A_1946 = arith.addi %mul3A_1944, %add3A_1945 : i32
          %slice3A_1947 = vector.extract_strided_slice %get3A_1580 {offsets = [13], sizes = [1], strides = [1]} : vector<16xf32> to vector<1xf32>
          %squeeze3A_1948 = vector.extract %slice3A_1947[0] : f32 from vector<1xf32>
          %get3A_1949 = arith.index_cast %add3A_1946 : i32 to index
          %get3A_1950 = arith.constant 0 : index
          %get3A_1951 = tpu.vector_load %arg13[%get3A_1949, %get3A_1950] {strides = array<i32>} : memref<256x32xf32, #tpu.memory_space<vmem>>, vector<1x16xf32>,
          %get3A_1952 = vector.shape_cast %get3A_1951 : vector<1x16xf32> to vector<16xf32>
          %mul3A_1953 = vector.broadcast %squeeze3A_1948 : f32 to vector<16xf32>
          %mul3A_1954 = arith.mulf %get3A_1952, %mul3A_1953 : vector<16xf32>
          %swap3A_1955 = arith.index_cast %add3A_1946 : i32 to index
          %swap3A_1956 = arith.constant 0 : index
          %swap3A_1957 = tpu.vector_load %arg15[%swap3A_1955, %swap3A_1956] {strides = array<i32>} : memref<256x32xf32, #tpu.memory_space<vmem>>, vector<1x16xf32>,
          %swap3A_1958 = vector.shape_cast %swap3A_1957 : vector<1x16xf32> to vector<16xf32>
          %swap3A_1959 = vector.shape_cast %mul3A_1954 : vector<16xf32> to vector<1x16xf32>
          tpu.vector_store %arg15[%swap3A_1955, %swap3A_1956], %swap3A_1959 {strides = array<i32>} : memref<256x32xf32, #tpu.memory_space<vmem>>, vector<1x16xf32>,
          %get3A_1960 = arith.index_cast %add3A_1946 : i32 to index
          %get3A_1961 = arith.constant 16 : index
          %get3A_1962 = tpu.vector_load %arg13[%get3A_1960, %get3A_1961] {strides = array<i32>} : memref<256x32xf32, #tpu.memory_space<vmem>>, vector<1x16xf32>,
          %get3A_1963 = vector.shape_cast %get3A_1962 : vector<1x16xf32> to vector<16xf32>
          %mul3A_1964 = vector.broadcast %squeeze3A_1948 : f32 to vector<16xf32>
          %mul3A_1965 = arith.mulf %get3A_1963, %mul3A_1964 : vector<16xf32>
          %swap3A_1966 = arith.index_cast %add3A_1946 : i32 to index
          %swap3A_1967 = arith.constant 16 : index
          %swap3A_1968 = tpu.vector_load %arg15[%swap3A_1966, %swap3A_1967] {strides = array<i32>} : memref<256x32xf32, #tpu.memory_space<vmem>>, vector<1x16xf32>,
          %swap3A_1969 = vector.shape_cast %swap3A_1968 : vector<1x16xf32> to vector<16xf32>
          %swap3A_1970 = vector.shape_cast %mul3A_1965 : vector<16xf32> to vector<1x16xf32>
          tpu.vector_store %arg15[%swap3A_1966, %swap3A_1967], %swap3A_1970 {strides = array<i32>} : memref<256x32xf32, #tpu.memory_space<vmem>>, vector<1x16xf32>,
          %mul3A_1971 = arith.constant 16 : i32
          %mul3A_1972 = arith.muli %scan3A_1573, %mul3A_1971 : i32
          %add3A_1973 = arith.constant 14 : i32
          %add3A_1974 = arith.addi %mul3A_1972, %add3A_1973 : i32
          %slice3A_1975 = vector.extract_strided_slice %get3A_1580 {offsets = [14], sizes = [1], strides = [1]} : vector<16xf32> to vector<1xf32>
          %squeeze3A_1976 = vector.extract %slice3A_1975[0] : f32 from vector<1xf32>
          %get3A_1977 = arith.index_cast %add3A_1974 : i32 to index
          %get3A_1978 = arith.constant 0 : index
          %get3A_1979 = tpu.vector_load %arg13[%get3A_1977, %get3A_1978] {strides = array<i32>} : memref<256x32xf32, #tpu.memory_space<vmem>>, vector<1x16xf32>,
          %get3A_1980 = vector.shape_cast %get3A_1979 : vector<1x16xf32> to vector<16xf32>
          %mul3A_1981 = vector.broadcast %squeeze3A_1976 : f32 to vector<16xf32>
          %mul3A_1982 = arith.mulf %get3A_1980, %mul3A_1981 : vector<16xf32>
          %swap3A_1983 = arith.index_cast %add3A_1974 : i32 to index
          %swap3A_1984 = arith.constant 0 : index
          %swap3A_1985 = tpu.vector_load %arg15[%swap3A_1983, %swap3A_1984] {strides = array<i32>} : memref<256x32xf32, #tpu.memory_space<vmem>>, vector<1x16xf32>,
          %swap3A_1986 = vector.shape_cast %swap3A_1985 : vector<1x16xf32> to vector<16xf32>
          %swap3A_1987 = vector.shape_cast %mul3A_1982 : vector<16xf32> to vector<1x16xf32>
          tpu.vector_store %arg15[%swap3A_1983, %swap3A_1984], %swap3A_1987 {strides = array<i32>} : memref<256x32xf32, #tpu.memory_space<vmem>>, vector<1x16xf32>,
          %get3A_1988 = arith.index_cast %add3A_1974 : i32 to index
          %get3A_1989 = arith.constant 16 : index
          %get3A_1990 = tpu.vector_load %arg13[%get3A_1988, %get3A_1989] {strides = array<i32>} : memref<256x32xf32, #tpu.memory_space<vmem>>, vector<1x16xf32>,
          %get3A_1991 = vector.shape_cast %get3A_1990 : vector<1x16xf32> to vector<16xf32>
          %mul3A_1992 = vector.broadcast %squeeze3A_1976 : f32 to vector<16xf32>
          %mul3A_1993 = arith.mulf %get3A_1991, %mul3A_1992 : vector<16xf32>
          %swap3A_1994 = arith.index_cast %add3A_1974 : i32 to index
          %swap3A_1995 = arith.constant 16 : index
          %swap3A_1996 = tpu.vector_load %arg15[%swap3A_1994, %swap3A_1995] {strides = array<i32>} : memref<256x32xf32, #tpu.memory_space<vmem>>, vector<1x16xf32>,
          %swap3A_1997 = vector.shape_cast %swap3A_1996 : vector<1x16xf32> to vector<16xf32>
          %swap3A_1998 = vector.shape_cast %mul3A_1993 : vector<16xf32> to vector<1x16xf32>
          tpu.vector_store %arg15[%swap3A_1994, %swap3A_1995], %swap3A_1998 {strides = array<i32>} : memref<256x32xf32, #tpu.memory_space<vmem>>, vector<1x16xf32>,
          %mul3A_1999 = arith.constant 16 : i32
          %mul3A_2000 = arith.muli %scan3A_1573, %mul3A_1999 : i32
          %add3A_2001 = arith.constant 15 : i32
          %add3A_2002 = arith.addi %mul3A_2000, %add3A_2001 : i32
          %slice3A_2003 = vector.extract_strided_slice %get3A_1580 {offsets = [15], sizes = [1], strides = [1]} : vector<16xf32> to vector<1xf32>
          %squeeze3A_2004 = vector.extract %slice3A_2003[0] : f32 from vector<1xf32>
          %get3A_2005 = arith.index_cast %add3A_2002 : i32 to index
          %get3A_2006 = arith.constant 0 : index
          %get3A_2007 = tpu.vector_load %arg13[%get3A_2005, %get3A_2006] {strides = array<i32>} : memref<256x32xf32, #tpu.memory_space<vmem>>, vector<1x16xf32>,
          %get3A_2008 = vector.shape_cast %get3A_2007 : vector<1x16xf32> to vector<16xf32>
          %mul3A_2009 = vector.broadcast %squeeze3A_2004 : f32 to vector<16xf32>
          %mul3A_2010 = arith.mulf %get3A_2008, %mul3A_2009 : vector<16xf32>
          %swap3A_2011 = arith.index_cast %add3A_2002 : i32 to index
          %swap3A_2012 = arith.constant 0 : index
          %swap3A_2013 = tpu.vector_load %arg15[%swap3A_2011, %swap3A_2012] {strides = array<i32>} : memref<256x32xf32, #tpu.memory_space<vmem>>, vector<1x16xf32>,
          %swap3A_2014 = vector.shape_cast %swap3A_2013 : vector<1x16xf32> to vector<16xf32>
          %swap3A_2015 = vector.shape_cast %mul3A_2010 : vector<16xf32> to vector<1x16xf32>
          tpu.vector_store %arg15[%swap3A_2011, %swap3A_2012], %swap3A_2015 {strides = array<i32>} : memref<256x32xf32, #tpu.memory_space<vmem>>, vector<1x16xf32>,
          %get3A_2016 = arith.index_cast %add3A_2002 : i32 to index
          %get3A_2017 = arith.constant 16 : index
          %get3A_2018 = tpu.vector_load %arg13[%get3A_2016, %get3A_2017] {strides = array<i32>} : memref<256x32xf32, #tpu.memory_space<vmem>>, vector<1x16xf32>,
          %get3A_2019 = vector.shape_cast %get3A_2018 : vector<1x16xf32> to vector<16xf32>
          %mul3A_2020 = vector.broadcast %squeeze3A_2004 : f32 to vector<16xf32>
          %mul3A_2021 = arith.mulf %get3A_2019, %mul3A_2020 : vector<16xf32>
          %swap3A_2022 = arith.index_cast %add3A_2002 : i32 to index
          %swap3A_2023 = arith.constant 16 : index
          %swap3A_2024 = tpu.vector_load %arg15[%swap3A_2022, %swap3A_2023] {strides = array<i32>} : memref<256x32xf32, #tpu.memory_space<vmem>>, vector<1x16xf32>,
          %swap3A_2025 = vector.shape_cast %swap3A_2024 : vector<1x16xf32> to vector<16xf32>
          %swap3A_2026 = vector.shape_cast %mul3A_2021 : vector<16xf32> to vector<1x16xf32>
          tpu.vector_store %arg15[%swap3A_2022, %swap3A_2023], %swap3A_2026 {strides = array<i32>} : memref<256x32xf32, #tpu.memory_space<vmem>>, vector<1x16xf32>,
        }
        %scan3A_1492 = arith.constant 16 : i32
        %dma_start3A_1493 = arith.constant 0 : i32
        %dma_start3A_1494 = tpu.memref_slice %arg8[%dma_start3A_1493] : memref<1024xi32, #tpu.memory_space<vmem>> -> memref<256xi32, #tpu.memory_space<vmem>>
        %dma_start3A_1495 = arith.constant 0 : i32
        %dma_start3A_1496 = arith.constant 0 : i32
        %dma_start3A_1497 = tpu.memref_slice %arg16[%dma_start3A_1495, %dma_start3A_1496] : memref<50048x32xf32, #tpu.memory_space<vmem_shared>> -> memref<50048x32xf32, #tpu.memory_space<vmem_shared>>
        tpu.enqueue_indirect_dma source(%arg15 : memref<256x32xf32, #tpu.memory_space<vmem>>) target(%dma_start3A_1497 : memref<50048x32xf32, #tpu.memory_space<vmem_shared>>) offsets(%dma_start3A_1494 : memref<256xi32, #tpu.memory_space<vmem>>) semaphore(%arg19 : memref<!tpu.dma_semaphore, #tpu.memory_space<semaphore_mem>>) {add = true}
        %dma_start3A_1498 = arith.constant 512 : i32
        %dma_start3A_1499 = tpu.memref_slice %arg7[%dma_start3A_1498] : memref<1024xi32, #tpu.memory_space<vmem>> -> memref<256xi32, #tpu.memory_space<vmem>>
        %dma_start3A_1500 = arith.constant 0 : i32
        %dma_start3A_1501 = arith.constant 0 : i32
        %dma_start3A_1502 = tpu.memref_slice %arg6[%dma_start3A_1500, %dma_start3A_1501] : memref<400384x32xf32, #tpu.memory_space<hbm>> -> memref<400384x32xf32, #tpu.memory_space<hbm>>
        tpu.enqueue_indirect_dma source(%dma_start3A_1502 : memref<400384x32xf32, #tpu.memory_space<hbm>>) target(%arg13 : memref<256x32xf32, #tpu.memory_space<vmem>>) offsets(%dma_start3A_1499 : memref<256xi32, #tpu.memory_space<vmem>>) semaphore(%arg17 : memref<!tpu.dma_semaphore, #tpu.memory_space<semaphore_mem>>)
        %dma_wait3A_1503 = arith.constant 256 : i32
        %dma_wait3A_1504 = tpu.memref_slice %arg7[%dma_wait3A_1503] : memref<1024xi32, #tpu.memory_space<vmem>> -> memref<256xi32, #tpu.memory_space<vmem>>
        %dma_wait3A_1505 = arith.constant 0 : i32
        %dma_wait3A_1506 = arith.constant 0 : i32
        %dma_wait3A_1507 = tpu.memref_slice %arg6[%dma_wait3A_1505, %dma_wait3A_1506] : memref<400384x32xf32, #tpu.memory_space<hbm>> -> memref<400384x32xf32, #tpu.memory_space<hbm>>
        tpu.wait_indirect_dma semaphore(%arg18 : memref<!tpu.dma_semaphore, #tpu.memory_space<semaphore_mem>>) src(%dma_wait3A_1507 : memref<400384x32xf32, #tpu.memory_space<hbm>>) dst(%arg14 : memref<256x32xf32, #tpu.memory_space<vmem>>)
        %dma_wait3A_1508 = arith.constant 0 : i32
        %dma_wait3A_1509 = tpu.memref_slice %arg8[%dma_wait3A_1508] : memref<1024xi32, #tpu.memory_space<vmem>> -> memref<256xi32, #tpu.memory_space<vmem>>
        %dma_wait3A_1510 = arith.constant 0 : i32
        %dma_wait3A_1511 = arith.constant 0 : i32
        %dma_wait3A_1512 = tpu.memref_slice %arg16[%dma_wait3A_1510, %dma_wait3A_1511] : memref<50048x32xf32, #tpu.memory_space<vmem_shared>> -> memref<50048x32xf32, #tpu.memory_space<vmem_shared>>
        tpu.wait_indirect_dma semaphore(%arg19 : memref<!tpu.dma_semaphore, #tpu.memory_space<semaphore_mem>>) src(%arg15 : memref<256x32xf32, #tpu.memory_space<vmem>>) dst(%dma_wait3A_1512 : memref<50048x32xf32, #tpu.memory_space<vmem_shared>>)
        %scan3A_1513 = arith.constant 0 : i32
        %scan3A_1514 = arith.constant 16 : i32
        %scan3A_1515 = arith.addi %scan3A_1513, %scan3A_1514 : i32
        %scan3A_1516 = arith.constant 1 : i32
        scf.for %scan3A_1573 = %scan3A_1513 to %scan3A_1515 step %scan3A_1516  : i32 {
          %mul3A_1574 = arith.constant 16 : i32
          %mul3A_1575 = arith.muli %scan3A_1573, %mul3A_1574 : i32
          %add3A_1576 = arith.constant 256 : i32
          %add3A_1577 = arith.addi %add3A_1576, %mul3A_1575 : i32
          %get3A_1578 = arith.index_cast %add3A_1577 : i32 to index
          %get3A_1579 = tpu.vector_load %arg9[%get3A_1578] {strides = array<i32>} : memref<1040xf32, #tpu.memory_space<vmem>>, vector<16xf32>,
          %get3A_1580 = vector.shape_cast %get3A_1579 : vector<16xf32> to vector<16xf32>
          %mul3A_1581 = arith.constant 16 : i32
          %mul3A_1582 = arith.muli %scan3A_1573, %mul3A_1581 : i32
          %add3A_1583 = arith.constant 0 : i32
          %add3A_1584 = arith.addi %mul3A_1582, %add3A_1583 : i32
          %slice3A = vector.extract_strided_slice %get3A_1580 {offsets = [0], sizes = [1], strides = [1]} : vector<16xf32> to vector<1xf32>
          %squeeze3A = vector.extract %slice3A[0] : f32 from vector<1xf32>
          %get3A_1585 = arith.index_cast %add3A_1584 : i32 to index
          %get3A_1586 = arith.constant 0 : index
          %get3A_1587 = tpu.vector_load %arg14[%get3A_1585, %get3A_1586] {strides = array<i32>} : memref<256x32xf32, #tpu.memory_space<vmem>>, vector<1x16xf32>,
          %get3A_1588 = vector.shape_cast %get3A_1587 : vector<1x16xf32> to vector<16xf32>
          %mul3A_1589 = vector.broadcast %squeeze3A : f32 to vector<16xf32>
          %mul3A_1590 = arith.mulf %get3A_1588, %mul3A_1589 : vector<16xf32>
          %swap3A_1591 = arith.index_cast %add3A_1584 : i32 to index
          %swap3A_1592 = arith.constant 0 : index
          %swap3A_1593 = tpu.vector_load %arg15[%swap3A_1591, %swap3A_1592] {strides = array<i32>} : memref<256x32xf32, #tpu.memory_space<vmem>>, vector<1x16xf32>,
          %swap3A_1594 = vector.shape_cast %swap3A_1593 : vector<1x16xf32> to vector<16xf32>
          %swap3A_1595 = vector.shape_cast %mul3A_1590 : vector<16xf32> to vector<1x16xf32>
          tpu.vector_store %arg15[%swap3A_1591, %swap3A_1592], %swap3A_1595 {strides = array<i32>} : memref<256x32xf32, #tpu.memory_space<vmem>>, vector<1x16xf32>,
          %get3A_1596 = arith.index_cast %add3A_1584 : i32 to index
          %get3A_1597 = arith.constant 16 : index
          %get3A_1598 = tpu.vector_load %arg14[%get3A_1596, %get3A_1597] {strides = array<i32>} : memref<256x32xf32, #tpu.memory_space<vmem>>, vector<1x16xf32>,
          %get3A_1599 = vector.shape_cast %get3A_1598 : vector<1x16xf32> to vector<16xf32>
          %mul3A_1600 = vector.broadcast %squeeze3A : f32 to vector<16xf32>
          %mul3A_1601 = arith.mulf %get3A_1599, %mul3A_1600 : vector<16xf32>
          %swap3A_1602 = arith.index_cast %add3A_1584 : i32 to index
          %swap3A_1603 = arith.constant 16 : index
          %swap3A_1604 = tpu.vector_load %arg15[%swap3A_1602, %swap3A_1603] {strides = array<i32>} : memref<256x32xf32, #tpu.memory_space<vmem>>, vector<1x16xf32>,
          %swap3A_1605 = vector.shape_cast %swap3A_1604 : vector<1x16xf32> to vector<16xf32>
          %swap3A_1606 = vector.shape_cast %mul3A_1601 : vector<16xf32> to vector<1x16xf32>
          tpu.vector_store %arg15[%swap3A_1602, %swap3A_1603], %swap3A_1606 {strides = array<i32>} : memref<256x32xf32, #tpu.memory_space<vmem>>, vector<1x16xf32>,
          %mul3A_1607 = arith.constant 16 : i32
          %mul3A_1608 = arith.muli %scan3A_1573, %mul3A_1607 : i32
          %add3A_1609 = arith.constant 1 : i32
          %add3A_1610 = arith.addi %mul3A_1608, %add3A_1609 : i32
          %slice3A_1611 = vector.extract_strided_slice %get3A_1580 {offsets = [1], sizes = [1], strides = [1]} : vector<16xf32> to vector<1xf32>
          %squeeze3A_1612 = vector.extract %slice3A_1611[0] : f32 from vector<1xf32>
          %get3A_1613 = arith.index_cast %add3A_1610 : i32 to index
          %get3A_1614 = arith.constant 0 : index
          %get3A_1615 = tpu.vector_load %arg14[%get3A_1613, %get3A_1614] {strides = array<i32>} : memref<256x32xf32, #tpu.memory_space<vmem>>, vector<1x16xf32>,
          %get3A_1616 = vector.shape_cast %get3A_1615 : vector<1x16xf32> to vector<16xf32>
          %mul3A_1617 = vector.broadcast %squeeze3A_1612 : f32 to vector<16xf32>
          %mul3A_1618 = arith.mulf %get3A_1616, %mul3A_1617 : vector<16xf32>
          %swap3A_1619 = arith.index_cast %add3A_1610 : i32 to index
          %swap3A_1620 = arith.constant 0 : index
          %swap3A_1621 = tpu.vector_load %arg15[%swap3A_1619, %swap3A_1620] {strides = array<i32>} : memref<256x32xf32, #tpu.memory_space<vmem>>, vector<1x16xf32>,
          %swap3A_1622 = vector.shape_cast %swap3A_1621 : vector<1x16xf32> to vector<16xf32>
          %swap3A_1623 = vector.shape_cast %mul3A_1618 : vector<16xf32> to vector<1x16xf32>
          tpu.vector_store %arg15[%swap3A_1619, %swap3A_1620], %swap3A_1623 {strides = array<i32>} : memref<256x32xf32, #tpu.memory_space<vmem>>, vector<1x16xf32>,
          %get3A_1624 = arith.index_cast %add3A_1610 : i32 to index
          %get3A_1625 = arith.constant 16 : index
          %get3A_1626 = tpu.vector_load %arg14[%get3A_1624, %get3A_1625] {strides = array<i32>} : memref<256x32xf32, #tpu.memory_space<vmem>>, vector<1x16xf32>,
          %get3A_1627 = vector.shape_cast %get3A_1626 : vector<1x16xf32> to vector<16xf32>
          %mul3A_1628 = vector.broadcast %squeeze3A_1612 : f32 to vector<16xf32>
          %mul3A_1629 = arith.mulf %get3A_1627, %mul3A_1628 : vector<16xf32>
          %swap3A_1630 = arith.index_cast %add3A_1610 : i32 to index
          %swap3A_1631 = arith.constant 16 : index
          %swap3A_1632 = tpu.vector_load %arg15[%swap3A_1630, %swap3A_1631] {strides = array<i32>} : memref<256x32xf32, #tpu.memory_space<vmem>>, vector<1x16xf32>,
          %swap3A_1633 = vector.shape_cast %swap3A_1632 : vector<1x16xf32> to vector<16xf32>
          %swap3A_1634 = vector.shape_cast %mul3A_1629 : vector<16xf32> to vector<1x16xf32>
          tpu.vector_store %arg15[%swap3A_1630, %swap3A_1631], %swap3A_1634 {strides = array<i32>} : memref<256x32xf32, #tpu.memory_space<vmem>>, vector<1x16xf32>,
          %mul3A_1635 = arith.constant 16 : i32
          %mul3A_1636 = arith.muli %scan3A_1573, %mul3A_1635 : i32
          %add3A_1637 = arith.constant 2 : i32
          %add3A_1638 = arith.addi %mul3A_1636, %add3A_1637 : i32
          %slice3A_1639 = vector.extract_strided_slice %get3A_1580 {offsets = [2], sizes = [1], strides = [1]} : vector<16xf32> to vector<1xf32>
          %squeeze3A_1640 = vector.extract %slice3A_1639[0] : f32 from vector<1xf32>
          %get3A_1641 = arith.index_cast %add3A_1638 : i32 to index
          %get3A_1642 = arith.constant 0 : index
          %get3A_1643 = tpu.vector_load %arg14[%get3A_1641, %get3A_1642] {strides = array<i32>} : memref<256x32xf32, #tpu.memory_space<vmem>>, vector<1x16xf32>,
          %get3A_1644 = vector.shape_cast %get3A_1643 : vector<1x16xf32> to vector<16xf32>
          %mul3A_1645 = vector.broadcast %squeeze3A_1640 : f32 to vector<16xf32>
          %mul3A_1646 = arith.mulf %get3A_1644, %mul3A_1645 : vector<16xf32>
          %swap3A_1647 = arith.index_cast %add3A_1638 : i32 to index
          %swap3A_1648 = arith.constant 0 : index
          %swap3A_1649 = tpu.vector_load %arg15[%swap3A_1647, %swap3A_1648] {strides = array<i32>} : memref<256x32xf32, #tpu.memory_space<vmem>>, vector<1x16xf32>,
          %swap3A_1650 = vector.shape_cast %swap3A_1649 : vector<1x16xf32> to vector<16xf32>
          %swap3A_1651 = vector.shape_cast %mul3A_1646 : vector<16xf32> to vector<1x16xf32>
          tpu.vector_store %arg15[%swap3A_1647, %swap3A_1648], %swap3A_1651 {strides = array<i32>} : memref<256x32xf32, #tpu.memory_space<vmem>>, vector<1x16xf32>,
          %get3A_1652 = arith.index_cast %add3A_1638 : i32 to index
          %get3A_1653 = arith.constant 16 : index
          %get3A_1654 = tpu.vector_load %arg14[%get3A_1652, %get3A_1653] {strides = array<i32>} : memref<256x32xf32, #tpu.memory_space<vmem>>, vector<1x16xf32>,
          %get3A_1655 = vector.shape_cast %get3A_1654 : vector<1x16xf32> to vector<16xf32>
          %mul3A_1656 = vector.broadcast %squeeze3A_1640 : f32 to vector<16xf32>
          %mul3A_1657 = arith.mulf %get3A_1655, %mul3A_1656 : vector<16xf32>
          %swap3A_1658 = arith.index_cast %add3A_1638 : i32 to index
          %swap3A_1659 = arith.constant 16 : index
          %swap3A_1660 = tpu.vector_load %arg15[%swap3A_1658, %swap3A_1659] {strides = array<i32>} : memref<256x32xf32, #tpu.memory_space<vmem>>, vector<1x16xf32>,
          %swap3A_1661 = vector.shape_cast %swap3A_1660 : vector<1x16xf32> to vector<16xf32>
          %swap3A_1662 = vector.shape_cast %mul3A_1657 : vector<16xf32> to vector<1x16xf32>
          tpu.vector_store %arg15[%swap3A_1658, %swap3A_1659], %swap3A_1662 {strides = array<i32>} : memref<256x32xf32, #tpu.memory_space<vmem>>, vector<1x16xf32>,
          %mul3A_1663 = arith.constant 16 : i32
          %mul3A_1664 = arith.muli %scan3A_1573, %mul3A_1663 : i32
          %add3A_1665 = arith.constant 3 : i32
          %add3A_1666 = arith.addi %mul3A_1664, %add3A_1665 : i32
          %slice3A_1667 = vector.extract_strided_slice %get3A_1580 {offsets = [3], sizes = [1], strides = [1]} : vector<16xf32> to vector<1xf32>
          %squeeze3A_1668 = vector.extract %slice3A_1667[0] : f32 from vector<1xf32>
          %get3A_1669 = arith.index_cast %add3A_1666 : i32 to index
          %get3A_1670 = arith.constant 0 : index
          %get3A_1671 = tpu.vector_load %arg14[%get3A_1669, %get3A_1670] {strides = array<i32>} : memref<256x32xf32, #tpu.memory_space<vmem>>, vector<1x16xf32>,
          %get3A_1672 = vector.shape_cast %get3A_1671 : vector<1x16xf32> to vector<16xf32>
          %mul3A_1673 = vector.broadcast %squeeze3A_1668 : f32 to vector<16xf32>
          %mul3A_1674 = arith.mulf %get3A_1672, %mul3A_1673 : vector<16xf32>
          %swap3A_1675 = arith.index_cast %add3A_1666 : i32 to index
          %swap3A_1676 = arith.constant 0 : index
          %swap3A_1677 = tpu.vector_load %arg15[%swap3A_1675, %swap3A_1676] {strides = array<i32>} : memref<256x32xf32, #tpu.memory_space<vmem>>, vector<1x16xf32>,
          %swap3A_1678 = vector.shape_cast %swap3A_1677 : vector<1x16xf32> to vector<16xf32>
          %swap3A_1679 = vector.shape_cast %mul3A_1674 : vector<16xf32> to vector<1x16xf32>
          tpu.vector_store %arg15[%swap3A_1675, %swap3A_1676], %swap3A_1679 {strides = array<i32>} : memref<256x32xf32, #tpu.memory_space<vmem>>, vector<1x16xf32>,
          %get3A_1680 = arith.index_cast %add3A_1666 : i32 to index
          %get3A_1681 = arith.constant 16 : index
          %get3A_1682 = tpu.vector_load %arg14[%get3A_1680, %get3A_1681] {strides = array<i32>} : memref<256x32xf32, #tpu.memory_space<vmem>>, vector<1x16xf32>,
          %get3A_1683 = vector.shape_cast %get3A_1682 : vector<1x16xf32> to vector<16xf32>
          %mul3A_1684 = vector.broadcast %squeeze3A_1668 : f32 to vector<16xf32>
          %mul3A_1685 = arith.mulf %get3A_1683, %mul3A_1684 : vector<16xf32>
          %swap3A_1686 = arith.index_cast %add3A_1666 : i32 to index
          %swap3A_1687 = arith.constant 16 : index
          %swap3A_1688 = tpu.vector_load %arg15[%swap3A_1686, %swap3A_1687] {strides = array<i32>} : memref<256x32xf32, #tpu.memory_space<vmem>>, vector<1x16xf32>,
          %swap3A_1689 = vector.shape_cast %swap3A_1688 : vector<1x16xf32> to vector<16xf32>
          %swap3A_1690 = vector.shape_cast %mul3A_1685 : vector<16xf32> to vector<1x16xf32>
          tpu.vector_store %arg15[%swap3A_1686, %swap3A_1687], %swap3A_1690 {strides = array<i32>} : memref<256x32xf32, #tpu.memory_space<vmem>>, vector<1x16xf32>,
          %mul3A_1691 = arith.constant 16 : i32
          %mul3A_1692 = arith.muli %scan3A_1573, %mul3A_1691 : i32
          %add3A_1693 = arith.constant 4 : i32
          %add3A_1694 = arith.addi %mul3A_1692, %add3A_1693 : i32
          %slice3A_1695 = vector.extract_strided_slice %get3A_1580 {offsets = [4], sizes = [1], strides = [1]} : vector<16xf32> to vector<1xf32>
          %squeeze3A_1696 = vector.extract %slice3A_1695[0] : f32 from vector<1xf32>
          %get3A_1697 = arith.index_cast %add3A_1694 : i32 to index
          %get3A_1698 = arith.constant 0 : index
          %get3A_1699 = tpu.vector_load %arg14[%get3A_1697, %get3A_1698] {strides = array<i32>} : memref<256x32xf32, #tpu.memory_space<vmem>>, vector<1x16xf32>,
          %get3A_1700 = vector.shape_cast %get3A_1699 : vector<1x16xf32> to vector<16xf32>
          %mul3A_1701 = vector.broadcast %squeeze3A_1696 : f32 to vector<16xf32>
          %mul3A_1702 = arith.mulf %get3A_1700, %mul3A_1701 : vector<16xf32>
          %swap3A_1703 = arith.index_cast %add3A_1694 : i32 to index
          %swap3A_1704 = arith.constant 0 : index
          %swap3A_1705 = tpu.vector_load %arg15[%swap3A_1703, %swap3A_1704] {strides = array<i32>} : memref<256x32xf32, #tpu.memory_space<vmem>>, vector<1x16xf32>,
          %swap3A_1706 = vector.shape_cast %swap3A_1705 : vector<1x16xf32> to vector<16xf32>
          %swap3A_1707 = vector.shape_cast %mul3A_1702 : vector<16xf32> to vector<1x16xf32>
          tpu.vector_store %arg15[%swap3A_1703, %swap3A_1704], %swap3A_1707 {strides = array<i32>} : memref<256x32xf32, #tpu.memory_space<vmem>>, vector<1x16xf32>,
          %get3A_1708 = arith.index_cast %add3A_1694 : i32 to index
          %get3A_1709 = arith.constant 16 : index
          %get3A_1710 = tpu.vector_load %arg14[%get3A_1708, %get3A_1709] {strides = array<i32>} : memref<256x32xf32, #tpu.memory_space<vmem>>, vector<1x16xf32>,
          %get3A_1711 = vector.shape_cast %get3A_1710 : vector<1x16xf32> to vector<16xf32>
          %mul3A_1712 = vector.broadcast %squeeze3A_1696 : f32 to vector<16xf32>
          %mul3A_1713 = arith.mulf %get3A_1711, %mul3A_1712 : vector<16xf32>
          %swap3A_1714 = arith.index_cast %add3A_1694 : i32 to index
          %swap3A_1715 = arith.constant 16 : index
          %swap3A_1716 = tpu.vector_load %arg15[%swap3A_1714, %swap3A_1715] {strides = array<i32>} : memref<256x32xf32, #tpu.memory_space<vmem>>, vector<1x16xf32>,
          %swap3A_1717 = vector.shape_cast %swap3A_1716 : vector<1x16xf32> to vector<16xf32>
          %swap3A_1718 = vector.shape_cast %mul3A_1713 : vector<16xf32> to vector<1x16xf32>
          tpu.vector_store %arg15[%swap3A_1714, %swap3A_1715], %swap3A_1718 {strides = array<i32>} : memref<256x32xf32, #tpu.memory_space<vmem>>, vector<1x16xf32>,
          %mul3A_1719 = arith.constant 16 : i32
          %mul3A_1720 = arith.muli %scan3A_1573, %mul3A_1719 : i32
          %add3A_1721 = arith.constant 5 : i32
          %add3A_1722 = arith.addi %mul3A_1720, %add3A_1721 : i32
          %slice3A_1723 = vector.extract_strided_slice %get3A_1580 {offsets = [5], sizes = [1], strides = [1]} : vector<16xf32> to vector<1xf32>
          %squeeze3A_1724 = vector.extract %slice3A_1723[0] : f32 from vector<1xf32>
          %get3A_1725 = arith.index_cast %add3A_1722 : i32 to index
          %get3A_1726 = arith.constant 0 : index
          %get3A_1727 = tpu.vector_load %arg14[%get3A_1725, %get3A_1726] {strides = array<i32>} : memref<256x32xf32, #tpu.memory_space<vmem>>, vector<1x16xf32>,
          %get3A_1728 = vector.shape_cast %get3A_1727 : vector<1x16xf32> to vector<16xf32>
          %mul3A_1729 = vector.broadcast %squeeze3A_1724 : f32 to vector<16xf32>
          %mul3A_1730 = arith.mulf %get3A_1728, %mul3A_1729 : vector<16xf32>
          %swap3A_1731 = arith.index_cast %add3A_1722 : i32 to index
          %swap3A_1732 = arith.constant 0 : index
          %swap3A_1733 = tpu.vector_load %arg15[%swap3A_1731, %swap3A_1732] {strides = array<i32>} : memref<256x32xf32, #tpu.memory_space<vmem>>, vector<1x16xf32>,
          %swap3A_1734 = vector.shape_cast %swap3A_1733 : vector<1x16xf32> to vector<16xf32>
          %swap3A_1735 = vector.shape_cast %mul3A_1730 : vector<16xf32> to vector<1x16xf32>
          tpu.vector_store %arg15[%swap3A_1731, %swap3A_1732], %swap3A_1735 {strides = array<i32>} : memref<256x32xf32, #tpu.memory_space<vmem>>, vector<1x16xf32>,
          %get3A_1736 = arith.index_cast %add3A_1722 : i32 to index
          %get3A_1737 = arith.constant 16 : index
          %get3A_1738 = tpu.vector_load %arg14[%get3A_1736, %get3A_1737] {strides = array<i32>} : memref<256x32xf32, #tpu.memory_space<vmem>>, vector<1x16xf32>,
          %get3A_1739 = vector.shape_cast %get3A_1738 : vector<1x16xf32> to vector<16xf32>
          %mul3A_1740 = vector.broadcast %squeeze3A_1724 : f32 to vector<16xf32>
          %mul3A_1741 = arith.mulf %get3A_1739, %mul3A_1740 : vector<16xf32>
          %swap3A_1742 = arith.index_cast %add3A_1722 : i32 to index
          %swap3A_1743 = arith.constant 16 : index
          %swap3A_1744 = tpu.vector_load %arg15[%swap3A_1742, %swap3A_1743] {strides = array<i32>} : memref<256x32xf32, #tpu.memory_space<vmem>>, vector<1x16xf32>,
          %swap3A_1745 = vector.shape_cast %swap3A_1744 : vector<1x16xf32> to vector<16xf32>
          %swap3A_1746 = vector.shape_cast %mul3A_1741 : vector<16xf32> to vector<1x16xf32>
          tpu.vector_store %arg15[%swap3A_1742, %swap3A_1743], %swap3A_1746 {strides = array<i32>} : memref<256x32xf32, #tpu.memory_space<vmem>>, vector<1x16xf32>,
          %mul3A_1747 = arith.constant 16 : i32
          %mul3A_1748 = arith.muli %scan3A_1573, %mul3A_1747 : i32
          %add3A_1749 = arith.constant 6 : i32
          %add3A_1750 = arith.addi %mul3A_1748, %add3A_1749 : i32
          %slice3A_1751 = vector.extract_strided_slice %get3A_1580 {offsets = [6], sizes = [1], strides = [1]} : vector<16xf32> to vector<1xf32>
          %squeeze3A_1752 = vector.extract %slice3A_1751[0] : f32 from vector<1xf32>
          %get3A_1753 = arith.index_cast %add3A_1750 : i32 to index
          %get3A_1754 = arith.constant 0 : index
          %get3A_1755 = tpu.vector_load %arg14[%get3A_1753, %get3A_1754] {strides = array<i32>} : memref<256x32xf32, #tpu.memory_space<vmem>>, vector<1x16xf32>,
          %get3A_1756 = vector.shape_cast %get3A_1755 : vector<1x16xf32> to vector<16xf32>
          %mul3A_1757 = vector.broadcast %squeeze3A_1752 : f32 to vector<16xf32>
          %mul3A_1758 = arith.mulf %get3A_1756, %mul3A_1757 : vector<16xf32>
          %swap3A_1759 = arith.index_cast %add3A_1750 : i32 to index
          %swap3A_1760 = arith.constant 0 : index
          %swap3A_1761 = tpu.vector_load %arg15[%swap3A_1759, %swap3A_1760] {strides = array<i32>} : memref<256x32xf32, #tpu.memory_space<vmem>>, vector<1x16xf32>,
          %swap3A_1762 = vector.shape_cast %swap3A_1761 : vector<1x16xf32> to vector<16xf32>
          %swap3A_1763 = vector.shape_cast %mul3A_1758 : vector<16xf32> to vector<1x16xf32>
          tpu.vector_store %arg15[%swap3A_1759, %swap3A_1760], %swap3A_1763 {strides = array<i32>} : memref<256x32xf32, #tpu.memory_space<vmem>>, vector<1x16xf32>,
          %get3A_1764 = arith.index_cast %add3A_1750 : i32 to index
          %get3A_1765 = arith.constant 16 : index
          %get3A_1766 = tpu.vector_load %arg14[%get3A_1764, %get3A_1765] {strides = array<i32>} : memref<256x32xf32, #tpu.memory_space<vmem>>, vector<1x16xf32>,
          %get3A_1767 = vector.shape_cast %get3A_1766 : vector<1x16xf32> to vector<16xf32>
          %mul3A_1768 = vector.broadcast %squeeze3A_1752 : f32 to vector<16xf32>
          %mul3A_1769 = arith.mulf %get3A_1767, %mul3A_1768 : vector<16xf32>
          %swap3A_1770 = arith.index_cast %add3A_1750 : i32 to index
          %swap3A_1771 = arith.constant 16 : index
          %swap3A_1772 = tpu.vector_load %arg15[%swap3A_1770, %swap3A_1771] {strides = array<i32>} : memref<256x32xf32, #tpu.memory_space<vmem>>, vector<1x16xf32>,
          %swap3A_1773 = vector.shape_cast %swap3A_1772 : vector<1x16xf32> to vector<16xf32>
          %swap3A_1774 = vector.shape_cast %mul3A_1769 : vector<16xf32> to vector<1x16xf32>
          tpu.vector_store %arg15[%swap3A_1770, %swap3A_1771], %swap3A_1774 {strides = array<i32>} : memref<256x32xf32, #tpu.memory_space<vmem>>, vector<1x16xf32>,
          %mul3A_1775 = arith.constant 16 : i32
          %mul3A_1776 = arith.muli %scan3A_1573, %mul3A_1775 : i32
          %add3A_1777 = arith.constant 7 : i32
          %add3A_1778 = arith.addi %mul3A_1776, %add3A_1777 : i32
          %slice3A_1779 = vector.extract_strided_slice %get3A_1580 {offsets = [7], sizes = [1], strides = [1]} : vector<16xf32> to vector<1xf32>
          %squeeze3A_1780 = vector.extract %slice3A_1779[0] : f32 from vector<1xf32>
          %get3A_1781 = arith.index_cast %add3A_1778 : i32 to index
          %get3A_1782 = arith.constant 0 : index
          %get3A_1783 = tpu.vector_load %arg14[%get3A_1781, %get3A_1782] {strides = array<i32>} : memref<256x32xf32, #tpu.memory_space<vmem>>, vector<1x16xf32>,
          %get3A_1784 = vector.shape_cast %get3A_1783 : vector<1x16xf32> to vector<16xf32>
          %mul3A_1785 = vector.broadcast %squeeze3A_1780 : f32 to vector<16xf32>
          %mul3A_1786 = arith.mulf %get3A_1784, %mul3A_1785 : vector<16xf32>
          %swap3A_1787 = arith.index_cast %add3A_1778 : i32 to index
          %swap3A_1788 = arith.constant 0 : index
          %swap3A_1789 = tpu.vector_load %arg15[%swap3A_1787, %swap3A_1788] {strides = array<i32>} : memref<256x32xf32, #tpu.memory_space<vmem>>, vector<1x16xf32>,
          %swap3A_1790 = vector.shape_cast %swap3A_1789 : vector<1x16xf32> to vector<16xf32>
          %swap3A_1791 = vector.shape_cast %mul3A_1786 : vector<16xf32> to vector<1x16xf32>
          tpu.vector_store %arg15[%swap3A_1787, %swap3A_1788], %swap3A_1791 {strides = array<i32>} : memref<256x32xf32, #tpu.memory_space<vmem>>, vector<1x16xf32>,
          %get3A_1792 = arith.index_cast %add3A_1778 : i32 to index
          %get3A_1793 = arith.constant 16 : index
          %get3A_1794 = tpu.vector_load %arg14[%get3A_1792, %get3A_1793] {strides = array<i32>} : memref<256x32xf32, #tpu.memory_space<vmem>>, vector<1x16xf32>,
          %get3A_1795 = vector.shape_cast %get3A_1794 : vector<1x16xf32> to vector<16xf32>
          %mul3A_1796 = vector.broadcast %squeeze3A_1780 : f32 to vector<16xf32>
          %mul3A_1797 = arith.mulf %get3A_1795, %mul3A_1796 : vector<16xf32>
          %swap3A_1798 = arith.index_cast %add3A_1778 : i32 to index
          %swap3A_1799 = arith.constant 16 : index
          %swap3A_1800 = tpu.vector_load %arg15[%swap3A_1798, %swap3A_1799] {strides = array<i32>} : memref<256x32xf32, #tpu.memory_space<vmem>>, vector<1x16xf32>,
          %swap3A_1801 = vector.shape_cast %swap3A_1800 : vector<1x16xf32> to vector<16xf32>
          %swap3A_1802 = vector.shape_cast %mul3A_1797 : vector<16xf32> to vector<1x16xf32>
          tpu.vector_store %arg15[%swap3A_1798, %swap3A_1799], %swap3A_1802 {strides = array<i32>} : memref<256x32xf32, #tpu.memory_space<vmem>>, vector<1x16xf32>,
          %mul3A_1803 = arith.constant 16 : i32
          %mul3A_1804 = arith.muli %scan3A_1573, %mul3A_1803 : i32
          %add3A_1805 = arith.constant 8 : i32
          %add3A_1806 = arith.addi %mul3A_1804, %add3A_1805 : i32
          %slice3A_1807 = vector.extract_strided_slice %get3A_1580 {offsets = [8], sizes = [1], strides = [1]} : vector<16xf32> to vector<1xf32>
          %squeeze3A_1808 = vector.extract %slice3A_1807[0] : f32 from vector<1xf32>
          %get3A_1809 = arith.index_cast %add3A_1806 : i32 to index
          %get3A_1810 = arith.constant 0 : index
          %get3A_1811 = tpu.vector_load %arg14[%get3A_1809, %get3A_1810] {strides = array<i32>} : memref<256x32xf32, #tpu.memory_space<vmem>>, vector<1x16xf32>,
          %get3A_1812 = vector.shape_cast %get3A_1811 : vector<1x16xf32> to vector<16xf32>
          %mul3A_1813 = vector.broadcast %squeeze3A_1808 : f32 to vector<16xf32>
          %mul3A_1814 = arith.mulf %get3A_1812, %mul3A_1813 : vector<16xf32>
          %swap3A_1815 = arith.index_cast %add3A_1806 : i32 to index
          %swap3A_1816 = arith.constant 0 : index
          %swap3A_1817 = tpu.vector_load %arg15[%swap3A_1815, %swap3A_1816] {strides = array<i32>} : memref<256x32xf32, #tpu.memory_space<vmem>>, vector<1x16xf32>,
          %swap3A_1818 = vector.shape_cast %swap3A_1817 : vector<1x16xf32> to vector<16xf32>
          %swap3A_1819 = vector.shape_cast %mul3A_1814 : vector<16xf32> to vector<1x16xf32>
          tpu.vector_store %arg15[%swap3A_1815, %swap3A_1816], %swap3A_1819 {strides = array<i32>} : memref<256x32xf32, #tpu.memory_space<vmem>>, vector<1x16xf32>,
          %get3A_1820 = arith.index_cast %add3A_1806 : i32 to index
          %get3A_1821 = arith.constant 16 : index
          %get3A_1822 = tpu.vector_load %arg14[%get3A_1820, %get3A_1821] {strides = array<i32>} : memref<256x32xf32, #tpu.memory_space<vmem>>, vector<1x16xf32>,
          %get3A_1823 = vector.shape_cast %get3A_1822 : vector<1x16xf32> to vector<16xf32>
          %mul3A_1824 = vector.broadcast %squeeze3A_1808 : f32 to vector<16xf32>
          %mul3A_1825 = arith.mulf %get3A_1823, %mul3A_1824 : vector<16xf32>
          %swap3A_1826 = arith.index_cast %add3A_1806 : i32 to index
          %swap3A_1827 = arith.constant 16 : index
          %swap3A_1828 = tpu.vector_load %arg15[%swap3A_1826, %swap3A_1827] {strides = array<i32>} : memref<256x32xf32, #tpu.memory_space<vmem>>, vector<1x16xf32>,
          %swap3A_1829 = vector.shape_cast %swap3A_1828 : vector<1x16xf32> to vector<16xf32>
          %swap3A_1830 = vector.shape_cast %mul3A_1825 : vector<16xf32> to vector<1x16xf32>
          tpu.vector_store %arg15[%swap3A_1826, %swap3A_1827], %swap3A_1830 {strides = array<i32>} : memref<256x32xf32, #tpu.memory_space<vmem>>, vector<1x16xf32>,
          %mul3A_1831 = arith.constant 16 : i32
          %mul3A_1832 = arith.muli %scan3A_1573, %mul3A_1831 : i32
          %add3A_1833 = arith.constant 9 : i32
          %add3A_1834 = arith.addi %mul3A_1832, %add3A_1833 : i32
          %slice3A_1835 = vector.extract_strided_slice %get3A_1580 {offsets = [9], sizes = [1], strides = [1]} : vector<16xf32> to vector<1xf32>
          %squeeze3A_1836 = vector.extract %slice3A_1835[0] : f32 from vector<1xf32>
          %get3A_1837 = arith.index_cast %add3A_1834 : i32 to index
          %get3A_1838 = arith.constant 0 : index
          %get3A_1839 = tpu.vector_load %arg14[%get3A_1837, %get3A_1838] {strides = array<i32>} : memref<256x32xf32, #tpu.memory_space<vmem>>, vector<1x16xf32>,
          %get3A_1840 = vector.shape_cast %get3A_1839 : vector<1x16xf32> to vector<16xf32>
          %mul3A_1841 = vector.broadcast %squeeze3A_1836 : f32 to vector<16xf32>
          %mul3A_1842 = arith.mulf %get3A_1840, %mul3A_1841 : vector<16xf32>
          %swap3A_1843 = arith.index_cast %add3A_1834 : i32 to index
          %swap3A_1844 = arith.constant 0 : index
          %swap3A_1845 = tpu.vector_load %arg15[%swap3A_1843, %swap3A_1844] {strides = array<i32>} : memref<256x32xf32, #tpu.memory_space<vmem>>, vector<1x16xf32>,
          %swap3A_1846 = vector.shape_cast %swap3A_1845 : vector<1x16xf32> to vector<16xf32>
          %swap3A_1847 = vector.shape_cast %mul3A_1842 : vector<16xf32> to vector<1x16xf32>
          tpu.vector_store %arg15[%swap3A_1843, %swap3A_1844], %swap3A_1847 {strides = array<i32>} : memref<256x32xf32, #tpu.memory_space<vmem>>, vector<1x16xf32>,
          %get3A_1848 = arith.index_cast %add3A_1834 : i32 to index
          %get3A_1849 = arith.constant 16 : index
          %get3A_1850 = tpu.vector_load %arg14[%get3A_1848, %get3A_1849] {strides = array<i32>} : memref<256x32xf32, #tpu.memory_space<vmem>>, vector<1x16xf32>,
          %get3A_1851 = vector.shape_cast %get3A_1850 : vector<1x16xf32> to vector<16xf32>
          %mul3A_1852 = vector.broadcast %squeeze3A_1836 : f32 to vector<16xf32>
          %mul3A_1853 = arith.mulf %get3A_1851, %mul3A_1852 : vector<16xf32>
          %swap3A_1854 = arith.index_cast %add3A_1834 : i32 to index
          %swap3A_1855 = arith.constant 16 : index
          %swap3A_1856 = tpu.vector_load %arg15[%swap3A_1854, %swap3A_1855] {strides = array<i32>} : memref<256x32xf32, #tpu.memory_space<vmem>>, vector<1x16xf32>,
          %swap3A_1857 = vector.shape_cast %swap3A_1856 : vector<1x16xf32> to vector<16xf32>
          %swap3A_1858 = vector.shape_cast %mul3A_1853 : vector<16xf32> to vector<1x16xf32>
          tpu.vector_store %arg15[%swap3A_1854, %swap3A_1855], %swap3A_1858 {strides = array<i32>} : memref<256x32xf32, #tpu.memory_space<vmem>>, vector<1x16xf32>,
          %mul3A_1859 = arith.constant 16 : i32
          %mul3A_1860 = arith.muli %scan3A_1573, %mul3A_1859 : i32
          %add3A_1861 = arith.constant 10 : i32
          %add3A_1862 = arith.addi %mul3A_1860, %add3A_1861 : i32
          %slice3A_1863 = vector.extract_strided_slice %get3A_1580 {offsets = [10], sizes = [1], strides = [1]} : vector<16xf32> to vector<1xf32>
          %squeeze3A_1864 = vector.extract %slice3A_1863[0] : f32 from vector<1xf32>
          %get3A_1865 = arith.index_cast %add3A_1862 : i32 to index
          %get3A_1866 = arith.constant 0 : index
          %get3A_1867 = tpu.vector_load %arg14[%get3A_1865, %get3A_1866] {strides = array<i32>} : memref<256x32xf32, #tpu.memory_space<vmem>>, vector<1x16xf32>,
          %get3A_1868 = vector.shape_cast %get3A_1867 : vector<1x16xf32> to vector<16xf32>
          %mul3A_1869 = vector.broadcast %squeeze3A_1864 : f32 to vector<16xf32>
          %mul3A_1870 = arith.mulf %get3A_1868, %mul3A_1869 : vector<16xf32>
          %swap3A_1871 = arith.index_cast %add3A_1862 : i32 to index
          %swap3A_1872 = arith.constant 0 : index
          %swap3A_1873 = tpu.vector_load %arg15[%swap3A_1871, %swap3A_1872] {strides = array<i32>} : memref<256x32xf32, #tpu.memory_space<vmem>>, vector<1x16xf32>,
          %swap3A_1874 = vector.shape_cast %swap3A_1873 : vector<1x16xf32> to vector<16xf32>
          %swap3A_1875 = vector.shape_cast %mul3A_1870 : vector<16xf32> to vector<1x16xf32>
          tpu.vector_store %arg15[%swap3A_1871, %swap3A_1872], %swap3A_1875 {strides = array<i32>} : memref<256x32xf32, #tpu.memory_space<vmem>>, vector<1x16xf32>,
          %get3A_1876 = arith.index_cast %add3A_1862 : i32 to index
          %get3A_1877 = arith.constant 16 : index
          %get3A_1878 = tpu.vector_load %arg14[%get3A_1876, %get3A_1877] {strides = array<i32>} : memref<256x32xf32, #tpu.memory_space<vmem>>, vector<1x16xf32>,
          %get3A_1879 = vector.shape_cast %get3A_1878 : vector<1x16xf32> to vector<16xf32>
          %mul3A_1880 = vector.broadcast %squeeze3A_1864 : f32 to vector<16xf32>
          %mul3A_1881 = arith.mulf %get3A_1879, %mul3A_1880 : vector<16xf32>
          %swap3A_1882 = arith.index_cast %add3A_1862 : i32 to index
          %swap3A_1883 = arith.constant 16 : index
          %swap3A_1884 = tpu.vector_load %arg15[%swap3A_1882, %swap3A_1883] {strides = array<i32>} : memref<256x32xf32, #tpu.memory_space<vmem>>, vector<1x16xf32>,
          %swap3A_1885 = vector.shape_cast %swap3A_1884 : vector<1x16xf32> to vector<16xf32>
          %swap3A_1886 = vector.shape_cast %mul3A_1881 : vector<16xf32> to vector<1x16xf32>
          tpu.vector_store %arg15[%swap3A_1882, %swap3A_1883], %swap3A_1886 {strides = array<i32>} : memref<256x32xf32, #tpu.memory_space<vmem>>, vector<1x16xf32>,
          %mul3A_1887 = arith.constant 16 : i32
          %mul3A_1888 = arith.muli %scan3A_1573, %mul3A_1887 : i32
          %add3A_1889 = arith.constant 11 : i32
          %add3A_1890 = arith.addi %mul3A_1888, %add3A_1889 : i32
          %slice3A_1891 = vector.extract_strided_slice %get3A_1580 {offsets = [11], sizes = [1], strides = [1]} : vector<16xf32> to vector<1xf32>
          %squeeze3A_1892 = vector.extract %slice3A_1891[0] : f32 from vector<1xf32>
          %get3A_1893 = arith.index_cast %add3A_1890 : i32 to index
          %get3A_1894 = arith.constant 0 : index
          %get3A_1895 = tpu.vector_load %arg14[%get3A_1893, %get3A_1894] {strides = array<i32>} : memref<256x32xf32, #tpu.memory_space<vmem>>, vector<1x16xf32>,
          %get3A_1896 = vector.shape_cast %get3A_1895 : vector<1x16xf32> to vector<16xf32>
          %mul3A_1897 = vector.broadcast %squeeze3A_1892 : f32 to vector<16xf32>
          %mul3A_1898 = arith.mulf %get3A_1896, %mul3A_1897 : vector<16xf32>
          %swap3A_1899 = arith.index_cast %add3A_1890 : i32 to index
          %swap3A_1900 = arith.constant 0 : index
          %swap3A_1901 = tpu.vector_load %arg15[%swap3A_1899, %swap3A_1900] {strides = array<i32>} : memref<256x32xf32, #tpu.memory_space<vmem>>, vector<1x16xf32>,
          %swap3A_1902 = vector.shape_cast %swap3A_1901 : vector<1x16xf32> to vector<16xf32>
          %swap3A_1903 = vector.shape_cast %mul3A_1898 : vector<16xf32> to vector<1x16xf32>
          tpu.vector_store %arg15[%swap3A_1899, %swap3A_1900], %swap3A_1903 {strides = array<i32>} : memref<256x32xf32, #tpu.memory_space<vmem>>, vector<1x16xf32>,
          %get3A_1904 = arith.index_cast %add3A_1890 : i32 to index
          %get3A_1905 = arith.constant 16 : index
          %get3A_1906 = tpu.vector_load %arg14[%get3A_1904, %get3A_1905] {strides = array<i32>} : memref<256x32xf32, #tpu.memory_space<vmem>>, vector<1x16xf32>,
          %get3A_1907 = vector.shape_cast %get3A_1906 : vector<1x16xf32> to vector<16xf32>
          %mul3A_1908 = vector.broadcast %squeeze3A_1892 : f32 to vector<16xf32>
          %mul3A_1909 = arith.mulf %get3A_1907, %mul3A_1908 : vector<16xf32>
          %swap3A_1910 = arith.index_cast %add3A_1890 : i32 to index
          %swap3A_1911 = arith.constant 16 : index
          %swap3A_1912 = tpu.vector_load %arg15[%swap3A_1910, %swap3A_1911] {strides = array<i32>} : memref<256x32xf32, #tpu.memory_space<vmem>>, vector<1x16xf32>,
          %swap3A_1913 = vector.shape_cast %swap3A_1912 : vector<1x16xf32> to vector<16xf32>
          %swap3A_1914 = vector.shape_cast %mul3A_1909 : vector<16xf32> to vector<1x16xf32>
          tpu.vector_store %arg15[%swap3A_1910, %swap3A_1911], %swap3A_1914 {strides = array<i32>} : memref<256x32xf32, #tpu.memory_space<vmem>>, vector<1x16xf32>,
          %mul3A_1915 = arith.constant 16 : i32
          %mul3A_1916 = arith.muli %scan3A_1573, %mul3A_1915 : i32
          %add3A_1917 = arith.constant 12 : i32
          %add3A_1918 = arith.addi %mul3A_1916, %add3A_1917 : i32
          %slice3A_1919 = vector.extract_strided_slice %get3A_1580 {offsets = [12], sizes = [1], strides = [1]} : vector<16xf32> to vector<1xf32>
          %squeeze3A_1920 = vector.extract %slice3A_1919[0] : f32 from vector<1xf32>
          %get3A_1921 = arith.index_cast %add3A_1918 : i32 to index
          %get3A_1922 = arith.constant 0 : index
          %get3A_1923 = tpu.vector_load %arg14[%get3A_1921, %get3A_1922] {strides = array<i32>} : memref<256x32xf32, #tpu.memory_space<vmem>>, vector<1x16xf32>,
          %get3A_1924 = vector.shape_cast %get3A_1923 : vector<1x16xf32> to vector<16xf32>
          %mul3A_1925 = vector.broadcast %squeeze3A_1920 : f32 to vector<16xf32>
          %mul3A_1926 = arith.mulf %get3A_1924, %mul3A_1925 : vector<16xf32>
          %swap3A_1927 = arith.index_cast %add3A_1918 : i32 to index
          %swap3A_1928 = arith.constant 0 : index
          %swap3A_1929 = tpu.vector_load %arg15[%swap3A_1927, %swap3A_1928] {strides = array<i32>} : memref<256x32xf32, #tpu.memory_space<vmem>>, vector<1x16xf32>,
          %swap3A_1930 = vector.shape_cast %swap3A_1929 : vector<1x16xf32> to vector<16xf32>
          %swap3A_1931 = vector.shape_cast %mul3A_1926 : vector<16xf32> to vector<1x16xf32>
          tpu.vector_store %arg15[%swap3A_1927, %swap3A_1928], %swap3A_1931 {strides = array<i32>} : memref<256x32xf32, #tpu.memory_space<vmem>>, vector<1x16xf32>,
          %get3A_1932 = arith.index_cast %add3A_1918 : i32 to index
          %get3A_1933 = arith.constant 16 : index
          %get3A_1934 = tpu.vector_load %arg14[%get3A_1932, %get3A_1933] {strides = array<i32>} : memref<256x32xf32, #tpu.memory_space<vmem>>, vector<1x16xf32>,
          %get3A_1935 = vector.shape_cast %get3A_1934 : vector<1x16xf32> to vector<16xf32>
          %mul3A_1936 = vector.broadcast %squeeze3A_1920 : f32 to vector<16xf32>
          %mul3A_1937 = arith.mulf %get3A_1935, %mul3A_1936 : vector<16xf32>
          %swap3A_1938 = arith.index_cast %add3A_1918 : i32 to index
          %swap3A_1939 = arith.constant 16 : index
          %swap3A_1940 = tpu.vector_load %arg15[%swap3A_1938, %swap3A_1939] {strides = array<i32>} : memref<256x32xf32, #tpu.memory_space<vmem>>, vector<1x16xf32>,
          %swap3A_1941 = vector.shape_cast %swap3A_1940 : vector<1x16xf32> to vector<16xf32>
          %swap3A_1942 = vector.shape_cast %mul3A_1937 : vector<16xf32> to vector<1x16xf32>
          tpu.vector_store %arg15[%swap3A_1938, %swap3A_1939], %swap3A_1942 {strides = array<i32>} : memref<256x32xf32, #tpu.memory_space<vmem>>, vector<1x16xf32>,
          %mul3A_1943 = arith.constant 16 : i32
          %mul3A_1944 = arith.muli %scan3A_1573, %mul3A_1943 : i32
          %add3A_1945 = arith.constant 13 : i32
          %add3A_1946 = arith.addi %mul3A_1944, %add3A_1945 : i32
          %slice3A_1947 = vector.extract_strided_slice %get3A_1580 {offsets = [13], sizes = [1], strides = [1]} : vector<16xf32> to vector<1xf32>
          %squeeze3A_1948 = vector.extract %slice3A_1947[0] : f32 from vector<1xf32>
          %get3A_1949 = arith.index_cast %add3A_1946 : i32 to index
          %get3A_1950 = arith.constant 0 : index
          %get3A_1951 = tpu.vector_load %arg14[%get3A_1949, %get3A_1950] {strides = array<i32>} : memref<256x32xf32, #tpu.memory_space<vmem>>, vector<1x16xf32>,
          %get3A_1952 = vector.shape_cast %get3A_1951 : vector<1x16xf32> to vector<16xf32>
          %mul3A_1953 = vector.broadcast %squeeze3A_1948 : f32 to vector<16xf32>
          %mul3A_1954 = arith.mulf %get3A_1952, %mul3A_1953 : vector<16xf32>
          %swap3A_1955 = arith.index_cast %add3A_1946 : i32 to index
          %swap3A_1956 = arith.constant 0 : index
          %swap3A_1957 = tpu.vector_load %arg15[%swap3A_1955, %swap3A_1956] {strides = array<i32>} : memref<256x32xf32, #tpu.memory_space<vmem>>, vector<1x16xf32>,
          %swap3A_1958 = vector.shape_cast %swap3A_1957 : vector<1x16xf32> to vector<16xf32>
          %swap3A_1959 = vector.shape_cast %mul3A_1954 : vector<16xf32> to vector<1x16xf32>
          tpu.vector_store %arg15[%swap3A_1955, %swap3A_1956], %swap3A_1959 {strides = array<i32>} : memref<256x32xf32, #tpu.memory_space<vmem>>, vector<1x16xf32>,
          %get3A_1960 = arith.index_cast %add3A_1946 : i32 to index
          %get3A_1961 = arith.constant 16 : index
          %get3A_1962 = tpu.vector_load %arg14[%get3A_1960, %get3A_1961] {strides = array<i32>} : memref<256x32xf32, #tpu.memory_space<vmem>>, vector<1x16xf32>,
          %get3A_1963 = vector.shape_cast %get3A_1962 : vector<1x16xf32> to vector<16xf32>
          %mul3A_1964 = vector.broadcast %squeeze3A_1948 : f32 to vector<16xf32>
          %mul3A_1965 = arith.mulf %get3A_1963, %mul3A_1964 : vector<16xf32>
          %swap3A_1966 = arith.index_cast %add3A_1946 : i32 to index
          %swap3A_1967 = arith.constant 16 : index
          %swap3A_1968 = tpu.vector_load %arg15[%swap3A_1966, %swap3A_1967] {strides = array<i32>} : memref<256x32xf32, #tpu.memory_space<vmem>>, vector<1x16xf32>,
          %swap3A_1969 = vector.shape_cast %swap3A_1968 : vector<1x16xf32> to vector<16xf32>
          %swap3A_1970 = vector.shape_cast %mul3A_1965 : vector<16xf32> to vector<1x16xf32>
          tpu.vector_store %arg15[%swap3A_1966, %swap3A_1967], %swap3A_1970 {strides = array<i32>} : memref<256x32xf32, #tpu.memory_space<vmem>>, vector<1x16xf32>,
          %mul3A_1971 = arith.constant 16 : i32
          %mul3A_1972 = arith.muli %scan3A_1573, %mul3A_1971 : i32
          %add3A_1973 = arith.constant 14 : i32
          %add3A_1974 = arith.addi %mul3A_1972, %add3A_1973 : i32
          %slice3A_1975 = vector.extract_strided_slice %get3A_1580 {offsets = [14], sizes = [1], strides = [1]} : vector<16xf32> to vector<1xf32>
          %squeeze3A_1976 = vector.extract %slice3A_1975[0] : f32 from vector<1xf32>
          %get3A_1977 = arith.index_cast %add3A_1974 : i32 to index
          %get3A_1978 = arith.constant 0 : index
          %get3A_1979 = tpu.vector_load %arg14[%get3A_1977, %get3A_1978] {strides = array<i32>} : memref<256x32xf32, #tpu.memory_space<vmem>>, vector<1x16xf32>,
          %get3A_1980 = vector.shape_cast %get3A_1979 : vector<1x16xf32> to vector<16xf32>
          %mul3A_1981 = vector.broadcast %squeeze3A_1976 : f32 to vector<16xf32>
          %mul3A_1982 = arith.mulf %get3A_1980, %mul3A_1981 : vector<16xf32>
          %swap3A_1983 = arith.index_cast %add3A_1974 : i32 to index
          %swap3A_1984 = arith.constant 0 : index
          %swap3A_1985 = tpu.vector_load %arg15[%swap3A_1983, %swap3A_1984] {strides = array<i32>} : memref<256x32xf32, #tpu.memory_space<vmem>>, vector<1x16xf32>,
          %swap3A_1986 = vector.shape_cast %swap3A_1985 : vector<1x16xf32> to vector<16xf32>
          %swap3A_1987 = vector.shape_cast %mul3A_1982 : vector<16xf32> to vector<1x16xf32>
          tpu.vector_store %arg15[%swap3A_1983, %swap3A_1984], %swap3A_1987 {strides = array<i32>} : memref<256x32xf32, #tpu.memory_space<vmem>>, vector<1x16xf32>,
          %get3A_1988 = arith.index_cast %add3A_1974 : i32 to index
          %get3A_1989 = arith.constant 16 : index
          %get3A_1990 = tpu.vector_load %arg14[%get3A_1988, %get3A_1989] {strides = array<i32>} : memref<256x32xf32, #tpu.memory_space<vmem>>, vector<1x16xf32>,
          %get3A_1991 = vector.shape_cast %get3A_1990 : vector<1x16xf32> to vector<16xf32>
          %mul3A_1992 = vector.broadcast %squeeze3A_1976 : f32 to vector<16xf32>
          %mul3A_1993 = arith.mulf %get3A_1991, %mul3A_1992 : vector<16xf32>
          %swap3A_1994 = arith.index_cast %add3A_1974 : i32 to index
          %swap3A_1995 = arith.constant 16 : index
          %swap3A_1996 = tpu.vector_load %arg15[%swap3A_1994, %swap3A_1995] {strides = array<i32>} : memref<256x32xf32, #tpu.memory_space<vmem>>, vector<1x16xf32>,
          %swap3A_1997 = vector.shape_cast %swap3A_1996 : vector<1x16xf32> to vector<16xf32>
          %swap3A_1998 = vector.shape_cast %mul3A_1993 : vector<16xf32> to vector<1x16xf32>
          tpu.vector_store %arg15[%swap3A_1994, %swap3A_1995], %swap3A_1998 {strides = array<i32>} : memref<256x32xf32, #tpu.memory_space<vmem>>, vector<1x16xf32>,
          %mul3A_1999 = arith.constant 16 : i32
          %mul3A_2000 = arith.muli %scan3A_1573, %mul3A_1999 : i32
          %add3A_2001 = arith.constant 15 : i32
          %add3A_2002 = arith.addi %mul3A_2000, %add3A_2001 : i32
          %slice3A_2003 = vector.extract_strided_slice %get3A_1580 {offsets = [15], sizes = [1], strides = [1]} : vector<16xf32> to vector<1xf32>
          %squeeze3A_2004 = vector.extract %slice3A_2003[0] : f32 from vector<1xf32>
          %get3A_2005 = arith.index_cast %add3A_2002 : i32 to index
          %get3A_2006 = arith.constant 0 : index
          %get3A_2007 = tpu.vector_load %arg14[%get3A_2005, %get3A_2006] {strides = array<i32>} : memref<256x32xf32, #tpu.memory_space<vmem>>, vector<1x16xf32>,
          %get3A_2008 = vector.shape_cast %get3A_2007 : vector<1x16xf32> to vector<16xf32>
          %mul3A_2009 = vector.broadcast %squeeze3A_2004 : f32 to vector<16xf32>
          %mul3A_2010 = arith.mulf %get3A_2008, %mul3A_2009 : vector<16xf32>
          %swap3A_2011 = arith.index_cast %add3A_2002 : i32 to index
          %swap3A_2012 = arith.constant 0 : index
          %swap3A_2013 = tpu.vector_load %arg15[%swap3A_2011, %swap3A_2012] {strides = array<i32>} : memref<256x32xf32, #tpu.memory_space<vmem>>, vector<1x16xf32>,
          %swap3A_2014 = vector.shape_cast %swap3A_2013 : vector<1x16xf32> to vector<16xf32>
          %swap3A_2015 = vector.shape_cast %mul3A_2010 : vector<16xf32> to vector<1x16xf32>
          tpu.vector_store %arg15[%swap3A_2011, %swap3A_2012], %swap3A_2015 {strides = array<i32>} : memref<256x32xf32, #tpu.memory_space<vmem>>, vector<1x16xf32>,
          %get3A_2016 = arith.index_cast %add3A_2002 : i32 to index
          %get3A_2017 = arith.constant 16 : index
          %get3A_2018 = tpu.vector_load %arg14[%get3A_2016, %get3A_2017] {strides = array<i32>} : memref<256x32xf32, #tpu.memory_space<vmem>>, vector<1x16xf32>,
          %get3A_2019 = vector.shape_cast %get3A_2018 : vector<1x16xf32> to vector<16xf32>
          %mul3A_2020 = vector.broadcast %squeeze3A_2004 : f32 to vector<16xf32>
          %mul3A_2021 = arith.mulf %get3A_2019, %mul3A_2020 : vector<16xf32>
          %swap3A_2022 = arith.index_cast %add3A_2002 : i32 to index
          %swap3A_2023 = arith.constant 16 : index
          %swap3A_2024 = tpu.vector_load %arg15[%swap3A_2022, %swap3A_2023] {strides = array<i32>} : memref<256x32xf32, #tpu.memory_space<vmem>>, vector<1x16xf32>,
          %swap3A_2025 = vector.shape_cast %swap3A_2024 : vector<1x16xf32> to vector<16xf32>
          %swap3A_2026 = vector.shape_cast %mul3A_2021 : vector<16xf32> to vector<1x16xf32>
          tpu.vector_store %arg15[%swap3A_2022, %swap3A_2023], %swap3A_2026 {strides = array<i32>} : memref<256x32xf32, #tpu.memory_space<vmem>>, vector<1x16xf32>,
        }
        %scan3A_1517 = arith.constant 16 : i32
        %dma_start3A_1518 = arith.constant 256 : i32
        %dma_start3A_1519 = tpu.memref_slice %arg8[%dma_start3A_1518] : memref<1024xi32, #tpu.memory_space<vmem>> -> memref<256xi32, #tpu.memory_space<vmem>>
        %dma_start3A_1520 = arith.constant 0 : i32
        %dma_start3A_1521 = arith.constant 0 : i32
        %dma_start3A_1522 = tpu.memref_slice %arg16[%dma_start3A_1520, %dma_start3A_1521] : memref<50048x32xf32, #tpu.memory_space<vmem_shared>> -> memref<50048x32xf32, #tpu.memory_space<vmem_shared>>
        tpu.enqueue_indirect_dma source(%arg15 : memref<256x32xf32, #tpu.memory_space<vmem>>) target(%dma_start3A_1522 : memref<50048x32xf32, #tpu.memory_space<vmem_shared>>) offsets(%dma_start3A_1519 : memref<256xi32, #tpu.memory_space<vmem>>) semaphore(%arg19 : memref<!tpu.dma_semaphore, #tpu.memory_space<semaphore_mem>>) {add = true}
        %dma_start3A_1523 = arith.constant 768 : i32
        %dma_start3A_1524 = tpu.memref_slice %arg7[%dma_start3A_1523] : memref<1024xi32, #tpu.memory_space<vmem>> -> memref<256xi32, #tpu.memory_space<vmem>>
        %dma_start3A_1525 = arith.constant 0 : i32
        %dma_start3A_1526 = arith.constant 0 : i32
        %dma_start3A_1527 = tpu.memref_slice %arg6[%dma_start3A_1525, %dma_start3A_1526] : memref<400384x32xf32, #tpu.memory_space<hbm>> -> memref<400384x32xf32, #tpu.memory_space<hbm>>
        tpu.enqueue_indirect_dma source(%dma_start3A_1527 : memref<400384x32xf32, #tpu.memory_space<hbm>>) target(%arg14 : memref<256x32xf32, #tpu.memory_space<vmem>>) offsets(%dma_start3A_1524 : memref<256xi32, #tpu.memory_space<vmem>>) semaphore(%arg18 : memref<!tpu.dma_semaphore, #tpu.memory_space<semaphore_mem>>)
        %dma_wait3A_1528 = arith.constant 512 : i32
        %dma_wait3A_1529 = tpu.memref_slice %arg7[%dma_wait3A_1528] : memref<1024xi32, #tpu.memory_space<vmem>> -> memref<256xi32, #tpu.memory_space<vmem>>
        %dma_wait3A_1530 = arith.constant 0 : i32
        %dma_wait3A_1531 = arith.constant 0 : i32
        %dma_wait3A_1532 = tpu.memref_slice %arg6[%dma_wait3A_1530, %dma_wait3A_1531] : memref<400384x32xf32, #tpu.memory_space<hbm>> -> memref<400384x32xf32, #tpu.memory_space<hbm>>
        tpu.wait_indirect_dma semaphore(%arg17 : memref<!tpu.dma_semaphore, #tpu.memory_space<semaphore_mem>>) src(%dma_wait3A_1532 : memref<400384x32xf32, #tpu.memory_space<hbm>>) dst(%arg13 : memref<256x32xf32, #tpu.memory_space<vmem>>)
        %dma_wait3A_1533 = arith.constant 256 : i32
        %dma_wait3A_1534 = tpu.memref_slice %arg8[%dma_wait3A_1533] : memref<1024xi32, #tpu.memory_space<vmem>> -> memref<256xi32, #tpu.memory_space<vmem>>
        %dma_wait3A_1535 = arith.constant 0 : i32
        %dma_wait3A_1536 = arith.constant 0 : i32
        %dma_wait3A_1537 = tpu.memref_slice %arg16[%dma_wait3A_1535, %dma_wait3A_1536] : memref<50048x32xf32, #tpu.memory_space<vmem_shared>> -> memref<50048x32xf32, #tpu.memory_space<vmem_shared>>
        tpu.wait_indirect_dma semaphore(%arg19 : memref<!tpu.dma_semaphore, #tpu.memory_space<semaphore_mem>>) src(%arg15 : memref<256x32xf32, #tpu.memory_space<vmem>>) dst(%dma_wait3A_1537 : memref<50048x32xf32, #tpu.memory_space<vmem_shared>>)
        %scan3A_1538 = arith.constant 0 : i32
        %scan3A_1539 = arith.constant 16 : i32
        %scan3A_1540 = arith.addi %scan3A_1538, %scan3A_1539 : i32
        %scan3A_1541 = arith.constant 1 : i32
        scf.for %scan3A_1573 = %scan3A_1538 to %scan3A_1540 step %scan3A_1541  : i32 {
          %mul3A_1574 = arith.constant 16 : i32
          %mul3A_1575 = arith.muli %scan3A_1573, %mul3A_1574 : i32
          %add3A_1576 = arith.constant 512 : i32
          %add3A_1577 = arith.addi %add3A_1576, %mul3A_1575 : i32
          %get3A_1578 = arith.index_cast %add3A_1577 : i32 to index
          %get3A_1579 = tpu.vector_load %arg9[%get3A_1578] {strides = array<i32>} : memref<1040xf32, #tpu.memory_space<vmem>>, vector<16xf32>,
          %get3A_1580 = vector.shape_cast %get3A_1579 : vector<16xf32> to vector<16xf32>
          %mul3A_1581 = arith.constant 16 : i32
          %mul3A_1582 = arith.muli %scan3A_1573, %mul3A_1581 : i32
          %add3A_1583 = arith.constant 0 : i32
          %add3A_1584 = arith.addi %mul3A_1582, %add3A_1583 : i32
          %slice3A = vector.extract_strided_slice %get3A_1580 {offsets = [0], sizes = [1], strides = [1]} : vector<16xf32> to vector<1xf32>
          %squeeze3A = vector.extract %slice3A[0] : f32 from vector<1xf32>
          %get3A_1585 = arith.index_cast %add3A_1584 : i32 to index
          %get3A_1586 = arith.constant 0 : index
          %get3A_1587 = tpu.vector_load %arg13[%get3A_1585, %get3A_1586] {strides = array<i32>} : memref<256x32xf32, #tpu.memory_space<vmem>>, vector<1x16xf32>,
          %get3A_1588 = vector.shape_cast %get3A_1587 : vector<1x16xf32> to vector<16xf32>
          %mul3A_1589 = vector.broadcast %squeeze3A : f32 to vector<16xf32>
          %mul3A_1590 = arith.mulf %get3A_1588, %mul3A_1589 : vector<16xf32>
          %swap3A_1591 = arith.index_cast %add3A_1584 : i32 to index
          %swap3A_1592 = arith.constant 0 : index
          %swap3A_1593 = tpu.vector_load %arg15[%swap3A_1591, %swap3A_1592] {strides = array<i32>} : memref<256x32xf32, #tpu.memory_space<vmem>>, vector<1x16xf32>,
          %swap3A_1594 = vector.shape_cast %swap3A_1593 : vector<1x16xf32> to vector<16xf32>
          %swap3A_1595 = vector.shape_cast %mul3A_1590 : vector<16xf32> to vector<1x16xf32>
          tpu.vector_store %arg15[%swap3A_1591, %swap3A_1592], %swap3A_1595 {strides = array<i32>} : memref<256x32xf32, #tpu.memory_space<vmem>>, vector<1x16xf32>,
          %get3A_1596 = arith.index_cast %add3A_1584 : i32 to index
          %get3A_1597 = arith.constant 16 : index
          %get3A_1598 = tpu.vector_load %arg13[%get3A_1596, %get3A_1597] {strides = array<i32>} : memref<256x32xf32, #tpu.memory_space<vmem>>, vector<1x16xf32>,
          %get3A_1599 = vector.shape_cast %get3A_1598 : vector<1x16xf32> to vector<16xf32>
          %mul3A_1600 = vector.broadcast %squeeze3A : f32 to vector<16xf32>
          %mul3A_1601 = arith.mulf %get3A_1599, %mul3A_1600 : vector<16xf32>
          %swap3A_1602 = arith.index_cast %add3A_1584 : i32 to index
          %swap3A_1603 = arith.constant 16 : index
          %swap3A_1604 = tpu.vector_load %arg15[%swap3A_1602, %swap3A_1603] {strides = array<i32>} : memref<256x32xf32, #tpu.memory_space<vmem>>, vector<1x16xf32>,
          %swap3A_1605 = vector.shape_cast %swap3A_1604 : vector<1x16xf32> to vector<16xf32>
          %swap3A_1606 = vector.shape_cast %mul3A_1601 : vector<16xf32> to vector<1x16xf32>
          tpu.vector_store %arg15[%swap3A_1602, %swap3A_1603], %swap3A_1606 {strides = array<i32>} : memref<256x32xf32, #tpu.memory_space<vmem>>, vector<1x16xf32>,
          %mul3A_1607 = arith.constant 16 : i32
          %mul3A_1608 = arith.muli %scan3A_1573, %mul3A_1607 : i32
          %add3A_1609 = arith.constant 1 : i32
          %add3A_1610 = arith.addi %mul3A_1608, %add3A_1609 : i32
          %slice3A_1611 = vector.extract_strided_slice %get3A_1580 {offsets = [1], sizes = [1], strides = [1]} : vector<16xf32> to vector<1xf32>
          %squeeze3A_1612 = vector.extract %slice3A_1611[0] : f32 from vector<1xf32>
          %get3A_1613 = arith.index_cast %add3A_1610 : i32 to index
          %get3A_1614 = arith.constant 0 : index
          %get3A_1615 = tpu.vector_load %arg13[%get3A_1613, %get3A_1614] {strides = array<i32>} : memref<256x32xf32, #tpu.memory_space<vmem>>, vector<1x16xf32>,
          %get3A_1616 = vector.shape_cast %get3A_1615 : vector<1x16xf32> to vector<16xf32>
          %mul3A_1617 = vector.broadcast %squeeze3A_1612 : f32 to vector<16xf32>
          %mul3A_1618 = arith.mulf %get3A_1616, %mul3A_1617 : vector<16xf32>
          %swap3A_1619 = arith.index_cast %add3A_1610 : i32 to index
          %swap3A_1620 = arith.constant 0 : index
          %swap3A_1621 = tpu.vector_load %arg15[%swap3A_1619, %swap3A_1620] {strides = array<i32>} : memref<256x32xf32, #tpu.memory_space<vmem>>, vector<1x16xf32>,
          %swap3A_1622 = vector.shape_cast %swap3A_1621 : vector<1x16xf32> to vector<16xf32>
          %swap3A_1623 = vector.shape_cast %mul3A_1618 : vector<16xf32> to vector<1x16xf32>
          tpu.vector_store %arg15[%swap3A_1619, %swap3A_1620], %swap3A_1623 {strides = array<i32>} : memref<256x32xf32, #tpu.memory_space<vmem>>, vector<1x16xf32>,
          %get3A_1624 = arith.index_cast %add3A_1610 : i32 to index
          %get3A_1625 = arith.constant 16 : index
          %get3A_1626 = tpu.vector_load %arg13[%get3A_1624, %get3A_1625] {strides = array<i32>} : memref<256x32xf32, #tpu.memory_space<vmem>>, vector<1x16xf32>,
          %get3A_1627 = vector.shape_cast %get3A_1626 : vector<1x16xf32> to vector<16xf32>
          %mul3A_1628 = vector.broadcast %squeeze3A_1612 : f32 to vector<16xf32>
          %mul3A_1629 = arith.mulf %get3A_1627, %mul3A_1628 : vector<16xf32>
          %swap3A_1630 = arith.index_cast %add3A_1610 : i32 to index
          %swap3A_1631 = arith.constant 16 : index
          %swap3A_1632 = tpu.vector_load %arg15[%swap3A_1630, %swap3A_1631] {strides = array<i32>} : memref<256x32xf32, #tpu.memory_space<vmem>>, vector<1x16xf32>,
          %swap3A_1633 = vector.shape_cast %swap3A_1632 : vector<1x16xf32> to vector<16xf32>
          %swap3A_1634 = vector.shape_cast %mul3A_1629 : vector<16xf32> to vector<1x16xf32>
          tpu.vector_store %arg15[%swap3A_1630, %swap3A_1631], %swap3A_1634 {strides = array<i32>} : memref<256x32xf32, #tpu.memory_space<vmem>>, vector<1x16xf32>,
          %mul3A_1635 = arith.constant 16 : i32
          %mul3A_1636 = arith.muli %scan3A_1573, %mul3A_1635 : i32
          %add3A_1637 = arith.constant 2 : i32
          %add3A_1638 = arith.addi %mul3A_1636, %add3A_1637 : i32
          %slice3A_1639 = vector.extract_strided_slice %get3A_1580 {offsets = [2], sizes = [1], strides = [1]} : vector<16xf32> to vector<1xf32>
          %squeeze3A_1640 = vector.extract %slice3A_1639[0] : f32 from vector<1xf32>
          %get3A_1641 = arith.index_cast %add3A_1638 : i32 to index
          %get3A_1642 = arith.constant 0 : index
          %get3A_1643 = tpu.vector_load %arg13[%get3A_1641, %get3A_1642] {strides = array<i32>} : memref<256x32xf32, #tpu.memory_space<vmem>>, vector<1x16xf32>,
          %get3A_1644 = vector.shape_cast %get3A_1643 : vector<1x16xf32> to vector<16xf32>
          %mul3A_1645 = vector.broadcast %squeeze3A_1640 : f32 to vector<16xf32>
          %mul3A_1646 = arith.mulf %get3A_1644, %mul3A_1645 : vector<16xf32>
          %swap3A_1647 = arith.index_cast %add3A_1638 : i32 to index
          %swap3A_1648 = arith.constant 0 : index
          %swap3A_1649 = tpu.vector_load %arg15[%swap3A_1647, %swap3A_1648] {strides = array<i32>} : memref<256x32xf32, #tpu.memory_space<vmem>>, vector<1x16xf32>,
          %swap3A_1650 = vector.shape_cast %swap3A_1649 : vector<1x16xf32> to vector<16xf32>
          %swap3A_1651 = vector.shape_cast %mul3A_1646 : vector<16xf32> to vector<1x16xf32>
          tpu.vector_store %arg15[%swap3A_1647, %swap3A_1648], %swap3A_1651 {strides = array<i32>} : memref<256x32xf32, #tpu.memory_space<vmem>>, vector<1x16xf32>,
          %get3A_1652 = arith.index_cast %add3A_1638 : i32 to index
          %get3A_1653 = arith.constant 16 : index
          %get3A_1654 = tpu.vector_load %arg13[%get3A_1652, %get3A_1653] {strides = array<i32>} : memref<256x32xf32, #tpu.memory_space<vmem>>, vector<1x16xf32>,
          %get3A_1655 = vector.shape_cast %get3A_1654 : vector<1x16xf32> to vector<16xf32>
          %mul3A_1656 = vector.broadcast %squeeze3A_1640 : f32 to vector<16xf32>
          %mul3A_1657 = arith.mulf %get3A_1655, %mul3A_1656 : vector<16xf32>
          %swap3A_1658 = arith.index_cast %add3A_1638 : i32 to index
          %swap3A_1659 = arith.constant 16 : index
          %swap3A_1660 = tpu.vector_load %arg15[%swap3A_1658, %swap3A_1659] {strides = array<i32>} : memref<256x32xf32, #tpu.memory_space<vmem>>, vector<1x16xf32>,
          %swap3A_1661 = vector.shape_cast %swap3A_1660 : vector<1x16xf32> to vector<16xf32>
          %swap3A_1662 = vector.shape_cast %mul3A_1657 : vector<16xf32> to vector<1x16xf32>
          tpu.vector_store %arg15[%swap3A_1658, %swap3A_1659], %swap3A_1662 {strides = array<i32>} : memref<256x32xf32, #tpu.memory_space<vmem>>, vector<1x16xf32>,
          %mul3A_1663 = arith.constant 16 : i32
          %mul3A_1664 = arith.muli %scan3A_1573, %mul3A_1663 : i32
          %add3A_1665 = arith.constant 3 : i32
          %add3A_1666 = arith.addi %mul3A_1664, %add3A_1665 : i32
          %slice3A_1667 = vector.extract_strided_slice %get3A_1580 {offsets = [3], sizes = [1], strides = [1]} : vector<16xf32> to vector<1xf32>
          %squeeze3A_1668 = vector.extract %slice3A_1667[0] : f32 from vector<1xf32>
          %get3A_1669 = arith.index_cast %add3A_1666 : i32 to index
          %get3A_1670 = arith.constant 0 : index
          %get3A_1671 = tpu.vector_load %arg13[%get3A_1669, %get3A_1670] {strides = array<i32>} : memref<256x32xf32, #tpu.memory_space<vmem>>, vector<1x16xf32>,
          %get3A_1672 = vector.shape_cast %get3A_1671 : vector<1x16xf32> to vector<16xf32>
          %mul3A_1673 = vector.broadcast %squeeze3A_1668 : f32 to vector<16xf32>
          %mul3A_1674 = arith.mulf %get3A_1672, %mul3A_1673 : vector<16xf32>
          %swap3A_1675 = arith.index_cast %add3A_1666 : i32 to index
          %swap3A_1676 = arith.constant 0 : index
          %swap3A_1677 = tpu.vector_load %arg15[%swap3A_1675, %swap3A_1676] {strides = array<i32>} : memref<256x32xf32, #tpu.memory_space<vmem>>, vector<1x16xf32>,
          %swap3A_1678 = vector.shape_cast %swap3A_1677 : vector<1x16xf32> to vector<16xf32>
          %swap3A_1679 = vector.shape_cast %mul3A_1674 : vector<16xf32> to vector<1x16xf32>
          tpu.vector_store %arg15[%swap3A_1675, %swap3A_1676], %swap3A_1679 {strides = array<i32>} : memref<256x32xf32, #tpu.memory_space<vmem>>, vector<1x16xf32>,
          %get3A_1680 = arith.index_cast %add3A_1666 : i32 to index
          %get3A_1681 = arith.constant 16 : index
          %get3A_1682 = tpu.vector_load %arg13[%get3A_1680, %get3A_1681] {strides = array<i32>} : memref<256x32xf32, #tpu.memory_space<vmem>>, vector<1x16xf32>,
          %get3A_1683 = vector.shape_cast %get3A_1682 : vector<1x16xf32> to vector<16xf32>
          %mul3A_1684 = vector.broadcast %squeeze3A_1668 : f32 to vector<16xf32>
          %mul3A_1685 = arith.mulf %get3A_1683, %mul3A_1684 : vector<16xf32>
          %swap3A_1686 = arith.index_cast %add3A_1666 : i32 to index
          %swap3A_1687 = arith.constant 16 : index
          %swap3A_1688 = tpu.vector_load %arg15[%swap3A_1686, %swap3A_1687] {strides = array<i32>} : memref<256x32xf32, #tpu.memory_space<vmem>>, vector<1x16xf32>,
          %swap3A_1689 = vector.shape_cast %swap3A_1688 : vector<1x16xf32> to vector<16xf32>
          %swap3A_1690 = vector.shape_cast %mul3A_1685 : vector<16xf32> to vector<1x16xf32>
          tpu.vector_store %arg15[%swap3A_1686, %swap3A_1687], %swap3A_1690 {strides = array<i32>} : memref<256x32xf32, #tpu.memory_space<vmem>>, vector<1x16xf32>,
          %mul3A_1691 = arith.constant 16 : i32
          %mul3A_1692 = arith.muli %scan3A_1573, %mul3A_1691 : i32
          %add3A_1693 = arith.constant 4 : i32
          %add3A_1694 = arith.addi %mul3A_1692, %add3A_1693 : i32
          %slice3A_1695 = vector.extract_strided_slice %get3A_1580 {offsets = [4], sizes = [1], strides = [1]} : vector<16xf32> to vector<1xf32>
          %squeeze3A_1696 = vector.extract %slice3A_1695[0] : f32 from vector<1xf32>
          %get3A_1697 = arith.index_cast %add3A_1694 : i32 to index
          %get3A_1698 = arith.constant 0 : index
          %get3A_1699 = tpu.vector_load %arg13[%get3A_1697, %get3A_1698] {strides = array<i32>} : memref<256x32xf32, #tpu.memory_space<vmem>>, vector<1x16xf32>,
          %get3A_1700 = vector.shape_cast %get3A_1699 : vector<1x16xf32> to vector<16xf32>
          %mul3A_1701 = vector.broadcast %squeeze3A_1696 : f32 to vector<16xf32>
          %mul3A_1702 = arith.mulf %get3A_1700, %mul3A_1701 : vector<16xf32>
          %swap3A_1703 = arith.index_cast %add3A_1694 : i32 to index
          %swap3A_1704 = arith.constant 0 : index
          %swap3A_1705 = tpu.vector_load %arg15[%swap3A_1703, %swap3A_1704] {strides = array<i32>} : memref<256x32xf32, #tpu.memory_space<vmem>>, vector<1x16xf32>,
          %swap3A_1706 = vector.shape_cast %swap3A_1705 : vector<1x16xf32> to vector<16xf32>
          %swap3A_1707 = vector.shape_cast %mul3A_1702 : vector<16xf32> to vector<1x16xf32>
          tpu.vector_store %arg15[%swap3A_1703, %swap3A_1704], %swap3A_1707 {strides = array<i32>} : memref<256x32xf32, #tpu.memory_space<vmem>>, vector<1x16xf32>,
          %get3A_1708 = arith.index_cast %add3A_1694 : i32 to index
          %get3A_1709 = arith.constant 16 : index
          %get3A_1710 = tpu.vector_load %arg13[%get3A_1708, %get3A_1709] {strides = array<i32>} : memref<256x32xf32, #tpu.memory_space<vmem>>, vector<1x16xf32>,
          %get3A_1711 = vector.shape_cast %get3A_1710 : vector<1x16xf32> to vector<16xf32>
          %mul3A_1712 = vector.broadcast %squeeze3A_1696 : f32 to vector<16xf32>
          %mul3A_1713 = arith.mulf %get3A_1711, %mul3A_1712 : vector<16xf32>
          %swap3A_1714 = arith.index_cast %add3A_1694 : i32 to index
          %swap3A_1715 = arith.constant 16 : index
          %swap3A_1716 = tpu.vector_load %arg15[%swap3A_1714, %swap3A_1715] {strides = array<i32>} : memref<256x32xf32, #tpu.memory_space<vmem>>, vector<1x16xf32>,
          %swap3A_1717 = vector.shape_cast %swap3A_1716 : vector<1x16xf32> to vector<16xf32>
          %swap3A_1718 = vector.shape_cast %mul3A_1713 : vector<16xf32> to vector<1x16xf32>
          tpu.vector_store %arg15[%swap3A_1714, %swap3A_1715], %swap3A_1718 {strides = array<i32>} : memref<256x32xf32, #tpu.memory_space<vmem>>, vector<1x16xf32>,
          %mul3A_1719 = arith.constant 16 : i32
          %mul3A_1720 = arith.muli %scan3A_1573, %mul3A_1719 : i32
          %add3A_1721 = arith.constant 5 : i32
          %add3A_1722 = arith.addi %mul3A_1720, %add3A_1721 : i32
          %slice3A_1723 = vector.extract_strided_slice %get3A_1580 {offsets = [5], sizes = [1], strides = [1]} : vector<16xf32> to vector<1xf32>
          %squeeze3A_1724 = vector.extract %slice3A_1723[0] : f32 from vector<1xf32>
          %get3A_1725 = arith.index_cast %add3A_1722 : i32 to index
          %get3A_1726 = arith.constant 0 : index
          %get3A_1727 = tpu.vector_load %arg13[%get3A_1725, %get3A_1726] {strides = array<i32>} : memref<256x32xf32, #tpu.memory_space<vmem>>, vector<1x16xf32>,
          %get3A_1728 = vector.shape_cast %get3A_1727 : vector<1x16xf32> to vector<16xf32>
          %mul3A_1729 = vector.broadcast %squeeze3A_1724 : f32 to vector<16xf32>
          %mul3A_1730 = arith.mulf %get3A_1728, %mul3A_1729 : vector<16xf32>
          %swap3A_1731 = arith.index_cast %add3A_1722 : i32 to index
          %swap3A_1732 = arith.constant 0 : index
          %swap3A_1733 = tpu.vector_load %arg15[%swap3A_1731, %swap3A_1732] {strides = array<i32>} : memref<256x32xf32, #tpu.memory_space<vmem>>, vector<1x16xf32>,
          %swap3A_1734 = vector.shape_cast %swap3A_1733 : vector<1x16xf32> to vector<16xf32>
          %swap3A_1735 = vector.shape_cast %mul3A_1730 : vector<16xf32> to vector<1x16xf32>
          tpu.vector_store %arg15[%swap3A_1731, %swap3A_1732], %swap3A_1735 {strides = array<i32>} : memref<256x32xf32, #tpu.memory_space<vmem>>, vector<1x16xf32>,
          %get3A_1736 = arith.index_cast %add3A_1722 : i32 to index
          %get3A_1737 = arith.constant 16 : index
          %get3A_1738 = tpu.vector_load %arg13[%get3A_1736, %get3A_1737] {strides = array<i32>} : memref<256x32xf32, #tpu.memory_space<vmem>>, vector<1x16xf32>,
          %get3A_1739 = vector.shape_cast %get3A_1738 : vector<1x16xf32> to vector<16xf32>
          %mul3A_1740 = vector.broadcast %squeeze3A_1724 : f32 to vector<16xf32>
          %mul3A_1741 = arith.mulf %get3A_1739, %mul3A_1740 : vector<16xf32>
          %swap3A_1742 = arith.index_cast %add3A_1722 : i32 to index
          %swap3A_1743 = arith.constant 16 : index
          %swap3A_1744 = tpu.vector_load %arg15[%swap3A_1742, %swap3A_1743] {strides = array<i32>} : memref<256x32xf32, #tpu.memory_space<vmem>>, vector<1x16xf32>,
          %swap3A_1745 = vector.shape_cast %swap3A_1744 : vector<1x16xf32> to vector<16xf32>
          %swap3A_1746 = vector.shape_cast %mul3A_1741 : vector<16xf32> to vector<1x16xf32>
          tpu.vector_store %arg15[%swap3A_1742, %swap3A_1743], %swap3A_1746 {strides = array<i32>} : memref<256x32xf32, #tpu.memory_space<vmem>>, vector<1x16xf32>,
          %mul3A_1747 = arith.constant 16 : i32
          %mul3A_1748 = arith.muli %scan3A_1573, %mul3A_1747 : i32
          %add3A_1749 = arith.constant 6 : i32
          %add3A_1750 = arith.addi %mul3A_1748, %add3A_1749 : i32
          %slice3A_1751 = vector.extract_strided_slice %get3A_1580 {offsets = [6], sizes = [1], strides = [1]} : vector<16xf32> to vector<1xf32>
          %squeeze3A_1752 = vector.extract %slice3A_1751[0] : f32 from vector<1xf32>
          %get3A_1753 = arith.index_cast %add3A_1750 : i32 to index
          %get3A_1754 = arith.constant 0 : index
          %get3A_1755 = tpu.vector_load %arg13[%get3A_1753, %get3A_1754] {strides = array<i32>} : memref<256x32xf32, #tpu.memory_space<vmem>>, vector<1x16xf32>,
          %get3A_1756 = vector.shape_cast %get3A_1755 : vector<1x16xf32> to vector<16xf32>
          %mul3A_1757 = vector.broadcast %squeeze3A_1752 : f32 to vector<16xf32>
          %mul3A_1758 = arith.mulf %get3A_1756, %mul3A_1757 : vector<16xf32>
          %swap3A_1759 = arith.index_cast %add3A_1750 : i32 to index
          %swap3A_1760 = arith.constant 0 : index
          %swap3A_1761 = tpu.vector_load %arg15[%swap3A_1759, %swap3A_1760] {strides = array<i32>} : memref<256x32xf32, #tpu.memory_space<vmem>>, vector<1x16xf32>,
          %swap3A_1762 = vector.shape_cast %swap3A_1761 : vector<1x16xf32> to vector<16xf32>
          %swap3A_1763 = vector.shape_cast %mul3A_1758 : vector<16xf32> to vector<1x16xf32>
          tpu.vector_store %arg15[%swap3A_1759, %swap3A_1760], %swap3A_1763 {strides = array<i32>} : memref<256x32xf32, #tpu.memory_space<vmem>>, vector<1x16xf32>,
          %get3A_1764 = arith.index_cast %add3A_1750 : i32 to index
          %get3A_1765 = arith.constant 16 : index
          %get3A_1766 = tpu.vector_load %arg13[%get3A_1764, %get3A_1765] {strides = array<i32>} : memref<256x32xf32, #tpu.memory_space<vmem>>, vector<1x16xf32>,
          %get3A_1767 = vector.shape_cast %get3A_1766 : vector<1x16xf32> to vector<16xf32>
          %mul3A_1768 = vector.broadcast %squeeze3A_1752 : f32 to vector<16xf32>
          %mul3A_1769 = arith.mulf %get3A_1767, %mul3A_1768 : vector<16xf32>
          %swap3A_1770 = arith.index_cast %add3A_1750 : i32 to index
          %swap3A_1771 = arith.constant 16 : index
          %swap3A_1772 = tpu.vector_load %arg15[%swap3A_1770, %swap3A_1771] {strides = array<i32>} : memref<256x32xf32, #tpu.memory_space<vmem>>, vector<1x16xf32>,
          %swap3A_1773 = vector.shape_cast %swap3A_1772 : vector<1x16xf32> to vector<16xf32>
          %swap3A_1774 = vector.shape_cast %mul3A_1769 : vector<16xf32> to vector<1x16xf32>
          tpu.vector_store %arg15[%swap3A_1770, %swap3A_1771], %swap3A_1774 {strides = array<i32>} : memref<256x32xf32, #tpu.memory_space<vmem>>, vector<1x16xf32>,
          %mul3A_1775 = arith.constant 16 : i32
          %mul3A_1776 = arith.muli %scan3A_1573, %mul3A_1775 : i32
          %add3A_1777 = arith.constant 7 : i32
          %add3A_1778 = arith.addi %mul3A_1776, %add3A_1777 : i32
          %slice3A_1779 = vector.extract_strided_slice %get3A_1580 {offsets = [7], sizes = [1], strides = [1]} : vector<16xf32> to vector<1xf32>
          %squeeze3A_1780 = vector.extract %slice3A_1779[0] : f32 from vector<1xf32>
          %get3A_1781 = arith.index_cast %add3A_1778 : i32 to index
          %get3A_1782 = arith.constant 0 : index
          %get3A_1783 = tpu.vector_load %arg13[%get3A_1781, %get3A_1782] {strides = array<i32>} : memref<256x32xf32, #tpu.memory_space<vmem>>, vector<1x16xf32>,
          %get3A_1784 = vector.shape_cast %get3A_1783 : vector<1x16xf32> to vector<16xf32>
          %mul3A_1785 = vector.broadcast %squeeze3A_1780 : f32 to vector<16xf32>
          %mul3A_1786 = arith.mulf %get3A_1784, %mul3A_1785 : vector<16xf32>
          %swap3A_1787 = arith.index_cast %add3A_1778 : i32 to index
          %swap3A_1788 = arith.constant 0 : index
          %swap3A_1789 = tpu.vector_load %arg15[%swap3A_1787, %swap3A_1788] {strides = array<i32>} : memref<256x32xf32, #tpu.memory_space<vmem>>, vector<1x16xf32>,
          %swap3A_1790 = vector.shape_cast %swap3A_1789 : vector<1x16xf32> to vector<16xf32>
          %swap3A_1791 = vector.shape_cast %mul3A_1786 : vector<16xf32> to vector<1x16xf32>
          tpu.vector_store %arg15[%swap3A_1787, %swap3A_1788], %swap3A_1791 {strides = array<i32>} : memref<256x32xf32, #tpu.memory_space<vmem>>, vector<1x16xf32>,
          %get3A_1792 = arith.index_cast %add3A_1778 : i32 to index
          %get3A_1793 = arith.constant 16 : index
          %get3A_1794 = tpu.vector_load %arg13[%get3A_1792, %get3A_1793] {strides = array<i32>} : memref<256x32xf32, #tpu.memory_space<vmem>>, vector<1x16xf32>,
          %get3A_1795 = vector.shape_cast %get3A_1794 : vector<1x16xf32> to vector<16xf32>
          %mul3A_1796 = vector.broadcast %squeeze3A_1780 : f32 to vector<16xf32>
          %mul3A_1797 = arith.mulf %get3A_1795, %mul3A_1796 : vector<16xf32>
          %swap3A_1798 = arith.index_cast %add3A_1778 : i32 to index
          %swap3A_1799 = arith.constant 16 : index
          %swap3A_1800 = tpu.vector_load %arg15[%swap3A_1798, %swap3A_1799] {strides = array<i32>} : memref<256x32xf32, #tpu.memory_space<vmem>>, vector<1x16xf32>,
          %swap3A_1801 = vector.shape_cast %swap3A_1800 : vector<1x16xf32> to vector<16xf32>
          %swap3A_1802 = vector.shape_cast %mul3A_1797 : vector<16xf32> to vector<1x16xf32>
          tpu.vector_store %arg15[%swap3A_1798, %swap3A_1799], %swap3A_1802 {strides = array<i32>} : memref<256x32xf32, #tpu.memory_space<vmem>>, vector<1x16xf32>,
          %mul3A_1803 = arith.constant 16 : i32
          %mul3A_1804 = arith.muli %scan3A_1573, %mul3A_1803 : i32
          %add3A_1805 = arith.constant 8 : i32
          %add3A_1806 = arith.addi %mul3A_1804, %add3A_1805 : i32
          %slice3A_1807 = vector.extract_strided_slice %get3A_1580 {offsets = [8], sizes = [1], strides = [1]} : vector<16xf32> to vector<1xf32>
          %squeeze3A_1808 = vector.extract %slice3A_1807[0] : f32 from vector<1xf32>
          %get3A_1809 = arith.index_cast %add3A_1806 : i32 to index
          %get3A_1810 = arith.constant 0 : index
          %get3A_1811 = tpu.vector_load %arg13[%get3A_1809, %get3A_1810] {strides = array<i32>} : memref<256x32xf32, #tpu.memory_space<vmem>>, vector<1x16xf32>,
          %get3A_1812 = vector.shape_cast %get3A_1811 : vector<1x16xf32> to vector<16xf32>
          %mul3A_1813 = vector.broadcast %squeeze3A_1808 : f32 to vector<16xf32>
          %mul3A_1814 = arith.mulf %get3A_1812, %mul3A_1813 : vector<16xf32>
          %swap3A_1815 = arith.index_cast %add3A_1806 : i32 to index
          %swap3A_1816 = arith.constant 0 : index
          %swap3A_1817 = tpu.vector_load %arg15[%swap3A_1815, %swap3A_1816] {strides = array<i32>} : memref<256x32xf32, #tpu.memory_space<vmem>>, vector<1x16xf32>,
          %swap3A_1818 = vector.shape_cast %swap3A_1817 : vector<1x16xf32> to vector<16xf32>
          %swap3A_1819 = vector.shape_cast %mul3A_1814 : vector<16xf32> to vector<1x16xf32>
          tpu.vector_store %arg15[%swap3A_1815, %swap3A_1816], %swap3A_1819 {strides = array<i32>} : memref<256x32xf32, #tpu.memory_space<vmem>>, vector<1x16xf32>,
          %get3A_1820 = arith.index_cast %add3A_1806 : i32 to index
          %get3A_1821 = arith.constant 16 : index
          %get3A_1822 = tpu.vector_load %arg13[%get3A_1820, %get3A_1821] {strides = array<i32>} : memref<256x32xf32, #tpu.memory_space<vmem>>, vector<1x16xf32>,
          %get3A_1823 = vector.shape_cast %get3A_1822 : vector<1x16xf32> to vector<16xf32>
          %mul3A_1824 = vector.broadcast %squeeze3A_1808 : f32 to vector<16xf32>
          %mul3A_1825 = arith.mulf %get3A_1823, %mul3A_1824 : vector<16xf32>
          %swap3A_1826 = arith.index_cast %add3A_1806 : i32 to index
          %swap3A_1827 = arith.constant 16 : index
          %swap3A_1828 = tpu.vector_load %arg15[%swap3A_1826, %swap3A_1827] {strides = array<i32>} : memref<256x32xf32, #tpu.memory_space<vmem>>, vector<1x16xf32>,
          %swap3A_1829 = vector.shape_cast %swap3A_1828 : vector<1x16xf32> to vector<16xf32>
          %swap3A_1830 = vector.shape_cast %mul3A_1825 : vector<16xf32> to vector<1x16xf32>
          tpu.vector_store %arg15[%swap3A_1826, %swap3A_1827], %swap3A_1830 {strides = array<i32>} : memref<256x32xf32, #tpu.memory_space<vmem>>, vector<1x16xf32>,
          %mul3A_1831 = arith.constant 16 : i32
          %mul3A_1832 = arith.muli %scan3A_1573, %mul3A_1831 : i32
          %add3A_1833 = arith.constant 9 : i32
          %add3A_1834 = arith.addi %mul3A_1832, %add3A_1833 : i32
          %slice3A_1835 = vector.extract_strided_slice %get3A_1580 {offsets = [9], sizes = [1], strides = [1]} : vector<16xf32> to vector<1xf32>
          %squeeze3A_1836 = vector.extract %slice3A_1835[0] : f32 from vector<1xf32>
          %get3A_1837 = arith.index_cast %add3A_1834 : i32 to index
          %get3A_1838 = arith.constant 0 : index
          %get3A_1839 = tpu.vector_load %arg13[%get3A_1837, %get3A_1838] {strides = array<i32>} : memref<256x32xf32, #tpu.memory_space<vmem>>, vector<1x16xf32>,
          %get3A_1840 = vector.shape_cast %get3A_1839 : vector<1x16xf32> to vector<16xf32>
          %mul3A_1841 = vector.broadcast %squeeze3A_1836 : f32 to vector<16xf32>
          %mul3A_1842 = arith.mulf %get3A_1840, %mul3A_1841 : vector<16xf32>
          %swap3A_1843 = arith.index_cast %add3A_1834 : i32 to index
          %swap3A_1844 = arith.constant 0 : index
          %swap3A_1845 = tpu.vector_load %arg15[%swap3A_1843, %swap3A_1844] {strides = array<i32>} : memref<256x32xf32, #tpu.memory_space<vmem>>, vector<1x16xf32>,
          %swap3A_1846 = vector.shape_cast %swap3A_1845 : vector<1x16xf32> to vector<16xf32>
          %swap3A_1847 = vector.shape_cast %mul3A_1842 : vector<16xf32> to vector<1x16xf32>
          tpu.vector_store %arg15[%swap3A_1843, %swap3A_1844], %swap3A_1847 {strides = array<i32>} : memref<256x32xf32, #tpu.memory_space<vmem>>, vector<1x16xf32>,
          %get3A_1848 = arith.index_cast %add3A_1834 : i32 to index
          %get3A_1849 = arith.constant 16 : index
          %get3A_1850 = tpu.vector_load %arg13[%get3A_1848, %get3A_1849] {strides = array<i32>} : memref<256x32xf32, #tpu.memory_space<vmem>>, vector<1x16xf32>,
          %get3A_1851 = vector.shape_cast %get3A_1850 : vector<1x16xf32> to vector<16xf32>
          %mul3A_1852 = vector.broadcast %squeeze3A_1836 : f32 to vector<16xf32>
          %mul3A_1853 = arith.mulf %get3A_1851, %mul3A_1852 : vector<16xf32>
          %swap3A_1854 = arith.index_cast %add3A_1834 : i32 to index
          %swap3A_1855 = arith.constant 16 : index
          %swap3A_1856 = tpu.vector_load %arg15[%swap3A_1854, %swap3A_1855] {strides = array<i32>} : memref<256x32xf32, #tpu.memory_space<vmem>>, vector<1x16xf32>,
          %swap3A_1857 = vector.shape_cast %swap3A_1856 : vector<1x16xf32> to vector<16xf32>
          %swap3A_1858 = vector.shape_cast %mul3A_1853 : vector<16xf32> to vector<1x16xf32>
          tpu.vector_store %arg15[%swap3A_1854, %swap3A_1855], %swap3A_1858 {strides = array<i32>} : memref<256x32xf32, #tpu.memory_space<vmem>>, vector<1x16xf32>,
          %mul3A_1859 = arith.constant 16 : i32
          %mul3A_1860 = arith.muli %scan3A_1573, %mul3A_1859 : i32
          %add3A_1861 = arith.constant 10 : i32
          %add3A_1862 = arith.addi %mul3A_1860, %add3A_1861 : i32
          %slice3A_1863 = vector.extract_strided_slice %get3A_1580 {offsets = [10], sizes = [1], strides = [1]} : vector<16xf32> to vector<1xf32>
          %squeeze3A_1864 = vector.extract %slice3A_1863[0] : f32 from vector<1xf32>
          %get3A_1865 = arith.index_cast %add3A_1862 : i32 to index
          %get3A_1866 = arith.constant 0 : index
          %get3A_1867 = tpu.vector_load %arg13[%get3A_1865, %get3A_1866] {strides = array<i32>} : memref<256x32xf32, #tpu.memory_space<vmem>>, vector<1x16xf32>,
          %get3A_1868 = vector.shape_cast %get3A_1867 : vector<1x16xf32> to vector<16xf32>
          %mul3A_1869 = vector.broadcast %squeeze3A_1864 : f32 to vector<16xf32>
          %mul3A_1870 = arith.mulf %get3A_1868, %mul3A_1869 : vector<16xf32>
          %swap3A_1871 = arith.index_cast %add3A_1862 : i32 to index
          %swap3A_1872 = arith.constant 0 : index
          %swap3A_1873 = tpu.vector_load %arg15[%swap3A_1871, %swap3A_1872] {strides = array<i32>} : memref<256x32xf32, #tpu.memory_space<vmem>>, vector<1x16xf32>,
          %swap3A_1874 = vector.shape_cast %swap3A_1873 : vector<1x16xf32> to vector<16xf32>
          %swap3A_1875 = vector.shape_cast %mul3A_1870 : vector<16xf32> to vector<1x16xf32>
          tpu.vector_store %arg15[%swap3A_1871, %swap3A_1872], %swap3A_1875 {strides = array<i32>} : memref<256x32xf32, #tpu.memory_space<vmem>>, vector<1x16xf32>,
          %get3A_1876 = arith.index_cast %add3A_1862 : i32 to index
          %get3A_1877 = arith.constant 16 : index
          %get3A_1878 = tpu.vector_load %arg13[%get3A_1876, %get3A_1877] {strides = array<i32>} : memref<256x32xf32, #tpu.memory_space<vmem>>, vector<1x16xf32>,
          %get3A_1879 = vector.shape_cast %get3A_1878 : vector<1x16xf32> to vector<16xf32>
          %mul3A_1880 = vector.broadcast %squeeze3A_1864 : f32 to vector<16xf32>
          %mul3A_1881 = arith.mulf %get3A_1879, %mul3A_1880 : vector<16xf32>
          %swap3A_1882 = arith.index_cast %add3A_1862 : i32 to index
          %swap3A_1883 = arith.constant 16 : index
          %swap3A_1884 = tpu.vector_load %arg15[%swap3A_1882, %swap3A_1883] {strides = array<i32>} : memref<256x32xf32, #tpu.memory_space<vmem>>, vector<1x16xf32>,
          %swap3A_1885 = vector.shape_cast %swap3A_1884 : vector<1x16xf32> to vector<16xf32>
          %swap3A_1886 = vector.shape_cast %mul3A_1881 : vector<16xf32> to vector<1x16xf32>
          tpu.vector_store %arg15[%swap3A_1882, %swap3A_1883], %swap3A_1886 {strides = array<i32>} : memref<256x32xf32, #tpu.memory_space<vmem>>, vector<1x16xf32>,
          %mul3A_1887 = arith.constant 16 : i32
          %mul3A_1888 = arith.muli %scan3A_1573, %mul3A_1887 : i32
          %add3A_1889 = arith.constant 11 : i32
          %add3A_1890 = arith.addi %mul3A_1888, %add3A_1889 : i32
          %slice3A_1891 = vector.extract_strided_slice %get3A_1580 {offsets = [11], sizes = [1], strides = [1]} : vector<16xf32> to vector<1xf32>
          %squeeze3A_1892 = vector.extract %slice3A_1891[0] : f32 from vector<1xf32>
          %get3A_1893 = arith.index_cast %add3A_1890 : i32 to index
          %get3A_1894 = arith.constant 0 : index
          %get3A_1895 = tpu.vector_load %arg13[%get3A_1893, %get3A_1894] {strides = array<i32>} : memref<256x32xf32, #tpu.memory_space<vmem>>, vector<1x16xf32>,
          %get3A_1896 = vector.shape_cast %get3A_1895 : vector<1x16xf32> to vector<16xf32>
          %mul3A_1897 = vector.broadcast %squeeze3A_1892 : f32 to vector<16xf32>
          %mul3A_1898 = arith.mulf %get3A_1896, %mul3A_1897 : vector<16xf32>
          %swap3A_1899 = arith.index_cast %add3A_1890 : i32 to index
          %swap3A_1900 = arith.constant 0 : index
          %swap3A_1901 = tpu.vector_load %arg15[%swap3A_1899, %swap3A_1900] {strides = array<i32>} : memref<256x32xf32, #tpu.memory_space<vmem>>, vector<1x16xf32>,
          %swap3A_1902 = vector.shape_cast %swap3A_1901 : vector<1x16xf32> to vector<16xf32>
          %swap3A_1903 = vector.shape_cast %mul3A_1898 : vector<16xf32> to vector<1x16xf32>
          tpu.vector_store %arg15[%swap3A_1899, %swap3A_1900], %swap3A_1903 {strides = array<i32>} : memref<256x32xf32, #tpu.memory_space<vmem>>, vector<1x16xf32>,
          %get3A_1904 = arith.index_cast %add3A_1890 : i32 to index
          %get3A_1905 = arith.constant 16 : index
          %get3A_1906 = tpu.vector_load %arg13[%get3A_1904, %get3A_1905] {strides = array<i32>} : memref<256x32xf32, #tpu.memory_space<vmem>>, vector<1x16xf32>,
          %get3A_1907 = vector.shape_cast %get3A_1906 : vector<1x16xf32> to vector<16xf32>
          %mul3A_1908 = vector.broadcast %squeeze3A_1892 : f32 to vector<16xf32>
          %mul3A_1909 = arith.mulf %get3A_1907, %mul3A_1908 : vector<16xf32>
          %swap3A_1910 = arith.index_cast %add3A_1890 : i32 to index
          %swap3A_1911 = arith.constant 16 : index
          %swap3A_1912 = tpu.vector_load %arg15[%swap3A_1910, %swap3A_1911] {strides = array<i32>} : memref<256x32xf32, #tpu.memory_space<vmem>>, vector<1x16xf32>,
          %swap3A_1913 = vector.shape_cast %swap3A_1912 : vector<1x16xf32> to vector<16xf32>
          %swap3A_1914 = vector.shape_cast %mul3A_1909 : vector<16xf32> to vector<1x16xf32>
          tpu.vector_store %arg15[%swap3A_1910, %swap3A_1911], %swap3A_1914 {strides = array<i32>} : memref<256x32xf32, #tpu.memory_space<vmem>>, vector<1x16xf32>,
          %mul3A_1915 = arith.constant 16 : i32
          %mul3A_1916 = arith.muli %scan3A_1573, %mul3A_1915 : i32
          %add3A_1917 = arith.constant 12 : i32
          %add3A_1918 = arith.addi %mul3A_1916, %add3A_1917 : i32
          %slice3A_1919 = vector.extract_strided_slice %get3A_1580 {offsets = [12], sizes = [1], strides = [1]} : vector<16xf32> to vector<1xf32>
          %squeeze3A_1920 = vector.extract %slice3A_1919[0] : f32 from vector<1xf32>
          %get3A_1921 = arith.index_cast %add3A_1918 : i32 to index
          %get3A_1922 = arith.constant 0 : index
          %get3A_1923 = tpu.vector_load %arg13[%get3A_1921, %get3A_1922] {strides = array<i32>} : memref<256x32xf32, #tpu.memory_space<vmem>>, vector<1x16xf32>,
          %get3A_1924 = vector.shape_cast %get3A_1923 : vector<1x16xf32> to vector<16xf32>
          %mul3A_1925 = vector.broadcast %squeeze3A_1920 : f32 to vector<16xf32>
          %mul3A_1926 = arith.mulf %get3A_1924, %mul3A_1925 : vector<16xf32>
          %swap3A_1927 = arith.index_cast %add3A_1918 : i32 to index
          %swap3A_1928 = arith.constant 0 : index
          %swap3A_1929 = tpu.vector_load %arg15[%swap3A_1927, %swap3A_1928] {strides = array<i32>} : memref<256x32xf32, #tpu.memory_space<vmem>>, vector<1x16xf32>,
          %swap3A_1930 = vector.shape_cast %swap3A_1929 : vector<1x16xf32> to vector<16xf32>
          %swap3A_1931 = vector.shape_cast %mul3A_1926 : vector<16xf32> to vector<1x16xf32>
          tpu.vector_store %arg15[%swap3A_1927, %swap3A_1928], %swap3A_1931 {strides = array<i32>} : memref<256x32xf32, #tpu.memory_space<vmem>>, vector<1x16xf32>,
          %get3A_1932 = arith.index_cast %add3A_1918 : i32 to index
          %get3A_1933 = arith.constant 16 : index
          %get3A_1934 = tpu.vector_load %arg13[%get3A_1932, %get3A_1933] {strides = array<i32>} : memref<256x32xf32, #tpu.memory_space<vmem>>, vector<1x16xf32>,
          %get3A_1935 = vector.shape_cast %get3A_1934 : vector<1x16xf32> to vector<16xf32>
          %mul3A_1936 = vector.broadcast %squeeze3A_1920 : f32 to vector<16xf32>
          %mul3A_1937 = arith.mulf %get3A_1935, %mul3A_1936 : vector<16xf32>
          %swap3A_1938 = arith.index_cast %add3A_1918 : i32 to index
          %swap3A_1939 = arith.constant 16 : index
          %swap3A_1940 = tpu.vector_load %arg15[%swap3A_1938, %swap3A_1939] {strides = array<i32>} : memref<256x32xf32, #tpu.memory_space<vmem>>, vector<1x16xf32>,
          %swap3A_1941 = vector.shape_cast %swap3A_1940 : vector<1x16xf32> to vector<16xf32>
          %swap3A_1942 = vector.shape_cast %mul3A_1937 : vector<16xf32> to vector<1x16xf32>
          tpu.vector_store %arg15[%swap3A_1938, %swap3A_1939], %swap3A_1942 {strides = array<i32>} : memref<256x32xf32, #tpu.memory_space<vmem>>, vector<1x16xf32>,
          %mul3A_1943 = arith.constant 16 : i32
          %mul3A_1944 = arith.muli %scan3A_1573, %mul3A_1943 : i32
          %add3A_1945 = arith.constant 13 : i32
          %add3A_1946 = arith.addi %mul3A_1944, %add3A_1945 : i32
          %slice3A_1947 = vector.extract_strided_slice %get3A_1580 {offsets = [13], sizes = [1], strides = [1]} : vector<16xf32> to vector<1xf32>
          %squeeze3A_1948 = vector.extract %slice3A_1947[0] : f32 from vector<1xf32>
          %get3A_1949 = arith.index_cast %add3A_1946 : i32 to index
          %get3A_1950 = arith.constant 0 : index
          %get3A_1951 = tpu.vector_load %arg13[%get3A_1949, %get3A_1950] {strides = array<i32>} : memref<256x32xf32, #tpu.memory_space<vmem>>, vector<1x16xf32>,
          %get3A_1952 = vector.shape_cast %get3A_1951 : vector<1x16xf32> to vector<16xf32>
          %mul3A_1953 = vector.broadcast %squeeze3A_1948 : f32 to vector<16xf32>
          %mul3A_1954 = arith.mulf %get3A_1952, %mul3A_1953 : vector<16xf32>
          %swap3A_1955 = arith.index_cast %add3A_1946 : i32 to index
          %swap3A_1956 = arith.constant 0 : index
          %swap3A_1957 = tpu.vector_load %arg15[%swap3A_1955, %swap3A_1956] {strides = array<i32>} : memref<256x32xf32, #tpu.memory_space<vmem>>, vector<1x16xf32>,
          %swap3A_1958 = vector.shape_cast %swap3A_1957 : vector<1x16xf32> to vector<16xf32>
          %swap3A_1959 = vector.shape_cast %mul3A_1954 : vector<16xf32> to vector<1x16xf32>
          tpu.vector_store %arg15[%swap3A_1955, %swap3A_1956], %swap3A_1959 {strides = array<i32>} : memref<256x32xf32, #tpu.memory_space<vmem>>, vector<1x16xf32>,
          %get3A_1960 = arith.index_cast %add3A_1946 : i32 to index
          %get3A_1961 = arith.constant 16 : index
          %get3A_1962 = tpu.vector_load %arg13[%get3A_1960, %get3A_1961] {strides = array<i32>} : memref<256x32xf32, #tpu.memory_space<vmem>>, vector<1x16xf32>,
          %get3A_1963 = vector.shape_cast %get3A_1962 : vector<1x16xf32> to vector<16xf32>
          %mul3A_1964 = vector.broadcast %squeeze3A_1948 : f32 to vector<16xf32>
          %mul3A_1965 = arith.mulf %get3A_1963, %mul3A_1964 : vector<16xf32>
          %swap3A_1966 = arith.index_cast %add3A_1946 : i32 to index
          %swap3A_1967 = arith.constant 16 : index
          %swap3A_1968 = tpu.vector_load %arg15[%swap3A_1966, %swap3A_1967] {strides = array<i32>} : memref<256x32xf32, #tpu.memory_space<vmem>>, vector<1x16xf32>,
          %swap3A_1969 = vector.shape_cast %swap3A_1968 : vector<1x16xf32> to vector<16xf32>
          %swap3A_1970 = vector.shape_cast %mul3A_1965 : vector<16xf32> to vector<1x16xf32>
          tpu.vector_store %arg15[%swap3A_1966, %swap3A_1967], %swap3A_1970 {strides = array<i32>} : memref<256x32xf32, #tpu.memory_space<vmem>>, vector<1x16xf32>,
          %mul3A_1971 = arith.constant 16 : i32
          %mul3A_1972 = arith.muli %scan3A_1573, %mul3A_1971 : i32
          %add3A_1973 = arith.constant 14 : i32
          %add3A_1974 = arith.addi %mul3A_1972, %add3A_1973 : i32
          %slice3A_1975 = vector.extract_strided_slice %get3A_1580 {offsets = [14], sizes = [1], strides = [1]} : vector<16xf32> to vector<1xf32>
          %squeeze3A_1976 = vector.extract %slice3A_1975[0] : f32 from vector<1xf32>
          %get3A_1977 = arith.index_cast %add3A_1974 : i32 to index
          %get3A_1978 = arith.constant 0 : index
          %get3A_1979 = tpu.vector_load %arg13[%get3A_1977, %get3A_1978] {strides = array<i32>} : memref<256x32xf32, #tpu.memory_space<vmem>>, vector<1x16xf32>,
          %get3A_1980 = vector.shape_cast %get3A_1979 : vector<1x16xf32> to vector<16xf32>
          %mul3A_1981 = vector.broadcast %squeeze3A_1976 : f32 to vector<16xf32>
          %mul3A_1982 = arith.mulf %get3A_1980, %mul3A_1981 : vector<16xf32>
          %swap3A_1983 = arith.index_cast %add3A_1974 : i32 to index
          %swap3A_1984 = arith.constant 0 : index
          %swap3A_1985 = tpu.vector_load %arg15[%swap3A_1983, %swap3A_1984] {strides = array<i32>} : memref<256x32xf32, #tpu.memory_space<vmem>>, vector<1x16xf32>,
          %swap3A_1986 = vector.shape_cast %swap3A_1985 : vector<1x16xf32> to vector<16xf32>
          %swap3A_1987 = vector.shape_cast %mul3A_1982 : vector<16xf32> to vector<1x16xf32>
          tpu.vector_store %arg15[%swap3A_1983, %swap3A_1984], %swap3A_1987 {strides = array<i32>} : memref<256x32xf32, #tpu.memory_space<vmem>>, vector<1x16xf32>,
          %get3A_1988 = arith.index_cast %add3A_1974 : i32 to index
          %get3A_1989 = arith.constant 16 : index
          %get3A_1990 = tpu.vector_load %arg13[%get3A_1988, %get3A_1989] {strides = array<i32>} : memref<256x32xf32, #tpu.memory_space<vmem>>, vector<1x16xf32>,
          %get3A_1991 = vector.shape_cast %get3A_1990 : vector<1x16xf32> to vector<16xf32>
          %mul3A_1992 = vector.broadcast %squeeze3A_1976 : f32 to vector<16xf32>
          %mul3A_1993 = arith.mulf %get3A_1991, %mul3A_1992 : vector<16xf32>
          %swap3A_1994 = arith.index_cast %add3A_1974 : i32 to index
          %swap3A_1995 = arith.constant 16 : index
          %swap3A_1996 = tpu.vector_load %arg15[%swap3A_1994, %swap3A_1995] {strides = array<i32>} : memref<256x32xf32, #tpu.memory_space<vmem>>, vector<1x16xf32>,
          %swap3A_1997 = vector.shape_cast %swap3A_1996 : vector<1x16xf32> to vector<16xf32>
          %swap3A_1998 = vector.shape_cast %mul3A_1993 : vector<16xf32> to vector<1x16xf32>
          tpu.vector_store %arg15[%swap3A_1994, %swap3A_1995], %swap3A_1998 {strides = array<i32>} : memref<256x32xf32, #tpu.memory_space<vmem>>, vector<1x16xf32>,
          %mul3A_1999 = arith.constant 16 : i32
          %mul3A_2000 = arith.muli %scan3A_1573, %mul3A_1999 : i32
          %add3A_2001 = arith.constant 15 : i32
          %add3A_2002 = arith.addi %mul3A_2000, %add3A_2001 : i32
          %slice3A_2003 = vector.extract_strided_slice %get3A_1580 {offsets = [15], sizes = [1], strides = [1]} : vector<16xf32> to vector<1xf32>
          %squeeze3A_2004 = vector.extract %slice3A_2003[0] : f32 from vector<1xf32>
          %get3A_2005 = arith.index_cast %add3A_2002 : i32 to index
          %get3A_2006 = arith.constant 0 : index
          %get3A_2007 = tpu.vector_load %arg13[%get3A_2005, %get3A_2006] {strides = array<i32>} : memref<256x32xf32, #tpu.memory_space<vmem>>, vector<1x16xf32>,
          %get3A_2008 = vector.shape_cast %get3A_2007 : vector<1x16xf32> to vector<16xf32>
          %mul3A_2009 = vector.broadcast %squeeze3A_2004 : f32 to vector<16xf32>
          %mul3A_2010 = arith.mulf %get3A_2008, %mul3A_2009 : vector<16xf32>
          %swap3A_2011 = arith.index_cast %add3A_2002 : i32 to index
          %swap3A_2012 = arith.constant 0 : index
          %swap3A_2013 = tpu.vector_load %arg15[%swap3A_2011, %swap3A_2012] {strides = array<i32>} : memref<256x32xf32, #tpu.memory_space<vmem>>, vector<1x16xf32>,
          %swap3A_2014 = vector.shape_cast %swap3A_2013 : vector<1x16xf32> to vector<16xf32>
          %swap3A_2015 = vector.shape_cast %mul3A_2010 : vector<16xf32> to vector<1x16xf32>
          tpu.vector_store %arg15[%swap3A_2011, %swap3A_2012], %swap3A_2015 {strides = array<i32>} : memref<256x32xf32, #tpu.memory_space<vmem>>, vector<1x16xf32>,
          %get3A_2016 = arith.index_cast %add3A_2002 : i32 to index
          %get3A_2017 = arith.constant 16 : index
          %get3A_2018 = tpu.vector_load %arg13[%get3A_2016, %get3A_2017] {strides = array<i32>} : memref<256x32xf32, #tpu.memory_space<vmem>>, vector<1x16xf32>,
          %get3A_2019 = vector.shape_cast %get3A_2018 : vector<1x16xf32> to vector<16xf32>
          %mul3A_2020 = vector.broadcast %squeeze3A_2004 : f32 to vector<16xf32>
          %mul3A_2021 = arith.mulf %get3A_2019, %mul3A_2020 : vector<16xf32>
          %swap3A_2022 = arith.index_cast %add3A_2002 : i32 to index
          %swap3A_2023 = arith.constant 16 : index
          %swap3A_2024 = tpu.vector_load %arg15[%swap3A_2022, %swap3A_2023] {strides = array<i32>} : memref<256x32xf32, #tpu.memory_space<vmem>>, vector<1x16xf32>,
          %swap3A_2025 = vector.shape_cast %swap3A_2024 : vector<1x16xf32> to vector<16xf32>
          %swap3A_2026 = vector.shape_cast %mul3A_2021 : vector<16xf32> to vector<1x16xf32>
          tpu.vector_store %arg15[%swap3A_2022, %swap3A_2023], %swap3A_2026 {strides = array<i32>} : memref<256x32xf32, #tpu.memory_space<vmem>>, vector<1x16xf32>,
        }
        %scan3A_1542 = arith.constant 16 : i32
        %dma_start3A_1543 = arith.constant 512 : i32
        %dma_start3A_1544 = tpu.memref_slice %arg8[%dma_start3A_1543] : memref<1024xi32, #tpu.memory_space<vmem>> -> memref<256xi32, #tpu.memory_space<vmem>>
        %dma_start3A_1545 = arith.constant 0 : i32
        %dma_start3A_1546 = arith.constant 0 : i32
        %dma_start3A_1547 = tpu.memref_slice %arg16[%dma_start3A_1545, %dma_start3A_1546] : memref<50048x32xf32, #tpu.memory_space<vmem_shared>> -> memref<50048x32xf32, #tpu.memory_space<vmem_shared>>
        tpu.enqueue_indirect_dma source(%arg15 : memref<256x32xf32, #tpu.memory_space<vmem>>) target(%dma_start3A_1547 : memref<50048x32xf32, #tpu.memory_space<vmem_shared>>) offsets(%dma_start3A_1544 : memref<256xi32, #tpu.memory_space<vmem>>) semaphore(%arg19 : memref<!tpu.dma_semaphore, #tpu.memory_space<semaphore_mem>>) {add = true}
        %dma_wait3A_1548 = arith.constant 768 : i32
        %dma_wait3A_1549 = tpu.memref_slice %arg7[%dma_wait3A_1548] : memref<1024xi32, #tpu.memory_space<vmem>> -> memref<256xi32, #tpu.memory_space<vmem>>
        %dma_wait3A_1550 = arith.constant 0 : i32
        %dma_wait3A_1551 = arith.constant 0 : i32
        %dma_wait3A_1552 = tpu.memref_slice %arg6[%dma_wait3A_1550, %dma_wait3A_1551] : memref<400384x32xf32, #tpu.memory_space<hbm>> -> memref<400384x32xf32, #tpu.memory_space<hbm>>
        tpu.wait_indirect_dma semaphore(%arg18 : memref<!tpu.dma_semaphore, #tpu.memory_space<semaphore_mem>>) src(%dma_wait3A_1552 : memref<400384x32xf32, #tpu.memory_space<hbm>>) dst(%arg14 : memref<256x32xf32, #tpu.memory_space<vmem>>)
        %dma_wait3A_1553 = arith.constant 512 : i32
        %dma_wait3A_1554 = tpu.memref_slice %arg8[%dma_wait3A_1553] : memref<1024xi32, #tpu.memory_space<vmem>> -> memref<256xi32, #tpu.memory_space<vmem>>
        %dma_wait3A_1555 = arith.constant 0 : i32
        %dma_wait3A_1556 = arith.constant 0 : i32
        %dma_wait3A_1557 = tpu.memref_slice %arg16[%dma_wait3A_1555, %dma_wait3A_1556] : memref<50048x32xf32, #tpu.memory_space<vmem_shared>> -> memref<50048x32xf32, #tpu.memory_space<vmem_shared>>
        tpu.wait_indirect_dma semaphore(%arg19 : memref<!tpu.dma_semaphore, #tpu.memory_space<semaphore_mem>>) src(%arg15 : memref<256x32xf32, #tpu.memory_space<vmem>>) dst(%dma_wait3A_1557 : memref<50048x32xf32, #tpu.memory_space<vmem_shared>>)
        %scan3A_1558 = arith.constant 0 : i32
        %scan3A_1559 = arith.constant 16 : i32
        %scan3A_1560 = arith.addi %scan3A_1558, %scan3A_1559 : i32
        %scan3A_1561 = arith.constant 1 : i32
        scf.for %scan3A_1573 = %scan3A_1558 to %scan3A_1560 step %scan3A_1561  : i32 {
          %mul3A_1574 = arith.constant 16 : i32
          %mul3A_1575 = arith.muli %scan3A_1573, %mul3A_1574 : i32
          %add3A_1576 = arith.constant 768 : i32
          %add3A_1577 = arith.addi %add3A_1576, %mul3A_1575 : i32
          %get3A_1578 = arith.index_cast %add3A_1577 : i32 to index
          %get3A_1579 = tpu.vector_load %arg9[%get3A_1578] {strides = array<i32>} : memref<1040xf32, #tpu.memory_space<vmem>>, vector<16xf32>,
          %get3A_1580 = vector.shape_cast %get3A_1579 : vector<16xf32> to vector<16xf32>
          %mul3A_1581 = arith.constant 16 : i32
          %mul3A_1582 = arith.muli %scan3A_1573, %mul3A_1581 : i32
          %add3A_1583 = arith.constant 0 : i32
          %add3A_1584 = arith.addi %mul3A_1582, %add3A_1583 : i32
          %slice3A = vector.extract_strided_slice %get3A_1580 {offsets = [0], sizes = [1], strides = [1]} : vector<16xf32> to vector<1xf32>
          %squeeze3A = vector.extract %slice3A[0] : f32 from vector<1xf32>
          %get3A_1585 = arith.index_cast %add3A_1584 : i32 to index
          %get3A_1586 = arith.constant 0 : index
          %get3A_1587 = tpu.vector_load %arg14[%get3A_1585, %get3A_1586] {strides = array<i32>} : memref<256x32xf32, #tpu.memory_space<vmem>>, vector<1x16xf32>,
          %get3A_1588 = vector.shape_cast %get3A_1587 : vector<1x16xf32> to vector<16xf32>
          %mul3A_1589 = vector.broadcast %squeeze3A : f32 to vector<16xf32>
          %mul3A_1590 = arith.mulf %get3A_1588, %mul3A_1589 : vector<16xf32>
          %swap3A_1591 = arith.index_cast %add3A_1584 : i32 to index
          %swap3A_1592 = arith.constant 0 : index
          %swap3A_1593 = tpu.vector_load %arg15[%swap3A_1591, %swap3A_1592] {strides = array<i32>} : memref<256x32xf32, #tpu.memory_space<vmem>>, vector<1x16xf32>,
          %swap3A_1594 = vector.shape_cast %swap3A_1593 : vector<1x16xf32> to vector<16xf32>
          %swap3A_1595 = vector.shape_cast %mul3A_1590 : vector<16xf32> to vector<1x16xf32>
          tpu.vector_store %arg15[%swap3A_1591, %swap3A_1592], %swap3A_1595 {strides = array<i32>} : memref<256x32xf32, #tpu.memory_space<vmem>>, vector<1x16xf32>,
          %get3A_1596 = arith.index_cast %add3A_1584 : i32 to index
          %get3A_1597 = arith.constant 16 : index
          %get3A_1598 = tpu.vector_load %arg14[%get3A_1596, %get3A_1597] {strides = array<i32>} : memref<256x32xf32, #tpu.memory_space<vmem>>, vector<1x16xf32>,
          %get3A_1599 = vector.shape_cast %get3A_1598 : vector<1x16xf32> to vector<16xf32>
          %mul3A_1600 = vector.broadcast %squeeze3A : f32 to vector<16xf32>
          %mul3A_1601 = arith.mulf %get3A_1599, %mul3A_1600 : vector<16xf32>
          %swap3A_1602 = arith.index_cast %add3A_1584 : i32 to index
          %swap3A_1603 = arith.constant 16 : index
          %swap3A_1604 = tpu.vector_load %arg15[%swap3A_1602, %swap3A_1603] {strides = array<i32>} : memref<256x32xf32, #tpu.memory_space<vmem>>, vector<1x16xf32>,
          %swap3A_1605 = vector.shape_cast %swap3A_1604 : vector<1x16xf32> to vector<16xf32>
          %swap3A_1606 = vector.shape_cast %mul3A_1601 : vector<16xf32> to vector<1x16xf32>
          tpu.vector_store %arg15[%swap3A_1602, %swap3A_1603], %swap3A_1606 {strides = array<i32>} : memref<256x32xf32, #tpu.memory_space<vmem>>, vector<1x16xf32>,
          %mul3A_1607 = arith.constant 16 : i32
          %mul3A_1608 = arith.muli %scan3A_1573, %mul3A_1607 : i32
          %add3A_1609 = arith.constant 1 : i32
          %add3A_1610 = arith.addi %mul3A_1608, %add3A_1609 : i32
          %slice3A_1611 = vector.extract_strided_slice %get3A_1580 {offsets = [1], sizes = [1], strides = [1]} : vector<16xf32> to vector<1xf32>
          %squeeze3A_1612 = vector.extract %slice3A_1611[0] : f32 from vector<1xf32>
          %get3A_1613 = arith.index_cast %add3A_1610 : i32 to index
          %get3A_1614 = arith.constant 0 : index
          %get3A_1615 = tpu.vector_load %arg14[%get3A_1613, %get3A_1614] {strides = array<i32>} : memref<256x32xf32, #tpu.memory_space<vmem>>, vector<1x16xf32>,
          %get3A_1616 = vector.shape_cast %get3A_1615 : vector<1x16xf32> to vector<16xf32>
          %mul3A_1617 = vector.broadcast %squeeze3A_1612 : f32 to vector<16xf32>
          %mul3A_1618 = arith.mulf %get3A_1616, %mul3A_1617 : vector<16xf32>
          %swap3A_1619 = arith.index_cast %add3A_1610 : i32 to index
          %swap3A_1620 = arith.constant 0 : index
          %swap3A_1621 = tpu.vector_load %arg15[%swap3A_1619, %swap3A_1620] {strides = array<i32>} : memref<256x32xf32, #tpu.memory_space<vmem>>, vector<1x16xf32>,
          %swap3A_1622 = vector.shape_cast %swap3A_1621 : vector<1x16xf32> to vector<16xf32>
          %swap3A_1623 = vector.shape_cast %mul3A_1618 : vector<16xf32> to vector<1x16xf32>
          tpu.vector_store %arg15[%swap3A_1619, %swap3A_1620], %swap3A_1623 {strides = array<i32>} : memref<256x32xf32, #tpu.memory_space<vmem>>, vector<1x16xf32>,
          %get3A_1624 = arith.index_cast %add3A_1610 : i32 to index
          %get3A_1625 = arith.constant 16 : index
          %get3A_1626 = tpu.vector_load %arg14[%get3A_1624, %get3A_1625] {strides = array<i32>} : memref<256x32xf32, #tpu.memory_space<vmem>>, vector<1x16xf32>,
          %get3A_1627 = vector.shape_cast %get3A_1626 : vector<1x16xf32> to vector<16xf32>
          %mul3A_1628 = vector.broadcast %squeeze3A_1612 : f32 to vector<16xf32>
          %mul3A_1629 = arith.mulf %get3A_1627, %mul3A_1628 : vector<16xf32>
          %swap3A_1630 = arith.index_cast %add3A_1610 : i32 to index
          %swap3A_1631 = arith.constant 16 : index
          %swap3A_1632 = tpu.vector_load %arg15[%swap3A_1630, %swap3A_1631] {strides = array<i32>} : memref<256x32xf32, #tpu.memory_space<vmem>>, vector<1x16xf32>,
          %swap3A_1633 = vector.shape_cast %swap3A_1632 : vector<1x16xf32> to vector<16xf32>
          %swap3A_1634 = vector.shape_cast %mul3A_1629 : vector<16xf32> to vector<1x16xf32>
          tpu.vector_store %arg15[%swap3A_1630, %swap3A_1631], %swap3A_1634 {strides = array<i32>} : memref<256x32xf32, #tpu.memory_space<vmem>>, vector<1x16xf32>,
          %mul3A_1635 = arith.constant 16 : i32
          %mul3A_1636 = arith.muli %scan3A_1573, %mul3A_1635 : i32
          %add3A_1637 = arith.constant 2 : i32
          %add3A_1638 = arith.addi %mul3A_1636, %add3A_1637 : i32
          %slice3A_1639 = vector.extract_strided_slice %get3A_1580 {offsets = [2], sizes = [1], strides = [1]} : vector<16xf32> to vector<1xf32>
          %squeeze3A_1640 = vector.extract %slice3A_1639[0] : f32 from vector<1xf32>
          %get3A_1641 = arith.index_cast %add3A_1638 : i32 to index
          %get3A_1642 = arith.constant 0 : index
          %get3A_1643 = tpu.vector_load %arg14[%get3A_1641, %get3A_1642] {strides = array<i32>} : memref<256x32xf32, #tpu.memory_space<vmem>>, vector<1x16xf32>,
          %get3A_1644 = vector.shape_cast %get3A_1643 : vector<1x16xf32> to vector<16xf32>
          %mul3A_1645 = vector.broadcast %squeeze3A_1640 : f32 to vector<16xf32>
          %mul3A_1646 = arith.mulf %get3A_1644, %mul3A_1645 : vector<16xf32>
          %swap3A_1647 = arith.index_cast %add3A_1638 : i32 to index
          %swap3A_1648 = arith.constant 0 : index
          %swap3A_1649 = tpu.vector_load %arg15[%swap3A_1647, %swap3A_1648] {strides = array<i32>} : memref<256x32xf32, #tpu.memory_space<vmem>>, vector<1x16xf32>,
          %swap3A_1650 = vector.shape_cast %swap3A_1649 : vector<1x16xf32> to vector<16xf32>
          %swap3A_1651 = vector.shape_cast %mul3A_1646 : vector<16xf32> to vector<1x16xf32>
          tpu.vector_store %arg15[%swap3A_1647, %swap3A_1648], %swap3A_1651 {strides = array<i32>} : memref<256x32xf32, #tpu.memory_space<vmem>>, vector<1x16xf32>,
          %get3A_1652 = arith.index_cast %add3A_1638 : i32 to index
          %get3A_1653 = arith.constant 16 : index
          %get3A_1654 = tpu.vector_load %arg14[%get3A_1652, %get3A_1653] {strides = array<i32>} : memref<256x32xf32, #tpu.memory_space<vmem>>, vector<1x16xf32>,
          %get3A_1655 = vector.shape_cast %get3A_1654 : vector<1x16xf32> to vector<16xf32>
          %mul3A_1656 = vector.broadcast %squeeze3A_1640 : f32 to vector<16xf32>
          %mul3A_1657 = arith.mulf %get3A_1655, %mul3A_1656 : vector<16xf32>
          %swap3A_1658 = arith.index_cast %add3A_1638 : i32 to index
          %swap3A_1659 = arith.constant 16 : index
          %swap3A_1660 = tpu.vector_load %arg15[%swap3A_1658, %swap3A_1659] {strides = array<i32>} : memref<256x32xf32, #tpu.memory_space<vmem>>, vector<1x16xf32>,
          %swap3A_1661 = vector.shape_cast %swap3A_1660 : vector<1x16xf32> to vector<16xf32>
          %swap3A_1662 = vector.shape_cast %mul3A_1657 : vector<16xf32> to vector<1x16xf32>
          tpu.vector_store %arg15[%swap3A_1658, %swap3A_1659], %swap3A_1662 {strides = array<i32>} : memref<256x32xf32, #tpu.memory_space<vmem>>, vector<1x16xf32>,
          %mul3A_1663 = arith.constant 16 : i32
          %mul3A_1664 = arith.muli %scan3A_1573, %mul3A_1663 : i32
          %add3A_1665 = arith.constant 3 : i32
          %add3A_1666 = arith.addi %mul3A_1664, %add3A_1665 : i32
          %slice3A_1667 = vector.extract_strided_slice %get3A_1580 {offsets = [3], sizes = [1], strides = [1]} : vector<16xf32> to vector<1xf32>
          %squeeze3A_1668 = vector.extract %slice3A_1667[0] : f32 from vector<1xf32>
          %get3A_1669 = arith.index_cast %add3A_1666 : i32 to index
          %get3A_1670 = arith.constant 0 : index
          %get3A_1671 = tpu.vector_load %arg14[%get3A_1669, %get3A_1670] {strides = array<i32>} : memref<256x32xf32, #tpu.memory_space<vmem>>, vector<1x16xf32>,
          %get3A_1672 = vector.shape_cast %get3A_1671 : vector<1x16xf32> to vector<16xf32>
          %mul3A_1673 = vector.broadcast %squeeze3A_1668 : f32 to vector<16xf32>
          %mul3A_1674 = arith.mulf %get3A_1672, %mul3A_1673 : vector<16xf32>
          %swap3A_1675 = arith.index_cast %add3A_1666 : i32 to index
          %swap3A_1676 = arith.constant 0 : index
          %swap3A_1677 = tpu.vector_load %arg15[%swap3A_1675, %swap3A_1676] {strides = array<i32>} : memref<256x32xf32, #tpu.memory_space<vmem>>, vector<1x16xf32>,
          %swap3A_1678 = vector.shape_cast %swap3A_1677 : vector<1x16xf32> to vector<16xf32>
          %swap3A_1679 = vector.shape_cast %mul3A_1674 : vector<16xf32> to vector<1x16xf32>
          tpu.vector_store %arg15[%swap3A_1675, %swap3A_1676], %swap3A_1679 {strides = array<i32>} : memref<256x32xf32, #tpu.memory_space<vmem>>, vector<1x16xf32>,
          %get3A_1680 = arith.index_cast %add3A_1666 : i32 to index
          %get3A_1681 = arith.constant 16 : index
          %get3A_1682 = tpu.vector_load %arg14[%get3A_1680, %get3A_1681] {strides = array<i32>} : memref<256x32xf32, #tpu.memory_space<vmem>>, vector<1x16xf32>,
          %get3A_1683 = vector.shape_cast %get3A_1682 : vector<1x16xf32> to vector<16xf32>
          %mul3A_1684 = vector.broadcast %squeeze3A_1668 : f32 to vector<16xf32>
          %mul3A_1685 = arith.mulf %get3A_1683, %mul3A_1684 : vector<16xf32>
          %swap3A_1686 = arith.index_cast %add3A_1666 : i32 to index
          %swap3A_1687 = arith.constant 16 : index
          %swap3A_1688 = tpu.vector_load %arg15[%swap3A_1686, %swap3A_1687] {strides = array<i32>} : memref<256x32xf32, #tpu.memory_space<vmem>>, vector<1x16xf32>,
          %swap3A_1689 = vector.shape_cast %swap3A_1688 : vector<1x16xf32> to vector<16xf32>
          %swap3A_1690 = vector.shape_cast %mul3A_1685 : vector<16xf32> to vector<1x16xf32>
          tpu.vector_store %arg15[%swap3A_1686, %swap3A_1687], %swap3A_1690 {strides = array<i32>} : memref<256x32xf32, #tpu.memory_space<vmem>>, vector<1x16xf32>,
          %mul3A_1691 = arith.constant 16 : i32
          %mul3A_1692 = arith.muli %scan3A_1573, %mul3A_1691 : i32
          %add3A_1693 = arith.constant 4 : i32
          %add3A_1694 = arith.addi %mul3A_1692, %add3A_1693 : i32
          %slice3A_1695 = vector.extract_strided_slice %get3A_1580 {offsets = [4], sizes = [1], strides = [1]} : vector<16xf32> to vector<1xf32>
          %squeeze3A_1696 = vector.extract %slice3A_1695[0] : f32 from vector<1xf32>
          %get3A_1697 = arith.index_cast %add3A_1694 : i32 to index
          %get3A_1698 = arith.constant 0 : index
          %get3A_1699 = tpu.vector_load %arg14[%get3A_1697, %get3A_1698] {strides = array<i32>} : memref<256x32xf32, #tpu.memory_space<vmem>>, vector<1x16xf32>,
          %get3A_1700 = vector.shape_cast %get3A_1699 : vector<1x16xf32> to vector<16xf32>
          %mul3A_1701 = vector.broadcast %squeeze3A_1696 : f32 to vector<16xf32>
          %mul3A_1702 = arith.mulf %get3A_1700, %mul3A_1701 : vector<16xf32>
          %swap3A_1703 = arith.index_cast %add3A_1694 : i32 to index
          %swap3A_1704 = arith.constant 0 : index
          %swap3A_1705 = tpu.vector_load %arg15[%swap3A_1703, %swap3A_1704] {strides = array<i32>} : memref<256x32xf32, #tpu.memory_space<vmem>>, vector<1x16xf32>,
          %swap3A_1706 = vector.shape_cast %swap3A_1705 : vector<1x16xf32> to vector<16xf32>
          %swap3A_1707 = vector.shape_cast %mul3A_1702 : vector<16xf32> to vector<1x16xf32>
          tpu.vector_store %arg15[%swap3A_1703, %swap3A_1704], %swap3A_1707 {strides = array<i32>} : memref<256x32xf32, #tpu.memory_space<vmem>>, vector<1x16xf32>,
          %get3A_1708 = arith.index_cast %add3A_1694 : i32 to index
          %get3A_1709 = arith.constant 16 : index
          %get3A_1710 = tpu.vector_load %arg14[%get3A_1708, %get3A_1709] {strides = array<i32>} : memref<256x32xf32, #tpu.memory_space<vmem>>, vector<1x16xf32>,
          %get3A_1711 = vector.shape_cast %get3A_1710 : vector<1x16xf32> to vector<16xf32>
          %mul3A_1712 = vector.broadcast %squeeze3A_1696 : f32 to vector<16xf32>
          %mul3A_1713 = arith.mulf %get3A_1711, %mul3A_1712 : vector<16xf32>
          %swap3A_1714 = arith.index_cast %add3A_1694 : i32 to index
          %swap3A_1715 = arith.constant 16 : index
          %swap3A_1716 = tpu.vector_load %arg15[%swap3A_1714, %swap3A_1715] {strides = array<i32>} : memref<256x32xf32, #tpu.memory_space<vmem>>, vector<1x16xf32>,
          %swap3A_1717 = vector.shape_cast %swap3A_1716 : vector<1x16xf32> to vector<16xf32>
          %swap3A_1718 = vector.shape_cast %mul3A_1713 : vector<16xf32> to vector<1x16xf32>
          tpu.vector_store %arg15[%swap3A_1714, %swap3A_1715], %swap3A_1718 {strides = array<i32>} : memref<256x32xf32, #tpu.memory_space<vmem>>, vector<1x16xf32>,
          %mul3A_1719 = arith.constant 16 : i32
          %mul3A_1720 = arith.muli %scan3A_1573, %mul3A_1719 : i32
          %add3A_1721 = arith.constant 5 : i32
          %add3A_1722 = arith.addi %mul3A_1720, %add3A_1721 : i32
          %slice3A_1723 = vector.extract_strided_slice %get3A_1580 {offsets = [5], sizes = [1], strides = [1]} : vector<16xf32> to vector<1xf32>
          %squeeze3A_1724 = vector.extract %slice3A_1723[0] : f32 from vector<1xf32>
          %get3A_1725 = arith.index_cast %add3A_1722 : i32 to index
          %get3A_1726 = arith.constant 0 : index
          %get3A_1727 = tpu.vector_load %arg14[%get3A_1725, %get3A_1726] {strides = array<i32>} : memref<256x32xf32, #tpu.memory_space<vmem>>, vector<1x16xf32>,
          %get3A_1728 = vector.shape_cast %get3A_1727 : vector<1x16xf32> to vector<16xf32>
          %mul3A_1729 = vector.broadcast %squeeze3A_1724 : f32 to vector<16xf32>
          %mul3A_1730 = arith.mulf %get3A_1728, %mul3A_1729 : vector<16xf32>
          %swap3A_1731 = arith.index_cast %add3A_1722 : i32 to index
          %swap3A_1732 = arith.constant 0 : index
          %swap3A_1733 = tpu.vector_load %arg15[%swap3A_1731, %swap3A_1732] {strides = array<i32>} : memref<256x32xf32, #tpu.memory_space<vmem>>, vector<1x16xf32>,
          %swap3A_1734 = vector.shape_cast %swap3A_1733 : vector<1x16xf32> to vector<16xf32>
          %swap3A_1735 = vector.shape_cast %mul3A_1730 : vector<16xf32> to vector<1x16xf32>
          tpu.vector_store %arg15[%swap3A_1731, %swap3A_1732], %swap3A_1735 {strides = array<i32>} : memref<256x32xf32, #tpu.memory_space<vmem>>, vector<1x16xf32>,
          %get3A_1736 = arith.index_cast %add3A_1722 : i32 to index
          %get3A_1737 = arith.constant 16 : index
          %get3A_1738 = tpu.vector_load %arg14[%get3A_1736, %get3A_1737] {strides = array<i32>} : memref<256x32xf32, #tpu.memory_space<vmem>>, vector<1x16xf32>,
          %get3A_1739 = vector.shape_cast %get3A_1738 : vector<1x16xf32> to vector<16xf32>
          %mul3A_1740 = vector.broadcast %squeeze3A_1724 : f32 to vector<16xf32>
          %mul3A_1741 = arith.mulf %get3A_1739, %mul3A_1740 : vector<16xf32>
          %swap3A_1742 = arith.index_cast %add3A_1722 : i32 to index
          %swap3A_1743 = arith.constant 16 : index
          %swap3A_1744 = tpu.vector_load %arg15[%swap3A_1742, %swap3A_1743] {strides = array<i32>} : memref<256x32xf32, #tpu.memory_space<vmem>>, vector<1x16xf32>,
          %swap3A_1745 = vector.shape_cast %swap3A_1744 : vector<1x16xf32> to vector<16xf32>
          %swap3A_1746 = vector.shape_cast %mul3A_1741 : vector<16xf32> to vector<1x16xf32>
          tpu.vector_store %arg15[%swap3A_1742, %swap3A_1743], %swap3A_1746 {strides = array<i32>} : memref<256x32xf32, #tpu.memory_space<vmem>>, vector<1x16xf32>,
          %mul3A_1747 = arith.constant 16 : i32
          %mul3A_1748 = arith.muli %scan3A_1573, %mul3A_1747 : i32
          %add3A_1749 = arith.constant 6 : i32
          %add3A_1750 = arith.addi %mul3A_1748, %add3A_1749 : i32
          %slice3A_1751 = vector.extract_strided_slice %get3A_1580 {offsets = [6], sizes = [1], strides = [1]} : vector<16xf32> to vector<1xf32>
          %squeeze3A_1752 = vector.extract %slice3A_1751[0] : f32 from vector<1xf32>
          %get3A_1753 = arith.index_cast %add3A_1750 : i32 to index
          %get3A_1754 = arith.constant 0 : index
          %get3A_1755 = tpu.vector_load %arg14[%get3A_1753, %get3A_1754] {strides = array<i32>} : memref<256x32xf32, #tpu.memory_space<vmem>>, vector<1x16xf32>,
          %get3A_1756 = vector.shape_cast %get3A_1755 : vector<1x16xf32> to vector<16xf32>
          %mul3A_1757 = vector.broadcast %squeeze3A_1752 : f32 to vector<16xf32>
          %mul3A_1758 = arith.mulf %get3A_1756, %mul3A_1757 : vector<16xf32>
          %swap3A_1759 = arith.index_cast %add3A_1750 : i32 to index
          %swap3A_1760 = arith.constant 0 : index
          %swap3A_1761 = tpu.vector_load %arg15[%swap3A_1759, %swap3A_1760] {strides = array<i32>} : memref<256x32xf32, #tpu.memory_space<vmem>>, vector<1x16xf32>,
          %swap3A_1762 = vector.shape_cast %swap3A_1761 : vector<1x16xf32> to vector<16xf32>
          %swap3A_1763 = vector.shape_cast %mul3A_1758 : vector<16xf32> to vector<1x16xf32>
          tpu.vector_store %arg15[%swap3A_1759, %swap3A_1760], %swap3A_1763 {strides = array<i32>} : memref<256x32xf32, #tpu.memory_space<vmem>>, vector<1x16xf32>,
          %get3A_1764 = arith.index_cast %add3A_1750 : i32 to index
          %get3A_1765 = arith.constant 16 : index
          %get3A_1766 = tpu.vector_load %arg14[%get3A_1764, %get3A_1765] {strides = array<i32>} : memref<256x32xf32, #tpu.memory_space<vmem>>, vector<1x16xf32>,
          %get3A_1767 = vector.shape_cast %get3A_1766 : vector<1x16xf32> to vector<16xf32>
          %mul3A_1768 = vector.broadcast %squeeze3A_1752 : f32 to vector<16xf32>
          %mul3A_1769 = arith.mulf %get3A_1767, %mul3A_1768 : vector<16xf32>
          %swap3A_1770 = arith.index_cast %add3A_1750 : i32 to index
          %swap3A_1771 = arith.constant 16 : index
          %swap3A_1772 = tpu.vector_load %arg15[%swap3A_1770, %swap3A_1771] {strides = array<i32>} : memref<256x32xf32, #tpu.memory_space<vmem>>, vector<1x16xf32>,
          %swap3A_1773 = vector.shape_cast %swap3A_1772 : vector<1x16xf32> to vector<16xf32>
          %swap3A_1774 = vector.shape_cast %mul3A_1769 : vector<16xf32> to vector<1x16xf32>
          tpu.vector_store %arg15[%swap3A_1770, %swap3A_1771], %swap3A_1774 {strides = array<i32>} : memref<256x32xf32, #tpu.memory_space<vmem>>, vector<1x16xf32>,
          %mul3A_1775 = arith.constant 16 : i32
          %mul3A_1776 = arith.muli %scan3A_1573, %mul3A_1775 : i32
          %add3A_1777 = arith.constant 7 : i32
          %add3A_1778 = arith.addi %mul3A_1776, %add3A_1777 : i32
          %slice3A_1779 = vector.extract_strided_slice %get3A_1580 {offsets = [7], sizes = [1], strides = [1]} : vector<16xf32> to vector<1xf32>
          %squeeze3A_1780 = vector.extract %slice3A_1779[0] : f32 from vector<1xf32>
          %get3A_1781 = arith.index_cast %add3A_1778 : i32 to index
          %get3A_1782 = arith.constant 0 : index
          %get3A_1783 = tpu.vector_load %arg14[%get3A_1781, %get3A_1782] {strides = array<i32>} : memref<256x32xf32, #tpu.memory_space<vmem>>, vector<1x16xf32>,
          %get3A_1784 = vector.shape_cast %get3A_1783 : vector<1x16xf32> to vector<16xf32>
          %mul3A_1785 = vector.broadcast %squeeze3A_1780 : f32 to vector<16xf32>
          %mul3A_1786 = arith.mulf %get3A_1784, %mul3A_1785 : vector<16xf32>
          %swap3A_1787 = arith.index_cast %add3A_1778 : i32 to index
          %swap3A_1788 = arith.constant 0 : index
          %swap3A_1789 = tpu.vector_load %arg15[%swap3A_1787, %swap3A_1788] {strides = array<i32>} : memref<256x32xf32, #tpu.memory_space<vmem>>, vector<1x16xf32>,
          %swap3A_1790 = vector.shape_cast %swap3A_1789 : vector<1x16xf32> to vector<16xf32>
          %swap3A_1791 = vector.shape_cast %mul3A_1786 : vector<16xf32> to vector<1x16xf32>
          tpu.vector_store %arg15[%swap3A_1787, %swap3A_1788], %swap3A_1791 {strides = array<i32>} : memref<256x32xf32, #tpu.memory_space<vmem>>, vector<1x16xf32>,
          %get3A_1792 = arith.index_cast %add3A_1778 : i32 to index
          %get3A_1793 = arith.constant 16 : index
          %get3A_1794 = tpu.vector_load %arg14[%get3A_1792, %get3A_1793] {strides = array<i32>} : memref<256x32xf32, #tpu.memory_space<vmem>>, vector<1x16xf32>,
          %get3A_1795 = vector.shape_cast %get3A_1794 : vector<1x16xf32> to vector<16xf32>
          %mul3A_1796 = vector.broadcast %squeeze3A_1780 : f32 to vector<16xf32>
          %mul3A_1797 = arith.mulf %get3A_1795, %mul3A_1796 : vector<16xf32>
          %swap3A_1798 = arith.index_cast %add3A_1778 : i32 to index
          %swap3A_1799 = arith.constant 16 : index
          %swap3A_1800 = tpu.vector_load %arg15[%swap3A_1798, %swap3A_1799] {strides = array<i32>} : memref<256x32xf32, #tpu.memory_space<vmem>>, vector<1x16xf32>,
          %swap3A_1801 = vector.shape_cast %swap3A_1800 : vector<1x16xf32> to vector<16xf32>
          %swap3A_1802 = vector.shape_cast %mul3A_1797 : vector<16xf32> to vector<1x16xf32>
          tpu.vector_store %arg15[%swap3A_1798, %swap3A_1799], %swap3A_1802 {strides = array<i32>} : memref<256x32xf32, #tpu.memory_space<vmem>>, vector<1x16xf32>,
          %mul3A_1803 = arith.constant 16 : i32
          %mul3A_1804 = arith.muli %scan3A_1573, %mul3A_1803 : i32
          %add3A_1805 = arith.constant 8 : i32
          %add3A_1806 = arith.addi %mul3A_1804, %add3A_1805 : i32
          %slice3A_1807 = vector.extract_strided_slice %get3A_1580 {offsets = [8], sizes = [1], strides = [1]} : vector<16xf32> to vector<1xf32>
          %squeeze3A_1808 = vector.extract %slice3A_1807[0] : f32 from vector<1xf32>
          %get3A_1809 = arith.index_cast %add3A_1806 : i32 to index
          %get3A_1810 = arith.constant 0 : index
          %get3A_1811 = tpu.vector_load %arg14[%get3A_1809, %get3A_1810] {strides = array<i32>} : memref<256x32xf32, #tpu.memory_space<vmem>>, vector<1x16xf32>,
          %get3A_1812 = vector.shape_cast %get3A_1811 : vector<1x16xf32> to vector<16xf32>
          %mul3A_1813 = vector.broadcast %squeeze3A_1808 : f32 to vector<16xf32>
          %mul3A_1814 = arith.mulf %get3A_1812, %mul3A_1813 : vector<16xf32>
          %swap3A_1815 = arith.index_cast %add3A_1806 : i32 to index
          %swap3A_1816 = arith.constant 0 : index
          %swap3A_1817 = tpu.vector_load %arg15[%swap3A_1815, %swap3A_1816] {strides = array<i32>} : memref<256x32xf32, #tpu.memory_space<vmem>>, vector<1x16xf32>,
          %swap3A_1818 = vector.shape_cast %swap3A_1817 : vector<1x16xf32> to vector<16xf32>
          %swap3A_1819 = vector.shape_cast %mul3A_1814 : vector<16xf32> to vector<1x16xf32>
          tpu.vector_store %arg15[%swap3A_1815, %swap3A_1816], %swap3A_1819 {strides = array<i32>} : memref<256x32xf32, #tpu.memory_space<vmem>>, vector<1x16xf32>,
          %get3A_1820 = arith.index_cast %add3A_1806 : i32 to index
          %get3A_1821 = arith.constant 16 : index
          %get3A_1822 = tpu.vector_load %arg14[%get3A_1820, %get3A_1821] {strides = array<i32>} : memref<256x32xf32, #tpu.memory_space<vmem>>, vector<1x16xf32>,
          %get3A_1823 = vector.shape_cast %get3A_1822 : vector<1x16xf32> to vector<16xf32>
          %mul3A_1824 = vector.broadcast %squeeze3A_1808 : f32 to vector<16xf32>
          %mul3A_1825 = arith.mulf %get3A_1823, %mul3A_1824 : vector<16xf32>
          %swap3A_1826 = arith.index_cast %add3A_1806 : i32 to index
          %swap3A_1827 = arith.constant 16 : index
          %swap3A_1828 = tpu.vector_load %arg15[%swap3A_1826, %swap3A_1827] {strides = array<i32>} : memref<256x32xf32, #tpu.memory_space<vmem>>, vector<1x16xf32>,
          %swap3A_1829 = vector.shape_cast %swap3A_1828 : vector<1x16xf32> to vector<16xf32>
          %swap3A_1830 = vector.shape_cast %mul3A_1825 : vector<16xf32> to vector<1x16xf32>
          tpu.vector_store %arg15[%swap3A_1826, %swap3A_1827], %swap3A_1830 {strides = array<i32>} : memref<256x32xf32, #tpu.memory_space<vmem>>, vector<1x16xf32>,
          %mul3A_1831 = arith.constant 16 : i32
          %mul3A_1832 = arith.muli %scan3A_1573, %mul3A_1831 : i32
          %add3A_1833 = arith.constant 9 : i32
          %add3A_1834 = arith.addi %mul3A_1832, %add3A_1833 : i32
          %slice3A_1835 = vector.extract_strided_slice %get3A_1580 {offsets = [9], sizes = [1], strides = [1]} : vector<16xf32> to vector<1xf32>
          %squeeze3A_1836 = vector.extract %slice3A_1835[0] : f32 from vector<1xf32>
          %get3A_1837 = arith.index_cast %add3A_1834 : i32 to index
          %get3A_1838 = arith.constant 0 : index
          %get3A_1839 = tpu.vector_load %arg14[%get3A_1837, %get3A_1838] {strides = array<i32>} : memref<256x32xf32, #tpu.memory_space<vmem>>, vector<1x16xf32>,
          %get3A_1840 = vector.shape_cast %get3A_1839 : vector<1x16xf32> to vector<16xf32>
          %mul3A_1841 = vector.broadcast %squeeze3A_1836 : f32 to vector<16xf32>
          %mul3A_1842 = arith.mulf %get3A_1840, %mul3A_1841 : vector<16xf32>
          %swap3A_1843 = arith.index_cast %add3A_1834 : i32 to index
          %swap3A_1844 = arith.constant 0 : index
          %swap3A_1845 = tpu.vector_load %arg15[%swap3A_1843, %swap3A_1844] {strides = array<i32>} : memref<256x32xf32, #tpu.memory_space<vmem>>, vector<1x16xf32>,
          %swap3A_1846 = vector.shape_cast %swap3A_1845 : vector<1x16xf32> to vector<16xf32>
          %swap3A_1847 = vector.shape_cast %mul3A_1842 : vector<16xf32> to vector<1x16xf32>
          tpu.vector_store %arg15[%swap3A_1843, %swap3A_1844], %swap3A_1847 {strides = array<i32>} : memref<256x32xf32, #tpu.memory_space<vmem>>, vector<1x16xf32>,
          %get3A_1848 = arith.index_cast %add3A_1834 : i32 to index
          %get3A_1849 = arith.constant 16 : index
          %get3A_1850 = tpu.vector_load %arg14[%get3A_1848, %get3A_1849] {strides = array<i32>} : memref<256x32xf32, #tpu.memory_space<vmem>>, vector<1x16xf32>,
          %get3A_1851 = vector.shape_cast %get3A_1850 : vector<1x16xf32> to vector<16xf32>
          %mul3A_1852 = vector.broadcast %squeeze3A_1836 : f32 to vector<16xf32>
          %mul3A_1853 = arith.mulf %get3A_1851, %mul3A_1852 : vector<16xf32>
          %swap3A_1854 = arith.index_cast %add3A_1834 : i32 to index
          %swap3A_1855 = arith.constant 16 : index
          %swap3A_1856 = tpu.vector_load %arg15[%swap3A_1854, %swap3A_1855] {strides = array<i32>} : memref<256x32xf32, #tpu.memory_space<vmem>>, vector<1x16xf32>,
          %swap3A_1857 = vector.shape_cast %swap3A_1856 : vector<1x16xf32> to vector<16xf32>
          %swap3A_1858 = vector.shape_cast %mul3A_1853 : vector<16xf32> to vector<1x16xf32>
          tpu.vector_store %arg15[%swap3A_1854, %swap3A_1855], %swap3A_1858 {strides = array<i32>} : memref<256x32xf32, #tpu.memory_space<vmem>>, vector<1x16xf32>,
          %mul3A_1859 = arith.constant 16 : i32
          %mul3A_1860 = arith.muli %scan3A_1573, %mul3A_1859 : i32
          %add3A_1861 = arith.constant 10 : i32
          %add3A_1862 = arith.addi %mul3A_1860, %add3A_1861 : i32
          %slice3A_1863 = vector.extract_strided_slice %get3A_1580 {offsets = [10], sizes = [1], strides = [1]} : vector<16xf32> to vector<1xf32>
          %squeeze3A_1864 = vector.extract %slice3A_1863[0] : f32 from vector<1xf32>
          %get3A_1865 = arith.index_cast %add3A_1862 : i32 to index
          %get3A_1866 = arith.constant 0 : index
          %get3A_1867 = tpu.vector_load %arg14[%get3A_1865, %get3A_1866] {strides = array<i32>} : memref<256x32xf32, #tpu.memory_space<vmem>>, vector<1x16xf32>,
          %get3A_1868 = vector.shape_cast %get3A_1867 : vector<1x16xf32> to vector<16xf32>
          %mul3A_1869 = vector.broadcast %squeeze3A_1864 : f32 to vector<16xf32>
          %mul3A_1870 = arith.mulf %get3A_1868, %mul3A_1869 : vector<16xf32>
          %swap3A_1871 = arith.index_cast %add3A_1862 : i32 to index
          %swap3A_1872 = arith.constant 0 : index
          %swap3A_1873 = tpu.vector_load %arg15[%swap3A_1871, %swap3A_1872] {strides = array<i32>} : memref<256x32xf32, #tpu.memory_space<vmem>>, vector<1x16xf32>,
          %swap3A_1874 = vector.shape_cast %swap3A_1873 : vector<1x16xf32> to vector<16xf32>
          %swap3A_1875 = vector.shape_cast %mul3A_1870 : vector<16xf32> to vector<1x16xf32>
          tpu.vector_store %arg15[%swap3A_1871, %swap3A_1872], %swap3A_1875 {strides = array<i32>} : memref<256x32xf32, #tpu.memory_space<vmem>>, vector<1x16xf32>,
          %get3A_1876 = arith.index_cast %add3A_1862 : i32 to index
          %get3A_1877 = arith.constant 16 : index
          %get3A_1878 = tpu.vector_load %arg14[%get3A_1876, %get3A_1877] {strides = array<i32>} : memref<256x32xf32, #tpu.memory_space<vmem>>, vector<1x16xf32>,
          %get3A_1879 = vector.shape_cast %get3A_1878 : vector<1x16xf32> to vector<16xf32>
          %mul3A_1880 = vector.broadcast %squeeze3A_1864 : f32 to vector<16xf32>
          %mul3A_1881 = arith.mulf %get3A_1879, %mul3A_1880 : vector<16xf32>
          %swap3A_1882 = arith.index_cast %add3A_1862 : i32 to index
          %swap3A_1883 = arith.constant 16 : index
          %swap3A_1884 = tpu.vector_load %arg15[%swap3A_1882, %swap3A_1883] {strides = array<i32>} : memref<256x32xf32, #tpu.memory_space<vmem>>, vector<1x16xf32>,
          %swap3A_1885 = vector.shape_cast %swap3A_1884 : vector<1x16xf32> to vector<16xf32>
          %swap3A_1886 = vector.shape_cast %mul3A_1881 : vector<16xf32> to vector<1x16xf32>
          tpu.vector_store %arg15[%swap3A_1882, %swap3A_1883], %swap3A_1886 {strides = array<i32>} : memref<256x32xf32, #tpu.memory_space<vmem>>, vector<1x16xf32>,
          %mul3A_1887 = arith.constant 16 : i32
          %mul3A_1888 = arith.muli %scan3A_1573, %mul3A_1887 : i32
          %add3A_1889 = arith.constant 11 : i32
          %add3A_1890 = arith.addi %mul3A_1888, %add3A_1889 : i32
          %slice3A_1891 = vector.extract_strided_slice %get3A_1580 {offsets = [11], sizes = [1], strides = [1]} : vector<16xf32> to vector<1xf32>
          %squeeze3A_1892 = vector.extract %slice3A_1891[0] : f32 from vector<1xf32>
          %get3A_1893 = arith.index_cast %add3A_1890 : i32 to index
          %get3A_1894 = arith.constant 0 : index
          %get3A_1895 = tpu.vector_load %arg14[%get3A_1893, %get3A_1894] {strides = array<i32>} : memref<256x32xf32, #tpu.memory_space<vmem>>, vector<1x16xf32>,
          %get3A_1896 = vector.shape_cast %get3A_1895 : vector<1x16xf32> to vector<16xf32>
          %mul3A_1897 = vector.broadcast %squeeze3A_1892 : f32 to vector<16xf32>
          %mul3A_1898 = arith.mulf %get3A_1896, %mul3A_1897 : vector<16xf32>
          %swap3A_1899 = arith.index_cast %add3A_1890 : i32 to index
          %swap3A_1900 = arith.constant 0 : index
          %swap3A_1901 = tpu.vector_load %arg15[%swap3A_1899, %swap3A_1900] {strides = array<i32>} : memref<256x32xf32, #tpu.memory_space<vmem>>, vector<1x16xf32>,
          %swap3A_1902 = vector.shape_cast %swap3A_1901 : vector<1x16xf32> to vector<16xf32>
          %swap3A_1903 = vector.shape_cast %mul3A_1898 : vector<16xf32> to vector<1x16xf32>
          tpu.vector_store %arg15[%swap3A_1899, %swap3A_1900], %swap3A_1903 {strides = array<i32>} : memref<256x32xf32, #tpu.memory_space<vmem>>, vector<1x16xf32>,
          %get3A_1904 = arith.index_cast %add3A_1890 : i32 to index
          %get3A_1905 = arith.constant 16 : index
          %get3A_1906 = tpu.vector_load %arg14[%get3A_1904, %get3A_1905] {strides = array<i32>} : memref<256x32xf32, #tpu.memory_space<vmem>>, vector<1x16xf32>,
          %get3A_1907 = vector.shape_cast %get3A_1906 : vector<1x16xf32> to vector<16xf32>
          %mul3A_1908 = vector.broadcast %squeeze3A_1892 : f32 to vector<16xf32>
          %mul3A_1909 = arith.mulf %get3A_1907, %mul3A_1908 : vector<16xf32>
          %swap3A_1910 = arith.index_cast %add3A_1890 : i32 to index
          %swap3A_1911 = arith.constant 16 : index
          %swap3A_1912 = tpu.vector_load %arg15[%swap3A_1910, %swap3A_1911] {strides = array<i32>} : memref<256x32xf32, #tpu.memory_space<vmem>>, vector<1x16xf32>,
          %swap3A_1913 = vector.shape_cast %swap3A_1912 : vector<1x16xf32> to vector<16xf32>
          %swap3A_1914 = vector.shape_cast %mul3A_1909 : vector<16xf32> to vector<1x16xf32>
          tpu.vector_store %arg15[%swap3A_1910, %swap3A_1911], %swap3A_1914 {strides = array<i32>} : memref<256x32xf32, #tpu.memory_space<vmem>>, vector<1x16xf32>,
          %mul3A_1915 = arith.constant 16 : i32
          %mul3A_1916 = arith.muli %scan3A_1573, %mul3A_1915 : i32
          %add3A_1917 = arith.constant 12 : i32
          %add3A_1918 = arith.addi %mul3A_1916, %add3A_1917 : i32
          %slice3A_1919 = vector.extract_strided_slice %get3A_1580 {offsets = [12], sizes = [1], strides = [1]} : vector<16xf32> to vector<1xf32>
          %squeeze3A_1920 = vector.extract %slice3A_1919[0] : f32 from vector<1xf32>
          %get3A_1921 = arith.index_cast %add3A_1918 : i32 to index
          %get3A_1922 = arith.constant 0 : index
          %get3A_1923 = tpu.vector_load %arg14[%get3A_1921, %get3A_1922] {strides = array<i32>} : memref<256x32xf32, #tpu.memory_space<vmem>>, vector<1x16xf32>,
          %get3A_1924 = vector.shape_cast %get3A_1923 : vector<1x16xf32> to vector<16xf32>
          %mul3A_1925 = vector.broadcast %squeeze3A_1920 : f32 to vector<16xf32>
          %mul3A_1926 = arith.mulf %get3A_1924, %mul3A_1925 : vector<16xf32>
          %swap3A_1927 = arith.index_cast %add3A_1918 : i32 to index
          %swap3A_1928 = arith.constant 0 : index
          %swap3A_1929 = tpu.vector_load %arg15[%swap3A_1927, %swap3A_1928] {strides = array<i32>} : memref<256x32xf32, #tpu.memory_space<vmem>>, vector<1x16xf32>,
          %swap3A_1930 = vector.shape_cast %swap3A_1929 : vector<1x16xf32> to vector<16xf32>
          %swap3A_1931 = vector.shape_cast %mul3A_1926 : vector<16xf32> to vector<1x16xf32>
          tpu.vector_store %arg15[%swap3A_1927, %swap3A_1928], %swap3A_1931 {strides = array<i32>} : memref<256x32xf32, #tpu.memory_space<vmem>>, vector<1x16xf32>,
          %get3A_1932 = arith.index_cast %add3A_1918 : i32 to index
          %get3A_1933 = arith.constant 16 : index
          %get3A_1934 = tpu.vector_load %arg14[%get3A_1932, %get3A_1933] {strides = array<i32>} : memref<256x32xf32, #tpu.memory_space<vmem>>, vector<1x16xf32>,
          %get3A_1935 = vector.shape_cast %get3A_1934 : vector<1x16xf32> to vector<16xf32>
          %mul3A_1936 = vector.broadcast %squeeze3A_1920 : f32 to vector<16xf32>
          %mul3A_1937 = arith.mulf %get3A_1935, %mul3A_1936 : vector<16xf32>
          %swap3A_1938 = arith.index_cast %add3A_1918 : i32 to index
          %swap3A_1939 = arith.constant 16 : index
          %swap3A_1940 = tpu.vector_load %arg15[%swap3A_1938, %swap3A_1939] {strides = array<i32>} : memref<256x32xf32, #tpu.memory_space<vmem>>, vector<1x16xf32>,
          %swap3A_1941 = vector.shape_cast %swap3A_1940 : vector<1x16xf32> to vector<16xf32>
          %swap3A_1942 = vector.shape_cast %mul3A_1937 : vector<16xf32> to vector<1x16xf32>
          tpu.vector_store %arg15[%swap3A_1938, %swap3A_1939], %swap3A_1942 {strides = array<i32>} : memref<256x32xf32, #tpu.memory_space<vmem>>, vector<1x16xf32>,
          %mul3A_1943 = arith.constant 16 : i32
          %mul3A_1944 = arith.muli %scan3A_1573, %mul3A_1943 : i32
          %add3A_1945 = arith.constant 13 : i32
          %add3A_1946 = arith.addi %mul3A_1944, %add3A_1945 : i32
          %slice3A_1947 = vector.extract_strided_slice %get3A_1580 {offsets = [13], sizes = [1], strides = [1]} : vector<16xf32> to vector<1xf32>
          %squeeze3A_1948 = vector.extract %slice3A_1947[0] : f32 from vector<1xf32>
          %get3A_1949 = arith.index_cast %add3A_1946 : i32 to index
          %get3A_1950 = arith.constant 0 : index
          %get3A_1951 = tpu.vector_load %arg14[%get3A_1949, %get3A_1950] {strides = array<i32>} : memref<256x32xf32, #tpu.memory_space<vmem>>, vector<1x16xf32>,
          %get3A_1952 = vector.shape_cast %get3A_1951 : vector<1x16xf32> to vector<16xf32>
          %mul3A_1953 = vector.broadcast %squeeze3A_1948 : f32 to vector<16xf32>
          %mul3A_1954 = arith.mulf %get3A_1952, %mul3A_1953 : vector<16xf32>
          %swap3A_1955 = arith.index_cast %add3A_1946 : i32 to index
          %swap3A_1956 = arith.constant 0 : index
          %swap3A_1957 = tpu.vector_load %arg15[%swap3A_1955, %swap3A_1956] {strides = array<i32>} : memref<256x32xf32, #tpu.memory_space<vmem>>, vector<1x16xf32>,
          %swap3A_1958 = vector.shape_cast %swap3A_1957 : vector<1x16xf32> to vector<16xf32>
          %swap3A_1959 = vector.shape_cast %mul3A_1954 : vector<16xf32> to vector<1x16xf32>
          tpu.vector_store %arg15[%swap3A_1955, %swap3A_1956], %swap3A_1959 {strides = array<i32>} : memref<256x32xf32, #tpu.memory_space<vmem>>, vector<1x16xf32>,
          %get3A_1960 = arith.index_cast %add3A_1946 : i32 to index
          %get3A_1961 = arith.constant 16 : index
          %get3A_1962 = tpu.vector_load %arg14[%get3A_1960, %get3A_1961] {strides = array<i32>} : memref<256x32xf32, #tpu.memory_space<vmem>>, vector<1x16xf32>,
          %get3A_1963 = vector.shape_cast %get3A_1962 : vector<1x16xf32> to vector<16xf32>
          %mul3A_1964 = vector.broadcast %squeeze3A_1948 : f32 to vector<16xf32>
          %mul3A_1965 = arith.mulf %get3A_1963, %mul3A_1964 : vector<16xf32>
          %swap3A_1966 = arith.index_cast %add3A_1946 : i32 to index
          %swap3A_1967 = arith.constant 16 : index
          %swap3A_1968 = tpu.vector_load %arg15[%swap3A_1966, %swap3A_1967] {strides = array<i32>} : memref<256x32xf32, #tpu.memory_space<vmem>>, vector<1x16xf32>,
          %swap3A_1969 = vector.shape_cast %swap3A_1968 : vector<1x16xf32> to vector<16xf32>
          %swap3A_1970 = vector.shape_cast %mul3A_1965 : vector<16xf32> to vector<1x16xf32>
          tpu.vector_store %arg15[%swap3A_1966, %swap3A_1967], %swap3A_1970 {strides = array<i32>} : memref<256x32xf32, #tpu.memory_space<vmem>>, vector<1x16xf32>,
          %mul3A_1971 = arith.constant 16 : i32
          %mul3A_1972 = arith.muli %scan3A_1573, %mul3A_1971 : i32
          %add3A_1973 = arith.constant 14 : i32
          %add3A_1974 = arith.addi %mul3A_1972, %add3A_1973 : i32
          %slice3A_1975 = vector.extract_strided_slice %get3A_1580 {offsets = [14], sizes = [1], strides = [1]} : vector<16xf32> to vector<1xf32>
          %squeeze3A_1976 = vector.extract %slice3A_1975[0] : f32 from vector<1xf32>
          %get3A_1977 = arith.index_cast %add3A_1974 : i32 to index
          %get3A_1978 = arith.constant 0 : index
          %get3A_1979 = tpu.vector_load %arg14[%get3A_1977, %get3A_1978] {strides = array<i32>} : memref<256x32xf32, #tpu.memory_space<vmem>>, vector<1x16xf32>,
          %get3A_1980 = vector.shape_cast %get3A_1979 : vector<1x16xf32> to vector<16xf32>
          %mul3A_1981 = vector.broadcast %squeeze3A_1976 : f32 to vector<16xf32>
          %mul3A_1982 = arith.mulf %get3A_1980, %mul3A_1981 : vector<16xf32>
          %swap3A_1983 = arith.index_cast %add3A_1974 : i32 to index
          %swap3A_1984 = arith.constant 0 : index
          %swap3A_1985 = tpu.vector_load %arg15[%swap3A_1983, %swap3A_1984] {strides = array<i32>} : memref<256x32xf32, #tpu.memory_space<vmem>>, vector<1x16xf32>,
          %swap3A_1986 = vector.shape_cast %swap3A_1985 : vector<1x16xf32> to vector<16xf32>
          %swap3A_1987 = vector.shape_cast %mul3A_1982 : vector<16xf32> to vector<1x16xf32>
          tpu.vector_store %arg15[%swap3A_1983, %swap3A_1984], %swap3A_1987 {strides = array<i32>} : memref<256x32xf32, #tpu.memory_space<vmem>>, vector<1x16xf32>,
          %get3A_1988 = arith.index_cast %add3A_1974 : i32 to index
          %get3A_1989 = arith.constant 16 : index
          %get3A_1990 = tpu.vector_load %arg14[%get3A_1988, %get3A_1989] {strides = array<i32>} : memref<256x32xf32, #tpu.memory_space<vmem>>, vector<1x16xf32>,
          %get3A_1991 = vector.shape_cast %get3A_1990 : vector<1x16xf32> to vector<16xf32>
          %mul3A_1992 = vector.broadcast %squeeze3A_1976 : f32 to vector<16xf32>
          %mul3A_1993 = arith.mulf %get3A_1991, %mul3A_1992 : vector<16xf32>
          %swap3A_1994 = arith.index_cast %add3A_1974 : i32 to index
          %swap3A_1995 = arith.constant 16 : index
          %swap3A_1996 = tpu.vector_load %arg15[%swap3A_1994, %swap3A_1995] {strides = array<i32>} : memref<256x32xf32, #tpu.memory_space<vmem>>, vector<1x16xf32>,
          %swap3A_1997 = vector.shape_cast %swap3A_1996 : vector<1x16xf32> to vector<16xf32>
          %swap3A_1998 = vector.shape_cast %mul3A_1993 : vector<16xf32> to vector<1x16xf32>
          tpu.vector_store %arg15[%swap3A_1994, %swap3A_1995], %swap3A_1998 {strides = array<i32>} : memref<256x32xf32, #tpu.memory_space<vmem>>, vector<1x16xf32>,
          %mul3A_1999 = arith.constant 16 : i32
          %mul3A_2000 = arith.muli %scan3A_1573, %mul3A_1999 : i32
          %add3A_2001 = arith.constant 15 : i32
          %add3A_2002 = arith.addi %mul3A_2000, %add3A_2001 : i32
          %slice3A_2003 = vector.extract_strided_slice %get3A_1580 {offsets = [15], sizes = [1], strides = [1]} : vector<16xf32> to vector<1xf32>
          %squeeze3A_2004 = vector.extract %slice3A_2003[0] : f32 from vector<1xf32>
          %get3A_2005 = arith.index_cast %add3A_2002 : i32 to index
          %get3A_2006 = arith.constant 0 : index
          %get3A_2007 = tpu.vector_load %arg14[%get3A_2005, %get3A_2006] {strides = array<i32>} : memref<256x32xf32, #tpu.memory_space<vmem>>, vector<1x16xf32>,
          %get3A_2008 = vector.shape_cast %get3A_2007 : vector<1x16xf32> to vector<16xf32>
          %mul3A_2009 = vector.broadcast %squeeze3A_2004 : f32 to vector<16xf32>
          %mul3A_2010 = arith.mulf %get3A_2008, %mul3A_2009 : vector<16xf32>
          %swap3A_2011 = arith.index_cast %add3A_2002 : i32 to index
          %swap3A_2012 = arith.constant 0 : index
          %swap3A_2013 = tpu.vector_load %arg15[%swap3A_2011, %swap3A_2012] {strides = array<i32>} : memref<256x32xf32, #tpu.memory_space<vmem>>, vector<1x16xf32>,
          %swap3A_2014 = vector.shape_cast %swap3A_2013 : vector<1x16xf32> to vector<16xf32>
          %swap3A_2015 = vector.shape_cast %mul3A_2010 : vector<16xf32> to vector<1x16xf32>
          tpu.vector_store %arg15[%swap3A_2011, %swap3A_2012], %swap3A_2015 {strides = array<i32>} : memref<256x32xf32, #tpu.memory_space<vmem>>, vector<1x16xf32>,
          %get3A_2016 = arith.index_cast %add3A_2002 : i32 to index
          %get3A_2017 = arith.constant 16 : index
          %get3A_2018 = tpu.vector_load %arg14[%get3A_2016, %get3A_2017] {strides = array<i32>} : memref<256x32xf32, #tpu.memory_space<vmem>>, vector<1x16xf32>,
          %get3A_2019 = vector.shape_cast %get3A_2018 : vector<1x16xf32> to vector<16xf32>
          %mul3A_2020 = vector.broadcast %squeeze3A_2004 : f32 to vector<16xf32>
          %mul3A_2021 = arith.mulf %get3A_2019, %mul3A_2020 : vector<16xf32>
          %swap3A_2022 = arith.index_cast %add3A_2002 : i32 to index
          %swap3A_2023 = arith.constant 16 : index
          %swap3A_2024 = tpu.vector_load %arg15[%swap3A_2022, %swap3A_2023] {strides = array<i32>} : memref<256x32xf32, #tpu.memory_space<vmem>>, vector<1x16xf32>,
          %swap3A_2025 = vector.shape_cast %swap3A_2024 : vector<1x16xf32> to vector<16xf32>
          %swap3A_2026 = vector.shape_cast %mul3A_2021 : vector<16xf32> to vector<1x16xf32>
          tpu.vector_store %arg15[%swap3A_2022, %swap3A_2023], %swap3A_2026 {strides = array<i32>} : memref<256x32xf32, #tpu.memory_space<vmem>>, vector<1x16xf32>,
        }
        %scan3A_1562 = arith.constant 16 : i32
        %dma_start3A_1563 = arith.constant 768 : i32
        %dma_start3A_1564 = tpu.memref_slice %arg8[%dma_start3A_1563] : memref<1024xi32, #tpu.memory_space<vmem>> -> memref<256xi32, #tpu.memory_space<vmem>>
        %dma_start3A_1565 = arith.constant 0 : i32
        %dma_start3A_1566 = arith.constant 0 : i32
        %dma_start3A_1567 = tpu.memref_slice %arg16[%dma_start3A_1565, %dma_start3A_1566] : memref<50048x32xf32, #tpu.memory_space<vmem_shared>> -> memref<50048x32xf32, #tpu.memory_space<vmem_shared>>
        tpu.enqueue_indirect_dma source(%arg15 : memref<256x32xf32, #tpu.memory_space<vmem>>) target(%dma_start3A_1567 : memref<50048x32xf32, #tpu.memory_space<vmem_shared>>) offsets(%dma_start3A_1564 : memref<256xi32, #tpu.memory_space<vmem>>) semaphore(%arg19 : memref<!tpu.dma_semaphore, #tpu.memory_space<semaphore_mem>>) {add = true}
        %dma_wait3A_1568 = arith.constant 768 : i32
        %dma_wait3A_1569 = tpu.memref_slice %arg8[%dma_wait3A_1568] : memref<1024xi32, #tpu.memory_space<vmem>> -> memref<256xi32, #tpu.memory_space<vmem>>
        %dma_wait3A_1570 = arith.constant 0 : i32
        %dma_wait3A_1571 = arith.constant 0 : i32
        %dma_wait3A_1572 = tpu.memref_slice %arg16[%dma_wait3A_1570, %dma_wait3A_1571] : memref<50048x32xf32, #tpu.memory_space<vmem_shared>> -> memref<50048x32xf32, #tpu.memory_space<vmem_shared>>
        tpu.wait_indirect_dma semaphore(%arg19 : memref<!tpu.dma_semaphore, #tpu.memory_space<semaphore_mem>>) src(%arg15 : memref<256x32xf32, #tpu.memory_space<vmem>>) dst(%dma_wait3A_1572 : memref<50048x32xf32, #tpu.memory_space<vmem_shared>>)
      }
      %scan3A_40 = arith.constant 49 : i32
      %barrier3A_41 = arith.constant 0 : index
      tpu.barrier barrier_id(%barrier3A_41)
      %add3A_42 = arith.constant 0 : i32
      %add3A_43 = arith.addi %multiple_of3A, %add3A_42 : i32
      %multiple_of3A_44 = tpu.assume_multiple %add3A_43, 8 : i32
      %dma_start3A = arith.constant 0 : i32
      %dma_start3A_45 = arith.constant 0 : i32
      %dma_start3A_46 = tpu.memref_slice %arg13[%dma_start3A, %dma_start3A_45] : memref<256x32xf32, #tpu.memory_space<vmem>> -> memref<184x32xf32, #tpu.memory_space<vmem>>
      %dma_start3A_47 = arith.constant 0 : i32
      %dma_start3A_48 = tpu.memref_slice %arg16[%multiple_of3A_44, %dma_start3A_47] : memref<50048x32xf32, #tpu.memory_space<vmem_shared>> -> memref<184x32xf32, #tpu.memory_space<vmem_shared>>
      %dma_start3A_49 = arith.constant 0 : i32
      %dma_start3A_50 = arith.constant 0 : i32
      %dma_start3A_51 = tpu.memref_slice %arg13[%dma_start3A_49, %dma_start3A_50] : memref<256x32xf32, #tpu.memory_space<vmem>> -> memref<184x32xf32, #tpu.memory_space<vmem>>
      %dma_start3A_52 = arith.constant 0 : i32
      %dma_start3A_53 = tpu.memref_slice %arg16[%multiple_of3A_44, %dma_start3A_52] : memref<50048x32xf32, #tpu.memory_space<vmem_shared>> -> memref<184x32xf32, #tpu.memory_space<vmem_shared>>
      tpu.enqueue_dma source(%dma_start3A_53 : memref<184x32xf32, #tpu.memory_space<vmem_shared>>) target(%dma_start3A_51 : memref<184x32xf32, #tpu.memory_space<vmem>>) target_semaphore(%arg17 : memref<!tpu.dma_semaphore, #tpu.memory_space<semaphore_mem>>)
      %add3A_54 = arith.constant 184 : i32
      %add3A_55 = arith.addi %multiple_of3A, %add3A_54 : i32
      %multiple_of3A_56 = tpu.assume_multiple %add3A_55, 8 : i32
      %dma_start3A_57 = arith.constant 0 : i32
      %dma_start3A_58 = arith.constant 0 : i32
      %dma_start3A_59 = tpu.memref_slice %arg14[%dma_start3A_57, %dma_start3A_58] : memref<256x32xf32, #tpu.memory_space<vmem>> -> memref<184x32xf32, #tpu.memory_space<vmem>>
      %dma_start3A_60 = arith.constant 0 : i32
      %dma_start3A_61 = tpu.memref_slice %arg16[%multiple_of3A_56, %dma_start3A_60] : memref<50048x32xf32, #tpu.memory_space<vmem_shared>> -> memref<184x32xf32, #tpu.memory_space<vmem_shared>>
      %dma_start3A_62 = arith.constant 0 : i32
      %dma_start3A_63 = arith.constant 0 : i32
      %dma_start3A_64 = tpu.memref_slice %arg14[%dma_start3A_62, %dma_start3A_63] : memref<256x32xf32, #tpu.memory_space<vmem>> -> memref<184x32xf32, #tpu.memory_space<vmem>>
      %dma_start3A_65 = arith.constant 0 : i32
      %dma_start3A_66 = tpu.memref_slice %arg16[%multiple_of3A_56, %dma_start3A_65] : memref<50048x32xf32, #tpu.memory_space<vmem_shared>> -> memref<184x32xf32, #tpu.memory_space<vmem_shared>>
      tpu.enqueue_dma source(%dma_start3A_66 : memref<184x32xf32, #tpu.memory_space<vmem_shared>>) target(%dma_start3A_64 : memref<184x32xf32, #tpu.memory_space<vmem>>) target_semaphore(%arg18 : memref<!tpu.dma_semaphore, #tpu.memory_space<semaphore_mem>>)
      %dma_wait3A = arith.constant 0 : i32
      %dma_wait3A_67 = arith.constant 0 : i32
      %dma_wait3A_68 = tpu.memref_slice %arg13[%dma_wait3A, %dma_wait3A_67] : memref<256x32xf32, #tpu.memory_space<vmem>> -> memref<184x32xf32, #tpu.memory_space<vmem>>
      %dma_wait3A_69 = arith.constant 0 : i32
      %dma_wait3A_70 = tpu.memref_slice %arg16[%multiple_of3A_44, %dma_wait3A_69] : memref<50048x32xf32, #tpu.memory_space<vmem_shared>> -> memref<184x32xf32, #tpu.memory_space<vmem_shared>>
      %dma_wait3A_71 = arith.constant 0 : i32
      %dma_wait3A_72 = arith.constant 0 : i32
      %dma_wait3A_73 = tpu.memref_slice %arg13[%dma_wait3A_71, %dma_wait3A_72] : memref<256x32xf32, #tpu.memory_space<vmem>> -> memref<184x32xf32, #tpu.memory_space<vmem>>
      %dma_wait3A_74 = arith.constant 0 : i32
      %dma_wait3A_75 = tpu.memref_slice %arg16[%multiple_of3A_44, %dma_wait3A_74] : memref<50048x32xf32, #tpu.memory_space<vmem_shared>> -> memref<184x32xf32, #tpu.memory_space<vmem_shared>>
      tpu.wait_dma2 semaphore(%arg17 : memref<!tpu.dma_semaphore, #tpu.memory_space<semaphore_mem>>) src(%dma_wait3A_75 : memref<184x32xf32, #tpu.memory_space<vmem_shared>>) dst(%dma_wait3A_73 : memref<184x32xf32, #tpu.memory_space<vmem>>)
      %add3A_76 = arith.constant 0 : i32
      %add3A_77 = arith.addi %multiple_of3A, %add3A_76 : i32
      %multiple_of3A_78 = tpu.assume_multiple %add3A_77, 8 : i32
      %add3A_79 = arith.constant 50048 : i32
      %add3A_80 = arith.addi %add3A, %add3A_79 : i32
      %add3A_81 = arith.addi %add3A_80, %multiple_of3A_78 : i32
      %dma_start3A_82 = arith.constant 0 : i32
      %dma_start3A_83 = arith.constant 0 : i32
      %dma_start3A_84 = tpu.memref_slice %arg13[%dma_start3A_82, %dma_start3A_83] : memref<256x32xf32, #tpu.memory_space<vmem>> -> memref<184x32xf32, #tpu.memory_space<vmem>>
      %dma_start3A_85 = arith.constant 0 : i32
      %dma_start3A_86 = tpu.memref_slice %arg6[%add3A_81, %dma_start3A_85] : memref<400384x32xf32, #tpu.memory_space<hbm>> -> memref<184x32xf32, #tpu.memory_space<hbm>>
      %dma_start3A_87 = arith.constant 0 : i32
      %dma_start3A_88 = tpu.memref_slice %arg6[%add3A_81, %dma_start3A_87] : memref<400384x32xf32, #tpu.memory_space<hbm>> -> memref<184x32xf32, #tpu.memory_space<hbm>>
      %dma_start3A_89 = arith.constant 0 : i32
      %dma_start3A_90 = arith.constant 0 : i32
      %dma_start3A_91 = tpu.memref_slice %arg13[%dma_start3A_89, %dma_start3A_90] : memref<256x32xf32, #tpu.memory_space<vmem>> -> memref<184x32xf32, #tpu.memory_space<vmem>>
      tpu.enqueue_dma source(%dma_start3A_91 : memref<184x32xf32, #tpu.memory_space<vmem>>) target(%dma_start3A_88 : memref<184x32xf32, #tpu.memory_space<hbm>>) target_semaphore(%arg20 : memref<!tpu.dma_semaphore, #tpu.memory_space<semaphore_mem>>)
      %dma_wait3A_92 = arith.constant 0 : i32
      %dma_wait3A_93 = arith.constant 0 : i32
      %dma_wait3A_94 = tpu.memref_slice %arg13[%dma_wait3A_92, %dma_wait3A_93] : memref<256x32xf32, #tpu.memory_space<vmem>> -> memref<184x32xf32, #tpu.memory_space<vmem>>
      %dma_wait3A_95 = arith.constant 0 : i32
      %dma_wait3A_96 = tpu.memref_slice %arg6[%add3A_81, %dma_wait3A_95] : memref<400384x32xf32, #tpu.memory_space<hbm>> -> memref<184x32xf32, #tpu.memory_space<hbm>>
      %dma_wait3A_97 = arith.constant 0 : i32
      %dma_wait3A_98 = tpu.memref_slice %arg6[%add3A_81, %dma_wait3A_97] : memref<400384x32xf32, #tpu.memory_space<hbm>> -> memref<184x32xf32, #tpu.memory_space<hbm>>
      %dma_wait3A_99 = arith.constant 0 : i32
      %dma_wait3A_100 = arith.constant 0 : i32
      %dma_wait3A_101 = tpu.memref_slice %arg13[%dma_wait3A_99, %dma_wait3A_100] : memref<256x32xf32, #tpu.memory_space<vmem>> -> memref<184x32xf32, #tpu.memory_space<vmem>>
      tpu.wait_dma2 semaphore(%arg20 : memref<!tpu.dma_semaphore, #tpu.memory_space<semaphore_mem>>) src(%dma_wait3A_101 : memref<184x32xf32, #tpu.memory_space<vmem>>) dst(%dma_wait3A_98 : memref<184x32xf32, #tpu.memory_space<hbm>>)
      %add3A_102 = arith.constant 368 : i32
      %add3A_103 = arith.addi %multiple_of3A, %add3A_102 : i32
      %multiple_of3A_104 = tpu.assume_multiple %add3A_103, 8 : i32
      %dma_start3A_105 = arith.constant 0 : i32
      %dma_start3A_106 = arith.constant 0 : i32
      %dma_start3A_107 = tpu.memref_slice %arg13[%dma_start3A_105, %dma_start3A_106] : memref<256x32xf32, #tpu.memory_space<vmem>> -> memref<184x32xf32, #tpu.memory_space<vmem>>
      %dma_start3A_108 = arith.constant 0 : i32
      %dma_start3A_109 = tpu.memref_slice %arg16[%multiple_of3A_104, %dma_start3A_108] : memref<50048x32xf32, #tpu.memory_space<vmem_shared>> -> memref<184x32xf32, #tpu.memory_space<vmem_shared>>
      %dma_start3A_110 = arith.constant 0 : i32
      %dma_start3A_111 = arith.constant 0 : i32
      %dma_start3A_112 = tpu.memref_slice %arg13[%dma_start3A_110, %dma_start3A_111] : memref<256x32xf32, #tpu.memory_space<vmem>> -> memref<184x32xf32, #tpu.memory_space<vmem>>
      %dma_start3A_113 = arith.constant 0 : i32
      %dma_start3A_114 = tpu.memref_slice %arg16[%multiple_of3A_104, %dma_start3A_113] : memref<50048x32xf32, #tpu.memory_space<vmem_shared>> -> memref<184x32xf32, #tpu.memory_space<vmem_shared>>
      tpu.enqueue_dma source(%dma_start3A_114 : memref<184x32xf32, #tpu.memory_space<vmem_shared>>) target(%dma_start3A_112 : memref<184x32xf32, #tpu.memory_space<vmem>>) target_semaphore(%arg17 : memref<!tpu.dma_semaphore, #tpu.memory_space<semaphore_mem>>)
      %dma_wait3A_115 = arith.constant 0 : i32
      %dma_wait3A_116 = arith.constant 0 : i32
      %dma_wait3A_117 = tpu.memref_slice %arg14[%dma_wait3A_115, %dma_wait3A_116] : memref<256x32xf32, #tpu.memory_space<vmem>> -> memref<184x32xf32, #tpu.memory_space<vmem>>
      %dma_wait3A_118 = arith.constant 0 : i32
      %dma_wait3A_119 = tpu.memref_slice %arg16[%multiple_of3A_56, %dma_wait3A_118] : memref<50048x32xf32, #tpu.memory_space<vmem_shared>> -> memref<184x32xf32, #tpu.memory_space<vmem_shared>>
      %dma_wait3A_120 = arith.constant 0 : i32
      %dma_wait3A_121 = arith.constant 0 : i32
      %dma_wait3A_122 = tpu.memref_slice %arg14[%dma_wait3A_120, %dma_wait3A_121] : memref<256x32xf32, #tpu.memory_space<vmem>> -> memref<184x32xf32, #tpu.memory_space<vmem>>
      %dma_wait3A_123 = arith.constant 0 : i32
      %dma_wait3A_124 = tpu.memref_slice %arg16[%multiple_of3A_56, %dma_wait3A_123] : memref<50048x32xf32, #tpu.memory_space<vmem_shared>> -> memref<184x32xf32, #tpu.memory_space<vmem_shared>>
      tpu.wait_dma2 semaphore(%arg18 : memref<!tpu.dma_semaphore, #tpu.memory_space<semaphore_mem>>) src(%dma_wait3A_124 : memref<184x32xf32, #tpu.memory_space<vmem_shared>>) dst(%dma_wait3A_122 : memref<184x32xf32, #tpu.memory_space<vmem>>)
      %add3A_125 = arith.constant 184 : i32
      %add3A_126 = arith.addi %multiple_of3A, %add3A_125 : i32
      %multiple_of3A_127 = tpu.assume_multiple %add3A_126, 8 : i32
      %add3A_128 = arith.constant 50048 : i32
      %add3A_129 = arith.addi %add3A, %add3A_128 : i32
      %add3A_130 = arith.addi %add3A_129, %multiple_of3A_127 : i32
      %dma_start3A_131 = arith.constant 0 : i32
      %dma_start3A_132 = arith.constant 0 : i32
      %dma_start3A_133 = tpu.memref_slice %arg14[%dma_start3A_131, %dma_start3A_132] : memref<256x32xf32, #tpu.memory_space<vmem>> -> memref<184x32xf32, #tpu.memory_space<vmem>>
      %dma_start3A_134 = arith.constant 0 : i32
      %dma_start3A_135 = tpu.memref_slice %arg6[%add3A_130, %dma_start3A_134] : memref<400384x32xf32, #tpu.memory_space<hbm>> -> memref<184x32xf32, #tpu.memory_space<hbm>>
      %dma_start3A_136 = arith.constant 0 : i32
      %dma_start3A_137 = tpu.memref_slice %arg6[%add3A_130, %dma_start3A_136] : memref<400384x32xf32, #tpu.memory_space<hbm>> -> memref<184x32xf32, #tpu.memory_space<hbm>>
      %dma_start3A_138 = arith.constant 0 : i32
      %dma_start3A_139 = arith.constant 0 : i32
      %dma_start3A_140 = tpu.memref_slice %arg14[%dma_start3A_138, %dma_start3A_139] : memref<256x32xf32, #tpu.memory_space<vmem>> -> memref<184x32xf32, #tpu.memory_space<vmem>>
      tpu.enqueue_dma source(%dma_start3A_140 : memref<184x32xf32, #tpu.memory_space<vmem>>) target(%dma_start3A_137 : memref<184x32xf32, #tpu.memory_space<hbm>>) target_semaphore(%arg21 : memref<!tpu.dma_semaphore, #tpu.memory_space<semaphore_mem>>)
      %dma_wait3A_141 = arith.constant 0 : i32
      %dma_wait3A_142 = arith.constant 0 : i32
      %dma_wait3A_143 = tpu.memref_slice %arg14[%dma_wait3A_141, %dma_wait3A_142] : memref<256x32xf32, #tpu.memory_space<vmem>> -> memref<184x32xf32, #tpu.memory_space<vmem>>
      %dma_wait3A_144 = arith.constant 0 : i32
      %dma_wait3A_145 = tpu.memref_slice %arg6[%add3A_130, %dma_wait3A_144] : memref<400384x32xf32, #tpu.memory_space<hbm>> -> memref<184x32xf32, #tpu.memory_space<hbm>>
      %dma_wait3A_146 = arith.constant 0 : i32
      %dma_wait3A_147 = tpu.memref_slice %arg6[%add3A_130, %dma_wait3A_146] : memref<400384x32xf32, #tpu.memory_space<hbm>> -> memref<184x32xf32, #tpu.memory_space<hbm>>
      %dma_wait3A_148 = arith.constant 0 : i32
      %dma_wait3A_149 = arith.constant 0 : i32
      %dma_wait3A_150 = tpu.memref_slice %arg14[%dma_wait3A_148, %dma_wait3A_149] : memref<256x32xf32, #tpu.memory_space<vmem>> -> memref<184x32xf32, #tpu.memory_space<vmem>>
      tpu.wait_dma2 semaphore(%arg21 : memref<!tpu.dma_semaphore, #tpu.memory_space<semaphore_mem>>) src(%dma_wait3A_150 : memref<184x32xf32, #tpu.memory_space<vmem>>) dst(%dma_wait3A_147 : memref<184x32xf32, #tpu.memory_space<hbm>>)
      %add3A_151 = arith.constant 552 : i32
      %add3A_152 = arith.addi %multiple_of3A, %add3A_151 : i32
      %multiple_of3A_153 = tpu.assume_multiple %add3A_152, 8 : i32
      %dma_start3A_154 = arith.constant 0 : i32
      %dma_start3A_155 = arith.constant 0 : i32
      %dma_start3A_156 = tpu.memref_slice %arg14[%dma_start3A_154, %dma_start3A_155] : memref<256x32xf32, #tpu.memory_space<vmem>> -> memref<184x32xf32, #tpu.memory_space<vmem>>
      %dma_start3A_157 = arith.constant 0 : i32
      %dma_start3A_158 = tpu.memref_slice %arg16[%multiple_of3A_153, %dma_start3A_157] : memref<50048x32xf32, #tpu.memory_space<vmem_shared>> -> memref<184x32xf32, #tpu.memory_space<vmem_shared>>
      %dma_start3A_159 = arith.constant 0 : i32
      %dma_start3A_160 = arith.constant 0 : i32
      %dma_start3A_161 = tpu.memref_slice %arg14[%dma_start3A_159, %dma_start3A_160] : memref<256x32xf32, #tpu.memory_space<vmem>> -> memref<184x32xf32, #tpu.memory_space<vmem>>
      %dma_start3A_162 = arith.constant 0 : i32
      %dma_start3A_163 = tpu.memref_slice %arg16[%multiple_of3A_153, %dma_start3A_162] : memref<50048x32xf32, #tpu.memory_space<vmem_shared>> -> memref<184x32xf32, #tpu.memory_space<vmem_shared>>
      tpu.enqueue_dma source(%dma_start3A_163 : memref<184x32xf32, #tpu.memory_space<vmem_shared>>) target(%dma_start3A_161 : memref<184x32xf32, #tpu.memory_space<vmem>>) target_semaphore(%arg18 : memref<!tpu.dma_semaphore, #tpu.memory_space<semaphore_mem>>)
      %dma_wait3A_164 = arith.constant 0 : i32
      %dma_wait3A_165 = arith.constant 0 : i32
      %dma_wait3A_166 = tpu.memref_slice %arg13[%dma_wait3A_164, %dma_wait3A_165] : memref<256x32xf32, #tpu.memory_space<vmem>> -> memref<184x32xf32, #tpu.memory_space<vmem>>
      %dma_wait3A_167 = arith.constant 0 : i32
      %dma_wait3A_168 = tpu.memref_slice %arg16[%multiple_of3A_104, %dma_wait3A_167] : memref<50048x32xf32, #tpu.memory_space<vmem_shared>> -> memref<184x32xf32, #tpu.memory_space<vmem_shared>>
      %dma_wait3A_169 = arith.constant 0 : i32
      %dma_wait3A_170 = arith.constant 0 : i32
      %dma_wait3A_171 = tpu.memref_slice %arg13[%dma_wait3A_169, %dma_wait3A_170] : memref<256x32xf32, #tpu.memory_space<vmem>> -> memref<184x32xf32, #tpu.memory_space<vmem>>
      %dma_wait3A_172 = arith.constant 0 : i32
      %dma_wait3A_173 = tpu.memref_slice %arg16[%multiple_of3A_104, %dma_wait3A_172] : memref<50048x32xf32, #tpu.memory_space<vmem_shared>> -> memref<184x32xf32, #tpu.memory_space<vmem_shared>>
      tpu.wait_dma2 semaphore(%arg17 : memref<!tpu.dma_semaphore, #tpu.memory_space<semaphore_mem>>) src(%dma_wait3A_173 : memref<184x32xf32, #tpu.memory_space<vmem_shared>>) dst(%dma_wait3A_171 : memref<184x32xf32, #tpu.memory_space<vmem>>)
      %add3A_174 = arith.constant 368 : i32
      %add3A_175 = arith.addi %multiple_of3A, %add3A_174 : i32
      %multiple_of3A_176 = tpu.assume_multiple %add3A_175, 8 : i32
      %add3A_177 = arith.constant 50048 : i32
      %add3A_178 = arith.addi %add3A, %add3A_177 : i32
      %add3A_179 = arith.addi %add3A_178, %multiple_of3A_176 : i32
      %dma_start3A_180 = arith.constant 0 : i32
      %dma_start3A_181 = arith.constant 0 : i32
      %dma_start3A_182 = tpu.memref_slice %arg13[%dma_start3A_180, %dma_start3A_181] : memref<256x32xf32, #tpu.memory_space<vmem>> -> memref<184x32xf32, #tpu.memory_space<vmem>>
      %dma_start3A_183 = arith.constant 0 : i32
      %dma_start3A_184 = tpu.memref_slice %arg6[%add3A_179, %dma_start3A_183] : memref<400384x32xf32, #tpu.memory_space<hbm>> -> memref<184x32xf32, #tpu.memory_space<hbm>>
      %dma_start3A_185 = arith.constant 0 : i32
      %dma_start3A_186 = tpu.memref_slice %arg6[%add3A_179, %dma_start3A_185] : memref<400384x32xf32, #tpu.memory_space<hbm>> -> memref<184x32xf32, #tpu.memory_space<hbm>>
      %dma_start3A_187 = arith.constant 0 : i32
      %dma_start3A_188 = arith.constant 0 : i32
      %dma_start3A_189 = tpu.memref_slice %arg13[%dma_start3A_187, %dma_start3A_188] : memref<256x32xf32, #tpu.memory_space<vmem>> -> memref<184x32xf32, #tpu.memory_space<vmem>>
      tpu.enqueue_dma source(%dma_start3A_189 : memref<184x32xf32, #tpu.memory_space<vmem>>) target(%dma_start3A_186 : memref<184x32xf32, #tpu.memory_space<hbm>>) target_semaphore(%arg20 : memref<!tpu.dma_semaphore, #tpu.memory_space<semaphore_mem>>)
      %dma_wait3A_190 = arith.constant 0 : i32
      %dma_wait3A_191 = arith.constant 0 : i32
      %dma_wait3A_192 = tpu.memref_slice %arg13[%dma_wait3A_190, %dma_wait3A_191] : memref<256x32xf32, #tpu.memory_space<vmem>> -> memref<184x32xf32, #tpu.memory_space<vmem>>
      %dma_wait3A_193 = arith.constant 0 : i32
      %dma_wait3A_194 = tpu.memref_slice %arg6[%add3A_179, %dma_wait3A_193] : memref<400384x32xf32, #tpu.memory_space<hbm>> -> memref<184x32xf32, #tpu.memory_space<hbm>>
      %dma_wait3A_195 = arith.constant 0 : i32
      %dma_wait3A_196 = tpu.memref_slice %arg6[%add3A_179, %dma_wait3A_195] : memref<400384x32xf32, #tpu.memory_space<hbm>> -> memref<184x32xf32, #tpu.memory_space<hbm>>
      %dma_wait3A_197 = arith.constant 0 : i32
      %dma_wait3A_198 = arith.constant 0 : i32
      %dma_wait3A_199 = tpu.memref_slice %arg13[%dma_wait3A_197, %dma_wait3A_198] : memref<256x32xf32, #tpu.memory_space<vmem>> -> memref<184x32xf32, #tpu.memory_space<vmem>>
      tpu.wait_dma2 semaphore(%arg20 : memref<!tpu.dma_semaphore, #tpu.memory_space<semaphore_mem>>) src(%dma_wait3A_199 : memref<184x32xf32, #tpu.memory_space<vmem>>) dst(%dma_wait3A_196 : memref<184x32xf32, #tpu.memory_space<hbm>>)
      %add3A_200 = arith.constant 736 : i32
      %add3A_201 = arith.addi %multiple_of3A, %add3A_200 : i32
      %multiple_of3A_202 = tpu.assume_multiple %add3A_201, 8 : i32
      %dma_start3A_203 = arith.constant 0 : i32
      %dma_start3A_204 = arith.constant 0 : i32
      %dma_start3A_205 = tpu.memref_slice %arg13[%dma_start3A_203, %dma_start3A_204] : memref<256x32xf32, #tpu.memory_space<vmem>> -> memref<184x32xf32, #tpu.memory_space<vmem>>
      %dma_start3A_206 = arith.constant 0 : i32
      %dma_start3A_207 = tpu.memref_slice %arg16[%multiple_of3A_202, %dma_start3A_206] : memref<50048x32xf32, #tpu.memory_space<vmem_shared>> -> memref<184x32xf32, #tpu.memory_space<vmem_shared>>
      %dma_start3A_208 = arith.constant 0 : i32
      %dma_start3A_209 = arith.constant 0 : i32
      %dma_start3A_210 = tpu.memref_slice %arg13[%dma_start3A_208, %dma_start3A_209] : memref<256x32xf32, #tpu.memory_space<vmem>> -> memref<184x32xf32, #tpu.memory_space<vmem>>
      %dma_start3A_211 = arith.constant 0 : i32
      %dma_start3A_212 = tpu.memref_slice %arg16[%multiple_of3A_202, %dma_start3A_211] : memref<50048x32xf32, #tpu.memory_space<vmem_shared>> -> memref<184x32xf32, #tpu.memory_space<vmem_shared>>
      tpu.enqueue_dma source(%dma_start3A_212 : memref<184x32xf32, #tpu.memory_space<vmem_shared>>) target(%dma_start3A_210 : memref<184x32xf32, #tpu.memory_space<vmem>>) target_semaphore(%arg17 : memref<!tpu.dma_semaphore, #tpu.memory_space<semaphore_mem>>)
      %dma_wait3A_213 = arith.constant 0 : i32
      %dma_wait3A_214 = arith.constant 0 : i32
      %dma_wait3A_215 = tpu.memref_slice %arg14[%dma_wait3A_213, %dma_wait3A_214] : memref<256x32xf32, #tpu.memory_space<vmem>> -> memref<184x32xf32, #tpu.memory_space<vmem>>
      %dma_wait3A_216 = arith.constant 0 : i32
      %dma_wait3A_217 = tpu.memref_slice %arg16[%multiple_of3A_153, %dma_wait3A_216] : memref<50048x32xf32, #tpu.memory_space<vmem_shared>> -> memref<184x32xf32, #tpu.memory_space<vmem_shared>>
      %dma_wait3A_218 = arith.constant 0 : i32
      %dma_wait3A_219 = arith.constant 0 : i32
      %dma_wait3A_220 = tpu.memref_slice %arg14[%dma_wait3A_218, %dma_wait3A_219] : memref<256x32xf32, #tpu.memory_space<vmem>> -> memref<184x32xf32, #tpu.memory_space<vmem>>
      %dma_wait3A_221 = arith.constant 0 : i32
      %dma_wait3A_222 = tpu.memref_slice %arg16[%multiple_of3A_153, %dma_wait3A_221] : memref<50048x32xf32, #tpu.memory_space<vmem_shared>> -> memref<184x32xf32, #tpu.memory_space<vmem_shared>>
      tpu.wait_dma2 semaphore(%arg18 : memref<!tpu.dma_semaphore, #tpu.memory_space<semaphore_mem>>) src(%dma_wait3A_222 : memref<184x32xf32, #tpu.memory_space<vmem_shared>>) dst(%dma_wait3A_220 : memref<184x32xf32, #tpu.memory_space<vmem>>)
      %add3A_223 = arith.constant 552 : i32
      %add3A_224 = arith.addi %multiple_of3A, %add3A_223 : i32
      %multiple_of3A_225 = tpu.assume_multiple %add3A_224, 8 : i32
      %add3A_226 = arith.constant 50048 : i32
      %add3A_227 = arith.addi %add3A, %add3A_226 : i32
      %add3A_228 = arith.addi %add3A_227, %multiple_of3A_225 : i32
      %dma_start3A_229 = arith.constant 0 : i32
      %dma_start3A_230 = arith.constant 0 : i32
      %dma_start3A_231 = tpu.memref_slice %arg14[%dma_start3A_229, %dma_start3A_230] : memref<256x32xf32, #tpu.memory_space<vmem>> -> memref<184x32xf32, #tpu.memory_space<vmem>>
      %dma_start3A_232 = arith.constant 0 : i32
      %dma_start3A_233 = tpu.memref_slice %arg6[%add3A_228, %dma_start3A_232] : memref<400384x32xf32, #tpu.memory_space<hbm>> -> memref<184x32xf32, #tpu.memory_space<hbm>>
      %dma_start3A_234 = arith.constant 0 : i32
      %dma_start3A_235 = tpu.memref_slice %arg6[%add3A_228, %dma_start3A_234] : memref<400384x32xf32, #tpu.memory_space<hbm>> -> memref<184x32xf32, #tpu.memory_space<hbm>>
      %dma_start3A_236 = arith.constant 0 : i32
      %dma_start3A_237 = arith.constant 0 : i32
      %dma_start3A_238 = tpu.memref_slice %arg14[%dma_start3A_236, %dma_start3A_237] : memref<256x32xf32, #tpu.memory_space<vmem>> -> memref<184x32xf32, #tpu.memory_space<vmem>>
      tpu.enqueue_dma source(%dma_start3A_238 : memref<184x32xf32, #tpu.memory_space<vmem>>) target(%dma_start3A_235 : memref<184x32xf32, #tpu.memory_space<hbm>>) target_semaphore(%arg21 : memref<!tpu.dma_semaphore, #tpu.memory_space<semaphore_mem>>)
      %dma_wait3A_239 = arith.constant 0 : i32
      %dma_wait3A_240 = arith.constant 0 : i32
      %dma_wait3A_241 = tpu.memref_slice %arg14[%dma_wait3A_239, %dma_wait3A_240] : memref<256x32xf32, #tpu.memory_space<vmem>> -> memref<184x32xf32, #tpu.memory_space<vmem>>
      %dma_wait3A_242 = arith.constant 0 : i32
      %dma_wait3A_243 = tpu.memref_slice %arg6[%add3A_228, %dma_wait3A_242] : memref<400384x32xf32, #tpu.memory_space<hbm>> -> memref<184x32xf32, #tpu.memory_space<hbm>>
      %dma_wait3A_244 = arith.constant 0 : i32
      %dma_wait3A_245 = tpu.memref_slice %arg6[%add3A_228, %dma_wait3A_244] : memref<400384x32xf32, #tpu.memory_space<hbm>> -> memref<184x32xf32, #tpu.memory_space<hbm>>
      %dma_wait3A_246 = arith.constant 0 : i32
      %dma_wait3A_247 = arith.constant 0 : i32
      %dma_wait3A_248 = tpu.memref_slice %arg14[%dma_wait3A_246, %dma_wait3A_247] : memref<256x32xf32, #tpu.memory_space<vmem>> -> memref<184x32xf32, #tpu.memory_space<vmem>>
      tpu.wait_dma2 semaphore(%arg21 : memref<!tpu.dma_semaphore, #tpu.memory_space<semaphore_mem>>) src(%dma_wait3A_248 : memref<184x32xf32, #tpu.memory_space<vmem>>) dst(%dma_wait3A_245 : memref<184x32xf32, #tpu.memory_space<hbm>>)
      %add3A_249 = arith.constant 920 : i32
      %add3A_250 = arith.addi %multiple_of3A, %add3A_249 : i32
      %multiple_of3A_251 = tpu.assume_multiple %add3A_250, 8 : i32
      %dma_start3A_252 = arith.constant 0 : i32
      %dma_start3A_253 = arith.constant 0 : i32
      %dma_start3A_254 = tpu.memref_slice %arg14[%dma_start3A_252, %dma_start3A_253] : memref<256x32xf32, #tpu.memory_space<vmem>> -> memref<184x32xf32, #tpu.memory_space<vmem>>
      %dma_start3A_255 = arith.constant 0 : i32
      %dma_start3A_256 = tpu.memref_slice %arg16[%multiple_of3A_251, %dma_start3A_255] : memref<50048x32xf32, #tpu.memory_space<vmem_shared>> -> memref<184x32xf32, #tpu.memory_space<vmem_shared>>
      %dma_start3A_257 = arith.constant 0 : i32
      %dma_start3A_258 = arith.constant 0 : i32
      %dma_start3A_259 = tpu.memref_slice %arg14[%dma_start3A_257, %dma_start3A_258] : memref<256x32xf32, #tpu.memory_space<vmem>> -> memref<184x32xf32, #tpu.memory_space<vmem>>
      %dma_start3A_260 = arith.constant 0 : i32
      %dma_start3A_261 = tpu.memref_slice %arg16[%multiple_of3A_251, %dma_start3A_260] : memref<50048x32xf32, #tpu.memory_space<vmem_shared>> -> memref<184x32xf32, #tpu.memory_space<vmem_shared>>
      tpu.enqueue_dma source(%dma_start3A_261 : memref<184x32xf32, #tpu.memory_space<vmem_shared>>) target(%dma_start3A_259 : memref<184x32xf32, #tpu.memory_space<vmem>>) target_semaphore(%arg18 : memref<!tpu.dma_semaphore, #tpu.memory_space<semaphore_mem>>)
      %dma_wait3A_262 = arith.constant 0 : i32
      %dma_wait3A_263 = arith.constant 0 : i32
      %dma_wait3A_264 = tpu.memref_slice %arg13[%dma_wait3A_262, %dma_wait3A_263] : memref<256x32xf32, #tpu.memory_space<vmem>> -> memref<184x32xf32, #tpu.memory_space<vmem>>
      %dma_wait3A_265 = arith.constant 0 : i32
      %dma_wait3A_266 = tpu.memref_slice %arg16[%multiple_of3A_202, %dma_wait3A_265] : memref<50048x32xf32, #tpu.memory_space<vmem_shared>> -> memref<184x32xf32, #tpu.memory_space<vmem_shared>>
      %dma_wait3A_267 = arith.constant 0 : i32
      %dma_wait3A_268 = arith.constant 0 : i32
      %dma_wait3A_269 = tpu.memref_slice %arg13[%dma_wait3A_267, %dma_wait3A_268] : memref<256x32xf32, #tpu.memory_space<vmem>> -> memref<184x32xf32, #tpu.memory_space<vmem>>
      %dma_wait3A_270 = arith.constant 0 : i32
      %dma_wait3A_271 = tpu.memref_slice %arg16[%multiple_of3A_202, %dma_wait3A_270] : memref<50048x32xf32, #tpu.memory_space<vmem_shared>> -> memref<184x32xf32, #tpu.memory_space<vmem_shared>>
      tpu.wait_dma2 semaphore(%arg17 : memref<!tpu.dma_semaphore, #tpu.memory_space<semaphore_mem>>) src(%dma_wait3A_271 : memref<184x32xf32, #tpu.memory_space<vmem_shared>>) dst(%dma_wait3A_269 : memref<184x32xf32, #tpu.memory_space<vmem>>)
      %add3A_272 = arith.constant 736 : i32
      %add3A_273 = arith.addi %multiple_of3A, %add3A_272 : i32
      %multiple_of3A_274 = tpu.assume_multiple %add3A_273, 8 : i32
      %add3A_275 = arith.constant 50048 : i32
      %add3A_276 = arith.addi %add3A, %add3A_275 : i32
      %add3A_277 = arith.addi %add3A_276, %multiple_of3A_274 : i32
      %dma_start3A_278 = arith.constant 0 : i32
      %dma_start3A_279 = arith.constant 0 : i32
      %dma_start3A_280 = tpu.memref_slice %arg13[%dma_start3A_278, %dma_start3A_279] : memref<256x32xf32, #tpu.memory_space<vmem>> -> memref<184x32xf32, #tpu.memory_space<vmem>>
      %dma_start3A_281 = arith.constant 0 : i32
      %dma_start3A_282 = tpu.memref_slice %arg6[%add3A_277, %dma_start3A_281] : memref<400384x32xf32, #tpu.memory_space<hbm>> -> memref<184x32xf32, #tpu.memory_space<hbm>>
      %dma_start3A_283 = arith.constant 0 : i32
      %dma_start3A_284 = tpu.memref_slice %arg6[%add3A_277, %dma_start3A_283] : memref<400384x32xf32, #tpu.memory_space<hbm>> -> memref<184x32xf32, #tpu.memory_space<hbm>>
      %dma_start3A_285 = arith.constant 0 : i32
      %dma_start3A_286 = arith.constant 0 : i32
      %dma_start3A_287 = tpu.memref_slice %arg13[%dma_start3A_285, %dma_start3A_286] : memref<256x32xf32, #tpu.memory_space<vmem>> -> memref<184x32xf32, #tpu.memory_space<vmem>>
      tpu.enqueue_dma source(%dma_start3A_287 : memref<184x32xf32, #tpu.memory_space<vmem>>) target(%dma_start3A_284 : memref<184x32xf32, #tpu.memory_space<hbm>>) target_semaphore(%arg20 : memref<!tpu.dma_semaphore, #tpu.memory_space<semaphore_mem>>)
      %dma_wait3A_288 = arith.constant 0 : i32
      %dma_wait3A_289 = arith.constant 0 : i32
      %dma_wait3A_290 = tpu.memref_slice %arg13[%dma_wait3A_288, %dma_wait3A_289] : memref<256x32xf32, #tpu.memory_space<vmem>> -> memref<184x32xf32, #tpu.memory_space<vmem>>
      %dma_wait3A_291 = arith.constant 0 : i32
      %dma_wait3A_292 = tpu.memref_slice %arg6[%add3A_277, %dma_wait3A_291] : memref<400384x32xf32, #tpu.memory_space<hbm>> -> memref<184x32xf32, #tpu.memory_space<hbm>>
      %dma_wait3A_293 = arith.constant 0 : i32
      %dma_wait3A_294 = tpu.memref_slice %arg6[%add3A_277, %dma_wait3A_293] : memref<400384x32xf32, #tpu.memory_space<hbm>> -> memref<184x32xf32, #tpu.memory_space<hbm>>
      %dma_wait3A_295 = arith.constant 0 : i32
      %dma_wait3A_296 = arith.constant 0 : i32
      %dma_wait3A_297 = tpu.memref_slice %arg13[%dma_wait3A_295, %dma_wait3A_296] : memref<256x32xf32, #tpu.memory_space<vmem>> -> memref<184x32xf32, #tpu.memory_space<vmem>>
      tpu.wait_dma2 semaphore(%arg20 : memref<!tpu.dma_semaphore, #tpu.memory_space<semaphore_mem>>) src(%dma_wait3A_297 : memref<184x32xf32, #tpu.memory_space<vmem>>) dst(%dma_wait3A_294 : memref<184x32xf32, #tpu.memory_space<hbm>>)
      %add3A_298 = arith.constant 1104 : i32
      %add3A_299 = arith.addi %multiple_of3A, %add3A_298 : i32
      %multiple_of3A_300 = tpu.assume_multiple %add3A_299, 8 : i32
      %dma_start3A_301 = arith.constant 0 : i32
      %dma_start3A_302 = arith.constant 0 : i32
      %dma_start3A_303 = tpu.memref_slice %arg13[%dma_start3A_301, %dma_start3A_302] : memref<256x32xf32, #tpu.memory_space<vmem>> -> memref<184x32xf32, #tpu.memory_space<vmem>>
      %dma_start3A_304 = arith.constant 0 : i32
      %dma_start3A_305 = tpu.memref_slice %arg16[%multiple_of3A_300, %dma_start3A_304] : memref<50048x32xf32, #tpu.memory_space<vmem_shared>> -> memref<184x32xf32, #tpu.memory_space<vmem_shared>>
      %dma_start3A_306 = arith.constant 0 : i32
      %dma_start3A_307 = arith.constant 0 : i32
      %dma_start3A_308 = tpu.memref_slice %arg13[%dma_start3A_306, %dma_start3A_307] : memref<256x32xf32, #tpu.memory_space<vmem>> -> memref<184x32xf32, #tpu.memory_space<vmem>>
      %dma_start3A_309 = arith.constant 0 : i32
      %dma_start3A_310 = tpu.memref_slice %arg16[%multiple_of3A_300, %dma_start3A_309] : memref<50048x32xf32, #tpu.memory_space<vmem_shared>> -> memref<184x32xf32, #tpu.memory_space<vmem_shared>>
      tpu.enqueue_dma source(%dma_start3A_310 : memref<184x32xf32, #tpu.memory_space<vmem_shared>>) target(%dma_start3A_308 : memref<184x32xf32, #tpu.memory_space<vmem>>) target_semaphore(%arg17 : memref<!tpu.dma_semaphore, #tpu.memory_space<semaphore_mem>>)
      %dma_wait3A_311 = arith.constant 0 : i32
      %dma_wait3A_312 = arith.constant 0 : i32
      %dma_wait3A_313 = tpu.memref_slice %arg14[%dma_wait3A_311, %dma_wait3A_312] : memref<256x32xf32, #tpu.memory_space<vmem>> -> memref<184x32xf32, #tpu.memory_space<vmem>>
      %dma_wait3A_314 = arith.constant 0 : i32
      %dma_wait3A_315 = tpu.memref_slice %arg16[%multiple_of3A_251, %dma_wait3A_314] : memref<50048x32xf32, #tpu.memory_space<vmem_shared>> -> memref<184x32xf32, #tpu.memory_space<vmem_shared>>
      %dma_wait3A_316 = arith.constant 0 : i32
      %dma_wait3A_317 = arith.constant 0 : i32
      %dma_wait3A_318 = tpu.memref_slice %arg14[%dma_wait3A_316, %dma_wait3A_317] : memref<256x32xf32, #tpu.memory_space<vmem>> -> memref<184x32xf32, #tpu.memory_space<vmem>>
      %dma_wait3A_319 = arith.constant 0 : i32
      %dma_wait3A_320 = tpu.memref_slice %arg16[%multiple_of3A_251, %dma_wait3A_319] : memref<50048x32xf32, #tpu.memory_space<vmem_shared>> -> memref<184x32xf32, #tpu.memory_space<vmem_shared>>
      tpu.wait_dma2 semaphore(%arg18 : memref<!tpu.dma_semaphore, #tpu.memory_space<semaphore_mem>>) src(%dma_wait3A_320 : memref<184x32xf32, #tpu.memory_space<vmem_shared>>) dst(%dma_wait3A_318 : memref<184x32xf32, #tpu.memory_space<vmem>>)
      %add3A_321 = arith.constant 920 : i32
      %add3A_322 = arith.addi %multiple_of3A, %add3A_321 : i32
      %multiple_of3A_323 = tpu.assume_multiple %add3A_322, 8 : i32
      %add3A_324 = arith.constant 50048 : i32
      %add3A_325 = arith.addi %add3A, %add3A_324 : i32
      %add3A_326 = arith.addi %add3A_325, %multiple_of3A_323 : i32
      %dma_start3A_327 = arith.constant 0 : i32
      %dma_start3A_328 = arith.constant 0 : i32
      %dma_start3A_329 = tpu.memref_slice %arg14[%dma_start3A_327, %dma_start3A_328] : memref<256x32xf32, #tpu.memory_space<vmem>> -> memref<184x32xf32, #tpu.memory_space<vmem>>
      %dma_start3A_330 = arith.constant 0 : i32
      %dma_start3A_331 = tpu.memref_slice %arg6[%add3A_326, %dma_start3A_330] : memref<400384x32xf32, #tpu.memory_space<hbm>> -> memref<184x32xf32, #tpu.memory_space<hbm>>
      %dma_start3A_332 = arith.constant 0 : i32
      %dma_start3A_333 = tpu.memref_slice %arg6[%add3A_326, %dma_start3A_332] : memref<400384x32xf32, #tpu.memory_space<hbm>> -> memref<184x32xf32, #tpu.memory_space<hbm>>
      %dma_start3A_334 = arith.constant 0 : i32
      %dma_start3A_335 = arith.constant 0 : i32
      %dma_start3A_336 = tpu.memref_slice %arg14[%dma_start3A_334, %dma_start3A_335] : memref<256x32xf32, #tpu.memory_space<vmem>> -> memref<184x32xf32, #tpu.memory_space<vmem>>
      tpu.enqueue_dma source(%dma_start3A_336 : memref<184x32xf32, #tpu.memory_space<vmem>>) target(%dma_start3A_333 : memref<184x32xf32, #tpu.memory_space<hbm>>) target_semaphore(%arg21 : memref<!tpu.dma_semaphore, #tpu.memory_space<semaphore_mem>>)
      %dma_wait3A_337 = arith.constant 0 : i32
      %dma_wait3A_338 = arith.constant 0 : i32
      %dma_wait3A_339 = tpu.memref_slice %arg14[%dma_wait3A_337, %dma_wait3A_338] : memref<256x32xf32, #tpu.memory_space<vmem>> -> memref<184x32xf32, #tpu.memory_space<vmem>>
      %dma_wait3A_340 = arith.constant 0 : i32
      %dma_wait3A_341 = tpu.memref_slice %arg6[%add3A_326, %dma_wait3A_340] : memref<400384x32xf32, #tpu.memory_space<hbm>> -> memref<184x32xf32, #tpu.memory_space<hbm>>
      %dma_wait3A_342 = arith.constant 0 : i32
      %dma_wait3A_343 = tpu.memref_slice %arg6[%add3A_326, %dma_wait3A_342] : memref<400384x32xf32, #tpu.memory_space<hbm>> -> memref<184x32xf32, #tpu.memory_space<hbm>>
      %dma_wait3A_344 = arith.constant 0 : i32
      %dma_wait3A_345 = arith.constant 0 : i32
      %dma_wait3A_346 = tpu.memref_slice %arg14[%dma_wait3A_344, %dma_wait3A_345] : memref<256x32xf32, #tpu.memory_space<vmem>> -> memref<184x32xf32, #tpu.memory_space<vmem>>
      tpu.wait_dma2 semaphore(%arg21 : memref<!tpu.dma_semaphore, #tpu.memory_space<semaphore_mem>>) src(%dma_wait3A_346 : memref<184x32xf32, #tpu.memory_space<vmem>>) dst(%dma_wait3A_343 : memref<184x32xf32, #tpu.memory_space<hbm>>)
      %add3A_347 = arith.constant 1288 : i32
      %add3A_348 = arith.addi %multiple_of3A, %add3A_347 : i32
      %multiple_of3A_349 = tpu.assume_multiple %add3A_348, 8 : i32
      %dma_start3A_350 = arith.constant 0 : i32
      %dma_start3A_351 = arith.constant 0 : i32
      %dma_start3A_352 = tpu.memref_slice %arg14[%dma_start3A_350, %dma_start3A_351] : memref<256x32xf32, #tpu.memory_space<vmem>> -> memref<184x32xf32, #tpu.memory_space<vmem>>
      %dma_start3A_353 = arith.constant 0 : i32
      %dma_start3A_354 = tpu.memref_slice %arg16[%multiple_of3A_349, %dma_start3A_353] : memref<50048x32xf32, #tpu.memory_space<vmem_shared>> -> memref<184x32xf32, #tpu.memory_space<vmem_shared>>
      %dma_start3A_355 = arith.constant 0 : i32
      %dma_start3A_356 = arith.constant 0 : i32
      %dma_start3A_357 = tpu.memref_slice %arg14[%dma_start3A_355, %dma_start3A_356] : memref<256x32xf32, #tpu.memory_space<vmem>> -> memref<184x32xf32, #tpu.memory_space<vmem>>
      %dma_start3A_358 = arith.constant 0 : i32
      %dma_start3A_359 = tpu.memref_slice %arg16[%multiple_of3A_349, %dma_start3A_358] : memref<50048x32xf32, #tpu.memory_space<vmem_shared>> -> memref<184x32xf32, #tpu.memory_space<vmem_shared>>
      tpu.enqueue_dma source(%dma_start3A_359 : memref<184x32xf32, #tpu.memory_space<vmem_shared>>) target(%dma_start3A_357 : memref<184x32xf32, #tpu.memory_space<vmem>>) target_semaphore(%arg18 : memref<!tpu.dma_semaphore, #tpu.memory_space<semaphore_mem>>)
      %dma_wait3A_360 = arith.constant 0 : i32
      %dma_wait3A_361 = arith.constant 0 : i32
      %dma_wait3A_362 = tpu.memref_slice %arg13[%dma_wait3A_360, %dma_wait3A_361] : memref<256x32xf32, #tpu.memory_space<vmem>> -> memref<184x32xf32, #tpu.memory_space<vmem>>
      %dma_wait3A_363 = arith.constant 0 : i32
      %dma_wait3A_364 = tpu.memref_slice %arg16[%multiple_of3A_300, %dma_wait3A_363] : memref<50048x32xf32, #tpu.memory_space<vmem_shared>> -> memref<184x32xf32, #tpu.memory_space<vmem_shared>>
      %dma_wait3A_365 = arith.constant 0 : i32
      %dma_wait3A_366 = arith.constant 0 : i32
      %dma_wait3A_367 = tpu.memref_slice %arg13[%dma_wait3A_365, %dma_wait3A_366] : memref<256x32xf32, #tpu.memory_space<vmem>> -> memref<184x32xf32, #tpu.memory_space<vmem>>
      %dma_wait3A_368 = arith.constant 0 : i32
      %dma_wait3A_369 = tpu.memref_slice %arg16[%multiple_of3A_300, %dma_wait3A_368] : memref<50048x32xf32, #tpu.memory_space<vmem_shared>> -> memref<184x32xf32, #tpu.memory_space<vmem_shared>>
      tpu.wait_dma2 semaphore(%arg17 : memref<!tpu.dma_semaphore, #tpu.memory_space<semaphore_mem>>) src(%dma_wait3A_369 : memref<184x32xf32, #tpu.memory_space<vmem_shared>>) dst(%dma_wait3A_367 : memref<184x32xf32, #tpu.memory_space<vmem>>)
      %add3A_370 = arith.constant 1104 : i32
      %add3A_371 = arith.addi %multiple_of3A, %add3A_370 : i32
      %multiple_of3A_372 = tpu.assume_multiple %add3A_371, 8 : i32
      %add3A_373 = arith.constant 50048 : i32
      %add3A_374 = arith.addi %add3A, %add3A_373 : i32
      %add3A_375 = arith.addi %add3A_374, %multiple_of3A_372 : i32
      %dma_start3A_376 = arith.constant 0 : i32
      %dma_start3A_377 = arith.constant 0 : i32
      %dma_start3A_378 = tpu.memref_slice %arg13[%dma_start3A_376, %dma_start3A_377] : memref<256x32xf32, #tpu.memory_space<vmem>> -> memref<184x32xf32, #tpu.memory_space<vmem>>
      %dma_start3A_379 = arith.constant 0 : i32
      %dma_start3A_380 = tpu.memref_slice %arg6[%add3A_375, %dma_start3A_379] : memref<400384x32xf32, #tpu.memory_space<hbm>> -> memref<184x32xf32, #tpu.memory_space<hbm>>
      %dma_start3A_381 = arith.constant 0 : i32
      %dma_start3A_382 = tpu.memref_slice %arg6[%add3A_375, %dma_start3A_381] : memref<400384x32xf32, #tpu.memory_space<hbm>> -> memref<184x32xf32, #tpu.memory_space<hbm>>
      %dma_start3A_383 = arith.constant 0 : i32
      %dma_start3A_384 = arith.constant 0 : i32
      %dma_start3A_385 = tpu.memref_slice %arg13[%dma_start3A_383, %dma_start3A_384] : memref<256x32xf32, #tpu.memory_space<vmem>> -> memref<184x32xf32, #tpu.memory_space<vmem>>
      tpu.enqueue_dma source(%dma_start3A_385 : memref<184x32xf32, #tpu.memory_space<vmem>>) target(%dma_start3A_382 : memref<184x32xf32, #tpu.memory_space<hbm>>) target_semaphore(%arg20 : memref<!tpu.dma_semaphore, #tpu.memory_space<semaphore_mem>>)
      %dma_wait3A_386 = arith.constant 0 : i32
      %dma_wait3A_387 = arith.constant 0 : i32
      %dma_wait3A_388 = tpu.memref_slice %arg13[%dma_wait3A_386, %dma_wait3A_387] : memref<256x32xf32, #tpu.memory_space<vmem>> -> memref<184x32xf32, #tpu.memory_space<vmem>>
      %dma_wait3A_389 = arith.constant 0 : i32
      %dma_wait3A_390 = tpu.memref_slice %arg6[%add3A_375, %dma_wait3A_389] : memref<400384x32xf32, #tpu.memory_space<hbm>> -> memref<184x32xf32, #tpu.memory_space<hbm>>
      %dma_wait3A_391 = arith.constant 0 : i32
      %dma_wait3A_392 = tpu.memref_slice %arg6[%add3A_375, %dma_wait3A_391] : memref<400384x32xf32, #tpu.memory_space<hbm>> -> memref<184x32xf32, #tpu.memory_space<hbm>>
      %dma_wait3A_393 = arith.constant 0 : i32
      %dma_wait3A_394 = arith.constant 0 : i32
      %dma_wait3A_395 = tpu.memref_slice %arg13[%dma_wait3A_393, %dma_wait3A_394] : memref<256x32xf32, #tpu.memory_space<vmem>> -> memref<184x32xf32, #tpu.memory_space<vmem>>
      tpu.wait_dma2 semaphore(%arg20 : memref<!tpu.dma_semaphore, #tpu.memory_space<semaphore_mem>>) src(%dma_wait3A_395 : memref<184x32xf32, #tpu.memory_space<vmem>>) dst(%dma_wait3A_392 : memref<184x32xf32, #tpu.memory_space<hbm>>)
      %add3A_396 = arith.constant 1472 : i32
      %add3A_397 = arith.addi %multiple_of3A, %add3A_396 : i32
      %multiple_of3A_398 = tpu.assume_multiple %add3A_397, 8 : i32
      %dma_start3A_399 = arith.constant 0 : i32
      %dma_start3A_400 = arith.constant 0 : i32
      %dma_start3A_401 = tpu.memref_slice %arg13[%dma_start3A_399, %dma_start3A_400] : memref<256x32xf32, #tpu.memory_space<vmem>> -> memref<184x32xf32, #tpu.memory_space<vmem>>
      %dma_start3A_402 = arith.constant 0 : i32
      %dma_start3A_403 = tpu.memref_slice %arg16[%multiple_of3A_398, %dma_start3A_402] : memref<50048x32xf32, #tpu.memory_space<vmem_shared>> -> memref<184x32xf32, #tpu.memory_space<vmem_shared>>
      %dma_start3A_404 = arith.constant 0 : i32
      %dma_start3A_405 = arith.constant 0 : i32
      %dma_start3A_406 = tpu.memref_slice %arg13[%dma_start3A_404, %dma_start3A_405] : memref<256x32xf32, #tpu.memory_space<vmem>> -> memref<184x32xf32, #tpu.memory_space<vmem>>
      %dma_start3A_407 = arith.constant 0 : i32
      %dma_start3A_408 = tpu.memref_slice %arg16[%multiple_of3A_398, %dma_start3A_407] : memref<50048x32xf32, #tpu.memory_space<vmem_shared>> -> memref<184x32xf32, #tpu.memory_space<vmem_shared>>
      tpu.enqueue_dma source(%dma_start3A_408 : memref<184x32xf32, #tpu.memory_space<vmem_shared>>) target(%dma_start3A_406 : memref<184x32xf32, #tpu.memory_space<vmem>>) target_semaphore(%arg17 : memref<!tpu.dma_semaphore, #tpu.memory_space<semaphore_mem>>)
      %dma_wait3A_409 = arith.constant 0 : i32
      %dma_wait3A_410 = arith.constant 0 : i32
      %dma_wait3A_411 = tpu.memref_slice %arg14[%dma_wait3A_409, %dma_wait3A_410] : memref<256x32xf32, #tpu.memory_space<vmem>> -> memref<184x32xf32, #tpu.memory_space<vmem>>
      %dma_wait3A_412 = arith.constant 0 : i32
      %dma_wait3A_413 = tpu.memref_slice %arg16[%multiple_of3A_349, %dma_wait3A_412] : memref<50048x32xf32, #tpu.memory_space<vmem_shared>> -> memref<184x32xf32, #tpu.memory_space<vmem_shared>>
      %dma_wait3A_414 = arith.constant 0 : i32
      %dma_wait3A_415 = arith.constant 0 : i32
      %dma_wait3A_416 = tpu.memref_slice %arg14[%dma_wait3A_414, %dma_wait3A_415] : memref<256x32xf32, #tpu.memory_space<vmem>> -> memref<184x32xf32, #tpu.memory_space<vmem>>
      %dma_wait3A_417 = arith.constant 0 : i32
      %dma_wait3A_418 = tpu.memref_slice %arg16[%multiple_of3A_349, %dma_wait3A_417] : memref<50048x32xf32, #tpu.memory_space<vmem_shared>> -> memref<184x32xf32, #tpu.memory_space<vmem_shared>>
      tpu.wait_dma2 semaphore(%arg18 : memref<!tpu.dma_semaphore, #tpu.memory_space<semaphore_mem>>) src(%dma_wait3A_418 : memref<184x32xf32, #tpu.memory_space<vmem_shared>>) dst(%dma_wait3A_416 : memref<184x32xf32, #tpu.memory_space<vmem>>)
      %add3A_419 = arith.constant 1288 : i32
      %add3A_420 = arith.addi %multiple_of3A, %add3A_419 : i32
      %multiple_of3A_421 = tpu.assume_multiple %add3A_420, 8 : i32
      %add3A_422 = arith.constant 50048 : i32
      %add3A_423 = arith.addi %add3A, %add3A_422 : i32
      %add3A_424 = arith.addi %add3A_423, %multiple_of3A_421 : i32
      %dma_start3A_425 = arith.constant 0 : i32
      %dma_start3A_426 = arith.constant 0 : i32
      %dma_start3A_427 = tpu.memref_slice %arg14[%dma_start3A_425, %dma_start3A_426] : memref<256x32xf32, #tpu.memory_space<vmem>> -> memref<184x32xf32, #tpu.memory_space<vmem>>
      %dma_start3A_428 = arith.constant 0 : i32
      %dma_start3A_429 = tpu.memref_slice %arg6[%add3A_424, %dma_start3A_428] : memref<400384x32xf32, #tpu.memory_space<hbm>> -> memref<184x32xf32, #tpu.memory_space<hbm>>
      %dma_start3A_430 = arith.constant 0 : i32
      %dma_start3A_431 = tpu.memref_slice %arg6[%add3A_424, %dma_start3A_430] : memref<400384x32xf32, #tpu.memory_space<hbm>> -> memref<184x32xf32, #tpu.memory_space<hbm>>
      %dma_start3A_432 = arith.constant 0 : i32
      %dma_start3A_433 = arith.constant 0 : i32
      %dma_start3A_434 = tpu.memref_slice %arg14[%dma_start3A_432, %dma_start3A_433] : memref<256x32xf32, #tpu.memory_space<vmem>> -> memref<184x32xf32, #tpu.memory_space<vmem>>
      tpu.enqueue_dma source(%dma_start3A_434 : memref<184x32xf32, #tpu.memory_space<vmem>>) target(%dma_start3A_431 : memref<184x32xf32, #tpu.memory_space<hbm>>) target_semaphore(%arg21 : memref<!tpu.dma_semaphore, #tpu.memory_space<semaphore_mem>>)
      %dma_wait3A_435 = arith.constant 0 : i32
      %dma_wait3A_436 = arith.constant 0 : i32
      %dma_wait3A_437 = tpu.memref_slice %arg14[%dma_wait3A_435, %dma_wait3A_436] : memref<256x32xf32, #tpu.memory_space<vmem>> -> memref<184x32xf32, #tpu.memory_space<vmem>>
      %dma_wait3A_438 = arith.constant 0 : i32
      %dma_wait3A_439 = tpu.memref_slice %arg6[%add3A_424, %dma_wait3A_438] : memref<400384x32xf32, #tpu.memory_space<hbm>> -> memref<184x32xf32, #tpu.memory_space<hbm>>
      %dma_wait3A_440 = arith.constant 0 : i32
      %dma_wait3A_441 = tpu.memref_slice %arg6[%add3A_424, %dma_wait3A_440] : memref<400384x32xf32, #tpu.memory_space<hbm>> -> memref<184x32xf32, #tpu.memory_space<hbm>>
      %dma_wait3A_442 = arith.constant 0 : i32
      %dma_wait3A_443 = arith.constant 0 : i32
      %dma_wait3A_444 = tpu.memref_slice %arg14[%dma_wait3A_442, %dma_wait3A_443] : memref<256x32xf32, #tpu.memory_space<vmem>> -> memref<184x32xf32, #tpu.memory_space<vmem>>
      tpu.wait_dma2 semaphore(%arg21 : memref<!tpu.dma_semaphore, #tpu.memory_space<semaphore_mem>>) src(%dma_wait3A_444 : memref<184x32xf32, #tpu.memory_space<vmem>>) dst(%dma_wait3A_441 : memref<184x32xf32, #tpu.memory_space<hbm>>)
      %add3A_445 = arith.constant 1656 : i32
      %add3A_446 = arith.addi %multiple_of3A, %add3A_445 : i32
      %multiple_of3A_447 = tpu.assume_multiple %add3A_446, 8 : i32
      %dma_start3A_448 = arith.constant 0 : i32
      %dma_start3A_449 = arith.constant 0 : i32
      %dma_start3A_450 = tpu.memref_slice %arg14[%dma_start3A_448, %dma_start3A_449] : memref<256x32xf32, #tpu.memory_space<vmem>> -> memref<184x32xf32, #tpu.memory_space<vmem>>
      %dma_start3A_451 = arith.constant 0 : i32
      %dma_start3A_452 = tpu.memref_slice %arg16[%multiple_of3A_447, %dma_start3A_451] : memref<50048x32xf32, #tpu.memory_space<vmem_shared>> -> memref<184x32xf32, #tpu.memory_space<vmem_shared>>
      %dma_start3A_453 = arith.constant 0 : i32
      %dma_start3A_454 = arith.constant 0 : i32
      %dma_start3A_455 = tpu.memref_slice %arg14[%dma_start3A_453, %dma_start3A_454] : memref<256x32xf32, #tpu.memory_space<vmem>> -> memref<184x32xf32, #tpu.memory_space<vmem>>
      %dma_start3A_456 = arith.constant 0 : i32
      %dma_start3A_457 = tpu.memref_slice %arg16[%multiple_of3A_447, %dma_start3A_456] : memref<50048x32xf32, #tpu.memory_space<vmem_shared>> -> memref<184x32xf32, #tpu.memory_space<vmem_shared>>
      tpu.enqueue_dma source(%dma_start3A_457 : memref<184x32xf32, #tpu.memory_space<vmem_shared>>) target(%dma_start3A_455 : memref<184x32xf32, #tpu.memory_space<vmem>>) target_semaphore(%arg18 : memref<!tpu.dma_semaphore, #tpu.memory_space<semaphore_mem>>)
      %dma_wait3A_458 = arith.constant 0 : i32
      %dma_wait3A_459 = arith.constant 0 : i32
      %dma_wait3A_460 = tpu.memref_slice %arg13[%dma_wait3A_458, %dma_wait3A_459] : memref<256x32xf32, #tpu.memory_space<vmem>> -> memref<184x32xf32, #tpu.memory_space<vmem>>
      %dma_wait3A_461 = arith.constant 0 : i32
      %dma_wait3A_462 = tpu.memref_slice %arg16[%multiple_of3A_398, %dma_wait3A_461] : memref<50048x32xf32, #tpu.memory_space<vmem_shared>> -> memref<184x32xf32, #tpu.memory_space<vmem_shared>>
      %dma_wait3A_463 = arith.constant 0 : i32
      %dma_wait3A_464 = arith.constant 0 : i32
      %dma_wait3A_465 = tpu.memref_slice %arg13[%dma_wait3A_463, %dma_wait3A_464] : memref<256x32xf32, #tpu.memory_space<vmem>> -> memref<184x32xf32, #tpu.memory_space<vmem>>
      %dma_wait3A_466 = arith.constant 0 : i32
      %dma_wait3A_467 = tpu.memref_slice %arg16[%multiple_of3A_398, %dma_wait3A_466] : memref<50048x32xf32, #tpu.memory_space<vmem_shared>> -> memref<184x32xf32, #tpu.memory_space<vmem_shared>>
      tpu.wait_dma2 semaphore(%arg17 : memref<!tpu.dma_semaphore, #tpu.memory_space<semaphore_mem>>) src(%dma_wait3A_467 : memref<184x32xf32, #tpu.memory_space<vmem_shared>>) dst(%dma_wait3A_465 : memref<184x32xf32, #tpu.memory_space<vmem>>)
      %add3A_468 = arith.constant 1472 : i32
      %add3A_469 = arith.addi %multiple_of3A, %add3A_468 : i32
      %multiple_of3A_470 = tpu.assume_multiple %add3A_469, 8 : i32
      %add3A_471 = arith.constant 50048 : i32
      %add3A_472 = arith.addi %add3A, %add3A_471 : i32
      %add3A_473 = arith.addi %add3A_472, %multiple_of3A_470 : i32
      %dma_start3A_474 = arith.constant 0 : i32
      %dma_start3A_475 = arith.constant 0 : i32
      %dma_start3A_476 = tpu.memref_slice %arg13[%dma_start3A_474, %dma_start3A_475] : memref<256x32xf32, #tpu.memory_space<vmem>> -> memref<184x32xf32, #tpu.memory_space<vmem>>
      %dma_start3A_477 = arith.constant 0 : i32
      %dma_start3A_478 = tpu.memref_slice %arg6[%add3A_473, %dma_start3A_477] : memref<400384x32xf32, #tpu.memory_space<hbm>> -> memref<184x32xf32, #tpu.memory_space<hbm>>
      %dma_start3A_479 = arith.constant 0 : i32
      %dma_start3A_480 = tpu.memref_slice %arg6[%add3A_473, %dma_start3A_479] : memref<400384x32xf32, #tpu.memory_space<hbm>> -> memref<184x32xf32, #tpu.memory_space<hbm>>
      %dma_start3A_481 = arith.constant 0 : i32
      %dma_start3A_482 = arith.constant 0 : i32
      %dma_start3A_483 = tpu.memref_slice %arg13[%dma_start3A_481, %dma_start3A_482] : memref<256x32xf32, #tpu.memory_space<vmem>> -> memref<184x32xf32, #tpu.memory_space<vmem>>
      tpu.enqueue_dma source(%dma_start3A_483 : memref<184x32xf32, #tpu.memory_space<vmem>>) target(%dma_start3A_480 : memref<184x32xf32, #tpu.memory_space<hbm>>) target_semaphore(%arg20 : memref<!tpu.dma_semaphore, #tpu.memory_space<semaphore_mem>>)
      %dma_wait3A_484 = arith.constant 0 : i32
      %dma_wait3A_485 = arith.constant 0 : i32
      %dma_wait3A_486 = tpu.memref_slice %arg13[%dma_wait3A_484, %dma_wait3A_485] : memref<256x32xf32, #tpu.memory_space<vmem>> -> memref<184x32xf32, #tpu.memory_space<vmem>>
      %dma_wait3A_487 = arith.constant 0 : i32
      %dma_wait3A_488 = tpu.memref_slice %arg6[%add3A_473, %dma_wait3A_487] : memref<400384x32xf32, #tpu.memory_space<hbm>> -> memref<184x32xf32, #tpu.memory_space<hbm>>
      %dma_wait3A_489 = arith.constant 0 : i32
      %dma_wait3A_490 = tpu.memref_slice %arg6[%add3A_473, %dma_wait3A_489] : memref<400384x32xf32, #tpu.memory_space<hbm>> -> memref<184x32xf32, #tpu.memory_space<hbm>>
      %dma_wait3A_491 = arith.constant 0 : i32
      %dma_wait3A_492 = arith.constant 0 : i32
      %dma_wait3A_493 = tpu.memref_slice %arg13[%dma_wait3A_491, %dma_wait3A_492] : memref<256x32xf32, #tpu.memory_space<vmem>> -> memref<184x32xf32, #tpu.memory_space<vmem>>
      tpu.wait_dma2 semaphore(%arg20 : memref<!tpu.dma_semaphore, #tpu.memory_space<semaphore_mem>>) src(%dma_wait3A_493 : memref<184x32xf32, #tpu.memory_space<vmem>>) dst(%dma_wait3A_490 : memref<184x32xf32, #tpu.memory_space<hbm>>)
      %add3A_494 = arith.constant 1840 : i32
      %add3A_495 = arith.addi %multiple_of3A, %add3A_494 : i32
      %multiple_of3A_496 = tpu.assume_multiple %add3A_495, 8 : i32
      %dma_start3A_497 = arith.constant 0 : i32
      %dma_start3A_498 = arith.constant 0 : i32
      %dma_start3A_499 = tpu.memref_slice %arg13[%dma_start3A_497, %dma_start3A_498] : memref<256x32xf32, #tpu.memory_space<vmem>> -> memref<184x32xf32, #tpu.memory_space<vmem>>
      %dma_start3A_500 = arith.constant 0 : i32
      %dma_start3A_501 = tpu.memref_slice %arg16[%multiple_of3A_496, %dma_start3A_500] : memref<50048x32xf32, #tpu.memory_space<vmem_shared>> -> memref<184x32xf32, #tpu.memory_space<vmem_shared>>
      %dma_start3A_502 = arith.constant 0 : i32
      %dma_start3A_503 = arith.constant 0 : i32
      %dma_start3A_504 = tpu.memref_slice %arg13[%dma_start3A_502, %dma_start3A_503] : memref<256x32xf32, #tpu.memory_space<vmem>> -> memref<184x32xf32, #tpu.memory_space<vmem>>
      %dma_start3A_505 = arith.constant 0 : i32
      %dma_start3A_506 = tpu.memref_slice %arg16[%multiple_of3A_496, %dma_start3A_505] : memref<50048x32xf32, #tpu.memory_space<vmem_shared>> -> memref<184x32xf32, #tpu.memory_space<vmem_shared>>
      tpu.enqueue_dma source(%dma_start3A_506 : memref<184x32xf32, #tpu.memory_space<vmem_shared>>) target(%dma_start3A_504 : memref<184x32xf32, #tpu.memory_space<vmem>>) target_semaphore(%arg17 : memref<!tpu.dma_semaphore, #tpu.memory_space<semaphore_mem>>)
      %dma_wait3A_507 = arith.constant 0 : i32
      %dma_wait3A_508 = arith.constant 0 : i32
      %dma_wait3A_509 = tpu.memref_slice %arg14[%dma_wait3A_507, %dma_wait3A_508] : memref<256x32xf32, #tpu.memory_space<vmem>> -> memref<184x32xf32, #tpu.memory_space<vmem>>
      %dma_wait3A_510 = arith.constant 0 : i32
      %dma_wait3A_511 = tpu.memref_slice %arg16[%multiple_of3A_447, %dma_wait3A_510] : memref<50048x32xf32, #tpu.memory_space<vmem_shared>> -> memref<184x32xf32, #tpu.memory_space<vmem_shared>>
      %dma_wait3A_512 = arith.constant 0 : i32
      %dma_wait3A_513 = arith.constant 0 : i32
      %dma_wait3A_514 = tpu.memref_slice %arg14[%dma_wait3A_512, %dma_wait3A_513] : memref<256x32xf32, #tpu.memory_space<vmem>> -> memref<184x32xf32, #tpu.memory_space<vmem>>
      %dma_wait3A_515 = arith.constant 0 : i32
      %dma_wait3A_516 = tpu.memref_slice %arg16[%multiple_of3A_447, %dma_wait3A_515] : memref<50048x32xf32, #tpu.memory_space<vmem_shared>> -> memref<184x32xf32, #tpu.memory_space<vmem_shared>>
      tpu.wait_dma2 semaphore(%arg18 : memref<!tpu.dma_semaphore, #tpu.memory_space<semaphore_mem>>) src(%dma_wait3A_516 : memref<184x32xf32, #tpu.memory_space<vmem_shared>>) dst(%dma_wait3A_514 : memref<184x32xf32, #tpu.memory_space<vmem>>)
      %add3A_517 = arith.constant 1656 : i32
      %add3A_518 = arith.addi %multiple_of3A, %add3A_517 : i32
      %multiple_of3A_519 = tpu.assume_multiple %add3A_518, 8 : i32
      %add3A_520 = arith.constant 50048 : i32
      %add3A_521 = arith.addi %add3A, %add3A_520 : i32
      %add3A_522 = arith.addi %add3A_521, %multiple_of3A_519 : i32
      %dma_start3A_523 = arith.constant 0 : i32
      %dma_start3A_524 = arith.constant 0 : i32
      %dma_start3A_525 = tpu.memref_slice %arg14[%dma_start3A_523, %dma_start3A_524] : memref<256x32xf32, #tpu.memory_space<vmem>> -> memref<184x32xf32, #tpu.memory_space<vmem>>
      %dma_start3A_526 = arith.constant 0 : i32
      %dma_start3A_527 = tpu.memref_slice %arg6[%add3A_522, %dma_start3A_526] : memref<400384x32xf32, #tpu.memory_space<hbm>> -> memref<184x32xf32, #tpu.memory_space<hbm>>
      %dma_start3A_528 = arith.constant 0 : i32
      %dma_start3A_529 = tpu.memref_slice %arg6[%add3A_522, %dma_start3A_528] : memref<400384x32xf32, #tpu.memory_space<hbm>> -> memref<184x32xf32, #tpu.memory_space<hbm>>
      %dma_start3A_530 = arith.constant 0 : i32
      %dma_start3A_531 = arith.constant 0 : i32
      %dma_start3A_532 = tpu.memref_slice %arg14[%dma_start3A_530, %dma_start3A_531] : memref<256x32xf32, #tpu.memory_space<vmem>> -> memref<184x32xf32, #tpu.memory_space<vmem>>
      tpu.enqueue_dma source(%dma_start3A_532 : memref<184x32xf32, #tpu.memory_space<vmem>>) target(%dma_start3A_529 : memref<184x32xf32, #tpu.memory_space<hbm>>) target_semaphore(%arg21 : memref<!tpu.dma_semaphore, #tpu.memory_space<semaphore_mem>>)
      %dma_wait3A_533 = arith.constant 0 : i32
      %dma_wait3A_534 = arith.constant 0 : i32
      %dma_wait3A_535 = tpu.memref_slice %arg14[%dma_wait3A_533, %dma_wait3A_534] : memref<256x32xf32, #tpu.memory_space<vmem>> -> memref<184x32xf32, #tpu.memory_space<vmem>>
      %dma_wait3A_536 = arith.constant 0 : i32
      %dma_wait3A_537 = tpu.memref_slice %arg6[%add3A_522, %dma_wait3A_536] : memref<400384x32xf32, #tpu.memory_space<hbm>> -> memref<184x32xf32, #tpu.memory_space<hbm>>
      %dma_wait3A_538 = arith.constant 0 : i32
      %dma_wait3A_539 = tpu.memref_slice %arg6[%add3A_522, %dma_wait3A_538] : memref<400384x32xf32, #tpu.memory_space<hbm>> -> memref<184x32xf32, #tpu.memory_space<hbm>>
      %dma_wait3A_540 = arith.constant 0 : i32
      %dma_wait3A_541 = arith.constant 0 : i32
      %dma_wait3A_542 = tpu.memref_slice %arg14[%dma_wait3A_540, %dma_wait3A_541] : memref<256x32xf32, #tpu.memory_space<vmem>> -> memref<184x32xf32, #tpu.memory_space<vmem>>
      tpu.wait_dma2 semaphore(%arg21 : memref<!tpu.dma_semaphore, #tpu.memory_space<semaphore_mem>>) src(%dma_wait3A_542 : memref<184x32xf32, #tpu.memory_space<vmem>>) dst(%dma_wait3A_539 : memref<184x32xf32, #tpu.memory_space<hbm>>)
      %add3A_543 = arith.constant 2024 : i32
      %add3A_544 = arith.addi %multiple_of3A, %add3A_543 : i32
      %multiple_of3A_545 = tpu.assume_multiple %add3A_544, 8 : i32
      %dma_start3A_546 = arith.constant 0 : i32
      %dma_start3A_547 = arith.constant 0 : i32
      %dma_start3A_548 = tpu.memref_slice %arg14[%dma_start3A_546, %dma_start3A_547] : memref<256x32xf32, #tpu.memory_space<vmem>> -> memref<184x32xf32, #tpu.memory_space<vmem>>
      %dma_start3A_549 = arith.constant 0 : i32
      %dma_start3A_550 = tpu.memref_slice %arg16[%multiple_of3A_545, %dma_start3A_549] : memref<50048x32xf32, #tpu.memory_space<vmem_shared>> -> memref<184x32xf32, #tpu.memory_space<vmem_shared>>
      %dma_start3A_551 = arith.constant 0 : i32
      %dma_start3A_552 = arith.constant 0 : i32
      %dma_start3A_553 = tpu.memref_slice %arg14[%dma_start3A_551, %dma_start3A_552] : memref<256x32xf32, #tpu.memory_space<vmem>> -> memref<184x32xf32, #tpu.memory_space<vmem>>
      %dma_start3A_554 = arith.constant 0 : i32
      %dma_start3A_555 = tpu.memref_slice %arg16[%multiple_of3A_545, %dma_start3A_554] : memref<50048x32xf32, #tpu.memory_space<vmem_shared>> -> memref<184x32xf32, #tpu.memory_space<vmem_shared>>
      tpu.enqueue_dma source(%dma_start3A_555 : memref<184x32xf32, #tpu.memory_space<vmem_shared>>) target(%dma_start3A_553 : memref<184x32xf32, #tpu.memory_space<vmem>>) target_semaphore(%arg18 : memref<!tpu.dma_semaphore, #tpu.memory_space<semaphore_mem>>)
      %dma_wait3A_556 = arith.constant 0 : i32
      %dma_wait3A_557 = arith.constant 0 : i32
      %dma_wait3A_558 = tpu.memref_slice %arg13[%dma_wait3A_556, %dma_wait3A_557] : memref<256x32xf32, #tpu.memory_space<vmem>> -> memref<184x32xf32, #tpu.memory_space<vmem>>
      %dma_wait3A_559 = arith.constant 0 : i32
      %dma_wait3A_560 = tpu.memref_slice %arg16[%multiple_of3A_496, %dma_wait3A_559] : memref<50048x32xf32, #tpu.memory_space<vmem_shared>> -> memref<184x32xf32, #tpu.memory_space<vmem_shared>>
      %dma_wait3A_561 = arith.constant 0 : i32
      %dma_wait3A_562 = arith.constant 0 : i32
      %dma_wait3A_563 = tpu.memref_slice %arg13[%dma_wait3A_561, %dma_wait3A_562] : memref<256x32xf32, #tpu.memory_space<vmem>> -> memref<184x32xf32, #tpu.memory_space<vmem>>
      %dma_wait3A_564 = arith.constant 0 : i32
      %dma_wait3A_565 = tpu.memref_slice %arg16[%multiple_of3A_496, %dma_wait3A_564] : memref<50048x32xf32, #tpu.memory_space<vmem_shared>> -> memref<184x32xf32, #tpu.memory_space<vmem_shared>>
      tpu.wait_dma2 semaphore(%arg17 : memref<!tpu.dma_semaphore, #tpu.memory_space<semaphore_mem>>) src(%dma_wait3A_565 : memref<184x32xf32, #tpu.memory_space<vmem_shared>>) dst(%dma_wait3A_563 : memref<184x32xf32, #tpu.memory_space<vmem>>)
      %add3A_566 = arith.constant 1840 : i32
      %add3A_567 = arith.addi %multiple_of3A, %add3A_566 : i32
      %multiple_of3A_568 = tpu.assume_multiple %add3A_567, 8 : i32
      %add3A_569 = arith.constant 50048 : i32
      %add3A_570 = arith.addi %add3A, %add3A_569 : i32
      %add3A_571 = arith.addi %add3A_570, %multiple_of3A_568 : i32
      %dma_start3A_572 = arith.constant 0 : i32
      %dma_start3A_573 = arith.constant 0 : i32
      %dma_start3A_574 = tpu.memref_slice %arg13[%dma_start3A_572, %dma_start3A_573] : memref<256x32xf32, #tpu.memory_space<vmem>> -> memref<184x32xf32, #tpu.memory_space<vmem>>
      %dma_start3A_575 = arith.constant 0 : i32
      %dma_start3A_576 = tpu.memref_slice %arg6[%add3A_571, %dma_start3A_575] : memref<400384x32xf32, #tpu.memory_space<hbm>> -> memref<184x32xf32, #tpu.memory_space<hbm>>
      %dma_start3A_577 = arith.constant 0 : i32
      %dma_start3A_578 = tpu.memref_slice %arg6[%add3A_571, %dma_start3A_577] : memref<400384x32xf32, #tpu.memory_space<hbm>> -> memref<184x32xf32, #tpu.memory_space<hbm>>
      %dma_start3A_579 = arith.constant 0 : i32
      %dma_start3A_580 = arith.constant 0 : i32
      %dma_start3A_581 = tpu.memref_slice %arg13[%dma_start3A_579, %dma_start3A_580] : memref<256x32xf32, #tpu.memory_space<vmem>> -> memref<184x32xf32, #tpu.memory_space<vmem>>
      tpu.enqueue_dma source(%dma_start3A_581 : memref<184x32xf32, #tpu.memory_space<vmem>>) target(%dma_start3A_578 : memref<184x32xf32, #tpu.memory_space<hbm>>) target_semaphore(%arg20 : memref<!tpu.dma_semaphore, #tpu.memory_space<semaphore_mem>>)
      %dma_wait3A_582 = arith.constant 0 : i32
      %dma_wait3A_583 = arith.constant 0 : i32
      %dma_wait3A_584 = tpu.memref_slice %arg13[%dma_wait3A_582, %dma_wait3A_583] : memref<256x32xf32, #tpu.memory_space<vmem>> -> memref<184x32xf32, #tpu.memory_space<vmem>>
      %dma_wait3A_585 = arith.constant 0 : i32
      %dma_wait3A_586 = tpu.memref_slice %arg6[%add3A_571, %dma_wait3A_585] : memref<400384x32xf32, #tpu.memory_space<hbm>> -> memref<184x32xf32, #tpu.memory_space<hbm>>
      %dma_wait3A_587 = arith.constant 0 : i32
      %dma_wait3A_588 = tpu.memref_slice %arg6[%add3A_571, %dma_wait3A_587] : memref<400384x32xf32, #tpu.memory_space<hbm>> -> memref<184x32xf32, #tpu.memory_space<hbm>>
      %dma_wait3A_589 = arith.constant 0 : i32
      %dma_wait3A_590 = arith.constant 0 : i32
      %dma_wait3A_591 = tpu.memref_slice %arg13[%dma_wait3A_589, %dma_wait3A_590] : memref<256x32xf32, #tpu.memory_space<vmem>> -> memref<184x32xf32, #tpu.memory_space<vmem>>
      tpu.wait_dma2 semaphore(%arg20 : memref<!tpu.dma_semaphore, #tpu.memory_space<semaphore_mem>>) src(%dma_wait3A_591 : memref<184x32xf32, #tpu.memory_space<vmem>>) dst(%dma_wait3A_588 : memref<184x32xf32, #tpu.memory_space<hbm>>)
      %add3A_592 = arith.constant 2208 : i32
      %add3A_593 = arith.addi %multiple_of3A, %add3A_592 : i32
      %multiple_of3A_594 = tpu.assume_multiple %add3A_593, 8 : i32
      %dma_start3A_595 = arith.constant 0 : i32
      %dma_start3A_596 = arith.constant 0 : i32
      %dma_start3A_597 = tpu.memref_slice %arg13[%dma_start3A_595, %dma_start3A_596] : memref<256x32xf32, #tpu.memory_space<vmem>> -> memref<184x32xf32, #tpu.memory_space<vmem>>
      %dma_start3A_598 = arith.constant 0 : i32
      %dma_start3A_599 = tpu.memref_slice %arg16[%multiple_of3A_594, %dma_start3A_598] : memref<50048x32xf32, #tpu.memory_space<vmem_shared>> -> memref<184x32xf32, #tpu.memory_space<vmem_shared>>
      %dma_start3A_600 = arith.constant 0 : i32
      %dma_start3A_601 = arith.constant 0 : i32
      %dma_start3A_602 = tpu.memref_slice %arg13[%dma_start3A_600, %dma_start3A_601] : memref<256x32xf32, #tpu.memory_space<vmem>> -> memref<184x32xf32, #tpu.memory_space<vmem>>
      %dma_start3A_603 = arith.constant 0 : i32
      %dma_start3A_604 = tpu.memref_slice %arg16[%multiple_of3A_594, %dma_start3A_603] : memref<50048x32xf32, #tpu.memory_space<vmem_shared>> -> memref<184x32xf32, #tpu.memory_space<vmem_shared>>
      tpu.enqueue_dma source(%dma_start3A_604 : memref<184x32xf32, #tpu.memory_space<vmem_shared>>) target(%dma_start3A_602 : memref<184x32xf32, #tpu.memory_space<vmem>>) target_semaphore(%arg17 : memref<!tpu.dma_semaphore, #tpu.memory_space<semaphore_mem>>)
      %dma_wait3A_605 = arith.constant 0 : i32
      %dma_wait3A_606 = arith.constant 0 : i32
      %dma_wait3A_607 = tpu.memref_slice %arg14[%dma_wait3A_605, %dma_wait3A_606] : memref<256x32xf32, #tpu.memory_space<vmem>> -> memref<184x32xf32, #tpu.memory_space<vmem>>
      %dma_wait3A_608 = arith.constant 0 : i32
      %dma_wait3A_609 = tpu.memref_slice %arg16[%multiple_of3A_545, %dma_wait3A_608] : memref<50048x32xf32, #tpu.memory_space<vmem_shared>> -> memref<184x32xf32, #tpu.memory_space<vmem_shared>>
      %dma_wait3A_610 = arith.constant 0 : i32
      %dma_wait3A_611 = arith.constant 0 : i32
      %dma_wait3A_612 = tpu.memref_slice %arg14[%dma_wait3A_610, %dma_wait3A_611] : memref<256x32xf32, #tpu.memory_space<vmem>> -> memref<184x32xf32, #tpu.memory_space<vmem>>
      %dma_wait3A_613 = arith.constant 0 : i32
      %dma_wait3A_614 = tpu.memref_slice %arg16[%multiple_of3A_545, %dma_wait3A_613] : memref<50048x32xf32, #tpu.memory_space<vmem_shared>> -> memref<184x32xf32, #tpu.memory_space<vmem_shared>>
      tpu.wait_dma2 semaphore(%arg18 : memref<!tpu.dma_semaphore, #tpu.memory_space<semaphore_mem>>) src(%dma_wait3A_614 : memref<184x32xf32, #tpu.memory_space<vmem_shared>>) dst(%dma_wait3A_612 : memref<184x32xf32, #tpu.memory_space<vmem>>)
      %add3A_615 = arith.constant 2024 : i32
      %add3A_616 = arith.addi %multiple_of3A, %add3A_615 : i32
      %multiple_of3A_617 = tpu.assume_multiple %add3A_616, 8 : i32
      %add3A_618 = arith.constant 50048 : i32
      %add3A_619 = arith.addi %add3A, %add3A_618 : i32
      %add3A_620 = arith.addi %add3A_619, %multiple_of3A_617 : i32
      %dma_start3A_621 = arith.constant 0 : i32
      %dma_start3A_622 = arith.constant 0 : i32
      %dma_start3A_623 = tpu.memref_slice %arg14[%dma_start3A_621, %dma_start3A_622] : memref<256x32xf32, #tpu.memory_space<vmem>> -> memref<184x32xf32, #tpu.memory_space<vmem>>
      %dma_start3A_624 = arith.constant 0 : i32
      %dma_start3A_625 = tpu.memref_slice %arg6[%add3A_620, %dma_start3A_624] : memref<400384x32xf32, #tpu.memory_space<hbm>> -> memref<184x32xf32, #tpu.memory_space<hbm>>
      %dma_start3A_626 = arith.constant 0 : i32
      %dma_start3A_627 = tpu.memref_slice %arg6[%add3A_620, %dma_start3A_626] : memref<400384x32xf32, #tpu.memory_space<hbm>> -> memref<184x32xf32, #tpu.memory_space<hbm>>
      %dma_start3A_628 = arith.constant 0 : i32
      %dma_start3A_629 = arith.constant 0 : i32
      %dma_start3A_630 = tpu.memref_slice %arg14[%dma_start3A_628, %dma_start3A_629] : memref<256x32xf32, #tpu.memory_space<vmem>> -> memref<184x32xf32, #tpu.memory_space<vmem>>
      tpu.enqueue_dma source(%dma_start3A_630 : memref<184x32xf32, #tpu.memory_space<vmem>>) target(%dma_start3A_627 : memref<184x32xf32, #tpu.memory_space<hbm>>) target_semaphore(%arg21 : memref<!tpu.dma_semaphore, #tpu.memory_space<semaphore_mem>>)
      %dma_wait3A_631 = arith.constant 0 : i32
      %dma_wait3A_632 = arith.constant 0 : i32
      %dma_wait3A_633 = tpu.memref_slice %arg14[%dma_wait3A_631, %dma_wait3A_632] : memref<256x32xf32, #tpu.memory_space<vmem>> -> memref<184x32xf32, #tpu.memory_space<vmem>>
      %dma_wait3A_634 = arith.constant 0 : i32
      %dma_wait3A_635 = tpu.memref_slice %arg6[%add3A_620, %dma_wait3A_634] : memref<400384x32xf32, #tpu.memory_space<hbm>> -> memref<184x32xf32, #tpu.memory_space<hbm>>
      %dma_wait3A_636 = arith.constant 0 : i32
      %dma_wait3A_637 = tpu.memref_slice %arg6[%add3A_620, %dma_wait3A_636] : memref<400384x32xf32, #tpu.memory_space<hbm>> -> memref<184x32xf32, #tpu.memory_space<hbm>>
      %dma_wait3A_638 = arith.constant 0 : i32
      %dma_wait3A_639 = arith.constant 0 : i32
      %dma_wait3A_640 = tpu.memref_slice %arg14[%dma_wait3A_638, %dma_wait3A_639] : memref<256x32xf32, #tpu.memory_space<vmem>> -> memref<184x32xf32, #tpu.memory_space<vmem>>
      tpu.wait_dma2 semaphore(%arg21 : memref<!tpu.dma_semaphore, #tpu.memory_space<semaphore_mem>>) src(%dma_wait3A_640 : memref<184x32xf32, #tpu.memory_space<vmem>>) dst(%dma_wait3A_637 : memref<184x32xf32, #tpu.memory_space<hbm>>)
      %add3A_641 = arith.constant 2392 : i32
      %add3A_642 = arith.addi %multiple_of3A, %add3A_641 : i32
      %multiple_of3A_643 = tpu.assume_multiple %add3A_642, 8 : i32
      %dma_start3A_644 = arith.constant 0 : i32
      %dma_start3A_645 = arith.constant 0 : i32
      %dma_start3A_646 = tpu.memref_slice %arg14[%dma_start3A_644, %dma_start3A_645] : memref<256x32xf32, #tpu.memory_space<vmem>> -> memref<184x32xf32, #tpu.memory_space<vmem>>
      %dma_start3A_647 = arith.constant 0 : i32
      %dma_start3A_648 = tpu.memref_slice %arg16[%multiple_of3A_643, %dma_start3A_647] : memref<50048x32xf32, #tpu.memory_space<vmem_shared>> -> memref<184x32xf32, #tpu.memory_space<vmem_shared>>
      %dma_start3A_649 = arith.constant 0 : i32
      %dma_start3A_650 = arith.constant 0 : i32
      %dma_start3A_651 = tpu.memref_slice %arg14[%dma_start3A_649, %dma_start3A_650] : memref<256x32xf32, #tpu.memory_space<vmem>> -> memref<184x32xf32, #tpu.memory_space<vmem>>
      %dma_start3A_652 = arith.constant 0 : i32
      %dma_start3A_653 = tpu.memref_slice %arg16[%multiple_of3A_643, %dma_start3A_652] : memref<50048x32xf32, #tpu.memory_space<vmem_shared>> -> memref<184x32xf32, #tpu.memory_space<vmem_shared>>
      tpu.enqueue_dma source(%dma_start3A_653 : memref<184x32xf32, #tpu.memory_space<vmem_shared>>) target(%dma_start3A_651 : memref<184x32xf32, #tpu.memory_space<vmem>>) target_semaphore(%arg18 : memref<!tpu.dma_semaphore, #tpu.memory_space<semaphore_mem>>)
      %dma_wait3A_654 = arith.constant 0 : i32
      %dma_wait3A_655 = arith.constant 0 : i32
      %dma_wait3A_656 = tpu.memref_slice %arg13[%dma_wait3A_654, %dma_wait3A_655] : memref<256x32xf32, #tpu.memory_space<vmem>> -> memref<184x32xf32, #tpu.memory_space<vmem>>
      %dma_wait3A_657 = arith.constant 0 : i32
      %dma_wait3A_658 = tpu.memref_slice %arg16[%multiple_of3A_594, %dma_wait3A_657] : memref<50048x32xf32, #tpu.memory_space<vmem_shared>> -> memref<184x32xf32, #tpu.memory_space<vmem_shared>>
      %dma_wait3A_659 = arith.constant 0 : i32
      %dma_wait3A_660 = arith.constant 0 : i32
      %dma_wait3A_661 = tpu.memref_slice %arg13[%dma_wait3A_659, %dma_wait3A_660] : memref<256x32xf32, #tpu.memory_space<vmem>> -> memref<184x32xf32, #tpu.memory_space<vmem>>
      %dma_wait3A_662 = arith.constant 0 : i32
      %dma_wait3A_663 = tpu.memref_slice %arg16[%multiple_of3A_594, %dma_wait3A_662] : memref<50048x32xf32, #tpu.memory_space<vmem_shared>> -> memref<184x32xf32, #tpu.memory_space<vmem_shared>>
      tpu.wait_dma2 semaphore(%arg17 : memref<!tpu.dma_semaphore, #tpu.memory_space<semaphore_mem>>) src(%dma_wait3A_663 : memref<184x32xf32, #tpu.memory_space<vmem_shared>>) dst(%dma_wait3A_661 : memref<184x32xf32, #tpu.memory_space<vmem>>)
      %add3A_664 = arith.constant 2208 : i32
      %add3A_665 = arith.addi %multiple_of3A, %add3A_664 : i32
      %multiple_of3A_666 = tpu.assume_multiple %add3A_665, 8 : i32
      %add3A_667 = arith.constant 50048 : i32
      %add3A_668 = arith.addi %add3A, %add3A_667 : i32
      %add3A_669 = arith.addi %add3A_668, %multiple_of3A_666 : i32
      %dma_start3A_670 = arith.constant 0 : i32
      %dma_start3A_671 = arith.constant 0 : i32
      %dma_start3A_672 = tpu.memref_slice %arg13[%dma_start3A_670, %dma_start3A_671] : memref<256x32xf32, #tpu.memory_space<vmem>> -> memref<184x32xf32, #tpu.memory_space<vmem>>
      %dma_start3A_673 = arith.constant 0 : i32
      %dma_start3A_674 = tpu.memref_slice %arg6[%add3A_669, %dma_start3A_673] : memref<400384x32xf32, #tpu.memory_space<hbm>> -> memref<184x32xf32, #tpu.memory_space<hbm>>
      %dma_start3A_675 = arith.constant 0 : i32
      %dma_start3A_676 = tpu.memref_slice %arg6[%add3A_669, %dma_start3A_675] : memref<400384x32xf32, #tpu.memory_space<hbm>> -> memref<184x32xf32, #tpu.memory_space<hbm>>
      %dma_start3A_677 = arith.constant 0 : i32
      %dma_start3A_678 = arith.constant 0 : i32
      %dma_start3A_679 = tpu.memref_slice %arg13[%dma_start3A_677, %dma_start3A_678] : memref<256x32xf32, #tpu.memory_space<vmem>> -> memref<184x32xf32, #tpu.memory_space<vmem>>
      tpu.enqueue_dma source(%dma_start3A_679 : memref<184x32xf32, #tpu.memory_space<vmem>>) target(%dma_start3A_676 : memref<184x32xf32, #tpu.memory_space<hbm>>) target_semaphore(%arg20 : memref<!tpu.dma_semaphore, #tpu.memory_space<semaphore_mem>>)
      %dma_wait3A_680 = arith.constant 0 : i32
      %dma_wait3A_681 = arith.constant 0 : i32
      %dma_wait3A_682 = tpu.memref_slice %arg13[%dma_wait3A_680, %dma_wait3A_681] : memref<256x32xf32, #tpu.memory_space<vmem>> -> memref<184x32xf32, #tpu.memory_space<vmem>>
      %dma_wait3A_683 = arith.constant 0 : i32
      %dma_wait3A_684 = tpu.memref_slice %arg6[%add3A_669, %dma_wait3A_683] : memref<400384x32xf32, #tpu.memory_space<hbm>> -> memref<184x32xf32, #tpu.memory_space<hbm>>
      %dma_wait3A_685 = arith.constant 0 : i32
      %dma_wait3A_686 = tpu.memref_slice %arg6[%add3A_669, %dma_wait3A_685] : memref<400384x32xf32, #tpu.memory_space<hbm>> -> memref<184x32xf32, #tpu.memory_space<hbm>>
      %dma_wait3A_687 = arith.constant 0 : i32
      %dma_wait3A_688 = arith.constant 0 : i32
      %dma_wait3A_689 = tpu.memref_slice %arg13[%dma_wait3A_687, %dma_wait3A_688] : memref<256x32xf32, #tpu.memory_space<vmem>> -> memref<184x32xf32, #tpu.memory_space<vmem>>
      tpu.wait_dma2 semaphore(%arg20 : memref<!tpu.dma_semaphore, #tpu.memory_space<semaphore_mem>>) src(%dma_wait3A_689 : memref<184x32xf32, #tpu.memory_space<vmem>>) dst(%dma_wait3A_686 : memref<184x32xf32, #tpu.memory_space<hbm>>)
      %add3A_690 = arith.constant 2576 : i32
      %add3A_691 = arith.addi %multiple_of3A, %add3A_690 : i32
      %multiple_of3A_692 = tpu.assume_multiple %add3A_691, 8 : i32
      %dma_start3A_693 = arith.constant 0 : i32
      %dma_start3A_694 = arith.constant 0 : i32
      %dma_start3A_695 = tpu.memref_slice %arg13[%dma_start3A_693, %dma_start3A_694] : memref<256x32xf32, #tpu.memory_space<vmem>> -> memref<184x32xf32, #tpu.memory_space<vmem>>
      %dma_start3A_696 = arith.constant 0 : i32
      %dma_start3A_697 = tpu.memref_slice %arg16[%multiple_of3A_692, %dma_start3A_696] : memref<50048x32xf32, #tpu.memory_space<vmem_shared>> -> memref<184x32xf32, #tpu.memory_space<vmem_shared>>
      %dma_start3A_698 = arith.constant 0 : i32
      %dma_start3A_699 = arith.constant 0 : i32
      %dma_start3A_700 = tpu.memref_slice %arg13[%dma_start3A_698, %dma_start3A_699] : memref<256x32xf32, #tpu.memory_space<vmem>> -> memref<184x32xf32, #tpu.memory_space<vmem>>
      %dma_start3A_701 = arith.constant 0 : i32
      %dma_start3A_702 = tpu.memref_slice %arg16[%multiple_of3A_692, %dma_start3A_701] : memref<50048x32xf32, #tpu.memory_space<vmem_shared>> -> memref<184x32xf32, #tpu.memory_space<vmem_shared>>
      tpu.enqueue_dma source(%dma_start3A_702 : memref<184x32xf32, #tpu.memory_space<vmem_shared>>) target(%dma_start3A_700 : memref<184x32xf32, #tpu.memory_space<vmem>>) target_semaphore(%arg17 : memref<!tpu.dma_semaphore, #tpu.memory_space<semaphore_mem>>)
      %dma_wait3A_703 = arith.constant 0 : i32
      %dma_wait3A_704 = arith.constant 0 : i32
      %dma_wait3A_705 = tpu.memref_slice %arg14[%dma_wait3A_703, %dma_wait3A_704] : memref<256x32xf32, #tpu.memory_space<vmem>> -> memref<184x32xf32, #tpu.memory_space<vmem>>
      %dma_wait3A_706 = arith.constant 0 : i32
      %dma_wait3A_707 = tpu.memref_slice %arg16[%multiple_of3A_643, %dma_wait3A_706] : memref<50048x32xf32, #tpu.memory_space<vmem_shared>> -> memref<184x32xf32, #tpu.memory_space<vmem_shared>>
      %dma_wait3A_708 = arith.constant 0 : i32
      %dma_wait3A_709 = arith.constant 0 : i32
      %dma_wait3A_710 = tpu.memref_slice %arg14[%dma_wait3A_708, %dma_wait3A_709] : memref<256x32xf32, #tpu.memory_space<vmem>> -> memref<184x32xf32, #tpu.memory_space<vmem>>
      %dma_wait3A_711 = arith.constant 0 : i32
      %dma_wait3A_712 = tpu.memref_slice %arg16[%multiple_of3A_643, %dma_wait3A_711] : memref<50048x32xf32, #tpu.memory_space<vmem_shared>> -> memref<184x32xf32, #tpu.memory_space<vmem_shared>>
      tpu.wait_dma2 semaphore(%arg18 : memref<!tpu.dma_semaphore, #tpu.memory_space<semaphore_mem>>) src(%dma_wait3A_712 : memref<184x32xf32, #tpu.memory_space<vmem_shared>>) dst(%dma_wait3A_710 : memref<184x32xf32, #tpu.memory_space<vmem>>)
      %add3A_713 = arith.constant 2392 : i32
      %add3A_714 = arith.addi %multiple_of3A, %add3A_713 : i32
      %multiple_of3A_715 = tpu.assume_multiple %add3A_714, 8 : i32
      %add3A_716 = arith.constant 50048 : i32
      %add3A_717 = arith.addi %add3A, %add3A_716 : i32
      %add3A_718 = arith.addi %add3A_717, %multiple_of3A_715 : i32
      %dma_start3A_719 = arith.constant 0 : i32
      %dma_start3A_720 = arith.constant 0 : i32
      %dma_start3A_721 = tpu.memref_slice %arg14[%dma_start3A_719, %dma_start3A_720] : memref<256x32xf32, #tpu.memory_space<vmem>> -> memref<184x32xf32, #tpu.memory_space<vmem>>
      %dma_start3A_722 = arith.constant 0 : i32
      %dma_start3A_723 = tpu.memref_slice %arg6[%add3A_718, %dma_start3A_722] : memref<400384x32xf32, #tpu.memory_space<hbm>> -> memref<184x32xf32, #tpu.memory_space<hbm>>
      %dma_start3A_724 = arith.constant 0 : i32
      %dma_start3A_725 = tpu.memref_slice %arg6[%add3A_718, %dma_start3A_724] : memref<400384x32xf32, #tpu.memory_space<hbm>> -> memref<184x32xf32, #tpu.memory_space<hbm>>
      %dma_start3A_726 = arith.constant 0 : i32
      %dma_start3A_727 = arith.constant 0 : i32
      %dma_start3A_728 = tpu.memref_slice %arg14[%dma_start3A_726, %dma_start3A_727] : memref<256x32xf32, #tpu.memory_space<vmem>> -> memref<184x32xf32, #tpu.memory_space<vmem>>
      tpu.enqueue_dma source(%dma_start3A_728 : memref<184x32xf32, #tpu.memory_space<vmem>>) target(%dma_start3A_725 : memref<184x32xf32, #tpu.memory_space<hbm>>) target_semaphore(%arg21 : memref<!tpu.dma_semaphore, #tpu.memory_space<semaphore_mem>>)
      %dma_wait3A_729 = arith.constant 0 : i32
      %dma_wait3A_730 = arith.constant 0 : i32
      %dma_wait3A_731 = tpu.memref_slice %arg14[%dma_wait3A_729, %dma_wait3A_730] : memref<256x32xf32, #tpu.memory_space<vmem>> -> memref<184x32xf32, #tpu.memory_space<vmem>>
      %dma_wait3A_732 = arith.constant 0 : i32
      %dma_wait3A_733 = tpu.memref_slice %arg6[%add3A_718, %dma_wait3A_732] : memref<400384x32xf32, #tpu.memory_space<hbm>> -> memref<184x32xf32, #tpu.memory_space<hbm>>
      %dma_wait3A_734 = arith.constant 0 : i32
      %dma_wait3A_735 = tpu.memref_slice %arg6[%add3A_718, %dma_wait3A_734] : memref<400384x32xf32, #tpu.memory_space<hbm>> -> memref<184x32xf32, #tpu.memory_space<hbm>>
      %dma_wait3A_736 = arith.constant 0 : i32
      %dma_wait3A_737 = arith.constant 0 : i32
      %dma_wait3A_738 = tpu.memref_slice %arg14[%dma_wait3A_736, %dma_wait3A_737] : memref<256x32xf32, #tpu.memory_space<vmem>> -> memref<184x32xf32, #tpu.memory_space<vmem>>
      tpu.wait_dma2 semaphore(%arg21 : memref<!tpu.dma_semaphore, #tpu.memory_space<semaphore_mem>>) src(%dma_wait3A_738 : memref<184x32xf32, #tpu.memory_space<vmem>>) dst(%dma_wait3A_735 : memref<184x32xf32, #tpu.memory_space<hbm>>)
      %add3A_739 = arith.constant 2760 : i32
      %add3A_740 = arith.addi %multiple_of3A, %add3A_739 : i32
      %multiple_of3A_741 = tpu.assume_multiple %add3A_740, 8 : i32
      %dma_start3A_742 = arith.constant 0 : i32
      %dma_start3A_743 = arith.constant 0 : i32
      %dma_start3A_744 = tpu.memref_slice %arg14[%dma_start3A_742, %dma_start3A_743] : memref<256x32xf32, #tpu.memory_space<vmem>> -> memref<184x32xf32, #tpu.memory_space<vmem>>
      %dma_start3A_745 = arith.constant 0 : i32
      %dma_start3A_746 = tpu.memref_slice %arg16[%multiple_of3A_741, %dma_start3A_745] : memref<50048x32xf32, #tpu.memory_space<vmem_shared>> -> memref<184x32xf32, #tpu.memory_space<vmem_shared>>
      %dma_start3A_747 = arith.constant 0 : i32
      %dma_start3A_748 = arith.constant 0 : i32
      %dma_start3A_749 = tpu.memref_slice %arg14[%dma_start3A_747, %dma_start3A_748] : memref<256x32xf32, #tpu.memory_space<vmem>> -> memref<184x32xf32, #tpu.memory_space<vmem>>
      %dma_start3A_750 = arith.constant 0 : i32
      %dma_start3A_751 = tpu.memref_slice %arg16[%multiple_of3A_741, %dma_start3A_750] : memref<50048x32xf32, #tpu.memory_space<vmem_shared>> -> memref<184x32xf32, #tpu.memory_space<vmem_shared>>
      tpu.enqueue_dma source(%dma_start3A_751 : memref<184x32xf32, #tpu.memory_space<vmem_shared>>) target(%dma_start3A_749 : memref<184x32xf32, #tpu.memory_space<vmem>>) target_semaphore(%arg18 : memref<!tpu.dma_semaphore, #tpu.memory_space<semaphore_mem>>)
      %dma_wait3A_752 = arith.constant 0 : i32
      %dma_wait3A_753 = arith.constant 0 : i32
      %dma_wait3A_754 = tpu.memref_slice %arg13[%dma_wait3A_752, %dma_wait3A_753] : memref<256x32xf32, #tpu.memory_space<vmem>> -> memref<184x32xf32, #tpu.memory_space<vmem>>
      %dma_wait3A_755 = arith.constant 0 : i32
      %dma_wait3A_756 = tpu.memref_slice %arg16[%multiple_of3A_692, %dma_wait3A_755] : memref<50048x32xf32, #tpu.memory_space<vmem_shared>> -> memref<184x32xf32, #tpu.memory_space<vmem_shared>>
      %dma_wait3A_757 = arith.constant 0 : i32
      %dma_wait3A_758 = arith.constant 0 : i32
      %dma_wait3A_759 = tpu.memref_slice %arg13[%dma_wait3A_757, %dma_wait3A_758] : memref<256x32xf32, #tpu.memory_space<vmem>> -> memref<184x32xf32, #tpu.memory_space<vmem>>
      %dma_wait3A_760 = arith.constant 0 : i32
      %dma_wait3A_761 = tpu.memref_slice %arg16[%multiple_of3A_692, %dma_wait3A_760] : memref<50048x32xf32, #tpu.memory_space<vmem_shared>> -> memref<184x32xf32, #tpu.memory_space<vmem_shared>>
      tpu.wait_dma2 semaphore(%arg17 : memref<!tpu.dma_semaphore, #tpu.memory_space<semaphore_mem>>) src(%dma_wait3A_761 : memref<184x32xf32, #tpu.memory_space<vmem_shared>>) dst(%dma_wait3A_759 : memref<184x32xf32, #tpu.memory_space<vmem>>)
      %add3A_762 = arith.constant 2576 : i32
      %add3A_763 = arith.addi %multiple_of3A, %add3A_762 : i32
      %multiple_of3A_764 = tpu.assume_multiple %add3A_763, 8 : i32
      %add3A_765 = arith.constant 50048 : i32
      %add3A_766 = arith.addi %add3A, %add3A_765 : i32
      %add3A_767 = arith.addi %add3A_766, %multiple_of3A_764 : i32
      %dma_start3A_768 = arith.constant 0 : i32
      %dma_start3A_769 = arith.constant 0 : i32
      %dma_start3A_770 = tpu.memref_slice %arg13[%dma_start3A_768, %dma_start3A_769] : memref<256x32xf32, #tpu.memory_space<vmem>> -> memref<184x32xf32, #tpu.memory_space<vmem>>
      %dma_start3A_771 = arith.constant 0 : i32
      %dma_start3A_772 = tpu.memref_slice %arg6[%add3A_767, %dma_start3A_771] : memref<400384x32xf32, #tpu.memory_space<hbm>> -> memref<184x32xf32, #tpu.memory_space<hbm>>
      %dma_start3A_773 = arith.constant 0 : i32
      %dma_start3A_774 = tpu.memref_slice %arg6[%add3A_767, %dma_start3A_773] : memref<400384x32xf32, #tpu.memory_space<hbm>> -> memref<184x32xf32, #tpu.memory_space<hbm>>
      %dma_start3A_775 = arith.constant 0 : i32
      %dma_start3A_776 = arith.constant 0 : i32
      %dma_start3A_777 = tpu.memref_slice %arg13[%dma_start3A_775, %dma_start3A_776] : memref<256x32xf32, #tpu.memory_space<vmem>> -> memref<184x32xf32, #tpu.memory_space<vmem>>
      tpu.enqueue_dma source(%dma_start3A_777 : memref<184x32xf32, #tpu.memory_space<vmem>>) target(%dma_start3A_774 : memref<184x32xf32, #tpu.memory_space<hbm>>) target_semaphore(%arg20 : memref<!tpu.dma_semaphore, #tpu.memory_space<semaphore_mem>>)
      %dma_wait3A_778 = arith.constant 0 : i32
      %dma_wait3A_779 = arith.constant 0 : i32
      %dma_wait3A_780 = tpu.memref_slice %arg13[%dma_wait3A_778, %dma_wait3A_779] : memref<256x32xf32, #tpu.memory_space<vmem>> -> memref<184x32xf32, #tpu.memory_space<vmem>>
      %dma_wait3A_781 = arith.constant 0 : i32
      %dma_wait3A_782 = tpu.memref_slice %arg6[%add3A_767, %dma_wait3A_781] : memref<400384x32xf32, #tpu.memory_space<hbm>> -> memref<184x32xf32, #tpu.memory_space<hbm>>
      %dma_wait3A_783 = arith.constant 0 : i32
      %dma_wait3A_784 = tpu.memref_slice %arg6[%add3A_767, %dma_wait3A_783] : memref<400384x32xf32, #tpu.memory_space<hbm>> -> memref<184x32xf32, #tpu.memory_space<hbm>>
      %dma_wait3A_785 = arith.constant 0 : i32
      %dma_wait3A_786 = arith.constant 0 : i32
      %dma_wait3A_787 = tpu.memref_slice %arg13[%dma_wait3A_785, %dma_wait3A_786] : memref<256x32xf32, #tpu.memory_space<vmem>> -> memref<184x32xf32, #tpu.memory_space<vmem>>
      tpu.wait_dma2 semaphore(%arg20 : memref<!tpu.dma_semaphore, #tpu.memory_space<semaphore_mem>>) src(%dma_wait3A_787 : memref<184x32xf32, #tpu.memory_space<vmem>>) dst(%dma_wait3A_784 : memref<184x32xf32, #tpu.memory_space<hbm>>)
      %add3A_788 = arith.constant 2944 : i32
      %add3A_789 = arith.addi %multiple_of3A, %add3A_788 : i32
      %multiple_of3A_790 = tpu.assume_multiple %add3A_789, 8 : i32
      %dma_start3A_791 = arith.constant 0 : i32
      %dma_start3A_792 = arith.constant 0 : i32
      %dma_start3A_793 = tpu.memref_slice %arg13[%dma_start3A_791, %dma_start3A_792] : memref<256x32xf32, #tpu.memory_space<vmem>> -> memref<184x32xf32, #tpu.memory_space<vmem>>
      %dma_start3A_794 = arith.constant 0 : i32
      %dma_start3A_795 = tpu.memref_slice %arg16[%multiple_of3A_790, %dma_start3A_794] : memref<50048x32xf32, #tpu.memory_space<vmem_shared>> -> memref<184x32xf32, #tpu.memory_space<vmem_shared>>
      %dma_start3A_796 = arith.constant 0 : i32
      %dma_start3A_797 = arith.constant 0 : i32
      %dma_start3A_798 = tpu.memref_slice %arg13[%dma_start3A_796, %dma_start3A_797] : memref<256x32xf32, #tpu.memory_space<vmem>> -> memref<184x32xf32, #tpu.memory_space<vmem>>
      %dma_start3A_799 = arith.constant 0 : i32
      %dma_start3A_800 = tpu.memref_slice %arg16[%multiple_of3A_790, %dma_start3A_799] : memref<50048x32xf32, #tpu.memory_space<vmem_shared>> -> memref<184x32xf32, #tpu.memory_space<vmem_shared>>
      tpu.enqueue_dma source(%dma_start3A_800 : memref<184x32xf32, #tpu.memory_space<vmem_shared>>) target(%dma_start3A_798 : memref<184x32xf32, #tpu.memory_space<vmem>>) target_semaphore(%arg17 : memref<!tpu.dma_semaphore, #tpu.memory_space<semaphore_mem>>)
      %dma_wait3A_801 = arith.constant 0 : i32
      %dma_wait3A_802 = arith.constant 0 : i32
      %dma_wait3A_803 = tpu.memref_slice %arg14[%dma_wait3A_801, %dma_wait3A_802] : memref<256x32xf32, #tpu.memory_space<vmem>> -> memref<184x32xf32, #tpu.memory_space<vmem>>
      %dma_wait3A_804 = arith.constant 0 : i32
      %dma_wait3A_805 = tpu.memref_slice %arg16[%multiple_of3A_741, %dma_wait3A_804] : memref<50048x32xf32, #tpu.memory_space<vmem_shared>> -> memref<184x32xf32, #tpu.memory_space<vmem_shared>>
      %dma_wait3A_806 = arith.constant 0 : i32
      %dma_wait3A_807 = arith.constant 0 : i32
      %dma_wait3A_808 = tpu.memref_slice %arg14[%dma_wait3A_806, %dma_wait3A_807] : memref<256x32xf32, #tpu.memory_space<vmem>> -> memref<184x32xf32, #tpu.memory_space<vmem>>
      %dma_wait3A_809 = arith.constant 0 : i32
      %dma_wait3A_810 = tpu.memref_slice %arg16[%multiple_of3A_741, %dma_wait3A_809] : memref<50048x32xf32, #tpu.memory_space<vmem_shared>> -> memref<184x32xf32, #tpu.memory_space<vmem_shared>>
      tpu.wait_dma2 semaphore(%arg18 : memref<!tpu.dma_semaphore, #tpu.memory_space<semaphore_mem>>) src(%dma_wait3A_810 : memref<184x32xf32, #tpu.memory_space<vmem_shared>>) dst(%dma_wait3A_808 : memref<184x32xf32, #tpu.memory_space<vmem>>)
      %add3A_811 = arith.constant 2760 : i32
      %add3A_812 = arith.addi %multiple_of3A, %add3A_811 : i32
      %multiple_of3A_813 = tpu.assume_multiple %add3A_812, 8 : i32
      %add3A_814 = arith.constant 50048 : i32
      %add3A_815 = arith.addi %add3A, %add3A_814 : i32
      %add3A_816 = arith.addi %add3A_815, %multiple_of3A_813 : i32
      %dma_start3A_817 = arith.constant 0 : i32
      %dma_start3A_818 = arith.constant 0 : i32
      %dma_start3A_819 = tpu.memref_slice %arg14[%dma_start3A_817, %dma_start3A_818] : memref<256x32xf32, #tpu.memory_space<vmem>> -> memref<184x32xf32, #tpu.memory_space<vmem>>
      %dma_start3A_820 = arith.constant 0 : i32
      %dma_start3A_821 = tpu.memref_slice %arg6[%add3A_816, %dma_start3A_820] : memref<400384x32xf32, #tpu.memory_space<hbm>> -> memref<184x32xf32, #tpu.memory_space<hbm>>
      %dma_start3A_822 = arith.constant 0 : i32
      %dma_start3A_823 = tpu.memref_slice %arg6[%add3A_816, %dma_start3A_822] : memref<400384x32xf32, #tpu.memory_space<hbm>> -> memref<184x32xf32, #tpu.memory_space<hbm>>
      %dma_start3A_824 = arith.constant 0 : i32
      %dma_start3A_825 = arith.constant 0 : i32
      %dma_start3A_826 = tpu.memref_slice %arg14[%dma_start3A_824, %dma_start3A_825] : memref<256x32xf32, #tpu.memory_space<vmem>> -> memref<184x32xf32, #tpu.memory_space<vmem>>
      tpu.enqueue_dma source(%dma_start3A_826 : memref<184x32xf32, #tpu.memory_space<vmem>>) target(%dma_start3A_823 : memref<184x32xf32, #tpu.memory_space<hbm>>) target_semaphore(%arg21 : memref<!tpu.dma_semaphore, #tpu.memory_space<semaphore_mem>>)
      %dma_wait3A_827 = arith.constant 0 : i32
      %dma_wait3A_828 = arith.constant 0 : i32
      %dma_wait3A_829 = tpu.memref_slice %arg13[%dma_wait3A_827, %dma_wait3A_828] : memref<256x32xf32, #tpu.memory_space<vmem>> -> memref<184x32xf32, #tpu.memory_space<vmem>>
      %dma_wait3A_830 = arith.constant 0 : i32
      %dma_wait3A_831 = tpu.memref_slice %arg16[%multiple_of3A_790, %dma_wait3A_830] : memref<50048x32xf32, #tpu.memory_space<vmem_shared>> -> memref<184x32xf32, #tpu.memory_space<vmem_shared>>
      %dma_wait3A_832 = arith.constant 0 : i32
      %dma_wait3A_833 = arith.constant 0 : i32
      %dma_wait3A_834 = tpu.memref_slice %arg13[%dma_wait3A_832, %dma_wait3A_833] : memref<256x32xf32, #tpu.memory_space<vmem>> -> memref<184x32xf32, #tpu.memory_space<vmem>>
      %dma_wait3A_835 = arith.constant 0 : i32
      %dma_wait3A_836 = tpu.memref_slice %arg16[%multiple_of3A_790, %dma_wait3A_835] : memref<50048x32xf32, #tpu.memory_space<vmem_shared>> -> memref<184x32xf32, #tpu.memory_space<vmem_shared>>
      tpu.wait_dma2 semaphore(%arg17 : memref<!tpu.dma_semaphore, #tpu.memory_space<semaphore_mem>>) src(%dma_wait3A_836 : memref<184x32xf32, #tpu.memory_space<vmem_shared>>) dst(%dma_wait3A_834 : memref<184x32xf32, #tpu.memory_space<vmem>>)
      %add3A_837 = arith.constant 2944 : i32
      %add3A_838 = arith.addi %multiple_of3A, %add3A_837 : i32
      %multiple_of3A_839 = tpu.assume_multiple %add3A_838, 8 : i32
      %add3A_840 = arith.constant 50048 : i32
      %add3A_841 = arith.addi %add3A, %add3A_840 : i32
      %add3A_842 = arith.addi %add3A_841, %multiple_of3A_839 : i32
      %dma_start3A_843 = arith.constant 0 : i32
      %dma_start3A_844 = arith.constant 0 : i32
      %dma_start3A_845 = tpu.memref_slice %arg13[%dma_start3A_843, %dma_start3A_844] : memref<256x32xf32, #tpu.memory_space<vmem>> -> memref<184x32xf32, #tpu.memory_space<vmem>>
      %dma_start3A_846 = arith.constant 0 : i32
      %dma_start3A_847 = tpu.memref_slice %arg6[%add3A_842, %dma_start3A_846] : memref<400384x32xf32, #tpu.memory_space<hbm>> -> memref<184x32xf32, #tpu.memory_space<hbm>>
      %dma_start3A_848 = arith.constant 0 : i32
      %dma_start3A_849 = tpu.memref_slice %arg6[%add3A_842, %dma_start3A_848] : memref<400384x32xf32, #tpu.memory_space<hbm>> -> memref<184x32xf32, #tpu.memory_space<hbm>>
      %dma_start3A_850 = arith.constant 0 : i32
      %dma_start3A_851 = arith.constant 0 : i32
      %dma_start3A_852 = tpu.memref_slice %arg13[%dma_start3A_850, %dma_start3A_851] : memref<256x32xf32, #tpu.memory_space<vmem>> -> memref<184x32xf32, #tpu.memory_space<vmem>>
      tpu.enqueue_dma source(%dma_start3A_852 : memref<184x32xf32, #tpu.memory_space<vmem>>) target(%dma_start3A_849 : memref<184x32xf32, #tpu.memory_space<hbm>>) target_semaphore(%arg20 : memref<!tpu.dma_semaphore, #tpu.memory_space<semaphore_mem>>)
      %dma_wait3A_853 = arith.constant 0 : i32
      %dma_wait3A_854 = arith.constant 0 : i32
      %dma_wait3A_855 = tpu.memref_slice %arg13[%dma_wait3A_853, %dma_wait3A_854] : memref<256x32xf32, #tpu.memory_space<vmem>> -> memref<184x32xf32, #tpu.memory_space<vmem>>
      %dma_wait3A_856 = arith.constant 0 : i32
      %dma_wait3A_857 = tpu.memref_slice %arg6[%add3A_842, %dma_wait3A_856] : memref<400384x32xf32, #tpu.memory_space<hbm>> -> memref<184x32xf32, #tpu.memory_space<hbm>>
      %dma_wait3A_858 = arith.constant 0 : i32
      %dma_wait3A_859 = tpu.memref_slice %arg6[%add3A_842, %dma_wait3A_858] : memref<400384x32xf32, #tpu.memory_space<hbm>> -> memref<184x32xf32, #tpu.memory_space<hbm>>
      %dma_wait3A_860 = arith.constant 0 : i32
      %dma_wait3A_861 = arith.constant 0 : i32
      %dma_wait3A_862 = tpu.memref_slice %arg13[%dma_wait3A_860, %dma_wait3A_861] : memref<256x32xf32, #tpu.memory_space<vmem>> -> memref<184x32xf32, #tpu.memory_space<vmem>>
      tpu.wait_dma2 semaphore(%arg20 : memref<!tpu.dma_semaphore, #tpu.memory_space<semaphore_mem>>) src(%dma_wait3A_862 : memref<184x32xf32, #tpu.memory_space<vmem>>) dst(%dma_wait3A_859 : memref<184x32xf32, #tpu.memory_space<hbm>>)
      %dma_wait3A_863 = arith.constant 0 : i32
      %dma_wait3A_864 = arith.constant 0 : i32
      %dma_wait3A_865 = tpu.memref_slice %arg14[%dma_wait3A_863, %dma_wait3A_864] : memref<256x32xf32, #tpu.memory_space<vmem>> -> memref<184x32xf32, #tpu.memory_space<vmem>>
      %dma_wait3A_866 = arith.constant 0 : i32
      %dma_wait3A_867 = tpu.memref_slice %arg6[%add3A_816, %dma_wait3A_866] : memref<400384x32xf32, #tpu.memory_space<hbm>> -> memref<184x32xf32, #tpu.memory_space<hbm>>
      %dma_wait3A_868 = arith.constant 0 : i32
      %dma_wait3A_869 = tpu.memref_slice %arg6[%add3A_816, %dma_wait3A_868] : memref<400384x32xf32, #tpu.memory_space<hbm>> -> memref<184x32xf32, #tpu.memory_space<hbm>>
      %dma_wait3A_870 = arith.constant 0 : i32
      %dma_wait3A_871 = arith.constant 0 : i32
      %dma_wait3A_872 = tpu.memref_slice %arg14[%dma_wait3A_870, %dma_wait3A_871] : memref<256x32xf32, #tpu.memory_space<vmem>> -> memref<184x32xf32, #tpu.memory_space<vmem>>
      tpu.wait_dma2 semaphore(%arg21 : memref<!tpu.dma_semaphore, #tpu.memory_space<semaphore_mem>>) src(%dma_wait3A_872 : memref<184x32xf32, #tpu.memory_space<vmem>>) dst(%dma_wait3A_869 : memref<184x32xf32, #tpu.memory_space<hbm>>)
      %barrier3A_873 = arith.constant 0 : index
      tpu.barrier barrier_id(%barrier3A_873)
    }
    %scan3A_17 = arith.constant 3 : i32
    return
  }
}

</mosaic_0001>

<sc_bundles>
// kernel: _propagate.3.cloned.1.call-start
scs
__scs_entry_jumppad:
0x0: {  	(pc) =	sbr.rel $0x88, $3  }
0x1: {  	(tag) =	ssettag $0x0;
	lr =	simm.s32 $0x1  }
0x2: {  	[smem:$0x3F9D] =	sst lr;
	_ =	strace $0xD0000000  }
0x3: {  	_ = 	snop  }
0x4: {  	_ = 	snop  }
0x5: {  	_ = 	snop  }
0x6: {  	_ = 	snop  }
0x7: {  	_ = 	snop  }
__scs_overlays_trampoline_lowered:
0x8: {  	[smem:$0x3FAC] =	sst s0  }
0x9: {  	[smem:$0x3FAD] =	sst s1  }
0xa: {  	[smem:$0x3FAE] =	sst s2  }
0xb: {  	[smem:$0x3FAF] =	sst s3  }
0xc: {  	[smem:$0x3FB0] =	sst s4  }
0xd: {  	[smem:$0x3FB1] =	sst s5  }
0xe: {  	[smem:$0x3FB2] =	sst s6  }
0xf: {  	[smem:$0x3FB3] =	sst s7  }
0x10: {  	[smem:$0x3FB4] =	sst s8  }
0x11: {  	[smem:$0x3FB5] =	sst s9;
	s0 =	simm.s32 @!p0 $0x0  }
0x12: {  	s1 =	sld [smem:$0x3F9B];
	s0 =	simm.s32 @p0 $0x1  }
0x13: {  	[smem:$0x3FB6] =	sst s0;
	s0 =	simm.s32 @!p1 $0x0  }
0x14: {  	s2 =	sld [smem:$0x3F9A];
	s0 =	simm.s32 @p1 $0x1  }
0x15: {  	[smem:$0x3FB7] =	sst s0;
	s0 =	simm.s32 @!p2 $0x0  }
0x16: {  	s3 =	sld [smem:$0x3FDB];
	s0 =	simm.s32 @p2 $0x1  }
0x17: {  	s4 =	simm.s32 $0x1BF5;
	[smem:$0x3FB9] =	sst s0  }
0x18: {  	s0 =	sld [smem:$0x3F9C];
	_ =	swait.ge [sflag:s4], $0x0  }
0x19: {  	s7 =	sld [smem:$0x3F9D]  }
0x1a: {  	s8 =	sadd.s32 $0xFFFFE003, lr  }
0x1b: {  	s9 =	sadd.s32 $0xFFFFFEF7, lr;
	s5 =	simm.s32 $0xFFFFFFFF;
	p2 =	slt.u32 s8, $0xFFFFF086  }
0x1c: {  	p1 =	slt.u32 s9, $0xF7A;
	s5 =	simm.s32 @!p2 $0x0  }
0x1d: {  	s5 =	simm.s32 @p1 $0x1;
	p0 =	seq.s32 s7, s2  }
0x1e: {  	s7 =	smul.u32 @!p0 $0xF7A, s2;
	p2 =	seq.s32 @!p0 s5, $0x0  }
0x1f: {  	s9 =	smul.u32 $0xF7A, s1;
	s8 =	simm.s32 @!p0 $0x1BF5;
	p2 =	por !p2, p0  }
0x20: {  	[sflag:s8] =	ssyncset.s32 @!p0 $0xFFFFF086;
	s6 =	sadd.s32 @!p0 s3, s7;
	s7 =	simm.s32 @!p0 $0x108  }
0x21: {  	s3 =	sadd.s32 s3, s9;
	s6 =	sadd.s32 @!p0 $0x88, s6;
	s7 =	simm.s32 @p2 $0x1082  }
0x22: {  	[simem:s7], [sflag:s8] =	dma.local @!p0 [hbm:s6], $0xF7A  }
0x23: {  	s9 =	sor.u32 $0xD0000000, s2;
	s6 =	simm.s32 $0x108;
	_ =	swait.ge @!p0 [sflag:s8], $0x0  }
0x24: {  	s3 =	sadd.s32 $0x88, s3;
	s6 =	simm.s32 @!p1 $0x1082;
	[sflag:s4] =	ssyncset.s32 $0xFFFFF086  }
0x25: {  	[simem:s6], [sflag:s4] =	dma.local [hbm:s3], $0xF7A  }
0x26: {  	[smem:$0x3F9D] =	sst s1;
	(tag) =	ssettag s2;
	_ =	strace s9  }
0x27: {  	s1 =	sld [smem:$0x3FAD]  }
0x28: {  	s2 =	sld [smem:$0x3FAE]  }
0x29: {  	s4 =	sld [smem:$0x3FB0]  }
0x2a: {  	p0 =	seq.s32 s5, $0x0;
	s5 =	sld [smem:$0x3FB1]  }
0x2b: {  	s6 =	sld [smem:$0x3FB2]  }
0x2c: {  	s7 =	sld [smem:$0x3FB3]  }
0x2d: {  	s3 =	simm.s32 $0x108;
	s8 =	sld [smem:$0x3FB4]  }
0x2e: {  	s3 =	simm.s32 @!p0 $0x1082;
	s9 =	sld [smem:$0x3FB5]  }
0x2f: {  	lr =	sadd.s32 s0, s3;
	s0 =	sld [smem:$0x3FAC]  }
0x30: {  	s3 =	sld [smem:$0x3FAF]  }
0x31: {  	[smem:$0x3FB8] =	sst s10  }
0x32: {  	s10 =	sld [smem:$0x3FB6];
	_ =	sdelay $0x3  }
0x33: {  	p0 =	seq.s32 s10, $0x1;
	s10 =	sld [smem:$0x3FB8];
	_ =	sdelay $0x3  }
0x34: {  	[smem:$0x3FB8] =	sst s10  }
0x35: {  	s10 =	sld [smem:$0x3FB7];
	_ =	sdelay $0x3  }
0x36: {  	p1 =	seq.s32 s10, $0x1;
	s10 =	sld [smem:$0x3FB8];
	_ =	sdelay $0x3  }
0x37: {  	[smem:$0x3FB8] =	sst s10  }
0x38: {  	s10 =	sld [smem:$0x3FB9]  }
0x39: {  	_ = 	snop;
	(pc) =	sbr.ind lr, $3  }
0x3a: {  	_ = 	snop  }
0x3b: {  	_ = 	snop  }
0x3c: {  	p2 =	seq.s32 s10, $0x1;
	s10 =	sld [smem:$0x3FB8]  }
0x3d: {  	_ =	shalt  }
0x3e: {  	_ =	shalt  }
0x3f: {  	_ =	shalt  }
0x40: {  	_ =	shalt  }
0x41: {  	_ =	shalt  }
0x42: {  	_ =	shalt  }
0x43: {  	_ =	shalt  }
0x44: {  	_ =	shalt  }
0x45: {  	_ =	shalt  }
0x46: {  	_ =	shalt  }
0x47: {  	_ =	shalt  }
0x48: {  	_ =	shalt  }
0x49: {  	_ =	shalt  }
0x4a: {  	_ =	shalt  }
0x4b: {  	_ =	shalt  }
0x4c: {  	_ =	shalt  }
0x4d: {  	_ =	shalt  }
0x4e: {  	_ =	shalt  }
0x4f: {  	_ =	shalt  }
0x50: {  	_ =	shalt  }
0x51: {  	_ =	shalt  }
0x52: {  	_ =	shalt  }
0x53: {  	_ =	shalt  }
0x54: {  	_ =	shalt  }
0x55: {  	_ =	shalt  }
0x56: {  	_ =	shalt  }
0x57: {  	_ =	shalt  }
0x58: {  	_ =	shalt  }
0x59: {  	_ =	shalt  }
0x5a: {  	_ =	shalt  }
0x5b: {  	_ =	shalt  }
0x5c: {  	_ =	shalt  }
0x5d: {  	_ =	shalt  }
0x5e: {  	_ =	shalt  }
0x5f: {  	_ =	shalt  }
0x60: {  	_ =	shalt  }
0x61: {  	_ =	shalt  }
0x62: {  	_ =	shalt  }
0x63: {  	_ =	shalt  }
0x64: {  	_ =	shalt  }
0x65: {  	_ =	shalt  }
0x66: {  	_ =	shalt  }
0x67: {  	_ =	shalt  }
0x68: {  	_ =	shalt  }
0x69: {  	_ =	shalt  }
0x6a: {  	_ =	shalt  }
0x6b: {  	_ =	shalt  }
0x6c: {  	_ =	shalt  }
0x6d: {  	_ =	shalt  }
0x6e: {  	_ =	shalt  }
0x6f: {  	_ =	shalt  }
0x70: {  	_ =	shalt  }
0x71: {  	_ =	shalt  }
0x72: {  	_ =	shalt  }
0x73: {  	_ =	shalt  }
0x74: {  	_ =	shalt  }
0x75: {  	_ =	shalt  }
0x76: {  	_ =	shalt  }
0x77: {  	_ =	shalt  }
0x78: {  	_ =	shalt  }
0x79: {  	_ =	shalt  }
0x7a: {  	_ =	shalt  }
0x7b: {  	_ =	shalt  }
0x7c: {  	_ =	shalt  }
0x7d: {  	_ =	shalt  }
0x7e: {  	_ =	shalt  }
0x7f: {  	_ =	shalt  }
0x80: {  	_ =	shalt  }
0x81: {  	_ =	shalt  }
0x82: {  	_ =	shalt  }
0x83: {  	_ =	shalt  }
0x84: {  	_ =	shalt  }
0x85: {  	_ =	shalt  }
0x86: {  	_ =	shalt  }
0x87: {  	_ =	shalt  }
.Lfunc_end0:
.L_simem_size_0:
called_computation.1_lowered:
.L_overlay_start_0:
0x88: {  	s2 =	sld [smem:$0x3FD9]  }
0x89: {  	s3 =	sld [smem:$0x3FFE];
	_ =	sdelay $0x1  }
0x8a: {  	s1 =	srdreg.scid  }
0x8b: {  	s0 =	sand.u32 $0x1, s1  }
0x8c: {  	s17 =	sshll.u32 s0, $0xA;
	s2 =	sadd.s32 s3, s2  }
0x8d: {  	s2 =	sadd.s32 s2, s17  }
0x8e: {  	[smem:$0x3FC4] =	sst s2  }
0x8f: {  	_ = 	snop  }
0x90: {  	s2 =	sld [smem:$0x3FC8]  }
0x91: {  	s18 =	sld [smem:$0x3FC7]  }
0x92: {  	s4 =	sld [smem:$0x3FC6]  }
0x93: {  	s5 =	sld [smem:$0x3FD0];
	(tm) =	ssettm $0x1  }
0x94: {  	s6 =	sld [smem:$0x3FFB];
	_ =	sdelay $0x3  }
0x95: {  	_ =	strace s6  }
0x96: {  	s6 =	sld [smem:$0x3FFC];
	_ =	sdelay $0x3  }
0x97: {  	_ =	strace s6  }
0x98: {  	s6 =	sld [smem:$0x3FFD];
	_ =	sdelay $0x3  }
0x99: {  	_ =	strace s6  }
0x9a: {  	_ =	strace $0x8FFFFFFF  }
0x9b: {  	s19 =	sld [smem:$0x3FDB];
	_ =	sdelay $0x1  }
0x9c: {  	s7 =	simm.s32 $_scs_section_size  }
0x9d: {  	s8 =	simm.s32 $_size__tile_overlayer_lowered;
	s9 =	simm.s32 $_tile_overlayer_lowered  }
0x9e: {  	s22 =	simm.s32 $0x1BFF;
	s21 =	sshll.u32 s9, $0x1;
	s6 =	sadd.s32 s7, s19  }
0x9f: {  	s10 =	simm.s32 $0x0;
	s20 =	sshll.u32 s8, $0x1;
	s8 =	sadd.s32 s21, s6  }
0xa0: {  	[timem:s10], [sflag:s22] =	dma.local [hbm:s8], s20  }
0xa1: {  	_ =	swait.ge [sflag:s22], s20  }
0xa2: {  	s7 =	ssub.s32 $0x0, s20;
	[sflag:s22] =	ssyncset.done $0x0  }
0xa3: {  	[sflag:s22] =	ssyncadd.s32 s7;
	_ =	sdelay $0x1  }
0xa4: {  	s23 =	simm.s32 $0x1B8B  }
0xa5: {  	_ =	swait.ge [sflag:s23], $0x1  }
0xa6: {  	[sflag:s23] =	ssyncset.done $0x0  }
0xa7: {  	s25 =	simm.s32 $0x1B8E;
	s24 =	sld [smem:$0x3FFE];
	[sflag:s23] =	ssyncadd.s32 $0xFFFFFFFF  }
0xa8: {  	s26 =	simm.s32 $execute0_lowered;
	[smem:$0x3FD2] =	sst s25  }
0xa9: {  	s8 =	sshll.u32 s26, $0x1;
	_ =	strace $0x80000046;
	[dreg:$0x1] =	wrdreg $0xFFFFFFFF  }
0xaa: {  	s28 =	simm.s32 $_size_execute0_lowered;
	s6 =	sadd.s32 s6, s8;
	[dreg:$0x0] =	wrdreg $0x0  }
0xab: {  	s8 =	sshll.u32 s28, $0x1;
	[dreg:$0x2] =	wrdreg s6  }
0xac: {  	[dreg:$0x3] =	wrdreg s8  }
0xad: {  	[dreg:$0x4] =	wrdreg $0xC0  }
0xae: {  	_ =	task [dreg:s10], $0x5FFFF  }
0xaf: {  	[dreg:$0x1] =	wrdreg $0xFFFFFFFF  }
0xb0: {  	[dreg:$0x0] =	wrdreg $0x60  }
0xb1: {  	[dreg:$0x2] =	wrdreg s24  }
0xb2: {  	[dreg:$0x3] =	wrdreg s2  }
0xb3: {  	[dreg:$0x4] =	wrdreg s18  }
0xb4: {  	[dreg:$0x5] =	wrdreg s4  }
0xb5: {  	[dreg:$0x6] =	wrdreg s5  }
0xb6: {  	[dreg:$0x7] =	wrdreg $0x6C100  }
0xb7: {  	[dreg:$0x8] =	wrdreg $0x9  }
0xb8: {  	_ =	task.clear_ibuf [dreg:s10], $0x9FFFF;
	_ =	strace $0x90000046  }
0xb9: {  	s29 =	simm.s32 $0x9;
	_ =	strace $0x80000048  }
0xba: {  	_ =	swait.ge [sflag:s29], $0x1  }
0xbb: {  	[sflag:s29] =	ssyncadd.s32 $0xFFFFFFFF  }
0xbc: {  	_ =	strace $0x90000048  }
0xbd: {  	_ =	sfence  }
0xbe: {  	s30 =	sld [smem:$0x0];
	_ =	sdelay $0x2  }
0xbf: {  	s31 =	sshll.u32 s1, $0xD;
	s1 =	sshrl.u32 s1, $0x2  }
0xc0: {  	s3 =	sand.u32 $0x4000, s31;
	s1 =	sadd.s32 s1, s30  }
0xc1: {  	s0 =	sor.u32 s3, s0;
	s1 =	sshll.u32 s1, $0x11  }
0xc2: {  	s0 =	sor.u32 s1, s0  }
0xc3: {  	s0 =	sadd.s32 $0x8F2B, s0  }
0xc4: {  	[sflag:s0] =	ssyncadd.remote.s32 $0x1  }
0xc5: {  	_ =	sfence.sel $0xFFFF  }
0xc6: {  	[dreg:$0x0] =	wrdreg $0xFFFFFFFF;
	(pc) =	sbr.abs _section_cstart, $3  }
0xc7: {  	[dreg:$0x1] =	wrdreg $0xFFFFFFFF  }
0xc8: {  	_ =	task.clear_ibuf [dreg:s10], $0x2FFFF;
	_ =	strace $0x9FFFFFFF  }
0xc9: {  	(tm) =	ssettm $0x7FFFFFFF  }
tec
execute0_lowered:
.L_overlay_start_1:
0x0: {  	(tag) =	ssettag $0x1  }
0x1: {  	s0 =	rddreg [dreg:$0x0]  }
0x2: {  	s2 =	rddreg [dreg:$0x2]  }
0x3: {  	s3 =	rddreg [dreg:$0x3]  }
0x4: {  	s4 =	rddreg [dreg:$0x4]  }
0x5: {  	s5 =	rddreg [dreg:$0x5]  }
0x6: {  	s6 =	srdreg.scid;
	s1 =	stileid.u32  }
0x7: {  	s7 =	simm.s32 $0x0;
	s6 =	sand.u32 $0x1, s6;
	s11 =	smul.u32 $0xC38, s1  }
0x8: {  	s30 =	simm.s32 $0x500;
	[smem:$0x7FF] =	sst s7;
	s10 =	smul.u32 $0x30E00, s6  }
0x9: {  	s31 =	simm.s32 $0x300;
	_ =	strace $0x80000047;
	[dreg:$0x8] =	wrdreg s11  }
0xa: {  	s9 =	smul.u32 $0x61C00, s1;
	s12 =	sadd.s32 $0xB8, s11;
	[dreg:$0x7] =	wrdreg s10  }
0xb: {  	s21 =	smul.u32 $0x30E0, s1;
	s15 =	sadd.s32 $0x170, s11;
	[dreg:$0x9] =	wrdreg s12  }
0xc: {  	s28 =	ssub.s32 $0x2, s6;
	s18 =	sadd.s32 $0x228, s11;
	[dreg:$0xa] =	wrdreg s15  }
0xd: {  	s6 =	smul.u32 $0xC3800, s6;
	s19 =	sadd.s32 $0x2E0, s11;
	[dreg:$0xe] =	wrdreg s18  }
0xe: {  	s8 =	sshrl.u32 s28, $0x1;
	s23 =	sadd.s32 $0x398, s11;
	[dreg:$0xf] =	wrdreg s19  }
0xf: {  	s13 =	sshrl.u32 s9, $0x2;
	s24 =	sadd.s32 $0x450, s11;
	[dreg:$0x12] =	wrdreg s23  }
0x10: {  	s7 =	ssub.s32 s28, s8;
	s8 =	sadd.s32 s13, s5;
	[dreg:$0x13] =	wrdreg s24  }
0x11: {  	s14 =	sshll.u32 s12, $0x5;
	s12 =	sadd.s32 $0x508, s11;
	[dreg:$0xb] =	wrdreg s8  }
0x12: {  	s0 =	sadd.s32 s10, s0;
	s10 =	sadd.s32 $0x5C0, s11;
	[dreg:$0x14] =	wrdreg s12  }
0x13: {  	s17 =	sshll.u32 s15, $0x5;
	s13 =	sadd.s32 $0x730, s11;
	[dreg:$0x18] =	wrdreg s10  }
0x14: {  	s25 =	sshll.u32 s23, $0x5;
	s23 =	sadd.s32 $0xAC8, s11;
	[dreg:$0x1a] =	wrdreg s13  }
0x15: {  	s26 =	sshll.u32 s24, $0x5;
	s24 =	sadd.s32 $0xB80, s11;
	[smem:$0x7F8] =	sst s23  }
0x16: {  	s9 =	sshll.u32 s19, $0x5;
	s16 =	sadd.s32 s14, s5;
	[smem:$0x7F9] =	sst s24  }
0x17: {  	s6 =	sadd.s32 s6, s4;
	s8 =	sadd.s32 s17, s5;
	[dreg:$0xc] =	wrdreg s16  }
0x18: {  	s20 =	sadd.s32 s9, s5;
	s22 =	sadd.s32 s21, s6;
	[dreg:$0xd] =	wrdreg s8  }
0x19: {  	s0 =	sadd.s32 s21, s0;
	s6 =	sadd.s32 s25, s5;
	[dreg:$0x11] =	wrdreg s20  }
0x1a: {  	s28 =	sshll.u32 s12, $0x5;
	s12 =	sadd.s32 $0x678, s11;
	[dreg:$0x15] =	wrdreg s6  }
0x1b: {  	s17 =	sadd.s32 $0x8A0, s11;
	s21 =	sadd.s32 $0xA10, s11;
	[dreg:$0x19] =	wrdreg s12  }
0x1c: {  	s8 =	sshll.u32 s18, $0x5;
	s9 =	sadd.s32 s28, s5;
	[dreg:$0x1f] =	wrdreg s17  }
0x1d: {  	s6 =	sshll.u32 s10, $0x5;
	s16 =	sadd.s32 $0x7E8, s11;
	[smem:$0x7F7] =	sst s21  }
0x1e: {  	s18 =	sadd.s32 $0x958, s11;
	s28 =	smax.u32 s7, $0x1;
	[dreg:$0x17] =	wrdreg s9  }
0x1f: {  	s29 =	sadd.s32 $0x800, s0;
	s10 =	simm.s32 $0x7;
	[dreg:$0x1e] =	wrdreg s16  }
0x20: {  	s0 =	simm.s32 $0x600;
	s11 =	simm.s32 $0x700;
	[smem:$0x7F3] =	sst s18  }
0x21: {  	s7 =	simm.s32 $0x0;
	s8 =	sadd.s32 s8, s5;
	[smem:$0x7FD] =	sst s28  }
0x22: {  	s9 =	sshll.u32 s13, $0x5;
	s6 =	sadd.s32 s6, s5;
	[dreg:$0x10] =	wrdreg s8  }
0x23: {  	s13 =	simm.s32 $0x6;
	s8 =	sadd.s32 s26, s5;
	[dreg:$0x1b] =	wrdreg s6  }
0x24: {  	s15 =	sadd.s32 s9, s5;
	s6 =	sshll.u32 s16, $0x5;
	s9 =	sshll.u32 s18, $0x5  }
0x25: {  	s18 =	simm.s32 $0x2C10;
	[dreg:$0x16] =	wrdreg s8;
	s8 =	sshll.u32 s12, $0x5  }
0x26: {  	[dreg:$0x1d] =	wrdreg s15;
	s6 =	sadd.s32 s6, s5;
	s20 =	sadd.s32 s9, s5  }
0x27: {  	s9 =	sshll.u32 s24, $0x5;
	s12 =	simm.s32 $0x5;
	s24 =	simm.s32 $0x200  }
0x28: {  	s14 =	sadd.s32 s8, s5;
	s8 =	sshll.u32 s17, $0x5;
	[smem:$0x7F4] =	sst s6  }
0x29: {  	[smem:$0x7F6] =	sst s20;
	s6 =	sshll.u32 s21, $0x5;
	s26 =	sadd.s32 s9, s5  }
0x2a: {  	s20 =	simm.s32 $0x400;
	s21 =	simm.s32 $0x4;
	[dreg:$0x1c] =	wrdreg s14  }
0x2b: {  	s17 =	simm.s32 $0xC10;
	s19 =	sadd.s32 s8, s5;
	[smem:$0x7FC] =	sst s26  }
0x2c: {  	s8 =	sshll.u32 s23, $0x5;
	s6 =	sadd.s32 s6, s5;
	[smem:$0x7F5] =	sst s19  }
0x2d: {  	s14 =	simm.s32 $0x100;
	s23 =	simm.s32 $0x1;
	[smem:$0x7FA] =	sst s6  }
0x2e: {  	s25 =	sadd.s32 s8, s5;
	s6 =	smul.u32 $0xC400, s1;
	s8 =	simm.s32 $0x4C10  }
0x2f: {  	v0 =	vimm.f32 $0.0e+00;
	s19 =	simm.s32 $0x3;
	[smem:$0x7FB] =	sst s25;
	s25 =	simm.s32 $0x2  }
.LBB2_1:
0x30: {  	[smem:$0x7F2] =	sst s7;
	s26 =	sadd.s32 $0x0, s29;
	s1 =	simm.s32 $0x0  }
0x31: {  	[tilespmem:s8], [sflag:$0x7] =	stream.linear.gather [hbm4b:s26+s1], $0x1700, $0x38;
	[tilespmem:$0x1F310] =	vst v63  }
0x32: {  	_ =	swait.ge [sflag:s10], $0x1700  }
0x33: {  	[sflag:s10] =	ssyncset.done $0x0  }
0x34: {  	s28 =	sadd.s32 $0x0, s22;
	[sflag:s10] =	ssyncadd.s32 $0xFFFFE900  }
0x35: {  	[hbm4b:s28+s1] =	stream.linear.scatter [tilespmem:s8], [sflag:$0x7], $0x1700, $0x38;
	[tilespmem:$0x1F310] =	vst v63  }
0x36: {  	s7 =	simm.s32 $0x2E0;
	_ =	swait.ge [sflag:s10], $0x1700  }
0x37: {  	s16 =	sadd.s32 $0x2E0, s29;
	s9 =	simm.s32 $0x5C0;
	[sflag:s10] =	ssyncset.done $0x0  }
.LBB2_2:
0x38: {  	s26 =	sadd.s32 s9, s29  }
0x39: {  	s15 =	simm.s32 $0x0;
	[sflag:s10] =	ssyncadd.s32 $0xFFFFE900;
	s28 =	smov.u32 s9  }
0x3a: {  	[tilespmem:s8], [sflag:$0x7] =	stream.linear.gather [hbm4b:s16+s15], $0x1700, $0x38;
	[tilespmem:$0x1F310] =	vst v63  }
0x3b: {  	p0 =	sne.s32 s9, $0x2E00;
	s9 =	sadd.s32 $0x2E0, s9;
	_ =	swait.ge [sflag:s10], $0x1700  }
.Ltmp0:
0x3c: {  	s16 =	smov.u32 s26;
	[sflag:s10] =	ssyncset.done $0x0;
	(pc) =	sbr.rel @p0 .LBB2_2-.Ltmp0, $4  }
0x3d: {  	s26 =	sadd.s32 s7, s22;
	s7 =	smov.u32 s28;
	[sflag:s10] =	ssyncadd.s32 $0xFFFFE900  }
0x3e: {  	[hbm4b:s26+s15] =	stream.linear.scatter [tilespmem:s8], [sflag:$0x7], $0x1700, $0x38;
	[tilespmem:$0x1F310] =	vst v63  }
0x3f: {  	_ =	swait.ge [sflag:s10], $0x1700  }
0x40: {  	[sflag:s10] =	ssyncset.done $0x0  }
0x41: {  	[sflag:s10] =	ssyncadd.s32 $0xFFFFE900  }
0x42: {  	[tilespmem:s8], [sflag:$0x7] =	stream.linear.gather [hbm4b:s16+s15], $0x1700, $0x38;
	[tilespmem:$0x1F310] =	vst v63  }
0x43: {  	_ =	swait.ge [sflag:s10], $0x1700  }
0x44: {  	[sflag:s10] =	ssyncset.done $0x0  }
0x45: {  	s7 =	sadd.s32 s7, s22;
	[sflag:s10] =	ssyncadd.s32 $0xFFFFE900  }
0x46: {  	[hbm4b:s7+s15] =	stream.linear.scatter [tilespmem:s8], [sflag:$0x7], $0x1700, $0x38;
	[tilespmem:$0x1F310] =	vst v63  }
0x47: {  	_ =	swait.ge [sflag:s10], $0x1700  }
0x48: {  	[sflag:s10] =	ssyncset.done $0x0  }
0x49: {  	[sflag:s10] =	ssyncadd.s32 $0xFFFFE900  }
.LBB2_4:
0x4a: {  	p0 =	por $0x1, $0x1  }
.Ltmp1:
0x4b: {  	_ = 	snop;
	(pc) =	sbr.rel @!p0 .LBB2_6-.Ltmp1, $2  }
0x4c: {  	_ =	sdelay $0x2  }
0x4d: {  	s7 =	simm.s32 $0x80;
	s9 =	simm.s32 $0x0  }
.LBB2_5:
0x4e: {  	p0 =	sne.s32 s7, $0x5B80;
	[tilespmem:s9+$0x4C10] =	vst v0;
	s16 =	smov.u32 s7;
	s7 =	sadd.s32 $0x80, s7  }
.Ltmp2:
0x4f: {  	[tilespmem:s9+$0x4C20] =	vst v0;
	(pc) =	sbr.rel @p0 .LBB2_5-.Ltmp2, $2  }
0x50: {  	_ =	sdelay $0x2  }
0x51: {  	s9 =	sshra.s32 s16, $0x2  }
.LBB2_6:
0x52: {  	[tilespmem:s9+$0x4C10] =	vst v0;
	s1 =	rddreg [dreg:$0xb]  }
0x53: {  	[tilespmem:s9+$0x4C20] =	vst v0;
	s26 =	rddreg [dreg:$0xc]  }
0x54: {  	[spmem:s1] =	stream.linear.scatter [tilespmem:s8], [sflag:$0x3], $0x1700, $0x38;
	[tilespmem:$0x1F310] =	vst v63  }
0x55: {  	s28 =	rddreg [dreg:$0xd]  }
0x56: {  	[spmem:s26] =	stream.linear.scatter [tilespmem:s8], [sflag:$0x3], $0x1700, $0x38;
	[tilespmem:$0x1F310] =	vst v63  }
0x57: {  	s7 =	rddreg [dreg:$0x10]  }
0x58: {  	[spmem:s28] =	stream.linear.scatter [tilespmem:s8], [sflag:$0x3], $0x1700, $0x38;
	[tilespmem:$0x1F310] =	vst v63  }
0x59: {  	s9 =	rddreg [dreg:$0x11]  }
0x5a: {  	[spmem:s7] =	stream.linear.scatter [tilespmem:s8], [sflag:$0x3], $0x1700, $0x38;
	[tilespmem:$0x1F310] =	vst v63  }
0x5b: {  	s16 =	rddreg [dreg:$0x15]  }
0x5c: {  	[spmem:s9] =	stream.linear.scatter [tilespmem:s8], [sflag:$0x3], $0x1700, $0x38;
	[tilespmem:$0x1F310] =	vst v63  }
0x5d: {  	s26 =	rddreg [dreg:$0x16]  }
0x5e: {  	[spmem:s16] =	stream.linear.scatter [tilespmem:s8], [sflag:$0x3], $0x1700, $0x38;
	[tilespmem:$0x1F310] =	vst v63  }
0x5f: {  	s28 =	rddreg [dreg:$0x17]  }
0x60: {  	[spmem:s26] =	stream.linear.scatter [tilespmem:s8], [sflag:$0x3], $0x1700, $0x38;
	[tilespmem:$0x1F310] =	vst v63  }
0x61: {  	s7 =	rddreg [dreg:$0x1b]  }
0x62: {  	[spmem:s28] =	stream.linear.scatter [tilespmem:s8], [sflag:$0x3], $0x1700, $0x38;
	[tilespmem:$0x1F310] =	vst v63  }
0x63: {  	s9 =	rddreg [dreg:$0x1c]  }
0x64: {  	[spmem:s7] =	stream.linear.scatter [tilespmem:s8], [sflag:$0x3], $0x1700, $0x38;
	[tilespmem:$0x1F310] =	vst v63  }
0x65: {  	s16 =	rddreg [dreg:$0x1d]  }
0x66: {  	[spmem:s9] =	stream.linear.scatter [tilespmem:s8], [sflag:$0x3], $0x1700, $0x38;
	[tilespmem:$0x1F310] =	vst v63  }
0x67: {  	s26 =	sld [smem:$0x7F4]  }
0x68: {  	[spmem:s16] =	stream.linear.scatter [tilespmem:s8], [sflag:$0x3], $0x1700, $0x38;
	[tilespmem:$0x1F310] =	vst v63  }
0x69: {  	s28 =	sld [smem:$0x7F5]  }
0x6a: {  	[spmem:s26] =	stream.linear.scatter [tilespmem:s8], [sflag:$0x3], $0x1700, $0x38;
	[tilespmem:$0x1F310] =	vst v63  }
0x6b: {  	s7 =	sld [smem:$0x7F6]  }
0x6c: {  	[spmem:s28] =	stream.linear.scatter [tilespmem:s8], [sflag:$0x3], $0x1700, $0x38;
	[tilespmem:$0x1F310] =	vst v63  }
0x6d: {  	s9 =	sld [smem:$0x7FA]  }
0x6e: {  	[spmem:s7] =	stream.linear.scatter [tilespmem:s8], [sflag:$0x3], $0x1700, $0x38;
	[tilespmem:$0x1F310] =	vst v63  }
0x6f: {  	s16 =	sld [smem:$0x7FB]  }
0x70: {  	[spmem:s9] =	stream.linear.scatter [tilespmem:s8], [sflag:$0x3], $0x1700, $0x38;
	[tilespmem:$0x1F310] =	vst v63  }
0x71: {  	s26 =	sld [smem:$0x7FC]  }
0x72: {  	[spmem:s16] =	stream.linear.scatter [tilespmem:s8], [sflag:$0x3], $0x1700, $0x38;
	[tilespmem:$0x1F310] =	vst v63  }
0x73: {  	_ = 	snop  }
0x74: {  	[spmem:s26] =	stream.linear.scatter [tilespmem:s8], [sflag:$0x3], $0x1700, $0x38;
	[tilespmem:$0x1F310] =	vst v63  }
0x75: {  	_ =	swait.ge [sflag:s19], $0x1700  }
0x76: {  	[sflag:s19] =	ssyncset.done $0x0  }
0x77: {  	[sflag:s19] =	ssyncadd.s32 $0xFFFFE900  }
0x78: {  	_ =	swait.ge [sflag:s19], $0x1700  }
0x79: {  	[sflag:s19] =	ssyncset.done $0x0  }
0x7a: {  	[sflag:s19] =	ssyncadd.s32 $0xFFFFE900  }
0x7b: {  	_ =	swait.ge [sflag:s19], $0x1700  }
0x7c: {  	[sflag:s19] =	ssyncset.done $0x0  }
0x7d: {  	[sflag:s19] =	ssyncadd.s32 $0xFFFFE900  }
0x7e: {  	_ =	swait.ge [sflag:s19], $0x1700  }
0x7f: {  	[sflag:s19] =	ssyncset.done $0x0  }
0x80: {  	[sflag:s19] =	ssyncadd.s32 $0xFFFFE900  }
0x81: {  	_ =	swait.ge [sflag:s19], $0x1700  }
0x82: {  	[sflag:s19] =	ssyncset.done $0x0  }
0x83: {  	[sflag:s19] =	ssyncadd.s32 $0xFFFFE900  }
0x84: {  	_ =	swait.ge [sflag:s19], $0x1700  }
0x85: {  	[sflag:s19] =	ssyncset.done $0x0  }
0x86: {  	[sflag:s19] =	ssyncadd.s32 $0xFFFFE900  }
0x87: {  	_ =	swait.ge [sflag:s19], $0x1700  }
0x88: {  	[sflag:s19] =	ssyncset.done $0x0  }
0x89: {  	[sflag:s19] =	ssyncadd.s32 $0xFFFFE900  }
0x8a: {  	_ =	swait.ge [sflag:s19], $0x1700  }
0x8b: {  	[sflag:s19] =	ssyncset.done $0x0  }
0x8c: {  	[sflag:s19] =	ssyncadd.s32 $0xFFFFE900  }
0x8d: {  	_ =	swait.ge [sflag:s19], $0x1700  }
0x8e: {  	[sflag:s19] =	ssyncset.done $0x0  }
0x8f: {  	[sflag:s19] =	ssyncadd.s32 $0xFFFFE900  }
0x90: {  	_ =	swait.ge [sflag:s19], $0x1700  }
0x91: {  	[sflag:s19] =	ssyncset.done $0x0  }
0x92: {  	[sflag:s19] =	ssyncadd.s32 $0xFFFFE900  }
0x93: {  	_ =	swait.ge [sflag:s19], $0x1700  }
0x94: {  	[sflag:s19] =	ssyncset.done $0x0  }
0x95: {  	[sflag:s19] =	ssyncadd.s32 $0xFFFFE900  }
0x96: {  	_ =	swait.ge [sflag:s19], $0x1700  }
0x97: {  	[sflag:s19] =	ssyncset.done $0x0  }
0x98: {  	[sflag:s19] =	ssyncadd.s32 $0xFFFFE900  }
0x99: {  	_ =	swait.ge [sflag:s19], $0x1700  }
0x9a: {  	[sflag:s19] =	ssyncset.done $0x0  }
0x9b: {  	[sflag:s19] =	ssyncadd.s32 $0xFFFFE900  }
0x9c: {  	_ =	swait.ge [sflag:s19], $0x1700  }
0x9d: {  	[sflag:s19] =	ssyncset.done $0x0  }
0x9e: {  	[sflag:s19] =	ssyncadd.s32 $0xFFFFE900  }
0x9f: {  	_ =	swait.ge [sflag:s19], $0x1700  }
0xa0: {  	[sflag:s19] =	ssyncset.done $0x0  }
0xa1: {  	[sflag:s19] =	ssyncadd.s32 $0xFFFFE900  }
0xa2: {  	_ =	swait.ge [sflag:s19], $0x1700  }
0xa3: {  	[sflag:s19] =	ssyncset.done $0x0  }
0xa4: {  	[sflag:s19] =	ssyncadd.s32 $0xFFFFE900  }
0xa5: {  	_ =	swait.ge [sflag:s19], $0x1700  }
0xa6: {  	s7 =	smul.u32 $0xC380, s15;
	[sflag:s19] =	ssyncset.done $0x0  }
0xa7: {  	s28 =	rddreg [dreg:$0x7];
	[sflag:s19] =	ssyncadd.s32 $0xFFFFE900  }
0xa8: {  	s1 =	sadd.s32 s28, s7;
	[bflag:$0x0] =	sbarrier.arrive $0xFFFF  }
0xa9: {  	s9 =	simm.s32 $0x0;
	s26 =	simm.s32 $0x0;
	v1 =	vmov s1;
	[smem:$0x7F1] =	sst s1  }
.LBB2_7:
0xaa: {  	s7 =	sshll.u32 s26, $0xA  }
0xab: {  	s7 =	sadd.s32 s6, s7  }
0xac: {  	s1 =	rddreg [dreg:$0x1];
	s7 =	sshrl.u32 s7, $0x3  }
0xad: {  	s16 =	sadd.s32 s1, s7  }
0xae: {  	[tilespmem:s9], [sflag:$0x4] =	stream.linear.gather [hbm4b:s16+s9], $0x400, $0x38;
	[tilespmem:$0x1F310] =	vst v63  }
0xaf: {  	s1 =	sadd.s32 s2, s7  }
0xb0: {  	[tilespmem:s20], [sflag:$0x5] =	stream.linear.gather [hbm4b:s1+s9], $0x400, $0x38;
	[tilespmem:$0x1F310] =	vst v63  }
0xb1: {  	s28 =	simm.s32 $0x800;
	s7 =	sadd.s32 s3, s7  }
0xb2: {  	[tilespmem:s28], [sflag:$0x6] =	stream.linear.gather [hbm4b:s7+s9], $0x400, $0x38;
	[tilespmem:$0x1F310] =	vst v63  }
0xb3: {  	_ =	swait.ge [sflag:s21], $0x400  }
0xb4: {  	[sflag:s21] =	ssyncset.done $0x0  }
0xb5: {  	[sflag:s21] =	ssyncadd.s32 $0xFFFFFC00  }
0xb6: {  	_ =	swait.ge [sflag:s12], $0x400  }
0xb7: {  	[sflag:s12] =	ssyncset.done $0x0  }
0xb8: {  	[sflag:s12] =	ssyncadd.s32 $0xFFFFFC00  }
0xb9: {  	_ =	swait.ge [sflag:s13], $0x400  }
0xba: {  	[sflag:s13] =	ssyncset.done $0x0  }
0xbb: {  	[sflag:s13] =	ssyncadd.s32 $0xFFFFFC00  }
0xbc: {  	v2 =	vld [tilespmem:$0x0]  }
0xbd: {  	v3 =	vld [tilespmem:$0x10]  }
0xbe: {  	v4 =	vld [tilespmem:$0x20]  }
0xbf: {  	v5 =	vld [tilespmem:$0x30]  }
0xc0: {  	v6 =	vld [tilespmem:$0x40]  }
0xc1: {  	v7 =	vld [tilespmem:$0x50];
	v2 =	vadd.s32 v1, v2  }
0xc2: {  	[tilespmem:$0x0] =	vst v2;
	v2 =	vadd.s32 v1, v3;
	v3 =	vld [tilespmem:$0x60]  }
0xc3: {  	[tilespmem:$0x10] =	vst v2;
	v2 =	vadd.s32 v1, v4;
	v4 =	vld [tilespmem:$0x70]  }
0xc4: {  	[tilespmem:$0x20] =	vst v2;
	v2 =	vadd.s32 v1, v5;
	v5 =	vld [tilespmem:$0x80]  }
0xc5: {  	[tilespmem:$0x30] =	vst v2;
	v2 =	vadd.s32 v1, v6;
	v6 =	vld [tilespmem:$0x90]  }
0xc6: {  	[tilespmem:$0x40] =	vst v2;
	v2 =	vadd.s32 v1, v7;
	v7 =	vld [tilespmem:$0xA0]  }
0xc7: {  	[tilespmem:$0x50] =	vst v2;
	v2 =	vadd.s32 v1, v3;
	v3 =	vld [tilespmem:$0xB0]  }
0xc8: {  	[tilespmem:$0x60] =	vst v2;
	v2 =	vadd.s32 v1, v4;
	v4 =	vld [tilespmem:$0xC0]  }
0xc9: {  	[tilespmem:$0x70] =	vst v2;
	v2 =	vadd.s32 v1, v5;
	v5 =	vld [tilespmem:$0xD0]  }
0xca: {  	[tilespmem:$0x80] =	vst v2;
	v2 =	vadd.s32 v1, v6;
	v6 =	vld [tilespmem:$0xE0]  }
0xcb: {  	[tilespmem:$0x90] =	vst v2;
	v2 =	vadd.s32 v1, v7;
	v7 =	vld [tilespmem:$0xF0]  }
0xcc: {  	[tilespmem:$0xA0] =	vst v2;
	v2 =	vadd.s32 v1, v3;
	v3 =	vld [tilespmem:$0x100]  }
0xcd: {  	[tilespmem:$0xB0] =	vst v2;
	v2 =	vadd.s32 v1, v4;
	v4 =	vld [tilespmem:$0x110]  }
0xce: {  	[tilespmem:$0xC0] =	vst v2;
	v2 =	vadd.s32 v1, v5;
	v5 =	vld [tilespmem:$0x120]  }
0xcf: {  	[tilespmem:$0xD0] =	vst v2;
	v2 =	vadd.s32 v1, v6;
	v6 =	vld [tilespmem:$0x130]  }
0xd0: {  	[tilespmem:$0xE0] =	vst v2;
	v2 =	vadd.s32 v1, v7;
	v7 =	vld [tilespmem:$0x140]  }
0xd1: {  	[tilespmem:$0xF0] =	vst v2;
	v2 =	vadd.s32 v1, v3;
	v3 =	vld [tilespmem:$0x150]  }
0xd2: {  	[tilespmem:$0x100] =	vst v2;
	v2 =	vadd.s32 v1, v4;
	v4 =	vld [tilespmem:$0x160]  }
0xd3: {  	[tilespmem:$0x110] =	vst v2;
	v2 =	vadd.s32 v1, v5;
	v5 =	vld [tilespmem:$0x170]  }
0xd4: {  	[tilespmem:$0x120] =	vst v2;
	v2 =	vadd.s32 v1, v6;
	v6 =	vld [tilespmem:$0x180]  }
0xd5: {  	[tilespmem:$0x130] =	vst v2;
	v2 =	vadd.s32 v1, v7;
	v7 =	vld [tilespmem:$0x190]  }
0xd6: {  	[tilespmem:$0x140] =	vst v2;
	v2 =	vadd.s32 v1, v3;
	v3 =	vld [tilespmem:$0x1A0]  }
0xd7: {  	[tilespmem:$0x150] =	vst v2;
	v2 =	vadd.s32 v1, v4;
	v4 =	vld [tilespmem:$0x1B0]  }
0xd8: {  	[tilespmem:$0x160] =	vst v2;
	v2 =	vadd.s32 v1, v5;
	v5 =	vld [tilespmem:$0x1C0]  }
0xd9: {  	[tilespmem:$0x170] =	vst v2;
	v2 =	vadd.s32 v1, v6;
	v6 =	vld [tilespmem:$0x1D0]  }
0xda: {  	[tilespmem:$0x180] =	vst v2;
	v2 =	vadd.s32 v1, v7;
	v7 =	vld [tilespmem:$0x1E0]  }
0xdb: {  	[tilespmem:$0x190] =	vst v2;
	v2 =	vadd.s32 v1, v3;
	v3 =	vld [tilespmem:$0x1F0]  }
0xdc: {  	[tilespmem:$0x1A0] =	vst v2;
	v2 =	vadd.s32 v1, v4;
	v4 =	vld [tilespmem:$0x200]  }
0xdd: {  	[tilespmem:$0x1B0] =	vst v2;
	v2 =	vadd.s32 v1, v5;
	v5 =	vld [tilespmem:$0x210]  }
0xde: {  	[tilespmem:$0x1C0] =	vst v2;
	v2 =	vadd.s32 v1, v6;
	v6 =	vld [tilespmem:$0x220]  }
0xdf: {  	[tilespmem:$0x1D0] =	vst v2;
	v2 =	vadd.s32 v1, v7;
	v7 =	vld [tilespmem:$0x230]  }
0xe0: {  	[tilespmem:$0x1E0] =	vst v2;
	v2 =	vadd.s32 v1, v3;
	v3 =	vld [tilespmem:$0x240]  }
0xe1: {  	[tilespmem:$0x1F0] =	vst v2;
	v2 =	vadd.s32 v1, v4;
	v4 =	vld [tilespmem:$0x250]  }
0xe2: {  	[tilespmem:$0x200] =	vst v2;
	v2 =	vadd.s32 v1, v5;
	v5 =	vld [tilespmem:$0x260]  }
0xe3: {  	[tilespmem:$0x210] =	vst v2;
	v2 =	vadd.s32 v1, v6;
	v6 =	vld [tilespmem:$0x270]  }
0xe4: {  	[tilespmem:$0x220] =	vst v2;
	v2 =	vadd.s32 v1, v7;
	v7 =	vld [tilespmem:$0x280]  }
0xe5: {  	[tilespmem:$0x230] =	vst v2;
	v2 =	vadd.s32 v1, v3;
	v3 =	vld [tilespmem:$0x290]  }
0xe6: {  	[tilespmem:$0x240] =	vst v2;
	v2 =	vadd.s32 v1, v4;
	v4 =	vld [tilespmem:$0x2A0]  }
0xe7: {  	[tilespmem:$0x250] =	vst v2;
	v2 =	vadd.s32 v1, v5;
	v5 =	vld [tilespmem:$0x2B0]  }
0xe8: {  	[tilespmem:$0x260] =	vst v2;
	v2 =	vadd.s32 v1, v6;
	v6 =	vld [tilespmem:$0x2C0]  }
0xe9: {  	[tilespmem:$0x270] =	vst v2;
	v2 =	vadd.s32 v1, v7;
	v7 =	vld [tilespmem:$0x2D0]  }
0xea: {  	[tilespmem:$0x280] =	vst v2;
	v2 =	vadd.s32 v1, v3;
	v3 =	vld [tilespmem:$0x2E0]  }
0xeb: {  	[tilespmem:$0x290] =	vst v2;
	v2 =	vadd.s32 v1, v4;
	v4 =	vld [tilespmem:$0x2F0]  }
0xec: {  	[tilespmem:$0x2A0] =	vst v2;
	v2 =	vadd.s32 v1, v5;
	v5 =	vld [tilespmem:$0x300]  }
0xed: {  	[tilespmem:$0x2B0] =	vst v2;
	v2 =	vadd.s32 v1, v6;
	v6 =	vld [tilespmem:$0x310]  }
0xee: {  	[tilespmem:$0x2C0] =	vst v2;
	v2 =	vadd.s32 v1, v7;
	v7 =	vld [tilespmem:$0x320]  }
0xef: {  	[tilespmem:$0x2D0] =	vst v2;
	v2 =	vadd.s32 v1, v3;
	v3 =	vld [tilespmem:$0x330]  }
0xf0: {  	[tilespmem:$0x2E0] =	vst v2;
	v2 =	vadd.s32 v1, v4;
	v4 =	vld [tilespmem:$0x340]  }
0xf1: {  	[tilespmem:$0x2F0] =	vst v2;
	v2 =	vadd.s32 v1, v5;
	v5 =	vld [tilespmem:$0x350]  }
0xf2: {  	[tilespmem:$0x300] =	vst v2;
	v2 =	vadd.s32 v1, v6;
	v6 =	vld [tilespmem:$0x360]  }
0xf3: {  	[tilespmem:$0x310] =	vst v2;
	v2 =	vadd.s32 v1, v7;
	v7 =	vld [tilespmem:$0x370]  }
0xf4: {  	[tilespmem:$0x320] =	vst v2;
	v2 =	vadd.s32 v1, v3;
	v3 =	vld [tilespmem:$0x380]  }
0xf5: {  	[tilespmem:$0x330] =	vst v2;
	v2 =	vadd.s32 v1, v4;
	v4 =	vld [tilespmem:$0x390]  }
0xf6: {  	[tilespmem:$0x340] =	vst v2;
	v2 =	vadd.s32 v1, v5;
	v5 =	vld [tilespmem:$0x3A0]  }
0xf7: {  	[tilespmem:$0x350] =	vst v2;
	v2 =	vadd.s32 v1, v6;
	v6 =	vld [tilespmem:$0x3B0]  }
0xf8: {  	[tilespmem:$0x360] =	vst v2;
	v2 =	vadd.s32 v1, v7;
	v7 =	vld [tilespmem:$0x3C0]  }
0xf9: {  	[tilespmem:$0x370] =	vst v2;
	v2 =	vadd.s32 v1, v3;
	v3 =	vld [tilespmem:$0x3D0]  }
0xfa: {  	[tilespmem:$0x380] =	vst v2;
	v2 =	vadd.s32 v1, v4;
	v4 =	vld [tilespmem:$0x3E0]  }
0xfb: {  	[tilespmem:$0x390] =	vst v2;
	v2 =	vadd.s32 v1, v5;
	v5 =	vld [tilespmem:$0x3F0]  }
0xfc: {  	[tilespmem:$0x3A0] =	vst v2;
	v2 =	vadd.s32 v1, v6  }
0xfd: {  	[tilespmem:$0x3B0] =	vst v2;
	v2 =	vadd.s32 v1, v7  }
0xfe: {  	[tilespmem:$0x3C0] =	vst v2;
	v2 =	vadd.s32 v1, v3  }
0xff: {  	[tilespmem:$0x3D0] =	vst v2;
	v2 =	vadd.s32 v1, v4  }
0x100: {  	[tilespmem:$0x3E0] =	vst v2;
	v2 =	vadd.s32 v1, v5  }
0x101: {  	[tilespmem:$0x3F0] =	vst v2  }
0x102: {  	[tilespmem:s17], [sflag:$0x1] =	stream.indirect.gather [hbm4b:s4+s14], $0x20, s9, s14, $0xb8;
	[tilespmem:$0x1F310] =	vst v63  }
0x103: {  	_ = 	snop  }
0x104: {  	[tilespmem:s18], [sflag:$0x2] =	stream.indirect.gather [hbm4b:s4+s14], $0x20, s14, s14, $0xb8;
	[tilespmem:$0x1F310] =	vst v63  }
0x105: {  	_ =	swait.ge [sflag:s23], $0x2000  }
0x106: {  	[sflag:s23] =	ssyncset.done $0x0  }
0x107: {  	s16 =	simm.s32 $0x0;
	[sflag:s23] =	ssyncadd.s32 $0xFFFFE000  }
0x108: {  	v11 =	vld [tilespmem:s16+$0xC10]  }
0x109: {  	v10 =	vld [tilespmem:s16+$0xC20]  }
0x10a: {  	v9 =	vld [tilespmem:s16+$0xC30]  }
0x10b: {  	v8 =	vld [tilespmem:s16+$0xC40]  }
0x10c: {  	v7 =	vld [tilespmem:s16+$0xC50]  }
0x10d: {  	v6 =	vld [tilespmem:s16+$0xC60]  }
0x10e: {  	v4 =	vld [tilespmem:s16+$0xC70]  }
0x10f: {  	v5 =	vld [tilespmem:s16+$0xC80]  }
0x110: {  	v3 =	vld [tilespmem:s16+$0xC90]  }
0x111: {  	s7 =	simm.s32 $0x800;
	v2 =	vld [tilespmem:s28+$0x0]  }
.LBB2_8:
0x112: {  	p0 =	sne.s32 s7, $0x7800;
	v12 =	vld [tilespmem:s16+$0xCA0]  }
0x113: {  	v13 =	vld [tilespmem:s16+$0xCB0]  }
0x114: {  	v14 =	vld [tilespmem:s16+$0xCC0]  }
0x115: {  	v15 =	vld [tilespmem:s16+$0xCD0]  }
0x116: {  	v16 =	vbroadcast v2, $0x0;
	v17 =	vbroadcast v2, $0x1;
	v18 =	vld [tilespmem:s16+$0xCE0]  }
0x117: {  	v19 =	vbroadcast v2, $0x2;
	v20 =	vbroadcast v2, $0x3;
	v21 =	vld [tilespmem:s16+$0xCF0]  }
0x118: {  	v11 =	vmul.f32 v16, v11;
	v10 =	vmul.f32 v10, v16;
	v16 =	vld [tilespmem:s16+$0xD00]  }
0x119: {  	v9 =	vmul.f32 v9, v17;
	v8 =	vmul.f32 v8, v17;
	v17 =	vld [tilespmem:s16+$0xD10]  }
0x11a: {  	v7 =	vmul.f32 v7, v19;
	v6 =	vmul.f32 v6, v19;
	[tilespmem:s16+$0x4C10] =	vst v11;
	v11 =	vld [tilespmem:s16+$0xD20]  }
0x11b: {  	v4 =	vmul.f32 v4, v20;
	v5 =	vmul.f32 v5, v20;
	[tilespmem:s16+$0x4C20] =	vst v10;
	v10 =	vld [tilespmem:s16+$0xD30]  }
0x11c: {  	v19 =	vbroadcast v2, $0x5;
	[tilespmem:s16+$0x4C30] =	vst v9;
	v9 =	vbroadcast v2, $0x4;
	v20 =	vld [tilespmem:s16+$0xD40]  }
0x11d: {  	v22 =	vbroadcast v2, $0x7;
	[tilespmem:s16+$0x4C40] =	vst v8;
	v8 =	vbroadcast v2, $0x6;
	v23 =	vld [tilespmem:s16+$0xD50]  }
0x11e: {  	[tilespmem:s16+$0x4C50] =	vst v7;
	v3 =	vmul.f32 v3, v9;
	v7 =	vmul.f32 v12, v9;
	v9 =	vld [tilespmem:s16+$0xD60]  }
0x11f: {  	v12 =	vmul.f32 v14, v19;
	[tilespmem:s16+$0x4C60] =	vst v6;
	v6 =	vmul.f32 v13, v19;
	v13 =	vld [tilespmem:s16+$0xD70]  }
0x120: {  	[tilespmem:s16+$0x4C70] =	vst v4;
	v4 =	vmul.f32 v15, v8;
	v8 =	vmul.f32 v18, v8;
	v14 =	vld [tilespmem:s16+$0xD80]  }
0x121: {  	v15 =	vmul.f32 v16, v22;
	[tilespmem:s16+$0x4C80] =	vst v5;
	v5 =	vmul.f32 v21, v22;
	v16 =	vld [tilespmem:s16+$0xD90]  }
0x122: {  	v18 =	vbroadcast v2, $0x9;
	[tilespmem:s16+$0x4C90] =	vst v3;
	v3 =	vbroadcast v2, $0x8;
	v19 =	vld [tilespmem:s16+$0xDA0]  }
0x123: {  	v21 =	vbroadcast v2, $0xB;
	[tilespmem:s16+$0x4CA0] =	vst v7;
	v7 =	vbroadcast v2, $0xA;
	v22 =	vld [tilespmem:s16+$0xDB0]  }
0x124: {  	[tilespmem:s16+$0x4CB0] =	vst v6;
	v6 =	vmul.f32 v17, v3;
	v3 =	vmul.f32 v11, v3;
	v11 =	vld [tilespmem:s16+$0xDC0]  }
0x125: {  	v10 =	vmul.f32 v10, v18;
	[tilespmem:s16+$0x4CC0] =	vst v12;
	v12 =	vmul.f32 v20, v18;
	v17 =	vld [tilespmem:s16+$0xDD0]  }
0x126: {  	[tilespmem:s16+$0x4CD0] =	vst v4;
	v4 =	vmul.f32 v23, v7;
	v7 =	vmul.f32 v9, v7;
	v9 =	vld [tilespmem:s16+$0xDE0]  }
0x127: {  	[tilespmem:s16+$0x4CE0] =	vst v8;
	v8 =	vmul.f32 v13, v21;
	v13 =	vmul.f32 v14, v21;
	v14 =	vld [tilespmem:s16+$0xDF0]  }
0x128: {  	v18 =	vbroadcast v2, $0xD;
	[tilespmem:s16+$0x4CF0] =	vst v5;
	v5 =	vbroadcast v2, $0xC;
	v20 =	vld [tilespmem:s16+$0xE00]  }
0x129: {  	[tilespmem:s16+$0x4D00] =	vst v15;
	v15 =	vbroadcast v2, $0xE;
	v2 =	vbroadcast v2, $0xF  }
0x12a: {  	[tilespmem:s16+$0x4D10] =	vst v6;
	v6 =	vmul.f32 v16, v5;
	v5 =	vmul.f32 v19, v5  }
0x12b: {  	v16 =	vmul.f32 v11, v18;
	[tilespmem:s16+$0x4D20] =	vst v3;
	v3 =	vmul.f32 v22, v18  }
0x12c: {  	v17 =	vmul.f32 v17, v15;
	v15 =	vmul.f32 v9, v15;
	[tilespmem:s16+$0x4D30] =	vst v10  }
0x12d: {  	[tilespmem:s16+$0x4D40] =	vst v12;
	v12 =	vmul.f32 v14, v2;
	v2 =	vmul.f32 v20, v2  }
0x12e: {  	[tilespmem:s16+$0x4D50] =	vst v4  }
0x12f: {  	[tilespmem:s16+$0x4D60] =	vst v7  }
0x130: {  	s1 =	sshra.s32 s7, $0x2;
	[tilespmem:s16+$0x4D70] =	vst v8  }
0x131: {  	v11 =	vld [tilespmem:s1+$0xC10];
	[tilespmem:s16+$0x4D80] =	vst v13  }
0x132: {  	v10 =	vld [tilespmem:s1+$0xC20];
	[tilespmem:s16+$0x4D90] =	vst v6  }
0x133: {  	v9 =	vld [tilespmem:s1+$0xC30];
	[tilespmem:s16+$0x4DA0] =	vst v5  }
0x134: {  	v8 =	vld [tilespmem:s1+$0xC40];
	[tilespmem:s16+$0x4DB0] =	vst v3  }
0x135: {  	v7 =	vld [tilespmem:s1+$0xC50];
	[tilespmem:s16+$0x4DC0] =	vst v16  }
.Ltmp3:
0x136: {  	v6 =	vld [tilespmem:s1+$0xC60];
	[tilespmem:s16+$0x4DD0] =	vst v17;
	(pc) =	sbr.rel @p0 .LBB2_8-.Ltmp3, $4  }
0x137: {  	v4 =	vld [tilespmem:s1+$0xC70];
	[tilespmem:s16+$0x4DE0] =	vst v15  }
0x138: {  	v5 =	vld [tilespmem:s1+$0xC80];
	[tilespmem:s16+$0x4DF0] =	vst v12  }
0x139: {  	s28 =	sadd.s32 $0x10, s28;
	v3 =	vld [tilespmem:s1+$0xC90];
	[tilespmem:s16+$0x4E00] =	vst v2;
	s16 =	smov.u32 s1  }
0x13a: {  	s7 =	sadd.s32 $0x800, s7;
	v2 =	vld [tilespmem:s28+$0x0]  }
0x13b: {  	_ =	sdelay $0x3  }
0x13c: {  	v16 =	vbroadcast v2, $0x0;
	_ =	sdelay $0x1  }
0x13d: {  	v21 =	vbroadcast v2, $0x1;
	v11 =	vmul.f32 v16, v11  }
0x13e: {  	v10 =	vmul.f32 v10, v16  }
0x13f: {  	v48 =	vbroadcast v2, $0x2;
	v9 =	vmul.f32 v9, v21;
	[tilespmem:s16+$0x4C10] =	vst v11  }
0x140: {  	v8 =	vmul.f32 v8, v21;
	[tilespmem:s16+$0x4C20] =	vst v10  }
0x141: {  	v12 =	vld [tilespmem:s16+$0xCA0];
	v49 =	vbroadcast v2, $0x3;
	v7 =	vmul.f32 v7, v48;
	[tilespmem:s16+$0x4C30] =	vst v9  }
0x142: {  	v13 =	vld [tilespmem:s16+$0xCB0];
	v6 =	vmul.f32 v6, v48;
	[tilespmem:s16+$0x4C40] =	vst v8  }
0x143: {  	v14 =	vld [tilespmem:s16+$0xCC0];
	v50 =	vbroadcast v2, $0x4;
	v4 =	vmul.f32 v4, v49;
	[tilespmem:s16+$0x4C50] =	vst v7  }
0x144: {  	v15 =	vld [tilespmem:s16+$0xCD0];
	v5 =	vmul.f32 v5, v49;
	[tilespmem:s16+$0x4C60] =	vst v6  }
0x145: {  	v17 =	vld [tilespmem:s16+$0xCE0];
	v51 =	vbroadcast v2, $0x5;
	v3 =	vmul.f32 v3, v50;
	[tilespmem:s16+$0x4C70] =	vst v4  }
0x146: {  	v18 =	vld [tilespmem:s16+$0xCF0];
	v12 =	vmul.f32 v12, v50;
	[tilespmem:s16+$0x4C80] =	vst v5  }
0x147: {  	v19 =	vld [tilespmem:s16+$0xD00];
	v53 =	vbroadcast v2, $0x6;
	v13 =	vmul.f32 v13, v51;
	[tilespmem:s16+$0x4C90] =	vst v3  }
0x148: {  	v20 =	vld [tilespmem:s16+$0xD10];
	v14 =	vmul.f32 v14, v51;
	[tilespmem:s16+$0x4CA0] =	vst v12  }
0x149: {  	v56 =	vbroadcast v2, $0x7;
	v15 =	vmul.f32 v15, v53;
	v11 =	vld [tilespmem:s16+$0xD20];
	[tilespmem:s16+$0x4CB0] =	vst v13  }
0x14a: {  	v16 =	vmul.f32 v17, v53;
	v10 =	vld [tilespmem:s16+$0xD30];
	[tilespmem:s16+$0x4CC0] =	vst v14  }
0x14b: {  	v59 =	vbroadcast v2, $0x8;
	v58 =	vmul.f32 v18, v56;
	v9 =	vld [tilespmem:s16+$0xD40];
	[tilespmem:s16+$0x4CD0] =	vst v15  }
0x14c: {  	v19 =	vmul.f32 v19, v56;
	v8 =	vld [tilespmem:s16+$0xD50];
	[tilespmem:s16+$0x4CE0] =	vst v16  }
0x14d: {  	v61 =	vbroadcast v2, $0x9;
	v20 =	vmul.f32 v20, v59;
	v7 =	vld [tilespmem:s16+$0xD60];
	[tilespmem:s16+$0x4CF0] =	vst v58  }
0x14e: {  	v6 =	vld [tilespmem:s16+$0xD70];
	[tilespmem:s16+$0x4D00] =	vst v19;
	v11 =	vmul.f32 v11, v59  }
0x14f: {  	v63 =	vbroadcast v2, $0xA;
	v4 =	vld [tilespmem:s16+$0xD80];
	[tilespmem:s16+$0x4D10] =	vst v20;
	v10 =	vmul.f32 v10, v61  }
0x150: {  	v5 =	vld [tilespmem:s16+$0xD90];
	v9 =	vmul.f32 v9, v61;
	[tilespmem:s16+$0x4D20] =	vst v11  }
0x151: {  	v3 =	vld [tilespmem:s16+$0xDA0];
	v8 =	vmul.f32 v8, v63;
	v11 =	vbroadcast v2, $0xB;
	[tilespmem:s16+$0x4D30] =	vst v10  }
0x152: {  	v52 =	vld [tilespmem:s16+$0xDB0];
	v7 =	vmul.f32 v7, v63;
	[tilespmem:s16+$0x4D40] =	vst v9  }
0x153: {  	v54 =	vld [tilespmem:s16+$0xDC0];
	v9 =	vbroadcast v2, $0xC;
	[tilespmem:s16+$0x4D50] =	vst v8;
	v6 =	vmul.f32 v6, v11  }
0x154: {  	v55 =	vld [tilespmem:s16+$0xDD0];
	[tilespmem:s16+$0x4D60] =	vst v7;
	v4 =	vmul.f32 v4, v11  }
0x155: {  	v57 =	vld [tilespmem:s16+$0xDE0];
	v7 =	vbroadcast v2, $0xD;
	v5 =	vmul.f32 v5, v9;
	[tilespmem:s16+$0x4D70] =	vst v6  }
0x156: {  	v60 =	vld [tilespmem:s16+$0xDF0];
	v3 =	vmul.f32 v3, v9;
	[tilespmem:s16+$0x4D80] =	vst v4  }
0x157: {  	v62 =	vld [tilespmem:s16+$0xE00];
	v4 =	vbroadcast v2, $0xE;
	v6 =	vmul.f32 v52, v7;
	[tilespmem:s16+$0x4D90] =	vst v5  }
0x158: {  	v5 =	vmul.f32 v54, v7;
	[tilespmem:s16+$0x4DA0] =	vst v3  }
0x159: {  	v2 =	vbroadcast v2, $0xF;
	v3 =	vmul.f32 v55, v4;
	[tilespmem:s16+$0x4DB0] =	vst v6  }
0x15a: {  	v4 =	vmul.f32 v57, v4;
	[tilespmem:s16+$0x4DC0] =	vst v5  }
0x15b: {  	v5 =	vmul.f32 v60, v2;
	[tilespmem:s16+$0x4DD0] =	vst v3  }
0x15c: {  	v2 =	vmul.f32 v62, v2;
	[tilespmem:s16+$0x4DE0] =	vst v4  }
0x15d: {  	[tilespmem:s16+$0x4DF0] =	vst v5  }
0x15e: {  	[tilespmem:s16+$0x4E00] =	vst v2  }
0x15f: {  	[spmem:s5] =	stream.indirect.scatter.add.f32 [tilespmem:s8], [sflag:$0x3], $0x20, s20, s14, $0xb8;
	[tilespmem:$0x1F310] =	vst v63  }
0x160: {  	_ = 	snop  }
0x161: {  	[tilespmem:s17], [sflag:$0x1] =	stream.indirect.gather [hbm4b:s4+s14], $0x20, s24, s14, $0xb8;
	[tilespmem:$0x1F310] =	vst v63  }
0x162: {  	_ =	swait.ge [sflag:s25], $0x2000  }
0x163: {  	[sflag:s25] =	ssyncset.done $0x0  }
0x164: {  	[sflag:s25] =	ssyncadd.s32 $0xFFFFE000  }
0x165: {  	_ =	swait.ge [sflag:s19], $0x2000  }
0x166: {  	[sflag:s19] =	ssyncset.done $0x0  }
0x167: {  	s28 =	simm.s32 $0x0;
	[sflag:s19] =	ssyncadd.s32 $0xFFFFE000  }
0x168: {  	v11 =	vld [tilespmem:s28+$0x2C10]  }
0x169: {  	v10 =	vld [tilespmem:s28+$0x2C20]  }
0x16a: {  	v9 =	vld [tilespmem:s28+$0x2C30]  }
0x16b: {  	v8 =	vld [tilespmem:s28+$0x2C40]  }
0x16c: {  	v7 =	vld [tilespmem:s28+$0x2C50]  }
0x16d: {  	v6 =	vld [tilespmem:s28+$0x2C60]  }
0x16e: {  	v4 =	vld [tilespmem:s28+$0x2C70]  }
0x16f: {  	v5 =	vld [tilespmem:s28+$0x2C80]  }
0x170: {  	s16 =	simm.s32 $0x900;
	v3 =	vld [tilespmem:s28+$0x2C90]  }
0x171: {  	s7 =	simm.s32 $0x800;
	v2 =	vld [tilespmem:s16+$0x0]  }
.LBB2_10:
0x172: {  	p0 =	sne.s32 s7, $0x7800;
	v12 =	vld [tilespmem:s28+$0x2CA0]  }
0x173: {  	v13 =	vld [tilespmem:s28+$0x2CB0]  }
0x174: {  	v14 =	vld [tilespmem:s28+$0x2CC0]  }
0x175: {  	v15 =	vld [tilespmem:s28+$0x2CD0]  }
0x176: {  	v16 =	vbroadcast v2, $0x0;
	v17 =	vbroadcast v2, $0x1;
	v18 =	vld [tilespmem:s28+$0x2CE0]  }
0x177: {  	v19 =	vbroadcast v2, $0x2;
	v20 =	vbroadcast v2, $0x3;
	v21 =	vld [tilespmem:s28+$0x2CF0]  }
0x178: {  	v11 =	vmul.f32 v16, v11;
	v10 =	vmul.f32 v10, v16;
	v16 =	vld [tilespmem:s28+$0x2D00]  }
0x179: {  	v9 =	vmul.f32 v9, v17;
	v8 =	vmul.f32 v8, v17;
	v17 =	vld [tilespmem:s28+$0x2D10]  }
0x17a: {  	v7 =	vmul.f32 v7, v19;
	v6 =	vmul.f32 v6, v19;
	[tilespmem:s28+$0x4C10] =	vst v11;
	v11 =	vld [tilespmem:s28+$0x2D20]  }
0x17b: {  	v4 =	vmul.f32 v4, v20;
	v5 =	vmul.f32 v5, v20;
	[tilespmem:s28+$0x4C20] =	vst v10;
	v10 =	vld [tilespmem:s28+$0x2D30]  }
0x17c: {  	v19 =	vbroadcast v2, $0x5;
	[tilespmem:s28+$0x4C30] =	vst v9;
	v9 =	vbroadcast v2, $0x4;
	v20 =	vld [tilespmem:s28+$0x2D40]  }
0x17d: {  	v22 =	vbroadcast v2, $0x7;
	[tilespmem:s28+$0x4C40] =	vst v8;
	v8 =	vbroadcast v2, $0x6;
	v23 =	vld [tilespmem:s28+$0x2D50]  }
0x17e: {  	[tilespmem:s28+$0x4C50] =	vst v7;
	v3 =	vmul.f32 v3, v9;
	v7 =	vmul.f32 v12, v9;
	v9 =	vld [tilespmem:s28+$0x2D60]  }
0x17f: {  	v12 =	vmul.f32 v14, v19;
	[tilespmem:s28+$0x4C60] =	vst v6;
	v6 =	vmul.f32 v13, v19;
	v13 =	vld [tilespmem:s28+$0x2D70]  }
0x180: {  	[tilespmem:s28+$0x4C70] =	vst v4;
	v4 =	vmul.f32 v15, v8;
	v8 =	vmul.f32 v18, v8;
	v14 =	vld [tilespmem:s28+$0x2D80]  }
0x181: {  	v15 =	vmul.f32 v16, v22;
	[tilespmem:s28+$0x4C80] =	vst v5;
	v5 =	vmul.f32 v21, v22;
	v16 =	vld [tilespmem:s28+$0x2D90]  }
0x182: {  	v18 =	vbroadcast v2, $0x9;
	[tilespmem:s28+$0x4C90] =	vst v3;
	v3 =	vbroadcast v2, $0x8;
	v19 =	vld [tilespmem:s28+$0x2DA0]  }
0x183: {  	v21 =	vbroadcast v2, $0xB;
	[tilespmem:s28+$0x4CA0] =	vst v7;
	v7 =	vbroadcast v2, $0xA;
	v22 =	vld [tilespmem:s28+$0x2DB0]  }
0x184: {  	[tilespmem:s28+$0x4CB0] =	vst v6;
	v6 =	vmul.f32 v17, v3;
	v3 =	vmul.f32 v11, v3;
	v11 =	vld [tilespmem:s28+$0x2DC0]  }
0x185: {  	v10 =	vmul.f32 v10, v18;
	[tilespmem:s28+$0x4CC0] =	vst v12;
	v12 =	vmul.f32 v20, v18;
	v17 =	vld [tilespmem:s28+$0x2DD0]  }
0x186: {  	[tilespmem:s28+$0x4CD0] =	vst v4;
	v4 =	vmul.f32 v23, v7;
	v7 =	vmul.f32 v9, v7;
	v9 =	vld [tilespmem:s28+$0x2DE0]  }
0x187: {  	[tilespmem:s28+$0x4CE0] =	vst v8;
	v8 =	vmul.f32 v13, v21;
	v13 =	vmul.f32 v14, v21;
	v14 =	vld [tilespmem:s28+$0x2DF0]  }
0x188: {  	v18 =	vbroadcast v2, $0xD;
	[tilespmem:s28+$0x4CF0] =	vst v5;
	v5 =	vbroadcast v2, $0xC;
	v20 =	vld [tilespmem:s28+$0x2E00]  }
0x189: {  	[tilespmem:s28+$0x4D00] =	vst v15;
	v15 =	vbroadcast v2, $0xE;
	v2 =	vbroadcast v2, $0xF  }
0x18a: {  	[tilespmem:s28+$0x4D10] =	vst v6;
	v6 =	vmul.f32 v16, v5;
	v5 =	vmul.f32 v19, v5  }
0x18b: {  	v16 =	vmul.f32 v11, v18;
	[tilespmem:s28+$0x4D20] =	vst v3;
	v3 =	vmul.f32 v22, v18  }
0x18c: {  	v17 =	vmul.f32 v17, v15;
	v15 =	vmul.f32 v9, v15;
	[tilespmem:s28+$0x4D30] =	vst v10  }
0x18d: {  	[tilespmem:s28+$0x4D40] =	vst v12;
	v12 =	vmul.f32 v14, v2;
	v2 =	vmul.f32 v20, v2  }
0x18e: {  	[tilespmem:s28+$0x4D50] =	vst v4  }
0x18f: {  	[tilespmem:s28+$0x4D60] =	vst v7  }
0x190: {  	s1 =	sshra.s32 s7, $0x2;
	[tilespmem:s28+$0x4D70] =	vst v8  }
0x191: {  	v11 =	vld [tilespmem:s1+$0x2C10];
	[tilespmem:s28+$0x4D80] =	vst v13  }
0x192: {  	v10 =	vld [tilespmem:s1+$0x2C20];
	[tilespmem:s28+$0x4D90] =	vst v6  }
0x193: {  	v9 =	vld [tilespmem:s1+$0x2C30];
	[tilespmem:s28+$0x4DA0] =	vst v5  }
0x194: {  	v8 =	vld [tilespmem:s1+$0x2C40];
	[tilespmem:s28+$0x4DB0] =	vst v3  }
0x195: {  	v7 =	vld [tilespmem:s1+$0x2C50];
	[tilespmem:s28+$0x4DC0] =	vst v16  }
.Ltmp4:
0x196: {  	v6 =	vld [tilespmem:s1+$0x2C60];
	[tilespmem:s28+$0x4DD0] =	vst v17;
	(pc) =	sbr.rel @p0 .LBB2_10-.Ltmp4, $4  }
0x197: {  	v4 =	vld [tilespmem:s1+$0x2C70];
	[tilespmem:s28+$0x4DE0] =	vst v15  }
0x198: {  	v5 =	vld [tilespmem:s1+$0x2C80];
	[tilespmem:s28+$0x4DF0] =	vst v12  }
0x199: {  	s16 =	sadd.s32 $0x10, s16;
	v3 =	vld [tilespmem:s1+$0x2C90];
	[tilespmem:s28+$0x4E00] =	vst v2;
	s28 =	smov.u32 s1  }
0x19a: {  	s7 =	sadd.s32 $0x800, s7;
	v2 =	vld [tilespmem:s16+$0x0]  }
0x19b: {  	_ =	sdelay $0x3  }
0x19c: {  	v16 =	vbroadcast v2, $0x0;
	_ =	sdelay $0x1  }
0x19d: {  	v21 =	vbroadcast v2, $0x1;
	v11 =	vmul.f32 v16, v11  }
0x19e: {  	v10 =	vmul.f32 v10, v16  }
0x19f: {  	v48 =	vbroadcast v2, $0x2;
	v9 =	vmul.f32 v9, v21;
	[tilespmem:s28+$0x4C10] =	vst v11  }
0x1a0: {  	v8 =	vmul.f32 v8, v21;
	[tilespmem:s28+$0x4C20] =	vst v10  }
0x1a1: {  	v12 =	vld [tilespmem:s28+$0x2CA0];
	v49 =	vbroadcast v2, $0x3;
	v7 =	vmul.f32 v7, v48;
	[tilespmem:s28+$0x4C30] =	vst v9  }
0x1a2: {  	v13 =	vld [tilespmem:s28+$0x2CB0];
	v6 =	vmul.f32 v6, v48;
	[tilespmem:s28+$0x4C40] =	vst v8  }
0x1a3: {  	v14 =	vld [tilespmem:s28+$0x2CC0];
	v50 =	vbroadcast v2, $0x4;
	v4 =	vmul.f32 v4, v49;
	[tilespmem:s28+$0x4C50] =	vst v7  }
0x1a4: {  	v15 =	vld [tilespmem:s28+$0x2CD0];
	v5 =	vmul.f32 v5, v49;
	[tilespmem:s28+$0x4C60] =	vst v6  }
0x1a5: {  	v17 =	vld [tilespmem:s28+$0x2CE0];
	v51 =	vbroadcast v2, $0x5;
	v3 =	vmul.f32 v3, v50;
	[tilespmem:s28+$0x4C70] =	vst v4  }
0x1a6: {  	v18 =	vld [tilespmem:s28+$0x2CF0];
	v12 =	vmul.f32 v12, v50;
	[tilespmem:s28+$0x4C80] =	vst v5  }
0x1a7: {  	v19 =	vld [tilespmem:s28+$0x2D00];
	v53 =	vbroadcast v2, $0x6;
	v13 =	vmul.f32 v13, v51;
	[tilespmem:s28+$0x4C90] =	vst v3  }
0x1a8: {  	v20 =	vld [tilespmem:s28+$0x2D10];
	v14 =	vmul.f32 v14, v51;
	[tilespmem:s28+$0x4CA0] =	vst v12  }
0x1a9: {  	v56 =	vbroadcast v2, $0x7;
	v15 =	vmul.f32 v15, v53;
	v11 =	vld [tilespmem:s28+$0x2D20];
	[tilespmem:s28+$0x4CB0] =	vst v13  }
0x1aa: {  	v16 =	vmul.f32 v17, v53;
	v10 =	vld [tilespmem:s28+$0x2D30];
	[tilespmem:s28+$0x4CC0] =	vst v14  }
0x1ab: {  	v59 =	vbroadcast v2, $0x8;
	v58 =	vmul.f32 v18, v56;
	v9 =	vld [tilespmem:s28+$0x2D40];
	[tilespmem:s28+$0x4CD0] =	vst v15  }
0x1ac: {  	v19 =	vmul.f32 v19, v56;
	v8 =	vld [tilespmem:s28+$0x2D50];
	[tilespmem:s28+$0x4CE0] =	vst v16  }
0x1ad: {  	v61 =	vbroadcast v2, $0x9;
	v20 =	vmul.f32 v20, v59;
	v7 =	vld [tilespmem:s28+$0x2D60];
	[tilespmem:s28+$0x4CF0] =	vst v58  }
0x1ae: {  	v6 =	vld [tilespmem:s28+$0x2D70];
	[tilespmem:s28+$0x4D00] =	vst v19;
	v11 =	vmul.f32 v11, v59  }
0x1af: {  	v63 =	vbroadcast v2, $0xA;
	v4 =	vld [tilespmem:s28+$0x2D80];
	[tilespmem:s28+$0x4D10] =	vst v20;
	v10 =	vmul.f32 v10, v61  }
0x1b0: {  	v5 =	vld [tilespmem:s28+$0x2D90];
	v9 =	vmul.f32 v9, v61;
	[tilespmem:s28+$0x4D20] =	vst v11  }
0x1b1: {  	v3 =	vld [tilespmem:s28+$0x2DA0];
	v8 =	vmul.f32 v8, v63;
	v11 =	vbroadcast v2, $0xB;
	[tilespmem:s28+$0x4D30] =	vst v10  }
0x1b2: {  	v52 =	vld [tilespmem:s28+$0x2DB0];
	v7 =	vmul.f32 v7, v63;
	[tilespmem:s28+$0x4D40] =	vst v9  }
0x1b3: {  	v54 =	vld [tilespmem:s28+$0x2DC0];
	v9 =	vbroadcast v2, $0xC;
	[tilespmem:s28+$0x4D50] =	vst v8;
	v6 =	vmul.f32 v6, v11  }
0x1b4: {  	v55 =	vld [tilespmem:s28+$0x2DD0];
	[tilespmem:s28+$0x4D60] =	vst v7;
	v4 =	vmul.f32 v4, v11  }
0x1b5: {  	v57 =	vld [tilespmem:s28+$0x2DE0];
	v7 =	vbroadcast v2, $0xD;
	v5 =	vmul.f32 v5, v9;
	[tilespmem:s28+$0x4D70] =	vst v6  }
0x1b6: {  	v60 =	vld [tilespmem:s28+$0x2DF0];
	v3 =	vmul.f32 v3, v9;
	[tilespmem:s28+$0x4D80] =	vst v4  }
0x1b7: {  	v62 =	vld [tilespmem:s28+$0x2E00];
	v4 =	vbroadcast v2, $0xE;
	v6 =	vmul.f32 v52, v7;
	[tilespmem:s28+$0x4D90] =	vst v5  }
0x1b8: {  	v5 =	vmul.f32 v54, v7;
	[tilespmem:s28+$0x4DA0] =	vst v3  }
0x1b9: {  	v2 =	vbroadcast v2, $0xF;
	v3 =	vmul.f32 v55, v4;
	[tilespmem:s28+$0x4DB0] =	vst v6  }
0x1ba: {  	v4 =	vmul.f32 v57, v4;
	[tilespmem:s28+$0x4DC0] =	vst v5  }
0x1bb: {  	v5 =	vmul.f32 v60, v2;
	[tilespmem:s28+$0x4DD0] =	vst v3  }
0x1bc: {  	v2 =	vmul.f32 v62, v2;
	[tilespmem:s28+$0x4DE0] =	vst v4  }
0x1bd: {  	[tilespmem:s28+$0x4DF0] =	vst v5  }
0x1be: {  	[tilespmem:s28+$0x4E00] =	vst v2  }
0x1bf: {  	[spmem:s5] =	stream.indirect.scatter.add.f32 [tilespmem:s8], [sflag:$0x3], $0x20, s30, s14, $0xb8;
	[tilespmem:$0x1F310] =	vst v63  }
0x1c0: {  	_ = 	snop  }
0x1c1: {  	[tilespmem:s18], [sflag:$0x2] =	stream.indirect.gather [hbm4b:s4+s14], $0x20, s31, s14, $0xb8;
	[tilespmem:$0x1F310] =	vst v63  }
0x1c2: {  	_ =	swait.ge [sflag:s23], $0x2000  }
0x1c3: {  	[sflag:s23] =	ssyncset.done $0x0  }
0x1c4: {  	[sflag:s23] =	ssyncadd.s32 $0xFFFFE000  }
0x1c5: {  	_ =	swait.ge [sflag:s19], $0x2000  }
0x1c6: {  	[sflag:s19] =	ssyncset.done $0x0  }
0x1c7: {  	s28 =	simm.s32 $0x0;
	[sflag:s19] =	ssyncadd.s32 $0xFFFFE000  }
0x1c8: {  	v11 =	vld [tilespmem:s28+$0xC10]  }
0x1c9: {  	v10 =	vld [tilespmem:s28+$0xC20]  }
0x1ca: {  	v9 =	vld [tilespmem:s28+$0xC30]  }
0x1cb: {  	v8 =	vld [tilespmem:s28+$0xC40]  }
0x1cc: {  	v7 =	vld [tilespmem:s28+$0xC50]  }
0x1cd: {  	v6 =	vld [tilespmem:s28+$0xC60]  }
0x1ce: {  	v4 =	vld [tilespmem:s28+$0xC70]  }
0x1cf: {  	v5 =	vld [tilespmem:s28+$0xC80]  }
0x1d0: {  	s16 =	simm.s32 $0xA00;
	v3 =	vld [tilespmem:s28+$0xC90]  }
0x1d1: {  	s7 =	simm.s32 $0x800;
	v2 =	vld [tilespmem:s16+$0x0]  }
.LBB2_12:
0x1d2: {  	p0 =	sne.s32 s7, $0x7800;
	v12 =	vld [tilespmem:s28+$0xCA0]  }
0x1d3: {  	v13 =	vld [tilespmem:s28+$0xCB0]  }
0x1d4: {  	v14 =	vld [tilespmem:s28+$0xCC0]  }
0x1d5: {  	v15 =	vld [tilespmem:s28+$0xCD0]  }
0x1d6: {  	v16 =	vbroadcast v2, $0x0;
	v17 =	vbroadcast v2, $0x1;
	v18 =	vld [tilespmem:s28+$0xCE0]  }
0x1d7: {  	v19 =	vbroadcast v2, $0x2;
	v20 =	vbroadcast v2, $0x3;
	v21 =	vld [tilespmem:s28+$0xCF0]  }
0x1d8: {  	v11 =	vmul.f32 v16, v11;
	v10 =	vmul.f32 v10, v16;
	v16 =	vld [tilespmem:s28+$0xD00]  }
0x1d9: {  	v9 =	vmul.f32 v9, v17;
	v8 =	vmul.f32 v8, v17;
	v17 =	vld [tilespmem:s28+$0xD10]  }
0x1da: {  	v7 =	vmul.f32 v7, v19;
	v6 =	vmul.f32 v6, v19;
	[tilespmem:s28+$0x4C10] =	vst v11;
	v11 =	vld [tilespmem:s28+$0xD20]  }
0x1db: {  	v4 =	vmul.f32 v4, v20;
	v5 =	vmul.f32 v5, v20;
	[tilespmem:s28+$0x4C20] =	vst v10;
	v10 =	vld [tilespmem:s28+$0xD30]  }
0x1dc: {  	v19 =	vbroadcast v2, $0x5;
	[tilespmem:s28+$0x4C30] =	vst v9;
	v9 =	vbroadcast v2, $0x4;
	v20 =	vld [tilespmem:s28+$0xD40]  }
0x1dd: {  	v22 =	vbroadcast v2, $0x7;
	[tilespmem:s28+$0x4C40] =	vst v8;
	v8 =	vbroadcast v2, $0x6;
	v23 =	vld [tilespmem:s28+$0xD50]  }
0x1de: {  	[tilespmem:s28+$0x4C50] =	vst v7;
	v3 =	vmul.f32 v3, v9;
	v7 =	vmul.f32 v12, v9;
	v9 =	vld [tilespmem:s28+$0xD60]  }
0x1df: {  	v12 =	vmul.f32 v14, v19;
	[tilespmem:s28+$0x4C60] =	vst v6;
	v6 =	vmul.f32 v13, v19;
	v13 =	vld [tilespmem:s28+$0xD70]  }
0x1e0: {  	[tilespmem:s28+$0x4C70] =	vst v4;
	v4 =	vmul.f32 v15, v8;
	v8 =	vmul.f32 v18, v8;
	v14 =	vld [tilespmem:s28+$0xD80]  }
0x1e1: {  	v15 =	vmul.f32 v16, v22;
	[tilespmem:s28+$0x4C80] =	vst v5;
	v5 =	vmul.f32 v21, v22;
	v16 =	vld [tilespmem:s28+$0xD90]  }
0x1e2: {  	v18 =	vbroadcast v2, $0x9;
	[tilespmem:s28+$0x4C90] =	vst v3;
	v3 =	vbroadcast v2, $0x8;
	v19 =	vld [tilespmem:s28+$0xDA0]  }
0x1e3: {  	v21 =	vbroadcast v2, $0xB;
	[tilespmem:s28+$0x4CA0] =	vst v7;
	v7 =	vbroadcast v2, $0xA;
	v22 =	vld [tilespmem:s28+$0xDB0]  }
0x1e4: {  	[tilespmem:s28+$0x4CB0] =	vst v6;
	v6 =	vmul.f32 v17, v3;
	v3 =	vmul.f32 v11, v3;
	v11 =	vld [tilespmem:s28+$0xDC0]  }
0x1e5: {  	v10 =	vmul.f32 v10, v18;
	[tilespmem:s28+$0x4CC0] =	vst v12;
	v12 =	vmul.f32 v20, v18;
	v17 =	vld [tilespmem:s28+$0xDD0]  }
0x1e6: {  	[tilespmem:s28+$0x4CD0] =	vst v4;
	v4 =	vmul.f32 v23, v7;
	v7 =	vmul.f32 v9, v7;
	v9 =	vld [tilespmem:s28+$0xDE0]  }
0x1e7: {  	[tilespmem:s28+$0x4CE0] =	vst v8;
	v8 =	vmul.f32 v13, v21;
	v13 =	vmul.f32 v14, v21;
	v14 =	vld [tilespmem:s28+$0xDF0]  }
0x1e8: {  	v18 =	vbroadcast v2, $0xD;
	[tilespmem:s28+$0x4CF0] =	vst v5;
	v5 =	vbroadcast v2, $0xC;
	v20 =	vld [tilespmem:s28+$0xE00]  }
0x1e9: {  	[tilespmem:s28+$0x4D00] =	vst v15;
	v15 =	vbroadcast v2, $0xE;
	v2 =	vbroadcast v2, $0xF  }
0x1ea: {  	[tilespmem:s28+$0x4D10] =	vst v6;
	v6 =	vmul.f32 v16, v5;
	v5 =	vmul.f32 v19, v5  }
0x1eb: {  	v16 =	vmul.f32 v11, v18;
	[tilespmem:s28+$0x4D20] =	vst v3;
	v3 =	vmul.f32 v22, v18  }
0x1ec: {  	v17 =	vmul.f32 v17, v15;
	v15 =	vmul.f32 v9, v15;
	[tilespmem:s28+$0x4D30] =	vst v10  }
0x1ed: {  	[tilespmem:s28+$0x4D40] =	vst v12;
	v12 =	vmul.f32 v14, v2;
	v2 =	vmul.f32 v20, v2  }
0x1ee: {  	[tilespmem:s28+$0x4D50] =	vst v4  }
0x1ef: {  	[tilespmem:s28+$0x4D60] =	vst v7  }
0x1f0: {  	s1 =	sshra.s32 s7, $0x2;
	[tilespmem:s28+$0x4D70] =	vst v8  }
0x1f1: {  	v11 =	vld [tilespmem:s1+$0xC10];
	[tilespmem:s28+$0x4D80] =	vst v13  }
0x1f2: {  	v10 =	vld [tilespmem:s1+$0xC20];
	[tilespmem:s28+$0x4D90] =	vst v6  }
0x1f3: {  	v9 =	vld [tilespmem:s1+$0xC30];
	[tilespmem:s28+$0x4DA0] =	vst v5  }
0x1f4: {  	v8 =	vld [tilespmem:s1+$0xC40];
	[tilespmem:s28+$0x4DB0] =	vst v3  }
0x1f5: {  	v7 =	vld [tilespmem:s1+$0xC50];
	[tilespmem:s28+$0x4DC0] =	vst v16  }
.Ltmp5:
0x1f6: {  	v6 =	vld [tilespmem:s1+$0xC60];
	[tilespmem:s28+$0x4DD0] =	vst v17;
	(pc) =	sbr.rel @p0 .LBB2_12-.Ltmp5, $4  }
0x1f7: {  	v4 =	vld [tilespmem:s1+$0xC70];
	[tilespmem:s28+$0x4DE0] =	vst v15  }
0x1f8: {  	v5 =	vld [tilespmem:s1+$0xC80];
	[tilespmem:s28+$0x4DF0] =	vst v12  }
0x1f9: {  	s16 =	sadd.s32 $0x10, s16;
	v3 =	vld [tilespmem:s1+$0xC90];
	[tilespmem:s28+$0x4E00] =	vst v2;
	s28 =	smov.u32 s1  }
0x1fa: {  	s7 =	sadd.s32 $0x800, s7;
	v2 =	vld [tilespmem:s16+$0x0]  }
0x1fb: {  	_ =	sdelay $0x3  }
0x1fc: {  	v16 =	vbroadcast v2, $0x0;
	_ =	sdelay $0x1  }
0x1fd: {  	v21 =	vbroadcast v2, $0x1;
	v11 =	vmul.f32 v16, v11  }
0x1fe: {  	v10 =	vmul.f32 v10, v16  }
0x1ff: {  	v48 =	vbroadcast v2, $0x2;
	v9 =	vmul.f32 v9, v21;
	[tilespmem:s28+$0x4C10] =	vst v11  }
0x200: {  	v8 =	vmul.f32 v8, v21;
	[tilespmem:s28+$0x4C20] =	vst v10  }
0x201: {  	v12 =	vld [tilespmem:s28+$0xCA0];
	v49 =	vbroadcast v2, $0x3;
	v7 =	vmul.f32 v7, v48;
	[tilespmem:s28+$0x4C30] =	vst v9  }
0x202: {  	v13 =	vld [tilespmem:s28+$0xCB0];
	v6 =	vmul.f32 v6, v48;
	[tilespmem:s28+$0x4C40] =	vst v8  }
0x203: {  	v14 =	vld [tilespmem:s28+$0xCC0];
	v50 =	vbroadcast v2, $0x4;
	v4 =	vmul.f32 v4, v49;
	[tilespmem:s28+$0x4C50] =	vst v7  }
0x204: {  	v15 =	vld [tilespmem:s28+$0xCD0];
	v5 =	vmul.f32 v5, v49;
	[tilespmem:s28+$0x4C60] =	vst v6  }
0x205: {  	v17 =	vld [tilespmem:s28+$0xCE0];
	v51 =	vbroadcast v2, $0x5;
	v3 =	vmul.f32 v3, v50;
	[tilespmem:s28+$0x4C70] =	vst v4  }
0x206: {  	v18 =	vld [tilespmem:s28+$0xCF0];
	v12 =	vmul.f32 v12, v50;
	[tilespmem:s28+$0x4C80] =	vst v5  }
0x207: {  	v19 =	vld [tilespmem:s28+$0xD00];
	v53 =	vbroadcast v2, $0x6;
	v13 =	vmul.f32 v13, v51;
	[tilespmem:s28+$0x4C90] =	vst v3  }
0x208: {  	v20 =	vld [tilespmem:s28+$0xD10];
	v14 =	vmul.f32 v14, v51;
	[tilespmem:s28+$0x4CA0] =	vst v12  }
0x209: {  	v56 =	vbroadcast v2, $0x7;
	v15 =	vmul.f32 v15, v53;
	v11 =	vld [tilespmem:s28+$0xD20];
	[tilespmem:s28+$0x4CB0] =	vst v13  }
0x20a: {  	v16 =	vmul.f32 v17, v53;
	v10 =	vld [tilespmem:s28+$0xD30];
	[tilespmem:s28+$0x4CC0] =	vst v14  }
0x20b: {  	v59 =	vbroadcast v2, $0x8;
	v58 =	vmul.f32 v18, v56;
	v9 =	vld [tilespmem:s28+$0xD40];
	[tilespmem:s28+$0x4CD0] =	vst v15  }
0x20c: {  	v19 =	vmul.f32 v19, v56;
	v8 =	vld [tilespmem:s28+$0xD50];
	[tilespmem:s28+$0x4CE0] =	vst v16  }
0x20d: {  	v61 =	vbroadcast v2, $0x9;
	v20 =	vmul.f32 v20, v59;
	v7 =	vld [tilespmem:s28+$0xD60];
	[tilespmem:s28+$0x4CF0] =	vst v58  }
0x20e: {  	v6 =	vld [tilespmem:s28+$0xD70];
	[tilespmem:s28+$0x4D00] =	vst v19;
	v11 =	vmul.f32 v11, v59  }
0x20f: {  	v63 =	vbroadcast v2, $0xA;
	v4 =	vld [tilespmem:s28+$0xD80];
	[tilespmem:s28+$0x4D10] =	vst v20;
	v10 =	vmul.f32 v10, v61  }
0x210: {  	v5 =	vld [tilespmem:s28+$0xD90];
	v9 =	vmul.f32 v9, v61;
	[tilespmem:s28+$0x4D20] =	vst v11  }
0x211: {  	v3 =	vld [tilespmem:s28+$0xDA0];
	v8 =	vmul.f32 v8, v63;
	v11 =	vbroadcast v2, $0xB;
	[tilespmem:s28+$0x4D30] =	vst v10  }
0x212: {  	v52 =	vld [tilespmem:s28+$0xDB0];
	v7 =	vmul.f32 v7, v63;
	[tilespmem:s28+$0x4D40] =	vst v9  }
0x213: {  	v54 =	vld [tilespmem:s28+$0xDC0];
	v9 =	vbroadcast v2, $0xC;
	[tilespmem:s28+$0x4D50] =	vst v8;
	v6 =	vmul.f32 v6, v11  }
0x214: {  	v55 =	vld [tilespmem:s28+$0xDD0];
	[tilespmem:s28+$0x4D60] =	vst v7;
	v4 =	vmul.f32 v4, v11  }
0x215: {  	v57 =	vld [tilespmem:s28+$0xDE0];
	v7 =	vbroadcast v2, $0xD;
	v5 =	vmul.f32 v5, v9;
	[tilespmem:s28+$0x4D70] =	vst v6  }
0x216: {  	v60 =	vld [tilespmem:s28+$0xDF0];
	v3 =	vmul.f32 v3, v9;
	[tilespmem:s28+$0x4D80] =	vst v4  }
0x217: {  	v62 =	vld [tilespmem:s28+$0xE00];
	v4 =	vbroadcast v2, $0xE;
	v6 =	vmul.f32 v52, v7;
	[tilespmem:s28+$0x4D90] =	vst v5  }
0x218: {  	v5 =	vmul.f32 v54, v7;
	[tilespmem:s28+$0x4DA0] =	vst v3  }
0x219: {  	v2 =	vbroadcast v2, $0xF;
	v3 =	vmul.f32 v55, v4;
	[tilespmem:s28+$0x4DB0] =	vst v6  }
0x21a: {  	v4 =	vmul.f32 v57, v4;
	[tilespmem:s28+$0x4DC0] =	vst v5  }
0x21b: {  	v5 =	vmul.f32 v60, v2;
	[tilespmem:s28+$0x4DD0] =	vst v3  }
0x21c: {  	v2 =	vmul.f32 v62, v2;
	[tilespmem:s28+$0x4DE0] =	vst v4  }
0x21d: {  	[tilespmem:s28+$0x4DF0] =	vst v5  }
0x21e: {  	[tilespmem:s28+$0x4E00] =	vst v2  }
0x21f: {  	[spmem:s5] =	stream.indirect.scatter.add.f32 [tilespmem:s8], [sflag:$0x3], $0x20, s0, s14, $0xb8;
	[tilespmem:$0x1F310] =	vst v63  }
0x220: {  	_ =	swait.ge [sflag:s25], $0x2000  }
0x221: {  	[sflag:s25] =	ssyncset.done $0x0  }
0x222: {  	[sflag:s25] =	ssyncadd.s32 $0xFFFFE000  }
0x223: {  	_ =	swait.ge [sflag:s19], $0x2000  }
0x224: {  	[sflag:s19] =	ssyncset.done $0x0  }
0x225: {  	s28 =	simm.s32 $0x0;
	[sflag:s19] =	ssyncadd.s32 $0xFFFFE000  }
0x226: {  	v11 =	vld [tilespmem:s28+$0x2C10]  }
0x227: {  	v10 =	vld [tilespmem:s28+$0x2C20]  }
0x228: {  	v9 =	vld [tilespmem:s28+$0x2C30]  }
0x229: {  	v8 =	vld [tilespmem:s28+$0x2C40]  }
0x22a: {  	v7 =	vld [tilespmem:s28+$0x2C50]  }
0x22b: {  	v6 =	vld [tilespmem:s28+$0x2C60]  }
0x22c: {  	v4 =	vld [tilespmem:s28+$0x2C70]  }
0x22d: {  	v5 =	vld [tilespmem:s28+$0x2C80]  }
0x22e: {  	s16 =	simm.s32 $0xB00;
	v3 =	vld [tilespmem:s28+$0x2C90]  }
0x22f: {  	s7 =	simm.s32 $0x800;
	v2 =	vld [tilespmem:s16+$0x0]  }
.LBB2_14:
0x230: {  	p0 =	sne.s32 s7, $0x7800;
	v12 =	vld [tilespmem:s28+$0x2CA0]  }
0x231: {  	v13 =	vld [tilespmem:s28+$0x2CB0]  }
0x232: {  	v14 =	vld [tilespmem:s28+$0x2CC0]  }
0x233: {  	v15 =	vld [tilespmem:s28+$0x2CD0]  }
0x234: {  	v16 =	vbroadcast v2, $0x0;
	v17 =	vbroadcast v2, $0x1;
	v18 =	vld [tilespmem:s28+$0x2CE0]  }
0x235: {  	v19 =	vbroadcast v2, $0x2;
	v20 =	vbroadcast v2, $0x3;
	v21 =	vld [tilespmem:s28+$0x2CF0]  }
0x236: {  	v11 =	vmul.f32 v16, v11;
	v10 =	vmul.f32 v10, v16;
	v16 =	vld [tilespmem:s28+$0x2D00]  }
0x237: {  	v9 =	vmul.f32 v9, v17;
	v8 =	vmul.f32 v8, v17;
	v17 =	vld [tilespmem:s28+$0x2D10]  }
0x238: {  	v7 =	vmul.f32 v7, v19;
	v6 =	vmul.f32 v6, v19;
	[tilespmem:s28+$0x4C10] =	vst v11;
	v11 =	vld [tilespmem:s28+$0x2D20]  }
0x239: {  	v4 =	vmul.f32 v4, v20;
	v5 =	vmul.f32 v5, v20;
	[tilespmem:s28+$0x4C20] =	vst v10;
	v10 =	vld [tilespmem:s28+$0x2D30]  }
0x23a: {  	v19 =	vbroadcast v2, $0x5;
	[tilespmem:s28+$0x4C30] =	vst v9;
	v9 =	vbroadcast v2, $0x4;
	v20 =	vld [tilespmem:s28+$0x2D40]  }
0x23b: {  	v22 =	vbroadcast v2, $0x7;
	[tilespmem:s28+$0x4C40] =	vst v8;
	v8 =	vbroadcast v2, $0x6;
	v23 =	vld [tilespmem:s28+$0x2D50]  }
0x23c: {  	[tilespmem:s28+$0x4C50] =	vst v7;
	v3 =	vmul.f32 v3, v9;
	v7 =	vmul.f32 v12, v9;
	v9 =	vld [tilespmem:s28+$0x2D60]  }
0x23d: {  	v12 =	vmul.f32 v14, v19;
	[tilespmem:s28+$0x4C60] =	vst v6;
	v6 =	vmul.f32 v13, v19;
	v13 =	vld [tilespmem:s28+$0x2D70]  }
0x23e: {  	[tilespmem:s28+$0x4C70] =	vst v4;
	v4 =	vmul.f32 v15, v8;
	v8 =	vmul.f32 v18, v8;
	v14 =	vld [tilespmem:s28+$0x2D80]  }
0x23f: {  	v15 =	vmul.f32 v16, v22;
	[tilespmem:s28+$0x4C80] =	vst v5;
	v5 =	vmul.f32 v21, v22;
	v16 =	vld [tilespmem:s28+$0x2D90]  }
0x240: {  	v18 =	vbroadcast v2, $0x9;
	[tilespmem:s28+$0x4C90] =	vst v3;
	v3 =	vbroadcast v2, $0x8;
	v19 =	vld [tilespmem:s28+$0x2DA0]  }
0x241: {  	v21 =	vbroadcast v2, $0xB;
	[tilespmem:s28+$0x4CA0] =	vst v7;
	v7 =	vbroadcast v2, $0xA;
	v22 =	vld [tilespmem:s28+$0x2DB0]  }
0x242: {  	[tilespmem:s28+$0x4CB0] =	vst v6;
	v6 =	vmul.f32 v17, v3;
	v3 =	vmul.f32 v11, v3;
	v11 =	vld [tilespmem:s28+$0x2DC0]  }
0x243: {  	v10 =	vmul.f32 v10, v18;
	[tilespmem:s28+$0x4CC0] =	vst v12;
	v12 =	vmul.f32 v20, v18;
	v17 =	vld [tilespmem:s28+$0x2DD0]  }
0x244: {  	[tilespmem:s28+$0x4CD0] =	vst v4;
	v4 =	vmul.f32 v23, v7;
	v7 =	vmul.f32 v9, v7;
	v9 =	vld [tilespmem:s28+$0x2DE0]  }
0x245: {  	[tilespmem:s28+$0x4CE0] =	vst v8;
	v8 =	vmul.f32 v13, v21;
	v13 =	vmul.f32 v14, v21;
	v14 =	vld [tilespmem:s28+$0x2DF0]  }
0x246: {  	v18 =	vbroadcast v2, $0xD;
	[tilespmem:s28+$0x4CF0] =	vst v5;
	v5 =	vbroadcast v2, $0xC;
	v20 =	vld [tilespmem:s28+$0x2E00]  }
0x247: {  	[tilespmem:s28+$0x4D00] =	vst v15;
	v15 =	vbroadcast v2, $0xE;
	v2 =	vbroadcast v2, $0xF  }
0x248: {  	[tilespmem:s28+$0x4D10] =	vst v6;
	v6 =	vmul.f32 v16, v5;
	v5 =	vmul.f32 v19, v5  }
0x249: {  	v16 =	vmul.f32 v11, v18;
	[tilespmem:s28+$0x4D20] =	vst v3;
	v3 =	vmul.f32 v22, v18  }
0x24a: {  	v17 =	vmul.f32 v17, v15;
	v15 =	vmul.f32 v9, v15;
	[tilespmem:s28+$0x4D30] =	vst v10  }
0x24b: {  	[tilespmem:s28+$0x4D40] =	vst v12;
	v12 =	vmul.f32 v14, v2;
	v2 =	vmul.f32 v20, v2  }
0x24c: {  	[tilespmem:s28+$0x4D50] =	vst v4  }
0x24d: {  	[tilespmem:s28+$0x4D60] =	vst v7  }
0x24e: {  	s1 =	sshra.s32 s7, $0x2;
	[tilespmem:s28+$0x4D70] =	vst v8  }
0x24f: {  	v11 =	vld [tilespmem:s1+$0x2C10];
	[tilespmem:s28+$0x4D80] =	vst v13  }
0x250: {  	v10 =	vld [tilespmem:s1+$0x2C20];
	[tilespmem:s28+$0x4D90] =	vst v6  }
0x251: {  	v9 =	vld [tilespmem:s1+$0x2C30];
	[tilespmem:s28+$0x4DA0] =	vst v5  }
0x252: {  	v8 =	vld [tilespmem:s1+$0x2C40];
	[tilespmem:s28+$0x4DB0] =	vst v3  }
0x253: {  	v7 =	vld [tilespmem:s1+$0x2C50];
	[tilespmem:s28+$0x4DC0] =	vst v16  }
.Ltmp6:
0x254: {  	v6 =	vld [tilespmem:s1+$0x2C60];
	[tilespmem:s28+$0x4DD0] =	vst v17;
	(pc) =	sbr.rel @p0 .LBB2_14-.Ltmp6, $4  }
0x255: {  	v4 =	vld [tilespmem:s1+$0x2C70];
	[tilespmem:s28+$0x4DE0] =	vst v15  }
0x256: {  	v5 =	vld [tilespmem:s1+$0x2C80];
	[tilespmem:s28+$0x4DF0] =	vst v12  }
0x257: {  	s16 =	sadd.s32 $0x10, s16;
	v3 =	vld [tilespmem:s1+$0x2C90];
	[tilespmem:s28+$0x4E00] =	vst v2;
	s28 =	smov.u32 s1  }
0x258: {  	s7 =	sadd.s32 $0x800, s7;
	v2 =	vld [tilespmem:s16+$0x0]  }
0x259: {  	_ =	sdelay $0x3  }
0x25a: {  	v16 =	vbroadcast v2, $0x0;
	_ =	sdelay $0x1  }
0x25b: {  	v21 =	vbroadcast v2, $0x1;
	v11 =	vmul.f32 v16, v11  }
0x25c: {  	v10 =	vmul.f32 v10, v16  }
0x25d: {  	v35 =	vbroadcast v2, $0x2;
	v9 =	vmul.f32 v9, v21;
	[tilespmem:s28+$0x4C10] =	vst v11  }
0x25e: {  	v8 =	vmul.f32 v8, v21;
	[tilespmem:s28+$0x4C20] =	vst v10  }
0x25f: {  	v12 =	vld [tilespmem:s28+$0x2CA0];
	v38 =	vbroadcast v2, $0x3;
	v7 =	vmul.f32 v7, v35;
	[tilespmem:s28+$0x4C30] =	vst v9  }
0x260: {  	v13 =	vld [tilespmem:s28+$0x2CB0];
	v6 =	vmul.f32 v6, v35;
	[tilespmem:s28+$0x4C40] =	vst v8  }
0x261: {  	v14 =	vld [tilespmem:s28+$0x2CC0];
	v41 =	vbroadcast v2, $0x4;
	v4 =	vmul.f32 v4, v38;
	[tilespmem:s28+$0x4C50] =	vst v7  }
0x262: {  	v15 =	vld [tilespmem:s28+$0x2CD0];
	v44 =	vbroadcast v2, $0x5;
	v5 =	vmul.f32 v5, v38;
	[tilespmem:s28+$0x4C60] =	vst v6  }
0x263: {  	v17 =	vld [tilespmem:s28+$0x2CE0];
	v46 =	vbroadcast v2, $0x6;
	v3 =	vmul.f32 v3, v41;
	[tilespmem:s28+$0x4C70] =	vst v4  }
0x264: {  	v18 =	vld [tilespmem:s28+$0x2CF0];
	v49 =	vbroadcast v2, $0x7;
	v12 =	vmul.f32 v12, v41;
	[tilespmem:s28+$0x4C80] =	vst v5  }
0x265: {  	v19 =	vld [tilespmem:s28+$0x2D00];
	v52 =	vbroadcast v2, $0x8;
	v13 =	vmul.f32 v13, v44;
	[tilespmem:s28+$0x4C90] =	vst v3  }
0x266: {  	v20 =	vld [tilespmem:s28+$0x2D10];
	v54 =	vbroadcast v2, $0x9;
	v14 =	vmul.f32 v14, v44;
	[tilespmem:s28+$0x4CA0] =	vst v12  }
0x267: {  	v45 =	vld [tilespmem:s28+$0x2DB0];
	v56 =	vbroadcast v2, $0xA;
	v15 =	vmul.f32 v15, v46;
	[tilespmem:s28+$0x4CB0] =	vst v13  }
0x268: {  	v47 =	vld [tilespmem:s28+$0x2DC0];
	v57 =	vbroadcast v2, $0xB;
	v16 =	vmul.f32 v17, v46;
	[tilespmem:s28+$0x4CC0] =	vst v14  }
0x269: {  	v53 =	vld [tilespmem:s28+$0x2DF0];
	v58 =	vbroadcast v2, $0xC;
	v51 =	vmul.f32 v18, v49;
	[tilespmem:s28+$0x4CD0] =	vst v15  }
0x26a: {  	v55 =	vld [tilespmem:s28+$0x2E00];
	v59 =	vbroadcast v2, $0xD;
	v19 =	vmul.f32 v19, v49;
	[tilespmem:s28+$0x4CE0] =	vst v16  }
0x26b: {  	v33 =	vld [tilespmem:s28+$0x2D20];
	v60 =	vbroadcast v2, $0xE;
	v20 =	vmul.f32 v20, v52;
	[tilespmem:s28+$0x4CF0] =	vst v51  }
0x26c: {  	v34 =	vld [tilespmem:s28+$0x2D30];
	v2 =	vbroadcast v2, $0xF;
	v61 =	vmul.f32 v45, v59;
	[tilespmem:s28+$0x4D00] =	vst v19  }
0x26d: {  	v36 =	vld [tilespmem:s28+$0x2D40];
	v62 =	vmul.f32 v47, v59;
	[tilespmem:s28+$0x4D10] =	vst v20  }
0x26e: {  	v37 =	vld [tilespmem:s28+$0x2D50];
	v63 =	vmul.f32 v53, v2;
	[tilespmem:s28+$0x4DB0] =	vst v61  }
0x26f: {  	v39 =	vld [tilespmem:s28+$0x2D60];
	v2 =	vmul.f32 v55, v2;
	[tilespmem:s28+$0x4DC0] =	vst v62  }
0x270: {  	v40 =	vld [tilespmem:s28+$0x2D70];
	v11 =	vmul.f32 v33, v52;
	[tilespmem:s28+$0x4DF0] =	vst v63  }
0x271: {  	v42 =	vld [tilespmem:s28+$0x2D80];
	v10 =	vmul.f32 v34, v54;
	[tilespmem:s28+$0x4E00] =	vst v2  }
0x272: {  	v43 =	vld [tilespmem:s28+$0x2D90];
	v9 =	vmul.f32 v36, v54;
	[tilespmem:s28+$0x4D20] =	vst v11  }
0x273: {  	v3 =	vld [tilespmem:s28+$0x2DA0];
	v8 =	vmul.f32 v37, v56;
	[tilespmem:s28+$0x4D30] =	vst v10  }
0x274: {  	v50 =	vld [tilespmem:s28+$0x2DE0];
	v7 =	vmul.f32 v39, v56;
	[tilespmem:s28+$0x4D40] =	vst v9  }
0x275: {  	v48 =	vld [tilespmem:s28+$0x2DD0];
	v6 =	vmul.f32 v40, v57;
	[tilespmem:s28+$0x4D50] =	vst v8  }
0x276: {  	v4 =	vmul.f32 v42, v57;
	[tilespmem:s28+$0x4D60] =	vst v7  }
0x277: {  	v5 =	vmul.f32 v43, v58;
	[tilespmem:s28+$0x4D70] =	vst v6  }
0x278: {  	[tilespmem:s28+$0x4D80] =	vst v4;
	v3 =	vmul.f32 v3, v58  }
0x279: {  	[tilespmem:s28+$0x4D90] =	vst v5;
	v4 =	vmul.f32 v50, v60  }
0x27a: {  	s26 =	sadd.s32 $0x1, s26;
	[tilespmem:s28+$0x4DA0] =	vst v3;
	v3 =	vmul.f32 v48, v60  }
0x27b: {  	p0 =	sne.s32 s26, $0x31;
	[tilespmem:s28+$0x4DE0] =	vst v4  }
.Ltmp7:
0x27c: {  	[tilespmem:s28+$0x4DD0] =	vst v3;
	(pc) =	sbr.rel @p0 .LBB2_7-.Ltmp7, $4  }
0x27d: {  	[spmem:s5] =	stream.indirect.scatter.add.f32 [tilespmem:s8], [sflag:$0x3], $0x20, s11, s14, $0xb8;
	[tilespmem:$0x1F310] =	vst v63  }
0x27e: {  	_ =	swait.ge [sflag:s19], $0x2000  }
0x27f: {  	[sflag:s19] =	ssyncset.done $0x0  }
0x280: {  	[sflag:s19] =	ssyncadd.s32 $0xFFFFE000  }
0x281: {  	[bflag:$0x0] =	sbarrier.arrive $0xFFFF  }
0x282: {  	s1 =	rddreg [dreg:$0xb]  }
0x283: {  	s16 =	sld [smem:$0x7F1]  }
0x284: {  	[tilespmem:s17], [sflag:$0x1] =	stream.linear.gather [spmem:s1], $0x1700, $0x38;
	[tilespmem:$0x1F310] =	vst v63  }
0x285: {  	s9 =	rddreg [dreg:$0xc]  }
0x286: {  	[tilespmem:s18], [sflag:$0x2] =	stream.linear.gather [spmem:s9], $0x1700, $0x38;
	[tilespmem:$0x1F310] =	vst v63  }
0x287: {  	s26 =	rddreg [dreg:$0x8];
	s9 =	sadd.s32 $0xC380, s16  }
0x288: {  	s1 =	sadd.s32 s26, s9  }
0x289: {  	_ =	swait.ge [sflag:s23], $0x1700;
	s1 =	sshll.u32 s1, $0x2  }
0x28a: {  	[sflag:s23] =	ssyncset.done $0x0;
	s1 =	sand.u32 $0x1FFFFFE0, s1  }
0x28b: {  	s7 =	simm.s32 $0x0;
	[sflag:s23] =	ssyncadd.s32 $0xFFFFE900;
	s1 =	sadd.s32 s4, s1  }
0x28c: {  	[hbm4b:s1+s7] =	stream.linear.scatter [tilespmem:s17], [sflag:$0x4], $0x1700, $0x38;
	[tilespmem:$0x1F310] =	vst v63  }
0x28d: {  	_ =	swait.ge [sflag:s21], $0x1700  }
0x28e: {  	[sflag:s21] =	ssyncset.done $0x0;
	s16 =	rddreg [dreg:$0x9]  }
0x28f: {  	s28 =	rddreg [dreg:$0xd];
	[sflag:s21] =	ssyncadd.s32 $0xFFFFE900;
	s1 =	sadd.s32 s16, s9  }
0x290: {  	[tilespmem:s17], [sflag:$0x1] =	stream.linear.gather [spmem:s28], $0x1700, $0x38;
	[tilespmem:$0x1F310] =	vst v63  }
0x291: {  	s1 =	sshll.u32 s1, $0x2;
	_ =	swait.ge [sflag:s25], $0x1700  }
0x292: {  	s1 =	sand.u32 $0x1FFFFFE0, s1;
	[sflag:s25] =	ssyncset.done $0x0  }
0x293: {  	s1 =	sadd.s32 s4, s1;
	[sflag:s25] =	ssyncadd.s32 $0xFFFFE900  }
0x294: {  	[hbm4b:s1+s7] =	stream.linear.scatter [tilespmem:s18], [sflag:$0x5], $0x1700, $0x38;
	[tilespmem:$0x1F310] =	vst v63  }
0x295: {  	_ =	swait.ge [sflag:s12], $0x1700  }
0x296: {  	[sflag:s12] =	ssyncset.done $0x0;
	s28 =	rddreg [dreg:$0xa]  }
0x297: {  	s26 =	rddreg [dreg:$0x10];
	[sflag:s12] =	ssyncadd.s32 $0xFFFFE900;
	s1 =	sadd.s32 s28, s9  }
0x298: {  	[tilespmem:s18], [sflag:$0x2] =	stream.linear.gather [spmem:s26], $0x1700, $0x38;
	[tilespmem:$0x1F310] =	vst v63  }
0x299: {  	s1 =	sshll.u32 s1, $0x2;
	_ =	swait.ge [sflag:s23], $0x1700  }
0x29a: {  	s1 =	sand.u32 $0x1FFFFFE0, s1;
	[sflag:s23] =	ssyncset.done $0x0  }
0x29b: {  	s1 =	sadd.s32 s4, s1;
	[sflag:s23] =	ssyncadd.s32 $0xFFFFE900  }
0x29c: {  	[hbm4b:s1+s7] =	stream.linear.scatter [tilespmem:s17], [sflag:$0x4], $0x1700, $0x38;
	[tilespmem:$0x1F310] =	vst v63  }
0x29d: {  	_ =	swait.ge [sflag:s21], $0x1700  }
0x29e: {  	[sflag:s21] =	ssyncset.done $0x0;
	s26 =	rddreg [dreg:$0xe]  }
0x29f: {  	s16 =	rddreg [dreg:$0x11];
	[sflag:s21] =	ssyncadd.s32 $0xFFFFE900;
	s1 =	sadd.s32 s26, s9  }
0x2a0: {  	[tilespmem:s17], [sflag:$0x1] =	stream.linear.gather [spmem:s16], $0x1700, $0x38;
	[tilespmem:$0x1F310] =	vst v63  }
0x2a1: {  	s1 =	sshll.u32 s1, $0x2;
	_ =	swait.ge [sflag:s25], $0x1700  }
0x2a2: {  	s1 =	sand.u32 $0x1FFFFFE0, s1;
	[sflag:s25] =	ssyncset.done $0x0  }
0x2a3: {  	s1 =	sadd.s32 s4, s1;
	[sflag:s25] =	ssyncadd.s32 $0xFFFFE900  }
0x2a4: {  	[hbm4b:s1+s7] =	stream.linear.scatter [tilespmem:s18], [sflag:$0x5], $0x1700, $0x38;
	[tilespmem:$0x1F310] =	vst v63  }
0x2a5: {  	_ =	swait.ge [sflag:s12], $0x1700  }
0x2a6: {  	[sflag:s12] =	ssyncset.done $0x0;
	s16 =	rddreg [dreg:$0xf]  }
0x2a7: {  	s28 =	rddreg [dreg:$0x15];
	[sflag:s12] =	ssyncadd.s32 $0xFFFFE900;
	s1 =	sadd.s32 s16, s9  }
0x2a8: {  	[tilespmem:s18], [sflag:$0x2] =	stream.linear.gather [spmem:s28], $0x1700, $0x38;
	[tilespmem:$0x1F310] =	vst v63  }
0x2a9: {  	s1 =	sshll.u32 s1, $0x2;
	_ =	swait.ge [sflag:s23], $0x1700  }
0x2aa: {  	s1 =	sand.u32 $0x1FFFFFE0, s1;
	[sflag:s23] =	ssyncset.done $0x0  }
0x2ab: {  	s1 =	sadd.s32 s4, s1;
	[sflag:s23] =	ssyncadd.s32 $0xFFFFE900  }
0x2ac: {  	[hbm4b:s1+s7] =	stream.linear.scatter [tilespmem:s17], [sflag:$0x4], $0x1700, $0x38;
	[tilespmem:$0x1F310] =	vst v63  }
0x2ad: {  	_ =	swait.ge [sflag:s21], $0x1700  }
0x2ae: {  	[sflag:s21] =	ssyncset.done $0x0;
	s28 =	rddreg [dreg:$0x12]  }
0x2af: {  	s26 =	rddreg [dreg:$0x16];
	[sflag:s21] =	ssyncadd.s32 $0xFFFFE900;
	s1 =	sadd.s32 s28, s9  }
0x2b0: {  	[tilespmem:s17], [sflag:$0x1] =	stream.linear.gather [spmem:s26], $0x1700, $0x38;
	[tilespmem:$0x1F310] =	vst v63  }
0x2b1: {  	s1 =	sshll.u32 s1, $0x2;
	_ =	swait.ge [sflag:s25], $0x1700  }
0x2b2: {  	s1 =	sand.u32 $0x1FFFFFE0, s1;
	[sflag:s25] =	ssyncset.done $0x0  }
0x2b3: {  	s1 =	sadd.s32 s4, s1;
	[sflag:s25] =	ssyncadd.s32 $0xFFFFE900  }
0x2b4: {  	[hbm4b:s1+s7] =	stream.linear.scatter [tilespmem:s18], [sflag:$0x5], $0x1700, $0x38;
	[tilespmem:$0x1F310] =	vst v63  }
0x2b5: {  	_ =	swait.ge [sflag:s12], $0x1700  }
0x2b6: {  	[sflag:s12] =	ssyncset.done $0x0;
	s26 =	rddreg [dreg:$0x13]  }
0x2b7: {  	s16 =	rddreg [dreg:$0x17];
	[sflag:s12] =	ssyncadd.s32 $0xFFFFE900;
	s1 =	sadd.s32 s26, s9  }
0x2b8: {  	[tilespmem:s18], [sflag:$0x2] =	stream.linear.gather [spmem:s16], $0x1700, $0x38;
	[tilespmem:$0x1F310] =	vst v63  }
0x2b9: {  	s1 =	sshll.u32 s1, $0x2;
	_ =	swait.ge [sflag:s23], $0x1700  }
0x2ba: {  	s1 =	sand.u32 $0x1FFFFFE0, s1;
	[sflag:s23] =	ssyncset.done $0x0  }
0x2bb: {  	s1 =	sadd.s32 s4, s1;
	[sflag:s23] =	ssyncadd.s32 $0xFFFFE900  }
0x2bc: {  	[hbm4b:s1+s7] =	stream.linear.scatter [tilespmem:s17], [sflag:$0x4], $0x1700, $0x38;
	[tilespmem:$0x1F310] =	vst v63  }
0x2bd: {  	_ =	swait.ge [sflag:s21], $0x1700  }
0x2be: {  	[sflag:s21] =	ssyncset.done $0x0;
	s16 =	rddreg [dreg:$0x14]  }
0x2bf: {  	s28 =	rddreg [dreg:$0x1b];
	[sflag:s21] =	ssyncadd.s32 $0xFFFFE900;
	s1 =	sadd.s32 s16, s9  }
0x2c0: {  	[tilespmem:s17], [sflag:$0x1] =	stream.linear.gather [spmem:s28], $0x1700, $0x38;
	[tilespmem:$0x1F310] =	vst v63  }
0x2c1: {  	s1 =	sshll.u32 s1, $0x2;
	_ =	swait.ge [sflag:s25], $0x1700  }
0x2c2: {  	s1 =	sand.u32 $0x1FFFFFE0, s1;
	[sflag:s25] =	ssyncset.done $0x0  }
0x2c3: {  	s1 =	sadd.s32 s4, s1;
	[sflag:s25] =	ssyncadd.s32 $0xFFFFE900  }
0x2c4: {  	[hbm4b:s1+s7] =	stream.linear.scatter [tilespmem:s18], [sflag:$0x5], $0x1700, $0x38;
	[tilespmem:$0x1F310] =	vst v63  }
0x2c5: {  	_ =	swait.ge [sflag:s12], $0x1700  }
0x2c6: {  	[sflag:s12] =	ssyncset.done $0x0;
	s28 =	rddreg [dreg:$0x18]  }
0x2c7: {  	s26 =	rddreg [dreg:$0x1c];
	[sflag:s12] =	ssyncadd.s32 $0xFFFFE900;
	s1 =	sadd.s32 s28, s9  }
0x2c8: {  	[tilespmem:s18], [sflag:$0x2] =	stream.linear.gather [spmem:s26], $0x1700, $0x38;
	[tilespmem:$0x1F310] =	vst v63  }
0x2c9: {  	s1 =	sshll.u32 s1, $0x2;
	_ =	swait.ge [sflag:s23], $0x1700  }
0x2ca: {  	s1 =	sand.u32 $0x1FFFFFE0, s1;
	[sflag:s23] =	ssyncset.done $0x0  }
0x2cb: {  	s1 =	sadd.s32 s4, s1;
	[sflag:s23] =	ssyncadd.s32 $0xFFFFE900  }
0x2cc: {  	[hbm4b:s1+s7] =	stream.linear.scatter [tilespmem:s17], [sflag:$0x4], $0x1700, $0x38;
	[tilespmem:$0x1F310] =	vst v63  }
0x2cd: {  	_ =	swait.ge [sflag:s21], $0x1700  }
0x2ce: {  	[sflag:s21] =	ssyncset.done $0x0;
	s26 =	rddreg [dreg:$0x19]  }
0x2cf: {  	s16 =	rddreg [dreg:$0x1d];
	[sflag:s21] =	ssyncadd.s32 $0xFFFFE900;
	s1 =	sadd.s32 s26, s9  }
0x2d0: {  	[tilespmem:s17], [sflag:$0x1] =	stream.linear.gather [spmem:s16], $0x1700, $0x38;
	[tilespmem:$0x1F310] =	vst v63  }
0x2d1: {  	s1 =	sshll.u32 s1, $0x2;
	_ =	swait.ge [sflag:s25], $0x1700  }
0x2d2: {  	s1 =	sand.u32 $0x1FFFFFE0, s1;
	[sflag:s25] =	ssyncset.done $0x0  }
0x2d3: {  	s1 =	sadd.s32 s4, s1;
	[sflag:s25] =	ssyncadd.s32 $0xFFFFE900  }
0x2d4: {  	[hbm4b:s1+s7] =	stream.linear.scatter [tilespmem:s18], [sflag:$0x5], $0x1700, $0x38;
	[tilespmem:$0x1F310] =	vst v63  }
0x2d5: {  	_ =	swait.ge [sflag:s12], $0x1700  }
0x2d6: {  	s28 =	sld [smem:$0x7F4]  }
0x2d7: {  	[sflag:s12] =	ssyncset.done $0x0;
	s16 =	rddreg [dreg:$0x1a]  }
0x2d8: {  	[sflag:s12] =	ssyncadd.s32 $0xFFFFE900;
	s1 =	sadd.s32 s16, s9  }
0x2d9: {  	[tilespmem:s18], [sflag:$0x2] =	stream.linear.gather [spmem:s28], $0x1700, $0x38;
	[tilespmem:$0x1F310] =	vst v63  }
0x2da: {  	s1 =	sshll.u32 s1, $0x2;
	_ =	swait.ge [sflag:s23], $0x1700  }
0x2db: {  	s1 =	sand.u32 $0x1FFFFFE0, s1;
	[sflag:s23] =	ssyncset.done $0x0  }
0x2dc: {  	s1 =	sadd.s32 s4, s1;
	[sflag:s23] =	ssyncadd.s32 $0xFFFFE900  }
0x2dd: {  	[hbm4b:s1+s7] =	stream.linear.scatter [tilespmem:s17], [sflag:$0x4], $0x1700, $0x38;
	[tilespmem:$0x1F310] =	vst v63  }
0x2de: {  	_ =	swait.ge [sflag:s21], $0x1700  }
0x2df: {  	s26 =	sld [smem:$0x7F5]  }
0x2e0: {  	[sflag:s21] =	ssyncset.done $0x0;
	s28 =	rddreg [dreg:$0x1e]  }
0x2e1: {  	[sflag:s21] =	ssyncadd.s32 $0xFFFFE900;
	s1 =	sadd.s32 s28, s9  }
0x2e2: {  	[tilespmem:s17], [sflag:$0x1] =	stream.linear.gather [spmem:s26], $0x1700, $0x38;
	[tilespmem:$0x1F310] =	vst v63  }
0x2e3: {  	s1 =	sshll.u32 s1, $0x2;
	_ =	swait.ge [sflag:s25], $0x1700  }
0x2e4: {  	s1 =	sand.u32 $0x1FFFFFE0, s1;
	[sflag:s25] =	ssyncset.done $0x0  }
0x2e5: {  	s1 =	sadd.s32 s4, s1;
	[sflag:s25] =	ssyncadd.s32 $0xFFFFE900  }
0x2e6: {  	[hbm4b:s1+s7] =	stream.linear.scatter [tilespmem:s18], [sflag:$0x5], $0x1700, $0x38;
	[tilespmem:$0x1F310] =	vst v63  }
0x2e7: {  	_ =	swait.ge [sflag:s12], $0x1700  }
0x2e8: {  	s16 =	sld [smem:$0x7F6]  }
0x2e9: {  	[sflag:s12] =	ssyncset.done $0x0;
	s26 =	rddreg [dreg:$0x1f]  }
0x2ea: {  	[sflag:s12] =	ssyncadd.s32 $0xFFFFE900;
	s1 =	sadd.s32 s26, s9  }
0x2eb: {  	[tilespmem:s18], [sflag:$0x2] =	stream.linear.gather [spmem:s16], $0x1700, $0x38;
	[tilespmem:$0x1F310] =	vst v63  }
0x2ec: {  	s1 =	sshll.u32 s1, $0x2;
	_ =	swait.ge [sflag:s23], $0x1700  }
0x2ed: {  	s1 =	sand.u32 $0x1FFFFFE0, s1;
	[sflag:s23] =	ssyncset.done $0x0  }
0x2ee: {  	s1 =	sadd.s32 s4, s1;
	[sflag:s23] =	ssyncadd.s32 $0xFFFFE900  }
0x2ef: {  	[hbm4b:s1+s7] =	stream.linear.scatter [tilespmem:s17], [sflag:$0x4], $0x1700, $0x38;
	[tilespmem:$0x1F310] =	vst v63  }
0x2f0: {  	_ =	swait.ge [sflag:s21], $0x1700  }
0x2f1: {  	s28 =	sld [smem:$0x7FA]  }
0x2f2: {  	[sflag:s21] =	ssyncset.done $0x0;
	s16 =	sld [smem:$0x7F3]  }
0x2f3: {  	[sflag:s21] =	ssyncadd.s32 $0xFFFFE900  }
0x2f4: {  	[tilespmem:s17], [sflag:$0x1] =	stream.linear.gather [spmem:s28], $0x1700, $0x38;
	[tilespmem:$0x1F310] =	vst v63  }
0x2f5: {  	s1 =	sadd.s32 s16, s9  }
0x2f6: {  	_ =	swait.ge [sflag:s25], $0x1700;
	s1 =	sshll.u32 s1, $0x2  }
0x2f7: {  	[sflag:s25] =	ssyncset.done $0x0;
	s1 =	sand.u32 $0x1FFFFFE0, s1  }
0x2f8: {  	[sflag:s25] =	ssyncadd.s32 $0xFFFFE900;
	s1 =	sadd.s32 s4, s1  }
0x2f9: {  	[hbm4b:s1+s7] =	stream.linear.scatter [tilespmem:s18], [sflag:$0x5], $0x1700, $0x38;
	[tilespmem:$0x1F310] =	vst v63  }
0x2fa: {  	_ =	swait.ge [sflag:s12], $0x1700  }
0x2fb: {  	s26 =	sld [smem:$0x7FB]  }
0x2fc: {  	[sflag:s12] =	ssyncset.done $0x0;
	s28 =	sld [smem:$0x7F7]  }
0x2fd: {  	[sflag:s12] =	ssyncadd.s32 $0xFFFFE900  }
0x2fe: {  	[tilespmem:s18], [sflag:$0x2] =	stream.linear.gather [spmem:s26], $0x1700, $0x38;
	[tilespmem:$0x1F310] =	vst v63  }
0x2ff: {  	s1 =	sadd.s32 s28, s9  }
0x300: {  	_ =	swait.ge [sflag:s23], $0x1700;
	s1 =	sshll.u32 s1, $0x2  }
0x301: {  	[sflag:s23] =	ssyncset.done $0x0;
	s1 =	sand.u32 $0x1FFFFFE0, s1  }
0x302: {  	[sflag:s23] =	ssyncadd.s32 $0xFFFFE900;
	s1 =	sadd.s32 s4, s1  }
0x303: {  	[hbm4b:s1+s7] =	stream.linear.scatter [tilespmem:s17], [sflag:$0x4], $0x1700, $0x38;
	[tilespmem:$0x1F310] =	vst v63  }
0x304: {  	_ =	swait.ge [sflag:s21], $0x1700  }
0x305: {  	s16 =	sld [smem:$0x7FC]  }
0x306: {  	[sflag:s21] =	ssyncset.done $0x0;
	s26 =	sld [smem:$0x7F8]  }
0x307: {  	[sflag:s21] =	ssyncadd.s32 $0xFFFFE900  }
0x308: {  	[tilespmem:s17], [sflag:$0x1] =	stream.linear.gather [spmem:s16], $0x1700, $0x38;
	[tilespmem:$0x1F310] =	vst v63  }
0x309: {  	s1 =	sadd.s32 s26, s9  }
0x30a: {  	_ =	swait.ge [sflag:s25], $0x1700;
	s1 =	sshll.u32 s1, $0x2  }
0x30b: {  	[sflag:s25] =	ssyncset.done $0x0;
	s1 =	sand.u32 $0x1FFFFFE0, s1;
	s28 =	sld [smem:$0x7F9]  }
0x30c: {  	[sflag:s25] =	ssyncadd.s32 $0xFFFFE900;
	s1 =	sadd.s32 s4, s1  }
0x30d: {  	[hbm4b:s1+s7] =	stream.linear.scatter [tilespmem:s18], [sflag:$0x5], $0x1700, $0x38;
	[tilespmem:$0x1F310] =	vst v63  }
0x30e: {  	s1 =	sadd.s32 s28, s9  }
0x30f: {  	_ =	swait.ge [sflag:s23], $0x1700;
	s1 =	sshll.u32 s1, $0x2  }
0x310: {  	[sflag:s23] =	ssyncset.done $0x0;
	s1 =	sand.u32 $0x1FFFFFE0, s1  }
0x311: {  	[sflag:s23] =	ssyncadd.s32 $0xFFFFE900;
	s1 =	sadd.s32 s4, s1  }
0x312: {  	[hbm4b:s1+s7] =	stream.linear.scatter [tilespmem:s17], [sflag:$0x4], $0x1700, $0x38;
	[tilespmem:$0x1F310] =	vst v63  }
0x313: {  	_ =	swait.ge [sflag:s21], $0x1700  }
0x314: {  	s15 =	sadd.s32 $0x1, s15;
	[sflag:s21] =	ssyncset.done $0x0  }
0x315: {  	p0 =	sne.s32 s15, $0x3;
	[sflag:s21] =	ssyncadd.s32 $0xFFFFE900  }
.Ltmp8:
0x316: {  	_ =	swait.ge [sflag:s12], $0x1700;
	(pc) =	sbr.rel @p0 .LBB2_4-.Ltmp8, $3  }
0x317: {  	[sflag:s12] =	ssyncset.done $0x0  }
0x318: {  	[sflag:s12] =	ssyncadd.s32 $0xFFFFE900  }
0x319: {  	[bflag:$0x0] =	sbarrier.arrive $0xFFFF;
	_ =	sdelay $0x1  }
0x31a: {  	s7 =	sld [smem:$0x7F2]  }
0x31b: {  	s1 =	sld [smem:$0x7FD];
	_ =	sdelay $0x1  }
0x31c: {  	s7 =	sadd.s32 $0x1, s7  }
0x31d: {  	p0 =	sne.s32 s7, s1  }
.Ltmp9:
0x31e: {  	_ = 	snop;
	(pc) =	sbr.rel @p0 .LBB2_1-.Ltmp9, $1  }
0x31f: {  	_ =	sdelay $0x3  }
0x320: {  	_ =	sfence.sel $0x180000  }
0x321: {  	[bflag:$0x0] =	sbarrier.arrive $0xFFFF  }
0x322: {  	_ =	strace $0x90000047  }
0x323: {  	s0 =	stileid.u32;
	[bflag:$0x2] =	sbarrier.arrive $0xFFFF  }
0x324: {  	p0 =	sne.s32 s0, $0x0;
	s0 =	rddreg [dreg:$0x6]  }
0x325: {  	s0 =	sadd.s32 @!p0 $0x100000, s0  }
0x326: {  	[sflag:s0] =	ssyncadd.tile.s32 @!p0 $0x1;
	_ =	shalt  }
.Lfunc_end2:
_tile_overlayer_lowered:
.L_overlay_start_2:
0x327: {  	(tag) =	ssettag $0x2  }
0x328: {  	s0 =	rddreg [dreg:$0x0];
	s2 =	stileid.u32  }
0x329: {  	s1 =	rddreg [dreg:$0x1];
	p0 =	sne.s32 s2, $0x0  }
0x32a: {  	s3 =	rddreg [dreg:$0x2];
	[bflag:$0x3] =	sbarrier.arrive $0xFFFF;
	s2 =	simm.s32 @!p0 $0x1C07  }
0x32b: {  	[timem:s3], [sflag:s2] =	dma.local @!p0 [hbm:s0], s1  }
0x32c: {  	s0 =	simm.s32 @!p0 $0x7  }
0x32d: {  	_ =	swait.ge @!p0 [sflag:s0], s1  }
0x32e: {  	s1 =	ssub.s32 @!p0 $0x0, s1;
	[sflag:s0] =	ssyncset.done @!p0 $0x0  }
0x32f: {  	[sflag:s0] =	ssyncadd.s32 @!p0 s1  }
0x330: {  	[bflag:$0x3] =	sbarrier.arrive $0xFFFF  }
0x331: {  	_ =	shalt  }

// kernel: sparse-core-data-format-call.cloned.1.call-start
scs
called_computation_lowered:
.L_overlay_start_0:
0x0: {  	s2 =	sld [smem:$0x3FD9]  }
0x1: {  	s3 =	sld [smem:$0x3FFE];
	_ =	sdelay $0x1  }
0x2: {  	s1 =	srdreg.scid  }
0x3: {  	s0 =	sand.u32 $0x1, s1  }
0x4: {  	s18 =	sshll.u32 s0, $0xA;
	s2 =	sadd.s32 s3, s2  }
0x5: {  	s2 =	sadd.s32 s2, s18  }
0x6: {  	[smem:$0x3FC4] =	sst s2  }
0x7: {  	_ = 	snop  }
0x8: {  	s2 =	sld [smem:$0x3FD0];
	(tm) =	ssettm $0x1  }
0x9: {  	s19 =	sld [smem:$0x3FFB];
	_ =	sdelay $0x3  }
0xa: {  	_ =	strace s19  }
0xb: {  	s3 =	sld [smem:$0x3FFC];
	_ =	sdelay $0x3  }
0xc: {  	_ =	strace s3  }
0xd: {  	s3 =	sld [smem:$0x3FFD];
	_ =	sdelay $0x3  }
0xe: {  	_ =	strace s3  }
0xf: {  	_ =	strace $0x8FFFFFFF  }
0x10: {  	s20 =	sld [smem:$0x3FDB];
	_ =	sdelay $0x1  }
0x11: {  	s4 =	simm.s32 $_scs_section_size  }
0x12: {  	s5 =	simm.s32 $_size__tile_overlayer_lowered;
	s6 =	simm.s32 $_tile_overlayer_lowered  }
0x13: {  	s23 =	simm.s32 $0x1BFF;
	s22 =	sshll.u32 s6, $0x1;
	s3 =	sadd.s32 s4, s20  }
0x14: {  	s7 =	simm.s32 $0x0;
	s21 =	sshll.u32 s5, $0x1;
	s5 =	sadd.s32 s22, s3  }
0x15: {  	[timem:s7], [sflag:s23] =	dma.local [hbm:s5], s21  }
0x16: {  	_ =	swait.ge [sflag:s23], s21  }
0x17: {  	s4 =	ssub.s32 $0x0, s21;
	[sflag:s23] =	ssyncset.done $0x0  }
0x18: {  	[sflag:s23] =	ssyncadd.s32 s4;
	_ =	sdelay $0x1  }
0x19: {  	s24 =	simm.s32 $0x1B8B  }
0x1a: {  	_ =	swait.ge [sflag:s24], $0x1  }
0x1b: {  	[sflag:s24] =	ssyncset.done $0x0  }
0x1c: {  	s26 =	simm.s32 $0x1B8E;
	s25 =	sld [smem:$0x3FFE];
	[sflag:s24] =	ssyncadd.s32 $0xFFFFFFFF  }
0x1d: {  	s27 =	simm.s32 $execute0_lowered;
	[smem:$0x3FD2] =	sst s26  }
0x1e: {  	s5 =	sshll.u32 s27, $0x1;
	_ =	strace $0x80000049;
	[dreg:$0x1] =	wrdreg $0xFFFFFFFF  }
0x1f: {  	s28 =	simm.s32 $_size_execute0_lowered;
	s3 =	sadd.s32 s3, s5;
	[dreg:$0x0] =	wrdreg $0x0  }
0x20: {  	s5 =	sshll.u32 s28, $0x1;
	[dreg:$0x2] =	wrdreg s3  }
0x21: {  	[dreg:$0x3] =	wrdreg s5  }
0x22: {  	[dreg:$0x4] =	wrdreg $0xC0  }
0x23: {  	_ =	task [dreg:s7], $0x5FFFF  }
0x24: {  	[dreg:$0x1] =	wrdreg $0xFFFFFFFF  }
0x25: {  	[dreg:$0x0] =	wrdreg $0x60  }
0x26: {  	[dreg:$0x2] =	wrdreg s25  }
0x27: {  	[dreg:$0x3] =	wrdreg s2  }
0x28: {  	[dreg:$0x4] =	wrdreg $0x9  }
0x29: {  	_ =	task.clear_ibuf [dreg:s7], $0x5FFFF;
	_ =	strace $0x90000049  }
0x2a: {  	s29 =	simm.s32 $0x9;
	_ =	strace $0x8000004B  }
0x2b: {  	_ =	swait.ge [sflag:s29], $0x1  }
0x2c: {  	[sflag:s29] =	ssyncadd.s32 $0xFFFFFFFF  }
0x2d: {  	_ =	strace $0x9000004B  }
0x2e: {  	_ =	sfence  }
0x2f: {  	s30 =	sld [smem:$0x0];
	_ =	sdelay $0x2  }
0x30: {  	s31 =	sshll.u32 s1, $0xD;
	s1 =	sshrl.u32 s1, $0x2  }
0x31: {  	s3 =	sand.u32 $0x4000, s31;
	s1 =	sadd.s32 s1, s30  }
0x32: {  	s0 =	sor.u32 s3, s0;
	s1 =	sshll.u32 s1, $0x11  }
0x33: {  	s0 =	sor.u32 s1, s0  }
0x34: {  	s0 =	sadd.s32 $0x8F2B, s0  }
0x35: {  	[sflag:s0] =	ssyncadd.remote.s32 $0x1  }
0x36: {  	_ =	sfence.sel $0xFFFF  }
0x37: {  	[dreg:$0x0] =	wrdreg $0xFFFFFFFF;
	(pc) =	sbr.abs _section_cstart, $3  }
0x38: {  	[dreg:$0x1] =	wrdreg $0xFFFFFFFF  }
0x39: {  	_ =	task.clear_ibuf [dreg:s7], $0x2FFFF;
	_ =	strace $0x9FFFFFFF  }
0x3a: {  	(tm) =	ssettm $0x7FFFFFFF  }
0x3b: {  	_ =	shalt  }
tec
execute0_lowered:
.L_overlay_start_1:
0x0: {  	(tag) =	ssettag $0x1  }
0x1: {  	s0 =	srdreg.scid  }
0x2: {  	s1 =	sshll.u32 s0, $0x4  }
0x3: {  	s4 =	rddreg [dreg:$0x0];
	s0 =	stileid.u32;
	s1 =	sand.u32 $0x10, s1  }
0x4: {  	s2 =	rddreg [dreg:$0x1];
	s7 =	simm.s32 $0x1;
	s1 =	sor.u32 s0, s1  }
0x5: {  	s8 =	simm.s32 $0x2;
	s11 =	simm.s32 $0x0;
	s3 =	sshll.u32 s1, $0x7  }
0x6: {  	s10 =	simm.s32 $0x0;
	s4 =	sadd.s32 $0x800, s4;
	s6 =	ssub.s32 $0x61C00, s3  }
.Ltmp0:
0x7: {  	s1 =	rddreg [dreg:$0x2];
	s5 =	sand.u32 $0xF80, s6;
	(pc) =	sbr.rel .LBB1_1-.Ltmp0, $4  }
0x8: {  	_ =	strace $0x8000004A;
	s9 =	smov.u32 s3;
	p0 =	sne.s32 s5, $0x0  }
0x9: {  	s6 =	sshrl.u32 s6, $0xC;
	s5 =	simm.s32 $0x1;
	s7 =	simm.s32 @!p0 $0x0  }
0xa: {  	[sflag:s5] =	ssyncpa.u1 $0x0;
	p0 =	por $0x0, $0x0;
	s6 =	sadd.s32 s7, s6  }
0xb: {  	[sflag:s8] =	ssyncpa.u1 $0x0;
	s8 =	simm.s32 $0x30E000;
	s7 =	sadd.s32 $0x1, s6  }
.LBB1_4:
0xc: {  	s14 =	sshll.u32 s11, $0x3  }
0xd: {  	s30 =	sand.u32 $0x7F, s11;
	s15 =	sand.u32 $0xFFFFFC00, s14  }
0xe: {  	s11 =	sor.u32 s30, s15  }
0xf: {  	s15 =	smulhi.u32 $0xA79C7B17, s11  }
0x10: {  	s14 =	smulhi.u32 $0xA79C7B17, s14  }
0x11: {  	s15 =	sshrl.u32 s15, $0x12  }
0x12: {  	s14 =	sshrl.u32 s14, $0x12;
	s15 =	smul.u32 $0x61C00, s15  }
0x13: {  	s14 =	sand.u32 $0x1F, s14  }
0x14: {  	s14 =	smul.u32 $0xC380, s14;
	s11 =	ssub.s32 s11, s15  }
0x15: {  	s15 =	sand.u32 $0x7, s11  }
0x16: {  	s14 =	sadd.s32 s2, s14;
	s11 =	sshrl.u32 s11, $0x3;
	s15 =	sshll.u32 s15, $0x12  }
0x17: {  	[tilespmem:s13+$0x0 ss:$0x81] =	vst.msk $0xffff, v0;
	s11 =	sadd.s32 s11, s14;
	s31 =	sor.u32 $0x400, s15  }
0x18: {  	[hbm4b:s11+s31] =	stream.strided.scatter [tilespmem:s12], [sflag:$0x2], $0x1000, s8, s31, $0x20;
	[tilespmem:$0x4040] =	vst v63  }
.LBB1_5:
0x19: {  	s13 =	sadd.s32 $0x1000, s9  }
0x1a: {  	p2 =	sgt.s32 s13, $0x61BFF  }
0x1b: {  	s13 =	smov.u32 @p2 s3;
	p2 =	sne.s32 s10, s7  }
.Ltmp1:
0x1c: {  	p1 =	slt.u32 s10, $0x2;
	(pc) =	sbr.rel @!p2 .LBB1_6-.Ltmp1, $4  }
0x1d: {  	s12 =	simm.s32 @!p1 $0x2  }
0x1e: {  	s14 =	sadd.s32 $0x1, s10;
	_ =	swait.ge @!p1 [sflag:s12], $0x1000  }
0x1f: {  	s11 =	smov.u32 s9;
	p0 =	por !p0, !p0;
	[sflag:s12] =	ssyncset.done @!p1 $0x0  }
0x20: {  	s10 =	smov.u32 s14;
	s9 =	smov.u32 s13;
	[sflag:s12] =	ssyncadd.s32 @!p1 $0xFFFFF000  }
.LBB1_1:
0x21: {  	p1 =	sge.u32 s10, s6  }
0x22: {  	s12 =	sand.u32 @!p1 $0x1FFFFFF, s9  }
0x23: {  	s13 =	smulhi.u32 @!p1 $0x29E71ED, s12;
	_ =	sdelay $0x1  }
0x24: {  	s13 =	sshrl.u32 @!p1 s13, $0xC  }
0x25: {  	s13 =	smul.u32 @!p1 $0x61C00, s13;
	_ =	sdelay $0x1  }
0x26: {  	s31 =	sadd.s32 $0xFFFFFFFF, s10;
	s14 =	sxor.u32 @!p1 $0xFFFFFFFF, s10;
	s12 =	ssub.s32 @!p1 s12, s13  }
0x27: {  	s15 =	simm.s32 @!p1 $0x80;
	s14 =	sshll.u32 @!p1 s14, $0xC;
	s12 =	sshll.u32 @!p1 s12, $0x4  }
0x28: {  	s13 =	sand.u32 @!p1 $0x1000, s14;
	s14 =	simm.s32 @!p1 $0x20;
	s12 =	sadd.s32 @!p1 s4, s12  }
0x29: {  	[tilespmem:s13], [sflag:$0x1] =	stream.strided.gather @!p1 [hbm4b:s12+s14], $0x1000, s15, s14, $0x38;
	[tilespmem:$0x4040] =	vst v63  }
0x2a: {  	p1 =	sge.u32 s31, s6  }
.Ltmp2:
0x2b: {  	_ = 	snop;
	(pc) =	sbr.rel @p1 .LBB1_5-.Ltmp2, $1  }
0x2c: {  	_ =	sdelay $0x3  }
0x2d: {  	s12 =	simm.s32 $0x1  }
0x2e: {  	_ =	swait.ge [sflag:s5], $0x1000;
	s12 =	simm.s32 @!p0 $0x0  }
0x2f: {  	[sflag:s5] =	ssyncset.done $0x0;
	s13 =	sshll.u32 s12, $0xC  }
0x30: {  	[sflag:s5] =	ssyncadd.s32 $0xFFFFF000;
	s16 =	sor.u32 $0x10, s13  }
0x31: {  	s12 =	smul.u32 $0x4080, s12;
	v1 =	vld [tilespmem:s16+$0x0]  }
0x32: {  	s30 =	sand.u32 $0x1, s10;
	v0 =	vld [tilespmem:s16+$0xFFFFFFF0]  }
0x33: {  	s13 =	smul.u32 $0x4080, s30;
	s12 =	sshrl.u32 s12, $0x2  }
0x34: {  	s14 =	sor.u32 $0x2000, s12  }
0x35: {  	s31 =	sshrl.u32 s13, $0x2;
	s13 =	sadd.s32 $0x0, s14  }
0x36: {  	s15 =	simm.s32 $0x4;
	s16 =	sadd.s32 $0x20, s16;
	s12 =	sor.u32 $0x2000, s31;
	[tilespmem:s13+$0x810 ss:$0x81] =	vst.msk $0xffff, v1  }
.LBB1_3:
0x37: {  	v1 =	vld [tilespmem:s16+$0x0];
	p1 =	sne.s32 s15, $0x1FC;
	[tilespmem:s13+$0x0 ss:$0x81] =	vst.msk $0xffff, v0;
	s13 =	smov.u32 s15;
	s15 =	sadd.s32 $0x4, s15  }
.Ltmp3:
0x38: {  	v0 =	vld [tilespmem:s16+$0xFFFFFFF0];
	(pc) =	sbr.rel @p1 .LBB1_3-.Ltmp3, $4  }
0x39: {  	_ = 	snop  }
0x3a: {  	s13 =	sshra.s32 s13, $0x2  }
0x3b: {  	s13 =	sadd.s32 s13, s14  }
0x3c: {  	s16 =	sadd.s32 $0x20, s16;
	[tilespmem:s13+$0x810 ss:$0x81] =	vst.msk $0xffff, v1  }
.Ltmp4:
0x3d: {  	_ = 	snop;
	(pc) =	sbr.rel .LBB1_4-.Ltmp4, $1  }
0x3e: {  	_ =	sdelay $0x3  }
.LBB1_6:
0x3f: {  	_ =	sfence.sel $0x180000  }
0x40: {  	s2 =	simm.s32 $0x1;
	[bflag:$0x0] =	sbarrier.arrive $0xFFFF  }
0x41: {  	s31 =	simm.s32 $0x2;
	[sflag:s2] =	ssyncpa.u1 $0x1  }
0x42: {  	[sflag:s31] =	ssyncpa.u1 $0x1  }
0x43: {  	p0 =	sne.s32 s0, $0x0;
	_ =	strace $0x9000004A  }
0x44: {  	s0 =	sadd.s32 @!p0 $0x100000, s1;
	[bflag:$0x2] =	sbarrier.arrive $0xFFFF  }
0x45: {  	[sflag:s0] =	ssyncadd.tile.s32 @!p0 $0x1;
	_ =	shalt  }
.Lfunc_end1:
_tile_overlayer_lowered:
.L_overlay_start_2:
0x46: {  	(tag) =	ssettag $0x2  }
0x47: {  	s0 =	rddreg [dreg:$0x0];
	s2 =	stileid.u32  }
0x48: {  	s1 =	rddreg [dreg:$0x1];
	p0 =	sne.s32 s2, $0x0  }
0x49: {  	s3 =	rddreg [dreg:$0x2];
	[bflag:$0x3] =	sbarrier.arrive $0xFFFF;
	s2 =	simm.s32 @!p0 $0x1C01  }
0x4a: {  	[timem:s3], [sflag:s2] =	dma.local @!p0 [hbm:s0], s1  }
0x4b: {  	s0 =	simm.s32 @!p0 $0x1  }
0x4c: {  	_ =	swait.ge @!p0 [sflag:s0], s1  }
0x4d: {  	s1 =	ssub.s32 @!p0 $0x0, s1;
	[sflag:s0] =	ssyncset.done @!p0 $0x0  }
0x4e: {  	[sflag:s0] =	ssyncadd.s32 @!p0 s1  }
0x4f: {  	[bflag:$0x3] =	sbarrier.arrive $0xFFFF  }
0x50: {  	_ =	shalt  }

</sc_bundles>
